<compile_context>
chip_gen: v7x
topology: tpu7x:2x2x1
jax: 0.10.2.dev20260603
libtpu: 0.0.44.dev20260713+nightly
codegen_flags: <defaults>
</compile_context>

<pallas_src>
import functools

import jax
import jax.numpy as jnp
import numpy as np
from jax import lax
from jax.experimental import pallas as pl
from jax.experimental.pallas import tpu as pltpu
from jax.experimental.pallas import tpu_sc as plsc

VOCAB = 1000000
DIM = 64
MAX_LEN = 256
B = 4096
S = 200

NUM_CORES = 2
NUM_SUBCORES = 16
NW = NUM_CORES * NUM_SUBCORES
BW = B // NW
NJ = BW // 16


def _sinusoidal_pe(max_len, dim):
    pos = np.arange(max_len, dtype=np.float32)[:, None]
    i = np.arange(0, dim, 2, dtype=np.float32)[None, :]
    angle = pos / np.power(10000.0, i / dim)
    pe = np.zeros((max_len, dim), dtype=np.float32)
    pe[:, 0::2] = np.sin(angle)
    pe[:, 1::2] = np.cos(angle)
    return pe


_PE = _sinusoidal_pe(MAX_LEN, DIM)[:S, :]


NQ = VOCAB // 128
QTAIL = NQ * 128


@functools.partial(
    pl.kernel,
    mesh=plsc.VectorSubcoreMesh(core_axis_name="c", subcore_axis_name="s"),
    out_type=jax.ShapeDtypeStruct((VOCAB // 2, 2 * DIM), jnp.float32),
    compiler_params=pltpu.CompilerParams(
        use_tc_tiling_on_sc=True,
        needs_layout_passes=False,
        disable_bounds_checks=True,
    ),
    scratch_types=[
        pltpu.VMEM((DIM, 128), jnp.float32),
        pltpu.VMEM((DIM, 128), jnp.float32),
        pltpu.VMEM((DIM, 128), jnp.float32),
        pltpu.VMEM((DIM, 128), jnp.float32),
        pltpu.VMEM((32, 128), jnp.float32),
        pltpu.SemaphoreType.DMA,
        pltpu.SemaphoreType.DMA,
        pltpu.SemaphoreType.DMA,
        pltpu.SemaphoreType.DMA,
    ],
)
def _relayout(tt_hbm, tail_hbm, t2_hbm,
              bd0, bd1, pb0, pb1, tail_v, rsem0, rsem1, wsem0, wsem1):
    wid = lax.axis_index("s") * NUM_CORES + lax.axis_index("c")
    bd = (bd0, bd1)
    pb = (pb0, pb1)
    rsem = (rsem0, rsem1)
    wsem = (wsem0, wsem1)

    def issue_read(k, b):
        q = wid + NW * k
        pltpu.async_copy(tt_hbm.at[:, pl.ds(128 * q, 128)], bd[b], rsem[b])

    def wait_read(b):
        pltpu.make_async_copy(tt_hbm.at[:, pl.ds(0, 128)], bd[b], rsem[b]).wait()

    def issue_write(k, b):
        q = wid + NW * k
        pltpu.async_copy(pb[b], t2_hbm.at[pl.ds(64 * q, 64)], wsem[b])

    def wait_write(b):
        pltpu.make_async_copy(pb[b], t2_hbm.at[pl.ds(0, 64)], wsem[b]).wait()

    def transpose(b):
        i16 = lax.iota(jnp.int32, 16)
        rowj = [i16 + 16 * j for j in range(4)]
        cnst = [32 * j + 2 * i16 for j in range(4)]

        @plsc.parallel_loop(0, 128, step=1, unroll=4)
        def cbody(c0):
            colv = jnp.bitwise_and(i16 + c0, 127)
            d = jnp.bitwise_and(colv, DIM - 1)
            u = lax.shift_right_logical(colv, 6)
            for j in range(4):
                val = plsc.load_gather(bd[b], [d, cnst[j] + u])
                plsc.store_scatter(pb[b], [rowj[j], colv], val)

    issue_read(0, 0)
    issue_read(1, 1)

    def body(k2, _):
        for b in range(2):
            k = 2 * k2 + b
            q = wid + NW * k

            @pl.when(q < NQ)
            def _():
                wait_read(b)

                @pl.when(k >= 2)
                def _():
                    wait_write(b)

                transpose(b)
                issue_write(k, b)

                @pl.when(q + 2 * NW < NQ)
                def _():
                    issue_read(k + 2, b)
        return 0

    lax.fori_loop(0, 123, body, 0)
    wait_write(0)
    wait_write(1)

    @pl.when(wid == 0)
    def _():
        pltpu.sync_copy(tail_hbm, tail_v)
        pltpu.sync_copy(tail_v, t2_hbm.at[pl.ds(QTAIL // 2, 32)])


@functools.partial(
    pl.kernel,
    mesh=plsc.VectorSubcoreMesh(core_axis_name="c", subcore_axis_name="s"),
    out_type=jax.ShapeDtypeStruct((S, DIM, B), jnp.float32),
    compiler_params=pltpu.CompilerParams(
        use_tc_tiling_on_sc=True,
        needs_layout_passes=False,
        disable_bounds_checks=True,
    ),
    scratch_types=[
        pltpu.VMEM((S, BW), jnp.int32),
        pltpu.VMEM((4, BW), jnp.int32),
        pltpu.VMEM((4, BW), jnp.int32),
        pltpu.VMEM((BW, 128), jnp.float32),
        pltpu.VMEM((BW, 128), jnp.float32),
        pltpu.VMEM((BW, 128), jnp.float32),
        pltpu.VMEM((BW, 128), jnp.float32),
        pltpu.VMEM((DIM, BW), jnp.float32),
        pltpu.VMEM((DIM, BW), jnp.float32),
        pltpu.VMEM((4, DIM), jnp.float32),
        pltpu.SemaphoreType.DMA,
        pltpu.SemaphoreType.DMA,
        pltpu.SemaphoreType.DMA,
        pltpu.SemaphoreType.DMA,
        pltpu.SemaphoreType.DMA,
        pltpu.SemaphoreType.DMA,
    ],
)
def _emb(idx_hbm, t2_hbm, pe_hbm, out_hbm,
         idx_v, pidx_v, cb_v, g0, g1, g2, g3, o0, o1, pe_v,
         gsem0, gsem1, gsem2, gsem3, osem0, osem1):
    wid = lax.axis_index("s") * NUM_CORES + lax.axis_index("c")
    g = (g0, g1, g2, g3)
    o = (o0, o1)
    gsem = (gsem0, gsem1, gsem2, gsem3)
    osem = (osem0, osem1)

    pltpu.sync_copy(idx_hbm.at[:, pl.ds(wid * BW, BW)], idx_v)

    def prep(s, nb):
        for j in range(NJ):
            sl = pl.ds(j * 16, 16)
            t = idx_v[s, sl]
            pidx_v[nb, sl] = lax.shift_right_logical(t, 1)
            cb_v[nb, sl] = lax.shift_left(jnp.bitwise_and(t, 1), 6)

    def issue_gather(s, nb):
        pltpu.async_copy(t2_hbm.at[pidx_v.at[nb]], g[nb], gsem[nb])
        pltpu.async_copy(pe_hbm.at[s], pe_v.at[nb], gsem[nb])

    def wait_gather(b):
        pltpu.make_async_copy(t2_hbm.at[pl.ds(0, BW)], g[b], gsem[b]).wait()
        pltpu.make_async_copy(pe_hbm.at[0], pe_v.at[b], gsem[b]).wait()

    def issue_out(s, b):
        pltpu.async_copy(
            o[b], out_hbm.at[s, :, pl.ds(wid * BW, BW)], osem[b]
        )

    def wait_out(b):
        pltpu.make_async_copy(
            o[b], out_hbm.at[0, :, pl.ds(0, BW)], osem[b]
        ).wait()

    def transpose_add(gb, ob):
        i16 = lax.iota(jnp.int32, 16)
        gbvec = jnp.full((16,), gb, jnp.int32)
        rowj = []
        cbj = []
        for j in range(NJ):
            rowj.append(i16 + j * 16)
            cbj.append(cb_v[gb, pl.ds(j * 16, 16)])

        @plsc.parallel_loop(0, DIM, step=1, unroll=4)
        def dbody(d):
            dcol = jnp.bitwise_and(i16 + d, DIM - 1)
            prot = plsc.load_gather(pe_v, [gbvec, dcol])
            for j in range(NJ):
                val = plsc.load_gather(g[gb], [rowj[j], cbj[j] + dcol])
                plsc.store_scatter(o[ob], [dcol, rowj[j]], val + prot)

    for p in range(3):
        prep(p, p)
        issue_gather(p, p)

    def chunk_body(i4, _):
        for gb in range(4):
            s = i4 * 4 + gb
            ob = gb % 2

            @pl.when(s < S - 3)
            def _():
                prep(s + 3, (gb + 3) % 4)
                issue_gather(s + 3, (gb + 3) % 4)

            wait_gather(gb)

            @pl.when(s >= 2)
            def _():
                wait_out(ob)

            transpose_add(gb, ob)
            issue_out(s, ob)
        return 0

    lax.fori_loop(0, S // 4, chunk_body, 0)
    wait_out(0)
    wait_out(1)


def kernel(input, tok_table):
    idx_t = input.T.astype(jnp.int32)
    tt = tok_table.T
    tail = tok_table[QTAIL:, :].reshape(32, 128)
    t2 = _relayout(tt, tail)
    out_t = _emb(idx_t, t2, jnp.asarray(_PE))
    return out_t.transpose(2, 0, 1)

# --- scband reference (transcript-rebuilt; emitter-appended) ---
"""Pipeline reference for scband-transformer-embedding-13211319402583 (READ-ONLY COPY).

The authoritative reference and input builder live on the scoring server;
editing this copy changes nothing except your own understanding.
"""

import jax, jax.numpy as jnp
import numpy as np

VOCAB = 1000000
DIM = 64
MAX_LEN = 256
B = 4096
S = 200

def sinusoidal_pe(max_len, dim):
    pos = np.arange(max_len, dtype=np.float32)[:, None]
    i = np.arange(0, dim, 2, dtype=np.float32)[None, :]
    angle = pos / np.power(10000.0, i / dim)
    pe = np.zeros((max_len, dim), dtype=np.float32)
    pe[:, 0::2] = np.sin(angle)
    pe[:, 1::2] = np.cos(angle)
    return jnp.asarray(pe)

def setup_inputs(seed: int = 0) -> dict:
    key = jax.random.key(seed)
    k1, k2 = jax.random.split(key)
    input_ids = jax.random.randint(k1, (B, S), 0, VOCAB, dtype=jnp.int64 if jax.config.read('jax_enable_x64') else jnp.int32)
    tok_table = jax.random.normal(k2, (VOCAB, DIM), dtype=jnp.float32) * 0.02
    return {"input": input_ids, "tok_table": tok_table}

def reference(input, tok_table):
    # TokenEmbedding: gather rows from the embedding table
    tok_emb = jnp.take(tok_table, input, axis=0)  # (B, S, DIM)
    # PositionalEncoding: fixed sinusoidal encodings, sliced to sequence length
    pe = sinusoidal_pe(MAX_LEN, DIM)[:input.shape[1], :]  # (S, DIM)
    out = tok_emb + pe[None, :, :]
    # Dropout in eval mode is identity
    return out

if __name__ == "__main__":
    import jax
    _d = setup_inputs()
    print(jax.jit(kernel)(*tuple(_d.values())))

</pallas_src>

<mosaic_0001>
#map = affine_map<(d0, d1) -> (0, 0)>
#map1 = affine_map<(d0, d1) -> (0, 0, 0)>
module attributes {stable_mosaic.version = 14 : i64} {
  func.func @_emb(%arg0: i32, %arg1: i32, %arg2: memref<200x4096xi32, #tpu.memory_space<hbm>>, %arg3: memref<500000x128xf32, #tpu.memory_space<hbm>>, %arg4: memref<200x64xf32, #tpu.memory_space<hbm>>, %arg5: memref<200x64x4096xf32, #tpu.memory_space<hbm>>, %arg6: memref<200x128xi32, #tpu.memory_space<vmem>>, %arg7: memref<4x128xi32, #tpu.memory_space<vmem>>, %arg8: memref<4x128xi32, #tpu.memory_space<vmem>>, %arg9: memref<128x128xf32, #tpu.memory_space<vmem>>, %arg10: memref<128x128xf32, #tpu.memory_space<vmem>>, %arg11: memref<128x128xf32, #tpu.memory_space<vmem>>, %arg12: memref<128x128xf32, #tpu.memory_space<vmem>>, %arg13: memref<64x128xf32, #tpu.memory_space<vmem>>, %arg14: memref<64x128xf32, #tpu.memory_space<vmem>>, %arg15: memref<4x64xf32, #tpu.memory_space<vmem>>, %arg16: memref<!tpu.dma_semaphore, #tpu.memory_space<semaphore_mem>>, %arg17: memref<!tpu.dma_semaphore, #tpu.memory_space<semaphore_mem>>, %arg18: memref<!tpu.dma_semaphore, #tpu.memory_space<semaphore_mem>>, %arg19: memref<!tpu.dma_semaphore, #tpu.memory_space<semaphore_mem>>, %arg20: memref<!tpu.dma_semaphore, #tpu.memory_space<semaphore_mem>>, %arg21: memref<!tpu.dma_semaphore, #tpu.memory_space<semaphore_mem>>) attributes {dimension_semantics = [#tpu.dimension_semantics<core_parallel>, #tpu.dimension_semantics<subcore_parallel>], iteration_bounds = array<i64: 2, 16>, scalar_prefetch = 0 : i64, scratch_operands = 16 : i64, tpu.core_type = #tpu.core_type<sc_vector_subcore>, window_params = [{transform_indices = #map}, {transform_indices = #map}, {transform_indices = #map}, {transform_indices = #map1}]} {
    %mul3A = arith.constant 2 : i32
    %mul3A_0 = arith.muli %arg1, %mul3A : i32
    %add3A = arith.addi %mul3A_0, %arg0 : i32
    %mul3A_1 = arith.constant 128 : i32
    %mul3A_2 = arith.muli %add3A, %mul3A_1 : i32
    "tpu.region"() ({
      %run_scoped3A = tpu.sem_alloc : memref<!tpu.dma_semaphore, #tpu.memory_space<semaphore_mem>>
      %dma_start3A_587 = arith.constant 0 : i32
      %dma_start3A_588 = tpu.memref_slice %arg2[%dma_start3A_587, %mul3A_2] : memref<200x4096xi32, #tpu.memory_space<hbm>> -> memref<200x128xi32, #tpu.memory_space<hbm>>
      %dma_start3A_589 = arith.constant 0 : i32
      %dma_start3A_590 = tpu.memref_slice %arg2[%dma_start3A_589, %mul3A_2] : memref<200x4096xi32, #tpu.memory_space<hbm>> -> memref<200x128xi32, #tpu.memory_space<hbm>>
      tpu.enqueue_dma source(%dma_start3A_590 : memref<200x128xi32, #tpu.memory_space<hbm>>) target(%arg6 : memref<200x128xi32, #tpu.memory_space<vmem>>) target_semaphore(%run_scoped3A : memref<!tpu.dma_semaphore, #tpu.memory_space<semaphore_mem>>)
      %dma_wait3A_591 = arith.constant 0 : i32
      %dma_wait3A_592 = tpu.memref_slice %arg2[%dma_wait3A_591, %mul3A_2] : memref<200x4096xi32, #tpu.memory_space<hbm>> -> memref<200x128xi32, #tpu.memory_space<hbm>>
      %dma_wait3A_593 = arith.constant 0 : i32
      %dma_wait3A_594 = tpu.memref_slice %arg2[%dma_wait3A_593, %mul3A_2] : memref<200x4096xi32, #tpu.memory_space<hbm>> -> memref<200x128xi32, #tpu.memory_space<hbm>>
      tpu.wait_dma2 semaphore(%run_scoped3A : memref<!tpu.dma_semaphore, #tpu.memory_space<semaphore_mem>>) src(%dma_wait3A_594 : memref<200x128xi32, #tpu.memory_space<hbm>>) dst(%arg6 : memref<200x128xi32, #tpu.memory_space<vmem>>)
      tpu.yield
    }) : () -> ()
    %get3A = arith.constant 0 : i32
    %get3A_3 = arith.index_cast %get3A : i32 to index
    %get3A_4 = arith.constant 0 : index
    %get3A_5 = tpu.vector_load %arg6[%get3A_3, %get3A_4] {strides = array<i32>} : memref<200x128xi32, #tpu.memory_space<vmem>>, vector<16xi32>,
    %shift_right_logical3A = arith.constant 1 : i32
    %shift_right_logical3A_6 = vector.broadcast %shift_right_logical3A : i32 to vector<16xi32>
    %shift_right_logical3A_7 = arith.shrui %get3A_5, %shift_right_logical3A_6 : vector<16xi32>
    %swap3A = arith.constant 0 : i32
    %swap3A_8 = arith.index_cast %swap3A : i32 to index
    %swap3A_9 = arith.constant 0 : index
    %swap3A_10 = tpu.vector_load %arg7[%swap3A_8, %swap3A_9] {strides = array<i32>} : memref<4x128xi32, #tpu.memory_space<vmem>>, vector<16xi32>,
    tpu.vector_store %arg7[%swap3A_8, %swap3A_9], %shift_right_logical3A_7 {strides = array<i32>} : memref<4x128xi32, #tpu.memory_space<vmem>>, vector<16xi32>,
    %and3A = arith.constant 1 : i32
    %and3A_11 = vector.broadcast %and3A : i32 to vector<16xi32>
    %and3A_12 = arith.andi %get3A_5, %and3A_11 : vector<16xi32>
    %shift_left3A = arith.constant 6 : i32
    %shift_left3A_13 = vector.broadcast %shift_left3A : i32 to vector<16xi32>
    %shift_left3A_14 = arith.shli %and3A_12, %shift_left3A_13 : vector<16xi32>
    %swap3A_15 = arith.constant 0 : i32
    %swap3A_16 = arith.index_cast %swap3A_15 : i32 to index
    %swap3A_17 = arith.constant 0 : index
    %swap3A_18 = tpu.vector_load %arg8[%swap3A_16, %swap3A_17] {strides = array<i32>} : memref<4x128xi32, #tpu.memory_space<vmem>>, vector<16xi32>,
    tpu.vector_store %arg8[%swap3A_16, %swap3A_17], %shift_left3A_14 {strides = array<i32>} : memref<4x128xi32, #tpu.memory_space<vmem>>, vector<16xi32>,
    %get3A_19 = arith.constant 0 : i32
    %get3A_20 = arith.index_cast %get3A_19 : i32 to index
    %get3A_21 = arith.constant 16 : index
    %get3A_22 = tpu.vector_load %arg6[%get3A_20, %get3A_21] {strides = array<i32>} : memref<200x128xi32, #tpu.memory_space<vmem>>, vector<16xi32>,
    %shift_right_logical3A_23 = arith.constant 1 : i32
    %shift_right_logical3A_24 = vector.broadcast %shift_right_logical3A_23 : i32 to vector<16xi32>
    %shift_right_logical3A_25 = arith.shrui %get3A_22, %shift_right_logical3A_24 : vector<16xi32>
    %swap3A_26 = arith.constant 0 : i32
    %swap3A_27 = arith.index_cast %swap3A_26 : i32 to index
    %swap3A_28 = arith.constant 16 : index
    %swap3A_29 = tpu.vector_load %arg7[%swap3A_27, %swap3A_28] {strides = array<i32>} : memref<4x128xi32, #tpu.memory_space<vmem>>, vector<16xi32>,
    tpu.vector_store %arg7[%swap3A_27, %swap3A_28], %shift_right_logical3A_25 {strides = array<i32>} : memref<4x128xi32, #tpu.memory_space<vmem>>, vector<16xi32>,
    %and3A_30 = arith.constant 1 : i32
    %and3A_31 = vector.broadcast %and3A_30 : i32 to vector<16xi32>
    %and3A_32 = arith.andi %get3A_22, %and3A_31 : vector<16xi32>
    %shift_left3A_33 = arith.constant 6 : i32
    %shift_left3A_34 = vector.broadcast %shift_left3A_33 : i32 to vector<16xi32>
    %shift_left3A_35 = arith.shli %and3A_32, %shift_left3A_34 : vector<16xi32>
    %swap3A_36 = arith.constant 0 : i32
    %swap3A_37 = arith.index_cast %swap3A_36 : i32 to index
    %swap3A_38 = arith.constant 16 : index
    %swap3A_39 = tpu.vector_load %arg8[%swap3A_37, %swap3A_38] {strides = array<i32>} : memref<4x128xi32, #tpu.memory_space<vmem>>, vector<16xi32>,
    tpu.vector_store %arg8[%swap3A_37, %swap3A_38], %shift_left3A_35 {strides = array<i32>} : memref<4x128xi32, #tpu.memory_space<vmem>>, vector<16xi32>,
    %get3A_40 = arith.constant 0 : i32
    %get3A_41 = arith.index_cast %get3A_40 : i32 to index
    %get3A_42 = arith.constant 32 : index
    %get3A_43 = tpu.vector_load %arg6[%get3A_41, %get3A_42] {strides = array<i32>} : memref<200x128xi32, #tpu.memory_space<vmem>>, vector<16xi32>,
    %shift_right_logical3A_44 = arith.constant 1 : i32
    %shift_right_logical3A_45 = vector.broadcast %shift_right_logical3A_44 : i32 to vector<16xi32>
    %shift_right_logical3A_46 = arith.shrui %get3A_43, %shift_right_logical3A_45 : vector<16xi32>
    %swap3A_47 = arith.constant 0 : i32
    %swap3A_48 = arith.index_cast %swap3A_47 : i32 to index
    %swap3A_49 = arith.constant 32 : index
    %swap3A_50 = tpu.vector_load %arg7[%swap3A_48, %swap3A_49] {strides = array<i32>} : memref<4x128xi32, #tpu.memory_space<vmem>>, vector<16xi32>,
    tpu.vector_store %arg7[%swap3A_48, %swap3A_49], %shift_right_logical3A_46 {strides = array<i32>} : memref<4x128xi32, #tpu.memory_space<vmem>>, vector<16xi32>,
    %and3A_51 = arith.constant 1 : i32
    %and3A_52 = vector.broadcast %and3A_51 : i32 to vector<16xi32>
    %and3A_53 = arith.andi %get3A_43, %and3A_52 : vector<16xi32>
    %shift_left3A_54 = arith.constant 6 : i32
    %shift_left3A_55 = vector.broadcast %shift_left3A_54 : i32 to vector<16xi32>
    %shift_left3A_56 = arith.shli %and3A_53, %shift_left3A_55 : vector<16xi32>
    %swap3A_57 = arith.constant 0 : i32
    %swap3A_58 = arith.index_cast %swap3A_57 : i32 to index
    %swap3A_59 = arith.constant 32 : index
    %swap3A_60 = tpu.vector_load %arg8[%swap3A_58, %swap3A_59] {strides = array<i32>} : memref<4x128xi32, #tpu.memory_space<vmem>>, vector<16xi32>,
    tpu.vector_store %arg8[%swap3A_58, %swap3A_59], %shift_left3A_56 {strides = array<i32>} : memref<4x128xi32, #tpu.memory_space<vmem>>, vector<16xi32>,
    %get3A_61 = arith.constant 0 : i32
    %get3A_62 = arith.index_cast %get3A_61 : i32 to index
    %get3A_63 = arith.constant 48 : index
    %get3A_64 = tpu.vector_load %arg6[%get3A_62, %get3A_63] {strides = array<i32>} : memref<200x128xi32, #tpu.memory_space<vmem>>, vector<16xi32>,
    %shift_right_logical3A_65 = arith.constant 1 : i32
    %shift_right_logical3A_66 = vector.broadcast %shift_right_logical3A_65 : i32 to vector<16xi32>
    %shift_right_logical3A_67 = arith.shrui %get3A_64, %shift_right_logical3A_66 : vector<16xi32>
    %swap3A_68 = arith.constant 0 : i32
    %swap3A_69 = arith.index_cast %swap3A_68 : i32 to index
    %swap3A_70 = arith.constant 48 : index
    %swap3A_71 = tpu.vector_load %arg7[%swap3A_69, %swap3A_70] {strides = array<i32>} : memref<4x128xi32, #tpu.memory_space<vmem>>, vector<16xi32>,
    tpu.vector_store %arg7[%swap3A_69, %swap3A_70], %shift_right_logical3A_67 {strides = array<i32>} : memref<4x128xi32, #tpu.memory_space<vmem>>, vector<16xi32>,
    %and3A_72 = arith.constant 1 : i32
    %and3A_73 = vector.broadcast %and3A_72 : i32 to vector<16xi32>
    %and3A_74 = arith.andi %get3A_64, %and3A_73 : vector<16xi32>
    %shift_left3A_75 = arith.constant 6 : i32
    %shift_left3A_76 = vector.broadcast %shift_left3A_75 : i32 to vector<16xi32>
    %shift_left3A_77 = arith.shli %and3A_74, %shift_left3A_76 : vector<16xi32>
    %swap3A_78 = arith.constant 0 : i32
    %swap3A_79 = arith.index_cast %swap3A_78 : i32 to index
    %swap3A_80 = arith.constant 48 : index
    %swap3A_81 = tpu.vector_load %arg8[%swap3A_79, %swap3A_80] {strides = array<i32>} : memref<4x128xi32, #tpu.memory_space<vmem>>, vector<16xi32>,
    tpu.vector_store %arg8[%swap3A_79, %swap3A_80], %shift_left3A_77 {strides = array<i32>} : memref<4x128xi32, #tpu.memory_space<vmem>>, vector<16xi32>,
    %get3A_82 = arith.constant 0 : i32
    %get3A_83 = arith.index_cast %get3A_82 : i32 to index
    %get3A_84 = arith.constant 64 : index
    %get3A_85 = tpu.vector_load %arg6[%get3A_83, %get3A_84] {strides = array<i32>} : memref<200x128xi32, #tpu.memory_space<vmem>>, vector<16xi32>,
    %shift_right_logical3A_86 = arith.constant 1 : i32
    %shift_right_logical3A_87 = vector.broadcast %shift_right_logical3A_86 : i32 to vector<16xi32>
    %shift_right_logical3A_88 = arith.shrui %get3A_85, %shift_right_logical3A_87 : vector<16xi32>
    %swap3A_89 = arith.constant 0 : i32
    %swap3A_90 = arith.index_cast %swap3A_89 : i32 to index
    %swap3A_91 = arith.constant 64 : index
    %swap3A_92 = tpu.vector_load %arg7[%swap3A_90, %swap3A_91] {strides = array<i32>} : memref<4x128xi32, #tpu.memory_space<vmem>>, vector<16xi32>,
    tpu.vector_store %arg7[%swap3A_90, %swap3A_91], %shift_right_logical3A_88 {strides = array<i32>} : memref<4x128xi32, #tpu.memory_space<vmem>>, vector<16xi32>,
    %and3A_93 = arith.constant 1 : i32
    %and3A_94 = vector.broadcast %and3A_93 : i32 to vector<16xi32>
    %and3A_95 = arith.andi %get3A_85, %and3A_94 : vector<16xi32>
    %shift_left3A_96 = arith.constant 6 : i32
    %shift_left3A_97 = vector.broadcast %shift_left3A_96 : i32 to vector<16xi32>
    %shift_left3A_98 = arith.shli %and3A_95, %shift_left3A_97 : vector<16xi32>
    %swap3A_99 = arith.constant 0 : i32
    %swap3A_100 = arith.index_cast %swap3A_99 : i32 to index
    %swap3A_101 = arith.constant 64 : index
    %swap3A_102 = tpu.vector_load %arg8[%swap3A_100, %swap3A_101] {strides = array<i32>} : memref<4x128xi32, #tpu.memory_space<vmem>>, vector<16xi32>,
    tpu.vector_store %arg8[%swap3A_100, %swap3A_101], %shift_left3A_98 {strides = array<i32>} : memref<4x128xi32, #tpu.memory_space<vmem>>, vector<16xi32>,
    %get3A_103 = arith.constant 0 : i32
    %get3A_104 = arith.index_cast %get3A_103 : i32 to index
    %get3A_105 = arith.constant 80 : index
    %get3A_106 = tpu.vector_load %arg6[%get3A_104, %get3A_105] {strides = array<i32>} : memref<200x128xi32, #tpu.memory_space<vmem>>, vector<16xi32>,
    %shift_right_logical3A_107 = arith.constant 1 : i32
    %shift_right_logical3A_108 = vector.broadcast %shift_right_logical3A_107 : i32 to vector<16xi32>
    %shift_right_logical3A_109 = arith.shrui %get3A_106, %shift_right_logical3A_108 : vector<16xi32>
    %swap3A_110 = arith.constant 0 : i32
    %swap3A_111 = arith.index_cast %swap3A_110 : i32 to index
    %swap3A_112 = arith.constant 80 : index
    %swap3A_113 = tpu.vector_load %arg7[%swap3A_111, %swap3A_112] {strides = array<i32>} : memref<4x128xi32, #tpu.memory_space<vmem>>, vector<16xi32>,
    tpu.vector_store %arg7[%swap3A_111, %swap3A_112], %shift_right_logical3A_109 {strides = array<i32>} : memref<4x128xi32, #tpu.memory_space<vmem>>, vector<16xi32>,
    %and3A_114 = arith.constant 1 : i32
    %and3A_115 = vector.broadcast %and3A_114 : i32 to vector<16xi32>
    %and3A_116 = arith.andi %get3A_106, %and3A_115 : vector<16xi32>
    %shift_left3A_117 = arith.constant 6 : i32
    %shift_left3A_118 = vector.broadcast %shift_left3A_117 : i32 to vector<16xi32>
    %shift_left3A_119 = arith.shli %and3A_116, %shift_left3A_118 : vector<16xi32>
    %swap3A_120 = arith.constant 0 : i32
    %swap3A_121 = arith.index_cast %swap3A_120 : i32 to index
    %swap3A_122 = arith.constant 80 : index
    %swap3A_123 = tpu.vector_load %arg8[%swap3A_121, %swap3A_122] {strides = array<i32>} : memref<4x128xi32, #tpu.memory_space<vmem>>, vector<16xi32>,
    tpu.vector_store %arg8[%swap3A_121, %swap3A_122], %shift_left3A_119 {strides = array<i32>} : memref<4x128xi32, #tpu.memory_space<vmem>>, vector<16xi32>,
    %get3A_124 = arith.constant 0 : i32
    %get3A_125 = arith.index_cast %get3A_124 : i32 to index
    %get3A_126 = arith.constant 96 : index
    %get3A_127 = tpu.vector_load %arg6[%get3A_125, %get3A_126] {strides = array<i32>} : memref<200x128xi32, #tpu.memory_space<vmem>>, vector<16xi32>,
    %shift_right_logical3A_128 = arith.constant 1 : i32
    %shift_right_logical3A_129 = vector.broadcast %shift_right_logical3A_128 : i32 to vector<16xi32>
    %shift_right_logical3A_130 = arith.shrui %get3A_127, %shift_right_logical3A_129 : vector<16xi32>
    %swap3A_131 = arith.constant 0 : i32
    %swap3A_132 = arith.index_cast %swap3A_131 : i32 to index
    %swap3A_133 = arith.constant 96 : index
    %swap3A_134 = tpu.vector_load %arg7[%swap3A_132, %swap3A_133] {strides = array<i32>} : memref<4x128xi32, #tpu.memory_space<vmem>>, vector<16xi32>,
    tpu.vector_store %arg7[%swap3A_132, %swap3A_133], %shift_right_logical3A_130 {strides = array<i32>} : memref<4x128xi32, #tpu.memory_space<vmem>>, vector<16xi32>,
    %and3A_135 = arith.constant 1 : i32
    %and3A_136 = vector.broadcast %and3A_135 : i32 to vector<16xi32>
    %and3A_137 = arith.andi %get3A_127, %and3A_136 : vector<16xi32>
    %shift_left3A_138 = arith.constant 6 : i32
    %shift_left3A_139 = vector.broadcast %shift_left3A_138 : i32 to vector<16xi32>
    %shift_left3A_140 = arith.shli %and3A_137, %shift_left3A_139 : vector<16xi32>
    %swap3A_141 = arith.constant 0 : i32
    %swap3A_142 = arith.index_cast %swap3A_141 : i32 to index
    %swap3A_143 = arith.constant 96 : index
    %swap3A_144 = tpu.vector_load %arg8[%swap3A_142, %swap3A_143] {strides = array<i32>} : memref<4x128xi32, #tpu.memory_space<vmem>>, vector<16xi32>,
    tpu.vector_store %arg8[%swap3A_142, %swap3A_143], %shift_left3A_140 {strides = array<i32>} : memref<4x128xi32, #tpu.memory_space<vmem>>, vector<16xi32>,
    %get3A_145 = arith.constant 0 : i32
    %get3A_146 = arith.index_cast %get3A_145 : i32 to index
    %get3A_147 = arith.constant 112 : index
    %get3A_148 = tpu.vector_load %arg6[%get3A_146, %get3A_147] {strides = array<i32>} : memref<200x128xi32, #tpu.memory_space<vmem>>, vector<16xi32>,
    %shift_right_logical3A_149 = arith.constant 1 : i32
    %shift_right_logical3A_150 = vector.broadcast %shift_right_logical3A_149 : i32 to vector<16xi32>
    %shift_right_logical3A_151 = arith.shrui %get3A_148, %shift_right_logical3A_150 : vector<16xi32>
    %swap3A_152 = arith.constant 0 : i32
    %swap3A_153 = arith.index_cast %swap3A_152 : i32 to index
    %swap3A_154 = arith.constant 112 : index
    %swap3A_155 = tpu.vector_load %arg7[%swap3A_153, %swap3A_154] {strides = array<i32>} : memref<4x128xi32, #tpu.memory_space<vmem>>, vector<16xi32>,
    tpu.vector_store %arg7[%swap3A_153, %swap3A_154], %shift_right_logical3A_151 {strides = array<i32>} : memref<4x128xi32, #tpu.memory_space<vmem>>, vector<16xi32>,
    %and3A_156 = arith.constant 1 : i32
    %and3A_157 = vector.broadcast %and3A_156 : i32 to vector<16xi32>
    %and3A_158 = arith.andi %get3A_148, %and3A_157 : vector<16xi32>
    %shift_left3A_159 = arith.constant 6 : i32
    %shift_left3A_160 = vector.broadcast %shift_left3A_159 : i32 to vector<16xi32>
    %shift_left3A_161 = arith.shli %and3A_158, %shift_left3A_160 : vector<16xi32>
    %swap3A_162 = arith.constant 0 : i32
    %swap3A_163 = arith.index_cast %swap3A_162 : i32 to index
    %swap3A_164 = arith.constant 112 : index
    %swap3A_165 = tpu.vector_load %arg8[%swap3A_163, %swap3A_164] {strides = array<i32>} : memref<4x128xi32, #tpu.memory_space<vmem>>, vector<16xi32>,
    tpu.vector_store %arg8[%swap3A_163, %swap3A_164], %shift_left3A_161 {strides = array<i32>} : memref<4x128xi32, #tpu.memory_space<vmem>>, vector<16xi32>,
    %dma_start3A = arith.constant 0 : i32
    %dma_start3A_166 = arith.constant 0 : i32
    %dma_start3A_167 = tpu.memref_slice %arg7[%dma_start3A, %dma_start3A_166] : memref<4x128xi32, #tpu.memory_space<vmem>> -> memref<1x128xi32, #tpu.memory_space<vmem>>
    %dma_start3A_168 = tpu.memref_squeeze %dma_start3A_167 : memref<1x128xi32, #tpu.memory_space<vmem>> -> memref<128xi32, #tpu.memory_space<vmem>>
    %dma_start3A_169 = arith.constant 0 : i32
    %dma_start3A_170 = arith.constant 0 : i32
    %dma_start3A_171 = tpu.memref_slice %arg3[%dma_start3A_169, %dma_start3A_170] : memref<500000x128xf32, #tpu.memory_space<hbm>> -> memref<500000x128xf32, #tpu.memory_space<hbm>>
    tpu.enqueue_indirect_dma source(%dma_start3A_171 : memref<500000x128xf32, #tpu.memory_space<hbm>>) target(%arg9 : memref<128x128xf32, #tpu.memory_space<vmem>>) offsets(%dma_start3A_168 : memref<128xi32, #tpu.memory_space<vmem>>) semaphore(%arg16 : memref<!tpu.dma_semaphore, #tpu.memory_space<semaphore_mem>>)
    %dma_start3A_172 = arith.constant 0 : i32
    %dma_start3A_173 = arith.constant 0 : i32
    %dma_start3A_174 = arith.constant 0 : i32
    %dma_start3A_175 = tpu.memref_slice %arg15[%dma_start3A_173, %dma_start3A_174] : memref<4x64xf32, #tpu.memory_space<vmem>> -> memref<1x64xf32, #tpu.memory_space<vmem>>
    %dma_start3A_176 = tpu.memref_squeeze %dma_start3A_175 : memref<1x64xf32, #tpu.memory_space<vmem>> -> memref<64xf32, #tpu.memory_space<vmem>>
    %dma_start3A_177 = arith.constant 0 : i32
    %dma_start3A_178 = tpu.memref_slice %arg4[%dma_start3A_172, %dma_start3A_177] : memref<200x64xf32, #tpu.memory_space<hbm>> -> memref<1x64xf32, #tpu.memory_space<hbm>>
    %dma_start3A_179 = tpu.memref_squeeze %dma_start3A_178 : memref<1x64xf32, #tpu.memory_space<hbm>> -> memref<64xf32, #tpu.memory_space<hbm>>
    %dma_start3A_180 = arith.constant 0 : i32
    %dma_start3A_181 = tpu.memref_slice %arg15[%dma_start3A_173, %dma_start3A_180] : memref<4x64xf32, #tpu.memory_space<vmem>> -> memref<1x64xf32, #tpu.memory_space<vmem>>
    %dma_start3A_182 = tpu.memref_squeeze %dma_start3A_181 : memref<1x64xf32, #tpu.memory_space<vmem>> -> memref<64xf32, #tpu.memory_space<vmem>>
    %dma_start3A_183 = arith.constant 0 : i32
    %dma_start3A_184 = tpu.memref_slice %arg4[%dma_start3A_172, %dma_start3A_183] : memref<200x64xf32, #tpu.memory_space<hbm>> -> memref<1x64xf32, #tpu.memory_space<hbm>>
    %dma_start3A_185 = tpu.memref_squeeze %dma_start3A_184 : memref<1x64xf32, #tpu.memory_space<hbm>> -> memref<64xf32, #tpu.memory_space<hbm>>
    tpu.enqueue_dma source(%dma_start3A_185 : memref<64xf32, #tpu.memory_space<hbm>>) target(%dma_start3A_182 : memref<64xf32, #tpu.memory_space<vmem>>) target_semaphore(%arg16 : memref<!tpu.dma_semaphore, #tpu.memory_space<semaphore_mem>>)
    %get3A_186 = arith.constant 1 : i32
    %get3A_187 = arith.index_cast %get3A_186 : i32 to index
    %get3A_188 = arith.constant 0 : index
    %get3A_189 = tpu.vector_load %arg6[%get3A_187, %get3A_188] {strides = array<i32>} : memref<200x128xi32, #tpu.memory_space<vmem>>, vector<16xi32>,
    %shift_right_logical3A_190 = arith.constant 1 : i32
    %shift_right_logical3A_191 = vector.broadcast %shift_right_logical3A_190 : i32 to vector<16xi32>
    %shift_right_logical3A_192 = arith.shrui %get3A_189, %shift_right_logical3A_191 : vector<16xi32>
    %swap3A_193 = arith.constant 1 : i32
    %swap3A_194 = arith.index_cast %swap3A_193 : i32 to index
    %swap3A_195 = arith.constant 0 : index
    %swap3A_196 = tpu.vector_load %arg7[%swap3A_194, %swap3A_195] {strides = array<i32>} : memref<4x128xi32, #tpu.memory_space<vmem>>, vector<16xi32>,
    tpu.vector_store %arg7[%swap3A_194, %swap3A_195], %shift_right_logical3A_192 {strides = array<i32>} : memref<4x128xi32, #tpu.memory_space<vmem>>, vector<16xi32>,
    %and3A_197 = arith.constant 1 : i32
    %and3A_198 = vector.broadcast %and3A_197 : i32 to vector<16xi32>
    %and3A_199 = arith.andi %get3A_189, %and3A_198 : vector<16xi32>
    %shift_left3A_200 = arith.constant 6 : i32
    %shift_left3A_201 = vector.broadcast %shift_left3A_200 : i32 to vector<16xi32>
    %shift_left3A_202 = arith.shli %and3A_199, %shift_left3A_201 : vector<16xi32>
    %swap3A_203 = arith.constant 1 : i32
    %swap3A_204 = arith.index_cast %swap3A_203 : i32 to index
    %swap3A_205 = arith.constant 0 : index
    %swap3A_206 = tpu.vector_load %arg8[%swap3A_204, %swap3A_205] {strides = array<i32>} : memref<4x128xi32, #tpu.memory_space<vmem>>, vector<16xi32>,
    tpu.vector_store %arg8[%swap3A_204, %swap3A_205], %shift_left3A_202 {strides = array<i32>} : memref<4x128xi32, #tpu.memory_space<vmem>>, vector<16xi32>,
    %get3A_207 = arith.constant 1 : i32
    %get3A_208 = arith.index_cast %get3A_207 : i32 to index
    %get3A_209 = arith.constant 16 : index
    %get3A_210 = tpu.vector_load %arg6[%get3A_208, %get3A_209] {strides = array<i32>} : memref<200x128xi32, #tpu.memory_space<vmem>>, vector<16xi32>,
    %shift_right_logical3A_211 = arith.constant 1 : i32
    %shift_right_logical3A_212 = vector.broadcast %shift_right_logical3A_211 : i32 to vector<16xi32>
    %shift_right_logical3A_213 = arith.shrui %get3A_210, %shift_right_logical3A_212 : vector<16xi32>
    %swap3A_214 = arith.constant 1 : i32
    %swap3A_215 = arith.index_cast %swap3A_214 : i32 to index
    %swap3A_216 = arith.constant 16 : index
    %swap3A_217 = tpu.vector_load %arg7[%swap3A_215, %swap3A_216] {strides = array<i32>} : memref<4x128xi32, #tpu.memory_space<vmem>>, vector<16xi32>,
    tpu.vector_store %arg7[%swap3A_215, %swap3A_216], %shift_right_logical3A_213 {strides = array<i32>} : memref<4x128xi32, #tpu.memory_space<vmem>>, vector<16xi32>,
    %and3A_218 = arith.constant 1 : i32
    %and3A_219 = vector.broadcast %and3A_218 : i32 to vector<16xi32>
    %and3A_220 = arith.andi %get3A_210, %and3A_219 : vector<16xi32>
    %shift_left3A_221 = arith.constant 6 : i32
    %shift_left3A_222 = vector.broadcast %shift_left3A_221 : i32 to vector<16xi32>
    %shift_left3A_223 = arith.shli %and3A_220, %shift_left3A_222 : vector<16xi32>
    %swap3A_224 = arith.constant 1 : i32
    %swap3A_225 = arith.index_cast %swap3A_224 : i32 to index
    %swap3A_226 = arith.constant 16 : index
    %swap3A_227 = tpu.vector_load %arg8[%swap3A_225, %swap3A_226] {strides = array<i32>} : memref<4x128xi32, #tpu.memory_space<vmem>>, vector<16xi32>,
    tpu.vector_store %arg8[%swap3A_225, %swap3A_226], %shift_left3A_223 {strides = array<i32>} : memref<4x128xi32, #tpu.memory_space<vmem>>, vector<16xi32>,
    %get3A_228 = arith.constant 1 : i32
    %get3A_229 = arith.index_cast %get3A_228 : i32 to index
    %get3A_230 = arith.constant 32 : index
    %get3A_231 = tpu.vector_load %arg6[%get3A_229, %get3A_230] {strides = array<i32>} : memref<200x128xi32, #tpu.memory_space<vmem>>, vector<16xi32>,
    %shift_right_logical3A_232 = arith.constant 1 : i32
    %shift_right_logical3A_233 = vector.broadcast %shift_right_logical3A_232 : i32 to vector<16xi32>
    %shift_right_logical3A_234 = arith.shrui %get3A_231, %shift_right_logical3A_233 : vector<16xi32>
    %swap3A_235 = arith.constant 1 : i32
    %swap3A_236 = arith.index_cast %swap3A_235 : i32 to index
    %swap3A_237 = arith.constant 32 : index
    %swap3A_238 = tpu.vector_load %arg7[%swap3A_236, %swap3A_237] {strides = array<i32>} : memref<4x128xi32, #tpu.memory_space<vmem>>, vector<16xi32>,
    tpu.vector_store %arg7[%swap3A_236, %swap3A_237], %shift_right_logical3A_234 {strides = array<i32>} : memref<4x128xi32, #tpu.memory_space<vmem>>, vector<16xi32>,
    %and3A_239 = arith.constant 1 : i32
    %and3A_240 = vector.broadcast %and3A_239 : i32 to vector<16xi32>
    %and3A_241 = arith.andi %get3A_231, %and3A_240 : vector<16xi32>
    %shift_left3A_242 = arith.constant 6 : i32
    %shift_left3A_243 = vector.broadcast %shift_left3A_242 : i32 to vector<16xi32>
    %shift_left3A_244 = arith.shli %and3A_241, %shift_left3A_243 : vector<16xi32>
    %swap3A_245 = arith.constant 1 : i32
    %swap3A_246 = arith.index_cast %swap3A_245 : i32 to index
    %swap3A_247 = arith.constant 32 : index
    %swap3A_248 = tpu.vector_load %arg8[%swap3A_246, %swap3A_247] {strides = array<i32>} : memref<4x128xi32, #tpu.memory_space<vmem>>, vector<16xi32>,
    tpu.vector_store %arg8[%swap3A_246, %swap3A_247], %shift_left3A_244 {strides = array<i32>} : memref<4x128xi32, #tpu.memory_space<vmem>>, vector<16xi32>,
    %get3A_249 = arith.constant 1 : i32
    %get3A_250 = arith.index_cast %get3A_249 : i32 to index
    %get3A_251 = arith.constant 48 : index
    %get3A_252 = tpu.vector_load %arg6[%get3A_250, %get3A_251] {strides = array<i32>} : memref<200x128xi32, #tpu.memory_space<vmem>>, vector<16xi32>,
    %shift_right_logical3A_253 = arith.constant 1 : i32
    %shift_right_logical3A_254 = vector.broadcast %shift_right_logical3A_253 : i32 to vector<16xi32>
    %shift_right_logical3A_255 = arith.shrui %get3A_252, %shift_right_logical3A_254 : vector<16xi32>
    %swap3A_256 = arith.constant 1 : i32
    %swap3A_257 = arith.index_cast %swap3A_256 : i32 to index
    %swap3A_258 = arith.constant 48 : index
    %swap3A_259 = tpu.vector_load %arg7[%swap3A_257, %swap3A_258] {strides = array<i32>} : memref<4x128xi32, #tpu.memory_space<vmem>>, vector<16xi32>,
    tpu.vector_store %arg7[%swap3A_257, %swap3A_258], %shift_right_logical3A_255 {strides = array<i32>} : memref<4x128xi32, #tpu.memory_space<vmem>>, vector<16xi32>,
    %and3A_260 = arith.constant 1 : i32
    %and3A_261 = vector.broadcast %and3A_260 : i32 to vector<16xi32>
    %and3A_262 = arith.andi %get3A_252, %and3A_261 : vector<16xi32>
    %shift_left3A_263 = arith.constant 6 : i32
    %shift_left3A_264 = vector.broadcast %shift_left3A_263 : i32 to vector<16xi32>
    %shift_left3A_265 = arith.shli %and3A_262, %shift_left3A_264 : vector<16xi32>
    %swap3A_266 = arith.constant 1 : i32
    %swap3A_267 = arith.index_cast %swap3A_266 : i32 to index
    %swap3A_268 = arith.constant 48 : index
    %swap3A_269 = tpu.vector_load %arg8[%swap3A_267, %swap3A_268] {strides = array<i32>} : memref<4x128xi32, #tpu.memory_space<vmem>>, vector<16xi32>,
    tpu.vector_store %arg8[%swap3A_267, %swap3A_268], %shift_left3A_265 {strides = array<i32>} : memref<4x128xi32, #tpu.memory_space<vmem>>, vector<16xi32>,
    %get3A_270 = arith.constant 1 : i32
    %get3A_271 = arith.index_cast %get3A_270 : i32 to index
    %get3A_272 = arith.constant 64 : index
    %get3A_273 = tpu.vector_load %arg6[%get3A_271, %get3A_272] {strides = array<i32>} : memref<200x128xi32, #tpu.memory_space<vmem>>, vector<16xi32>,
    %shift_right_logical3A_274 = arith.constant 1 : i32
    %shift_right_logical3A_275 = vector.broadcast %shift_right_logical3A_274 : i32 to vector<16xi32>
    %shift_right_logical3A_276 = arith.shrui %get3A_273, %shift_right_logical3A_275 : vector<16xi32>
    %swap3A_277 = arith.constant 1 : i32
    %swap3A_278 = arith.index_cast %swap3A_277 : i32 to index
    %swap3A_279 = arith.constant 64 : index
    %swap3A_280 = tpu.vector_load %arg7[%swap3A_278, %swap3A_279] {strides = array<i32>} : memref<4x128xi32, #tpu.memory_space<vmem>>, vector<16xi32>,
    tpu.vector_store %arg7[%swap3A_278, %swap3A_279], %shift_right_logical3A_276 {strides = array<i32>} : memref<4x128xi32, #tpu.memory_space<vmem>>, vector<16xi32>,
    %and3A_281 = arith.constant 1 : i32
    %and3A_282 = vector.broadcast %and3A_281 : i32 to vector<16xi32>
    %and3A_283 = arith.andi %get3A_273, %and3A_282 : vector<16xi32>
    %shift_left3A_284 = arith.constant 6 : i32
    %shift_left3A_285 = vector.broadcast %shift_left3A_284 : i32 to vector<16xi32>
    %shift_left3A_286 = arith.shli %and3A_283, %shift_left3A_285 : vector<16xi32>
    %swap3A_287 = arith.constant 1 : i32
    %swap3A_288 = arith.index_cast %swap3A_287 : i32 to index
    %swap3A_289 = arith.constant 64 : index
    %swap3A_290 = tpu.vector_load %arg8[%swap3A_288, %swap3A_289] {strides = array<i32>} : memref<4x128xi32, #tpu.memory_space<vmem>>, vector<16xi32>,
    tpu.vector_store %arg8[%swap3A_288, %swap3A_289], %shift_left3A_286 {strides = array<i32>} : memref<4x128xi32, #tpu.memory_space<vmem>>, vector<16xi32>,
    %get3A_291 = arith.constant 1 : i32
    %get3A_292 = arith.index_cast %get3A_291 : i32 to index
    %get3A_293 = arith.constant 80 : index
    %get3A_294 = tpu.vector_load %arg6[%get3A_292, %get3A_293] {strides = array<i32>} : memref<200x128xi32, #tpu.memory_space<vmem>>, vector<16xi32>,
    %shift_right_logical3A_295 = arith.constant 1 : i32
    %shift_right_logical3A_296 = vector.broadcast %shift_right_logical3A_295 : i32 to vector<16xi32>
    %shift_right_logical3A_297 = arith.shrui %get3A_294, %shift_right_logical3A_296 : vector<16xi32>
    %swap3A_298 = arith.constant 1 : i32
    %swap3A_299 = arith.index_cast %swap3A_298 : i32 to index
    %swap3A_300 = arith.constant 80 : index
    %swap3A_301 = tpu.vector_load %arg7[%swap3A_299, %swap3A_300] {strides = array<i32>} : memref<4x128xi32, #tpu.memory_space<vmem>>, vector<16xi32>,
    tpu.vector_store %arg7[%swap3A_299, %swap3A_300], %shift_right_logical3A_297 {strides = array<i32>} : memref<4x128xi32, #tpu.memory_space<vmem>>, vector<16xi32>,
    %and3A_302 = arith.constant 1 : i32
    %and3A_303 = vector.broadcast %and3A_302 : i32 to vector<16xi32>
    %and3A_304 = arith.andi %get3A_294, %and3A_303 : vector<16xi32>
    %shift_left3A_305 = arith.constant 6 : i32
    %shift_left3A_306 = vector.broadcast %shift_left3A_305 : i32 to vector<16xi32>
    %shift_left3A_307 = arith.shli %and3A_304, %shift_left3A_306 : vector<16xi32>
    %swap3A_308 = arith.constant 1 : i32
    %swap3A_309 = arith.index_cast %swap3A_308 : i32 to index
    %swap3A_310 = arith.constant 80 : index
    %swap3A_311 = tpu.vector_load %arg8[%swap3A_309, %swap3A_310] {strides = array<i32>} : memref<4x128xi32, #tpu.memory_space<vmem>>, vector<16xi32>,
    tpu.vector_store %arg8[%swap3A_309, %swap3A_310], %shift_left3A_307 {strides = array<i32>} : memref<4x128xi32, #tpu.memory_space<vmem>>, vector<16xi32>,
    %get3A_312 = arith.constant 1 : i32
    %get3A_313 = arith.index_cast %get3A_312 : i32 to index
    %get3A_314 = arith.constant 96 : index
    %get3A_315 = tpu.vector_load %arg6[%get3A_313, %get3A_314] {strides = array<i32>} : memref<200x128xi32, #tpu.memory_space<vmem>>, vector<16xi32>,
    %shift_right_logical3A_316 = arith.constant 1 : i32
    %shift_right_logical3A_317 = vector.broadcast %shift_right_logical3A_316 : i32 to vector<16xi32>
    %shift_right_logical3A_318 = arith.shrui %get3A_315, %shift_right_logical3A_317 : vector<16xi32>
    %swap3A_319 = arith.constant 1 : i32
    %swap3A_320 = arith.index_cast %swap3A_319 : i32 to index
    %swap3A_321 = arith.constant 96 : index
    %swap3A_322 = tpu.vector_load %arg7[%swap3A_320, %swap3A_321] {strides = array<i32>} : memref<4x128xi32, #tpu.memory_space<vmem>>, vector<16xi32>,
    tpu.vector_store %arg7[%swap3A_320, %swap3A_321], %shift_right_logical3A_318 {strides = array<i32>} : memref<4x128xi32, #tpu.memory_space<vmem>>, vector<16xi32>,
    %and3A_323 = arith.constant 1 : i32
    %and3A_324 = vector.broadcast %and3A_323 : i32 to vector<16xi32>
    %and3A_325 = arith.andi %get3A_315, %and3A_324 : vector<16xi32>
    %shift_left3A_326 = arith.constant 6 : i32
    %shift_left3A_327 = vector.broadcast %shift_left3A_326 : i32 to vector<16xi32>
    %shift_left3A_328 = arith.shli %and3A_325, %shift_left3A_327 : vector<16xi32>
    %swap3A_329 = arith.constant 1 : i32
    %swap3A_330 = arith.index_cast %swap3A_329 : i32 to index
    %swap3A_331 = arith.constant 96 : index
    %swap3A_332 = tpu.vector_load %arg8[%swap3A_330, %swap3A_331] {strides = array<i32>} : memref<4x128xi32, #tpu.memory_space<vmem>>, vector<16xi32>,
    tpu.vector_store %arg8[%swap3A_330, %swap3A_331], %shift_left3A_328 {strides = array<i32>} : memref<4x128xi32, #tpu.memory_space<vmem>>, vector<16xi32>,
    %get3A_333 = arith.constant 1 : i32
    %get3A_334 = arith.index_cast %get3A_333 : i32 to index
    %get3A_335 = arith.constant 112 : index
    %get3A_336 = tpu.vector_load %arg6[%get3A_334, %get3A_335] {strides = array<i32>} : memref<200x128xi32, #tpu.memory_space<vmem>>, vector<16xi32>,
    %shift_right_logical3A_337 = arith.constant 1 : i32
    %shift_right_logical3A_338 = vector.broadcast %shift_right_logical3A_337 : i32 to vector<16xi32>
    %shift_right_logical3A_339 = arith.shrui %get3A_336, %shift_right_logical3A_338 : vector<16xi32>
    %swap3A_340 = arith.constant 1 : i32
    %swap3A_341 = arith.index_cast %swap3A_340 : i32 to index
    %swap3A_342 = arith.constant 112 : index
    %swap3A_343 = tpu.vector_load %arg7[%swap3A_341, %swap3A_342] {strides = array<i32>} : memref<4x128xi32, #tpu.memory_space<vmem>>, vector<16xi32>,
    tpu.vector_store %arg7[%swap3A_341, %swap3A_342], %shift_right_logical3A_339 {strides = array<i32>} : memref<4x128xi32, #tpu.memory_space<vmem>>, vector<16xi32>,
    %and3A_344 = arith.constant 1 : i32
    %and3A_345 = vector.broadcast %and3A_344 : i32 to vector<16xi32>
    %and3A_346 = arith.andi %get3A_336, %and3A_345 : vector<16xi32>
    %shift_left3A_347 = arith.constant 6 : i32
    %shift_left3A_348 = vector.broadcast %shift_left3A_347 : i32 to vector<16xi32>
    %shift_left3A_349 = arith.shli %and3A_346, %shift_left3A_348 : vector<16xi32>
    %swap3A_350 = arith.constant 1 : i32
    %swap3A_351 = arith.index_cast %swap3A_350 : i32 to index
    %swap3A_352 = arith.constant 112 : index
    %swap3A_353 = tpu.vector_load %arg8[%swap3A_351, %swap3A_352] {strides = array<i32>} : memref<4x128xi32, #tpu.memory_space<vmem>>, vector<16xi32>,
    tpu.vector_store %arg8[%swap3A_351, %swap3A_352], %shift_left3A_349 {strides = array<i32>} : memref<4x128xi32, #tpu.memory_space<vmem>>, vector<16xi32>,
    %dma_start3A_354 = arith.constant 1 : i32
    %dma_start3A_355 = arith.constant 0 : i32
    %dma_start3A_356 = tpu.memref_slice %arg7[%dma_start3A_354, %dma_start3A_355] : memref<4x128xi32, #tpu.memory_space<vmem>> -> memref<1x128xi32, #tpu.memory_space<vmem>>
    %dma_start3A_357 = tpu.memref_squeeze %dma_start3A_356 : memref<1x128xi32, #tpu.memory_space<vmem>> -> memref<128xi32, #tpu.memory_space<vmem>>
    %dma_start3A_358 = arith.constant 0 : i32
    %dma_start3A_359 = arith.constant 0 : i32
    %dma_start3A_360 = tpu.memref_slice %arg3[%dma_start3A_358, %dma_start3A_359] : memref<500000x128xf32, #tpu.memory_space<hbm>> -> memref<500000x128xf32, #tpu.memory_space<hbm>>
    tpu.enqueue_indirect_dma source(%dma_start3A_360 : memref<500000x128xf32, #tpu.memory_space<hbm>>) target(%arg10 : memref<128x128xf32, #tpu.memory_space<vmem>>) offsets(%dma_start3A_357 : memref<128xi32, #tpu.memory_space<vmem>>) semaphore(%arg17 : memref<!tpu.dma_semaphore, #tpu.memory_space<semaphore_mem>>)
    %dma_start3A_361 = arith.constant 1 : i32
    %dma_start3A_362 = arith.constant 1 : i32
    %dma_start3A_363 = arith.constant 0 : i32
    %dma_start3A_364 = tpu.memref_slice %arg15[%dma_start3A_362, %dma_start3A_363] : memref<4x64xf32, #tpu.memory_space<vmem>> -> memref<1x64xf32, #tpu.memory_space<vmem>>
    %dma_start3A_365 = tpu.memref_squeeze %dma_start3A_364 : memref<1x64xf32, #tpu.memory_space<vmem>> -> memref<64xf32, #tpu.memory_space<vmem>>
    %dma_start3A_366 = arith.constant 0 : i32
    %dma_start3A_367 = tpu.memref_slice %arg4[%dma_start3A_361, %dma_start3A_366] : memref<200x64xf32, #tpu.memory_space<hbm>> -> memref<1x64xf32, #tpu.memory_space<hbm>>
    %dma_start3A_368 = tpu.memref_squeeze %dma_start3A_367 : memref<1x64xf32, #tpu.memory_space<hbm>> -> memref<64xf32, #tpu.memory_space<hbm>>
    %dma_start3A_369 = arith.constant 0 : i32
    %dma_start3A_370 = tpu.memref_slice %arg15[%dma_start3A_362, %dma_start3A_369] : memref<4x64xf32, #tpu.memory_space<vmem>> -> memref<1x64xf32, #tpu.memory_space<vmem>>
    %dma_start3A_371 = tpu.memref_squeeze %dma_start3A_370 : memref<1x64xf32, #tpu.memory_space<vmem>> -> memref<64xf32, #tpu.memory_space<vmem>>
    %dma_start3A_372 = arith.constant 0 : i32
    %dma_start3A_373 = tpu.memref_slice %arg4[%dma_start3A_361, %dma_start3A_372] : memref<200x64xf32, #tpu.memory_space<hbm>> -> memref<1x64xf32, #tpu.memory_space<hbm>>
    %dma_start3A_374 = tpu.memref_squeeze %dma_start3A_373 : memref<1x64xf32, #tpu.memory_space<hbm>> -> memref<64xf32, #tpu.memory_space<hbm>>
    tpu.enqueue_dma source(%dma_start3A_374 : memref<64xf32, #tpu.memory_space<hbm>>) target(%dma_start3A_371 : memref<64xf32, #tpu.memory_space<vmem>>) target_semaphore(%arg17 : memref<!tpu.dma_semaphore, #tpu.memory_space<semaphore_mem>>)
    %get3A_375 = arith.constant 2 : i32
    %get3A_376 = arith.index_cast %get3A_375 : i32 to index
    %get3A_377 = arith.constant 0 : index
    %get3A_378 = tpu.vector_load %arg6[%get3A_376, %get3A_377] {strides = array<i32>} : memref<200x128xi32, #tpu.memory_space<vmem>>, vector<16xi32>,
    %shift_right_logical3A_379 = arith.constant 1 : i32
    %shift_right_logical3A_380 = vector.broadcast %shift_right_logical3A_379 : i32 to vector<16xi32>
    %shift_right_logical3A_381 = arith.shrui %get3A_378, %shift_right_logical3A_380 : vector<16xi32>
    %swap3A_382 = arith.constant 2 : i32
    %swap3A_383 = arith.index_cast %swap3A_382 : i32 to index
    %swap3A_384 = arith.constant 0 : index
    %swap3A_385 = tpu.vector_load %arg7[%swap3A_383, %swap3A_384] {strides = array<i32>} : memref<4x128xi32, #tpu.memory_space<vmem>>, vector<16xi32>,
    tpu.vector_store %arg7[%swap3A_383, %swap3A_384], %shift_right_logical3A_381 {strides = array<i32>} : memref<4x128xi32, #tpu.memory_space<vmem>>, vector<16xi32>,
    %and3A_386 = arith.constant 1 : i32
    %and3A_387 = vector.broadcast %and3A_386 : i32 to vector<16xi32>
    %and3A_388 = arith.andi %get3A_378, %and3A_387 : vector<16xi32>
    %shift_left3A_389 = arith.constant 6 : i32
    %shift_left3A_390 = vector.broadcast %shift_left3A_389 : i32 to vector<16xi32>
    %shift_left3A_391 = arith.shli %and3A_388, %shift_left3A_390 : vector<16xi32>
    %swap3A_392 = arith.constant 2 : i32
    %swap3A_393 = arith.index_cast %swap3A_392 : i32 to index
    %swap3A_394 = arith.constant 0 : index
    %swap3A_395 = tpu.vector_load %arg8[%swap3A_393, %swap3A_394] {strides = array<i32>} : memref<4x128xi32, #tpu.memory_space<vmem>>, vector<16xi32>,
    tpu.vector_store %arg8[%swap3A_393, %swap3A_394], %shift_left3A_391 {strides = array<i32>} : memref<4x128xi32, #tpu.memory_space<vmem>>, vector<16xi32>,
    %get3A_396 = arith.constant 2 : i32
    %get3A_397 = arith.index_cast %get3A_396 : i32 to index
    %get3A_398 = arith.constant 16 : index
    %get3A_399 = tpu.vector_load %arg6[%get3A_397, %get3A_398] {strides = array<i32>} : memref<200x128xi32, #tpu.memory_space<vmem>>, vector<16xi32>,
    %shift_right_logical3A_400 = arith.constant 1 : i32
    %shift_right_logical3A_401 = vector.broadcast %shift_right_logical3A_400 : i32 to vector<16xi32>
    %shift_right_logical3A_402 = arith.shrui %get3A_399, %shift_right_logical3A_401 : vector<16xi32>
    %swap3A_403 = arith.constant 2 : i32
    %swap3A_404 = arith.index_cast %swap3A_403 : i32 to index
    %swap3A_405 = arith.constant 16 : index
    %swap3A_406 = tpu.vector_load %arg7[%swap3A_404, %swap3A_405] {strides = array<i32>} : memref<4x128xi32, #tpu.memory_space<vmem>>, vector<16xi32>,
    tpu.vector_store %arg7[%swap3A_404, %swap3A_405], %shift_right_logical3A_402 {strides = array<i32>} : memref<4x128xi32, #tpu.memory_space<vmem>>, vector<16xi32>,
    %and3A_407 = arith.constant 1 : i32
    %and3A_408 = vector.broadcast %and3A_407 : i32 to vector<16xi32>
    %and3A_409 = arith.andi %get3A_399, %and3A_408 : vector<16xi32>
    %shift_left3A_410 = arith.constant 6 : i32
    %shift_left3A_411 = vector.broadcast %shift_left3A_410 : i32 to vector<16xi32>
    %shift_left3A_412 = arith.shli %and3A_409, %shift_left3A_411 : vector<16xi32>
    %swap3A_413 = arith.constant 2 : i32
    %swap3A_414 = arith.index_cast %swap3A_413 : i32 to index
    %swap3A_415 = arith.constant 16 : index
    %swap3A_416 = tpu.vector_load %arg8[%swap3A_414, %swap3A_415] {strides = array<i32>} : memref<4x128xi32, #tpu.memory_space<vmem>>, vector<16xi32>,
    tpu.vector_store %arg8[%swap3A_414, %swap3A_415], %shift_left3A_412 {strides = array<i32>} : memref<4x128xi32, #tpu.memory_space<vmem>>, vector<16xi32>,
    %get3A_417 = arith.constant 2 : i32
    %get3A_418 = arith.index_cast %get3A_417 : i32 to index
    %get3A_419 = arith.constant 32 : index
    %get3A_420 = tpu.vector_load %arg6[%get3A_418, %get3A_419] {strides = array<i32>} : memref<200x128xi32, #tpu.memory_space<vmem>>, vector<16xi32>,
    %shift_right_logical3A_421 = arith.constant 1 : i32
    %shift_right_logical3A_422 = vector.broadcast %shift_right_logical3A_421 : i32 to vector<16xi32>
    %shift_right_logical3A_423 = arith.shrui %get3A_420, %shift_right_logical3A_422 : vector<16xi32>
    %swap3A_424 = arith.constant 2 : i32
    %swap3A_425 = arith.index_cast %swap3A_424 : i32 to index
    %swap3A_426 = arith.constant 32 : index
    %swap3A_427 = tpu.vector_load %arg7[%swap3A_425, %swap3A_426] {strides = array<i32>} : memref<4x128xi32, #tpu.memory_space<vmem>>, vector<16xi32>,
    tpu.vector_store %arg7[%swap3A_425, %swap3A_426], %shift_right_logical3A_423 {strides = array<i32>} : memref<4x128xi32, #tpu.memory_space<vmem>>, vector<16xi32>,
    %and3A_428 = arith.constant 1 : i32
    %and3A_429 = vector.broadcast %and3A_428 : i32 to vector<16xi32>
    %and3A_430 = arith.andi %get3A_420, %and3A_429 : vector<16xi32>
    %shift_left3A_431 = arith.constant 6 : i32
    %shift_left3A_432 = vector.broadcast %shift_left3A_431 : i32 to vector<16xi32>
    %shift_left3A_433 = arith.shli %and3A_430, %shift_left3A_432 : vector<16xi32>
    %swap3A_434 = arith.constant 2 : i32
    %swap3A_435 = arith.index_cast %swap3A_434 : i32 to index
    %swap3A_436 = arith.constant 32 : index
    %swap3A_437 = tpu.vector_load %arg8[%swap3A_435, %swap3A_436] {strides = array<i32>} : memref<4x128xi32, #tpu.memory_space<vmem>>, vector<16xi32>,
    tpu.vector_store %arg8[%swap3A_435, %swap3A_436], %shift_left3A_433 {strides = array<i32>} : memref<4x128xi32, #tpu.memory_space<vmem>>, vector<16xi32>,
    %get3A_438 = arith.constant 2 : i32
    %get3A_439 = arith.index_cast %get3A_438 : i32 to index
    %get3A_440 = arith.constant 48 : index
    %get3A_441 = tpu.vector_load %arg6[%get3A_439, %get3A_440] {strides = array<i32>} : memref<200x128xi32, #tpu.memory_space<vmem>>, vector<16xi32>,
    %shift_right_logical3A_442 = arith.constant 1 : i32
    %shift_right_logical3A_443 = vector.broadcast %shift_right_logical3A_442 : i32 to vector<16xi32>
    %shift_right_logical3A_444 = arith.shrui %get3A_441, %shift_right_logical3A_443 : vector<16xi32>
    %swap3A_445 = arith.constant 2 : i32
    %swap3A_446 = arith.index_cast %swap3A_445 : i32 to index
    %swap3A_447 = arith.constant 48 : index
    %swap3A_448 = tpu.vector_load %arg7[%swap3A_446, %swap3A_447] {strides = array<i32>} : memref<4x128xi32, #tpu.memory_space<vmem>>, vector<16xi32>,
    tpu.vector_store %arg7[%swap3A_446, %swap3A_447], %shift_right_logical3A_444 {strides = array<i32>} : memref<4x128xi32, #tpu.memory_space<vmem>>, vector<16xi32>,
    %and3A_449 = arith.constant 1 : i32
    %and3A_450 = vector.broadcast %and3A_449 : i32 to vector<16xi32>
    %and3A_451 = arith.andi %get3A_441, %and3A_450 : vector<16xi32>
    %shift_left3A_452 = arith.constant 6 : i32
    %shift_left3A_453 = vector.broadcast %shift_left3A_452 : i32 to vector<16xi32>
    %shift_left3A_454 = arith.shli %and3A_451, %shift_left3A_453 : vector<16xi32>
    %swap3A_455 = arith.constant 2 : i32
    %swap3A_456 = arith.index_cast %swap3A_455 : i32 to index
    %swap3A_457 = arith.constant 48 : index
    %swap3A_458 = tpu.vector_load %arg8[%swap3A_456, %swap3A_457] {strides = array<i32>} : memref<4x128xi32, #tpu.memory_space<vmem>>, vector<16xi32>,
    tpu.vector_store %arg8[%swap3A_456, %swap3A_457], %shift_left3A_454 {strides = array<i32>} : memref<4x128xi32, #tpu.memory_space<vmem>>, vector<16xi32>,
    %get3A_459 = arith.constant 2 : i32
    %get3A_460 = arith.index_cast %get3A_459 : i32 to index
    %get3A_461 = arith.constant 64 : index
    %get3A_462 = tpu.vector_load %arg6[%get3A_460, %get3A_461] {strides = array<i32>} : memref<200x128xi32, #tpu.memory_space<vmem>>, vector<16xi32>,
    %shift_right_logical3A_463 = arith.constant 1 : i32
    %shift_right_logical3A_464 = vector.broadcast %shift_right_logical3A_463 : i32 to vector<16xi32>
    %shift_right_logical3A_465 = arith.shrui %get3A_462, %shift_right_logical3A_464 : vector<16xi32>
    %swap3A_466 = arith.constant 2 : i32
    %swap3A_467 = arith.index_cast %swap3A_466 : i32 to index
    %swap3A_468 = arith.constant 64 : index
    %swap3A_469 = tpu.vector_load %arg7[%swap3A_467, %swap3A_468] {strides = array<i32>} : memref<4x128xi32, #tpu.memory_space<vmem>>, vector<16xi32>,
    tpu.vector_store %arg7[%swap3A_467, %swap3A_468], %shift_right_logical3A_465 {strides = array<i32>} : memref<4x128xi32, #tpu.memory_space<vmem>>, vector<16xi32>,
    %and3A_470 = arith.constant 1 : i32
    %and3A_471 = vector.broadcast %and3A_470 : i32 to vector<16xi32>
    %and3A_472 = arith.andi %get3A_462, %and3A_471 : vector<16xi32>
    %shift_left3A_473 = arith.constant 6 : i32
    %shift_left3A_474 = vector.broadcast %shift_left3A_473 : i32 to vector<16xi32>
    %shift_left3A_475 = arith.shli %and3A_472, %shift_left3A_474 : vector<16xi32>
    %swap3A_476 = arith.constant 2 : i32
    %swap3A_477 = arith.index_cast %swap3A_476 : i32 to index
    %swap3A_478 = arith.constant 64 : index
    %swap3A_479 = tpu.vector_load %arg8[%swap3A_477, %swap3A_478] {strides = array<i32>} : memref<4x128xi32, #tpu.memory_space<vmem>>, vector<16xi32>,
    tpu.vector_store %arg8[%swap3A_477, %swap3A_478], %shift_left3A_475 {strides = array<i32>} : memref<4x128xi32, #tpu.memory_space<vmem>>, vector<16xi32>,
    %get3A_480 = arith.constant 2 : i32
    %get3A_481 = arith.index_cast %get3A_480 : i32 to index
    %get3A_482 = arith.constant 80 : index
    %get3A_483 = tpu.vector_load %arg6[%get3A_481, %get3A_482] {strides = array<i32>} : memref<200x128xi32, #tpu.memory_space<vmem>>, vector<16xi32>,
    %shift_right_logical3A_484 = arith.constant 1 : i32
    %shift_right_logical3A_485 = vector.broadcast %shift_right_logical3A_484 : i32 to vector<16xi32>
    %shift_right_logical3A_486 = arith.shrui %get3A_483, %shift_right_logical3A_485 : vector<16xi32>
    %swap3A_487 = arith.constant 2 : i32
    %swap3A_488 = arith.index_cast %swap3A_487 : i32 to index
    %swap3A_489 = arith.constant 80 : index
    %swap3A_490 = tpu.vector_load %arg7[%swap3A_488, %swap3A_489] {strides = array<i32>} : memref<4x128xi32, #tpu.memory_space<vmem>>, vector<16xi32>,
    tpu.vector_store %arg7[%swap3A_488, %swap3A_489], %shift_right_logical3A_486 {strides = array<i32>} : memref<4x128xi32, #tpu.memory_space<vmem>>, vector<16xi32>,
    %and3A_491 = arith.constant 1 : i32
    %and3A_492 = vector.broadcast %and3A_491 : i32 to vector<16xi32>
    %and3A_493 = arith.andi %get3A_483, %and3A_492 : vector<16xi32>
    %shift_left3A_494 = arith.constant 6 : i32
    %shift_left3A_495 = vector.broadcast %shift_left3A_494 : i32 to vector<16xi32>
    %shift_left3A_496 = arith.shli %and3A_493, %shift_left3A_495 : vector<16xi32>
    %swap3A_497 = arith.constant 2 : i32
    %swap3A_498 = arith.index_cast %swap3A_497 : i32 to index
    %swap3A_499 = arith.constant 80 : index
    %swap3A_500 = tpu.vector_load %arg8[%swap3A_498, %swap3A_499] {strides = array<i32>} : memref<4x128xi32, #tpu.memory_space<vmem>>, vector<16xi32>,
    tpu.vector_store %arg8[%swap3A_498, %swap3A_499], %shift_left3A_496 {strides = array<i32>} : memref<4x128xi32, #tpu.memory_space<vmem>>, vector<16xi32>,
    %get3A_501 = arith.constant 2 : i32
    %get3A_502 = arith.index_cast %get3A_501 : i32 to index
    %get3A_503 = arith.constant 96 : index
    %get3A_504 = tpu.vector_load %arg6[%get3A_502, %get3A_503] {strides = array<i32>} : memref<200x128xi32, #tpu.memory_space<vmem>>, vector<16xi32>,
    %shift_right_logical3A_505 = arith.constant 1 : i32
    %shift_right_logical3A_506 = vector.broadcast %shift_right_logical3A_505 : i32 to vector<16xi32>
    %shift_right_logical3A_507 = arith.shrui %get3A_504, %shift_right_logical3A_506 : vector<16xi32>
    %swap3A_508 = arith.constant 2 : i32
    %swap3A_509 = arith.index_cast %swap3A_508 : i32 to index
    %swap3A_510 = arith.constant 96 : index
    %swap3A_511 = tpu.vector_load %arg7[%swap3A_509, %swap3A_510] {strides = array<i32>} : memref<4x128xi32, #tpu.memory_space<vmem>>, vector<16xi32>,
    tpu.vector_store %arg7[%swap3A_509, %swap3A_510], %shift_right_logical3A_507 {strides = array<i32>} : memref<4x128xi32, #tpu.memory_space<vmem>>, vector<16xi32>,
    %and3A_512 = arith.constant 1 : i32
    %and3A_513 = vector.broadcast %and3A_512 : i32 to vector<16xi32>
    %and3A_514 = arith.andi %get3A_504, %and3A_513 : vector<16xi32>
    %shift_left3A_515 = arith.constant 6 : i32
    %shift_left3A_516 = vector.broadcast %shift_left3A_515 : i32 to vector<16xi32>
    %shift_left3A_517 = arith.shli %and3A_514, %shift_left3A_516 : vector<16xi32>
    %swap3A_518 = arith.constant 2 : i32
    %swap3A_519 = arith.index_cast %swap3A_518 : i32 to index
    %swap3A_520 = arith.constant 96 : index
    %swap3A_521 = tpu.vector_load %arg8[%swap3A_519, %swap3A_520] {strides = array<i32>} : memref<4x128xi32, #tpu.memory_space<vmem>>, vector<16xi32>,
    tpu.vector_store %arg8[%swap3A_519, %swap3A_520], %shift_left3A_517 {strides = array<i32>} : memref<4x128xi32, #tpu.memory_space<vmem>>, vector<16xi32>,
    %get3A_522 = arith.constant 2 : i32
    %get3A_523 = arith.index_cast %get3A_522 : i32 to index
    %get3A_524 = arith.constant 112 : index
    %get3A_525 = tpu.vector_load %arg6[%get3A_523, %get3A_524] {strides = array<i32>} : memref<200x128xi32, #tpu.memory_space<vmem>>, vector<16xi32>,
    %shift_right_logical3A_526 = arith.constant 1 : i32
    %shift_right_logical3A_527 = vector.broadcast %shift_right_logical3A_526 : i32 to vector<16xi32>
    %shift_right_logical3A_528 = arith.shrui %get3A_525, %shift_right_logical3A_527 : vector<16xi32>
    %swap3A_529 = arith.constant 2 : i32
    %swap3A_530 = arith.index_cast %swap3A_529 : i32 to index
    %swap3A_531 = arith.constant 112 : index
    %swap3A_532 = tpu.vector_load %arg7[%swap3A_530, %swap3A_531] {strides = array<i32>} : memref<4x128xi32, #tpu.memory_space<vmem>>, vector<16xi32>,
    tpu.vector_store %arg7[%swap3A_530, %swap3A_531], %shift_right_logical3A_528 {strides = array<i32>} : memref<4x128xi32, #tpu.memory_space<vmem>>, vector<16xi32>,
    %and3A_533 = arith.constant 1 : i32
    %and3A_534 = vector.broadcast %and3A_533 : i32 to vector<16xi32>
    %and3A_535 = arith.andi %get3A_525, %and3A_534 : vector<16xi32>
    %shift_left3A_536 = arith.constant 6 : i32
    %shift_left3A_537 = vector.broadcast %shift_left3A_536 : i32 to vector<16xi32>
    %shift_left3A_538 = arith.shli %and3A_535, %shift_left3A_537 : vector<16xi32>
    %swap3A_539 = arith.constant 2 : i32
    %swap3A_540 = arith.index_cast %swap3A_539 : i32 to index
    %swap3A_541 = arith.constant 112 : index
    %swap3A_542 = tpu.vector_load %arg8[%swap3A_540, %swap3A_541] {strides = array<i32>} : memref<4x128xi32, #tpu.memory_space<vmem>>, vector<16xi32>,
    tpu.vector_store %arg8[%swap3A_540, %swap3A_541], %shift_left3A_538 {strides = array<i32>} : memref<4x128xi32, #tpu.memory_space<vmem>>, vector<16xi32>,
    %dma_start3A_543 = arith.constant 2 : i32
    %dma_start3A_544 = arith.constant 0 : i32
    %dma_start3A_545 = tpu.memref_slice %arg7[%dma_start3A_543, %dma_start3A_544] : memref<4x128xi32, #tpu.memory_space<vmem>> -> memref<1x128xi32, #tpu.memory_space<vmem>>
    %dma_start3A_546 = tpu.memref_squeeze %dma_start3A_545 : memref<1x128xi32, #tpu.memory_space<vmem>> -> memref<128xi32, #tpu.memory_space<vmem>>
    %dma_start3A_547 = arith.constant 0 : i32
    %dma_start3A_548 = arith.constant 0 : i32
    %dma_start3A_549 = tpu.memref_slice %arg3[%dma_start3A_547, %dma_start3A_548] : memref<500000x128xf32, #tpu.memory_space<hbm>> -> memref<500000x128xf32, #tpu.memory_space<hbm>>
    tpu.enqueue_indirect_dma source(%dma_start3A_549 : memref<500000x128xf32, #tpu.memory_space<hbm>>) target(%arg11 : memref<128x128xf32, #tpu.memory_space<vmem>>) offsets(%dma_start3A_546 : memref<128xi32, #tpu.memory_space<vmem>>) semaphore(%arg18 : memref<!tpu.dma_semaphore, #tpu.memory_space<semaphore_mem>>)
    %dma_start3A_550 = arith.constant 2 : i32
    %dma_start3A_551 = arith.constant 2 : i32
    %dma_start3A_552 = arith.constant 0 : i32
    %dma_start3A_553 = tpu.memref_slice %arg15[%dma_start3A_551, %dma_start3A_552] : memref<4x64xf32, #tpu.memory_space<vmem>> -> memref<1x64xf32, #tpu.memory_space<vmem>>
    %dma_start3A_554 = tpu.memref_squeeze %dma_start3A_553 : memref<1x64xf32, #tpu.memory_space<vmem>> -> memref<64xf32, #tpu.memory_space<vmem>>
    %dma_start3A_555 = arith.constant 0 : i32
    %dma_start3A_556 = tpu.memref_slice %arg4[%dma_start3A_550, %dma_start3A_555] : memref<200x64xf32, #tpu.memory_space<hbm>> -> memref<1x64xf32, #tpu.memory_space<hbm>>
    %dma_start3A_557 = tpu.memref_squeeze %dma_start3A_556 : memref<1x64xf32, #tpu.memory_space<hbm>> -> memref<64xf32, #tpu.memory_space<hbm>>
    %dma_start3A_558 = arith.constant 0 : i32
    %dma_start3A_559 = tpu.memref_slice %arg15[%dma_start3A_551, %dma_start3A_558] : memref<4x64xf32, #tpu.memory_space<vmem>> -> memref<1x64xf32, #tpu.memory_space<vmem>>
    %dma_start3A_560 = tpu.memref_squeeze %dma_start3A_559 : memref<1x64xf32, #tpu.memory_space<vmem>> -> memref<64xf32, #tpu.memory_space<vmem>>
    %dma_start3A_561 = arith.constant 0 : i32
    %dma_start3A_562 = tpu.memref_slice %arg4[%dma_start3A_550, %dma_start3A_561] : memref<200x64xf32, #tpu.memory_space<hbm>> -> memref<1x64xf32, #tpu.memory_space<hbm>>
    %dma_start3A_563 = tpu.memref_squeeze %dma_start3A_562 : memref<1x64xf32, #tpu.memory_space<hbm>> -> memref<64xf32, #tpu.memory_space<hbm>>
    tpu.enqueue_dma source(%dma_start3A_563 : memref<64xf32, #tpu.memory_space<hbm>>) target(%dma_start3A_560 : memref<64xf32, #tpu.memory_space<vmem>>) target_semaphore(%arg18 : memref<!tpu.dma_semaphore, #tpu.memory_space<semaphore_mem>>)
    %scan3A = arith.constant 0 : i32
    %scan3A_564 = arith.constant 0 : i32
    %scan3A_565 = arith.constant 50 : i32
    %scan3A_566 = arith.addi %scan3A_564, %scan3A_565 : i32
    %scan3A_567 = arith.constant 1 : i32
    %scan3A_568 = scf.for %scan3A_587 = %scan3A_564 to %scan3A_566 step %scan3A_567 iter_args(%scan3A_588 = %scan3A) -> (i32)  : i32 {
      %mul3A_589 = arith.constant 4 : i32
      %mul3A_590 = arith.muli %scan3A_587, %mul3A_589 : i32
      %add3A_591 = arith.constant 0 : i32
      %add3A_592 = arith.addi %mul3A_590, %add3A_591 : i32
      %lt3A = arith.constant 197 : i32
      %lt3A_593 = arith.cmpi slt, %add3A_592, %lt3A : i32
      %convert_element_type3A = arith.extui %lt3A_593 : i1 to i32
      %cond3A = arith.constant 0 : i32
      %cond3A_594 = arith.cmpi ne, %convert_element_type3A, %cond3A : i32
      scf.if %cond3A_594 {
        %add3A_999 = arith.constant 3 : i32
        %add3A_1000 = arith.addi %add3A_592, %add3A_999 : i32
        %get3A_1001 = arith.index_cast %add3A_1000 : i32 to index
        %get3A_1002 = arith.constant 0 : index
        %get3A_1003 = tpu.vector_load %arg6[%get3A_1001, %get3A_1002] {strides = array<i32>} : memref<200x128xi32, #tpu.memory_space<vmem>>, vector<16xi32>,
        %shift_right_logical3A_1004 = arith.constant 1 : i32
        %shift_right_logical3A_1005 = vector.broadcast %shift_right_logical3A_1004 : i32 to vector<16xi32>
        %shift_right_logical3A_1006 = arith.shrui %get3A_1003, %shift_right_logical3A_1005 : vector<16xi32>
        %swap3A_1007 = arith.constant 3 : i32
        %swap3A_1008 = arith.index_cast %swap3A_1007 : i32 to index
        %swap3A_1009 = arith.constant 0 : index
        %swap3A_1010 = tpu.vector_load %arg7[%swap3A_1008, %swap3A_1009] {strides = array<i32>} : memref<4x128xi32, #tpu.memory_space<vmem>>, vector<16xi32>,
        tpu.vector_store %arg7[%swap3A_1008, %swap3A_1009], %shift_right_logical3A_1006 {strides = array<i32>} : memref<4x128xi32, #tpu.memory_space<vmem>>, vector<16xi32>,
        %and3A_1011 = arith.constant 1 : i32
        %and3A_1012 = vector.broadcast %and3A_1011 : i32 to vector<16xi32>
        %and3A_1013 = arith.andi %get3A_1003, %and3A_1012 : vector<16xi32>
        %shift_left3A_1014 = arith.constant 6 : i32
        %shift_left3A_1015 = vector.broadcast %shift_left3A_1014 : i32 to vector<16xi32>
        %shift_left3A_1016 = arith.shli %and3A_1013, %shift_left3A_1015 : vector<16xi32>
        %swap3A_1017 = arith.constant 3 : i32
        %swap3A_1018 = arith.index_cast %swap3A_1017 : i32 to index
        %swap3A_1019 = arith.constant 0 : index
        %swap3A_1020 = tpu.vector_load %arg8[%swap3A_1018, %swap3A_1019] {strides = array<i32>} : memref<4x128xi32, #tpu.memory_space<vmem>>, vector<16xi32>,
        tpu.vector_store %arg8[%swap3A_1018, %swap3A_1019], %shift_left3A_1016 {strides = array<i32>} : memref<4x128xi32, #tpu.memory_space<vmem>>, vector<16xi32>,
        %get3A_1021 = arith.index_cast %add3A_1000 : i32 to index
        %get3A_1022 = arith.constant 16 : index
        %get3A_1023 = tpu.vector_load %arg6[%get3A_1021, %get3A_1022] {strides = array<i32>} : memref<200x128xi32, #tpu.memory_space<vmem>>, vector<16xi32>,
        %shift_right_logical3A_1024 = arith.constant 1 : i32
        %shift_right_logical3A_1025 = vector.broadcast %shift_right_logical3A_1024 : i32 to vector<16xi32>
        %shift_right_logical3A_1026 = arith.shrui %get3A_1023, %shift_right_logical3A_1025 : vector<16xi32>
        %swap3A_1027 = arith.constant 3 : i32
        %swap3A_1028 = arith.index_cast %swap3A_1027 : i32 to index
        %swap3A_1029 = arith.constant 16 : index
        %swap3A_1030 = tpu.vector_load %arg7[%swap3A_1028, %swap3A_1029] {strides = array<i32>} : memref<4x128xi32, #tpu.memory_space<vmem>>, vector<16xi32>,
        tpu.vector_store %arg7[%swap3A_1028, %swap3A_1029], %shift_right_logical3A_1026 {strides = array<i32>} : memref<4x128xi32, #tpu.memory_space<vmem>>, vector<16xi32>,
        %and3A_1031 = arith.constant 1 : i32
        %and3A_1032 = vector.broadcast %and3A_1031 : i32 to vector<16xi32>
        %and3A_1033 = arith.andi %get3A_1023, %and3A_1032 : vector<16xi32>
        %shift_left3A_1034 = arith.constant 6 : i32
        %shift_left3A_1035 = vector.broadcast %shift_left3A_1034 : i32 to vector<16xi32>
        %shift_left3A_1036 = arith.shli %and3A_1033, %shift_left3A_1035 : vector<16xi32>
        %swap3A_1037 = arith.constant 3 : i32
        %swap3A_1038 = arith.index_cast %swap3A_1037 : i32 to index
        %swap3A_1039 = arith.constant 16 : index
        %swap3A_1040 = tpu.vector_load %arg8[%swap3A_1038, %swap3A_1039] {strides = array<i32>} : memref<4x128xi32, #tpu.memory_space<vmem>>, vector<16xi32>,
        tpu.vector_store %arg8[%swap3A_1038, %swap3A_1039], %shift_left3A_1036 {strides = array<i32>} : memref<4x128xi32, #tpu.memory_space<vmem>>, vector<16xi32>,
        %get3A_1041 = arith.index_cast %add3A_1000 : i32 to index
        %get3A_1042 = arith.constant 32 : index
        %get3A_1043 = tpu.vector_load %arg6[%get3A_1041, %get3A_1042] {strides = array<i32>} : memref<200x128xi32, #tpu.memory_space<vmem>>, vector<16xi32>,
        %shift_right_logical3A_1044 = arith.constant 1 : i32
        %shift_right_logical3A_1045 = vector.broadcast %shift_right_logical3A_1044 : i32 to vector<16xi32>
        %shift_right_logical3A_1046 = arith.shrui %get3A_1043, %shift_right_logical3A_1045 : vector<16xi32>
        %swap3A_1047 = arith.constant 3 : i32
        %swap3A_1048 = arith.index_cast %swap3A_1047 : i32 to index
        %swap3A_1049 = arith.constant 32 : index
        %swap3A_1050 = tpu.vector_load %arg7[%swap3A_1048, %swap3A_1049] {strides = array<i32>} : memref<4x128xi32, #tpu.memory_space<vmem>>, vector<16xi32>,
        tpu.vector_store %arg7[%swap3A_1048, %swap3A_1049], %shift_right_logical3A_1046 {strides = array<i32>} : memref<4x128xi32, #tpu.memory_space<vmem>>, vector<16xi32>,
        %and3A_1051 = arith.constant 1 : i32
        %and3A_1052 = vector.broadcast %and3A_1051 : i32 to vector<16xi32>
        %and3A_1053 = arith.andi %get3A_1043, %and3A_1052 : vector<16xi32>
        %shift_left3A_1054 = arith.constant 6 : i32
        %shift_left3A_1055 = vector.broadcast %shift_left3A_1054 : i32 to vector<16xi32>
        %shift_left3A_1056 = arith.shli %and3A_1053, %shift_left3A_1055 : vector<16xi32>
        %swap3A_1057 = arith.constant 3 : i32
        %swap3A_1058 = arith.index_cast %swap3A_1057 : i32 to index
        %swap3A_1059 = arith.constant 32 : index
        %swap3A_1060 = tpu.vector_load %arg8[%swap3A_1058, %swap3A_1059] {strides = array<i32>} : memref<4x128xi32, #tpu.memory_space<vmem>>, vector<16xi32>,
        tpu.vector_store %arg8[%swap3A_1058, %swap3A_1059], %shift_left3A_1056 {strides = array<i32>} : memref<4x128xi32, #tpu.memory_space<vmem>>, vector<16xi32>,
        %get3A_1061 = arith.index_cast %add3A_1000 : i32 to index
        %get3A_1062 = arith.constant 48 : index
        %get3A_1063 = tpu.vector_load %arg6[%get3A_1061, %get3A_1062] {strides = array<i32>} : memref<200x128xi32, #tpu.memory_space<vmem>>, vector<16xi32>,
        %shift_right_logical3A_1064 = arith.constant 1 : i32
        %shift_right_logical3A_1065 = vector.broadcast %shift_right_logical3A_1064 : i32 to vector<16xi32>
        %shift_right_logical3A_1066 = arith.shrui %get3A_1063, %shift_right_logical3A_1065 : vector<16xi32>
        %swap3A_1067 = arith.constant 3 : i32
        %swap3A_1068 = arith.index_cast %swap3A_1067 : i32 to index
        %swap3A_1069 = arith.constant 48 : index
        %swap3A_1070 = tpu.vector_load %arg7[%swap3A_1068, %swap3A_1069] {strides = array<i32>} : memref<4x128xi32, #tpu.memory_space<vmem>>, vector<16xi32>,
        tpu.vector_store %arg7[%swap3A_1068, %swap3A_1069], %shift_right_logical3A_1066 {strides = array<i32>} : memref<4x128xi32, #tpu.memory_space<vmem>>, vector<16xi32>,
        %and3A_1071 = arith.constant 1 : i32
        %and3A_1072 = vector.broadcast %and3A_1071 : i32 to vector<16xi32>
        %and3A_1073 = arith.andi %get3A_1063, %and3A_1072 : vector<16xi32>
        %shift_left3A_1074 = arith.constant 6 : i32
        %shift_left3A_1075 = vector.broadcast %shift_left3A_1074 : i32 to vector<16xi32>
        %shift_left3A_1076 = arith.shli %and3A_1073, %shift_left3A_1075 : vector<16xi32>
        %swap3A_1077 = arith.constant 3 : i32
        %swap3A_1078 = arith.index_cast %swap3A_1077 : i32 to index
        %swap3A_1079 = arith.constant 48 : index
        %swap3A_1080 = tpu.vector_load %arg8[%swap3A_1078, %swap3A_1079] {strides = array<i32>} : memref<4x128xi32, #tpu.memory_space<vmem>>, vector<16xi32>,
        tpu.vector_store %arg8[%swap3A_1078, %swap3A_1079], %shift_left3A_1076 {strides = array<i32>} : memref<4x128xi32, #tpu.memory_space<vmem>>, vector<16xi32>,
        %get3A_1081 = arith.index_cast %add3A_1000 : i32 to index
        %get3A_1082 = arith.constant 64 : index
        %get3A_1083 = tpu.vector_load %arg6[%get3A_1081, %get3A_1082] {strides = array<i32>} : memref<200x128xi32, #tpu.memory_space<vmem>>, vector<16xi32>,
        %shift_right_logical3A_1084 = arith.constant 1 : i32
        %shift_right_logical3A_1085 = vector.broadcast %shift_right_logical3A_1084 : i32 to vector<16xi32>
        %shift_right_logical3A_1086 = arith.shrui %get3A_1083, %shift_right_logical3A_1085 : vector<16xi32>
        %swap3A_1087 = arith.constant 3 : i32
        %swap3A_1088 = arith.index_cast %swap3A_1087 : i32 to index
        %swap3A_1089 = arith.constant 64 : index
        %swap3A_1090 = tpu.vector_load %arg7[%swap3A_1088, %swap3A_1089] {strides = array<i32>} : memref<4x128xi32, #tpu.memory_space<vmem>>, vector<16xi32>,
        tpu.vector_store %arg7[%swap3A_1088, %swap3A_1089], %shift_right_logical3A_1086 {strides = array<i32>} : memref<4x128xi32, #tpu.memory_space<vmem>>, vector<16xi32>,
        %and3A_1091 = arith.constant 1 : i32
        %and3A_1092 = vector.broadcast %and3A_1091 : i32 to vector<16xi32>
        %and3A_1093 = arith.andi %get3A_1083, %and3A_1092 : vector<16xi32>
        %shift_left3A_1094 = arith.constant 6 : i32
        %shift_left3A_1095 = vector.broadcast %shift_left3A_1094 : i32 to vector<16xi32>
        %shift_left3A_1096 = arith.shli %and3A_1093, %shift_left3A_1095 : vector<16xi32>
        %swap3A_1097 = arith.constant 3 : i32
        %swap3A_1098 = arith.index_cast %swap3A_1097 : i32 to index
        %swap3A_1099 = arith.constant 64 : index
        %swap3A_1100 = tpu.vector_load %arg8[%swap3A_1098, %swap3A_1099] {strides = array<i32>} : memref<4x128xi32, #tpu.memory_space<vmem>>, vector<16xi32>,
        tpu.vector_store %arg8[%swap3A_1098, %swap3A_1099], %shift_left3A_1096 {strides = array<i32>} : memref<4x128xi32, #tpu.memory_space<vmem>>, vector<16xi32>,
        %get3A_1101 = arith.index_cast %add3A_1000 : i32 to index
        %get3A_1102 = arith.constant 80 : index
        %get3A_1103 = tpu.vector_load %arg6[%get3A_1101, %get3A_1102] {strides = array<i32>} : memref<200x128xi32, #tpu.memory_space<vmem>>, vector<16xi32>,
        %shift_right_logical3A_1104 = arith.constant 1 : i32
        %shift_right_logical3A_1105 = vector.broadcast %shift_right_logical3A_1104 : i32 to vector<16xi32>
        %shift_right_logical3A_1106 = arith.shrui %get3A_1103, %shift_right_logical3A_1105 : vector<16xi32>
        %swap3A_1107 = arith.constant 3 : i32
        %swap3A_1108 = arith.index_cast %swap3A_1107 : i32 to index
        %swap3A_1109 = arith.constant 80 : index
        %swap3A_1110 = tpu.vector_load %arg7[%swap3A_1108, %swap3A_1109] {strides = array<i32>} : memref<4x128xi32, #tpu.memory_space<vmem>>, vector<16xi32>,
        tpu.vector_store %arg7[%swap3A_1108, %swap3A_1109], %shift_right_logical3A_1106 {strides = array<i32>} : memref<4x128xi32, #tpu.memory_space<vmem>>, vector<16xi32>,
        %and3A_1111 = arith.constant 1 : i32
        %and3A_1112 = vector.broadcast %and3A_1111 : i32 to vector<16xi32>
        %and3A_1113 = arith.andi %get3A_1103, %and3A_1112 : vector<16xi32>
        %shift_left3A_1114 = arith.constant 6 : i32
        %shift_left3A_1115 = vector.broadcast %shift_left3A_1114 : i32 to vector<16xi32>
        %shift_left3A_1116 = arith.shli %and3A_1113, %shift_left3A_1115 : vector<16xi32>
        %swap3A_1117 = arith.constant 3 : i32
        %swap3A_1118 = arith.index_cast %swap3A_1117 : i32 to index
        %swap3A_1119 = arith.constant 80 : index
        %swap3A_1120 = tpu.vector_load %arg8[%swap3A_1118, %swap3A_1119] {strides = array<i32>} : memref<4x128xi32, #tpu.memory_space<vmem>>, vector<16xi32>,
        tpu.vector_store %arg8[%swap3A_1118, %swap3A_1119], %shift_left3A_1116 {strides = array<i32>} : memref<4x128xi32, #tpu.memory_space<vmem>>, vector<16xi32>,
        %get3A_1121 = arith.index_cast %add3A_1000 : i32 to index
        %get3A_1122 = arith.constant 96 : index
        %get3A_1123 = tpu.vector_load %arg6[%get3A_1121, %get3A_1122] {strides = array<i32>} : memref<200x128xi32, #tpu.memory_space<vmem>>, vector<16xi32>,
        %shift_right_logical3A_1124 = arith.constant 1 : i32
        %shift_right_logical3A_1125 = vector.broadcast %shift_right_logical3A_1124 : i32 to vector<16xi32>
        %shift_right_logical3A_1126 = arith.shrui %get3A_1123, %shift_right_logical3A_1125 : vector<16xi32>
        %swap3A_1127 = arith.constant 3 : i32
        %swap3A_1128 = arith.index_cast %swap3A_1127 : i32 to index
        %swap3A_1129 = arith.constant 96 : index
        %swap3A_1130 = tpu.vector_load %arg7[%swap3A_1128, %swap3A_1129] {strides = array<i32>} : memref<4x128xi32, #tpu.memory_space<vmem>>, vector<16xi32>,
        tpu.vector_store %arg7[%swap3A_1128, %swap3A_1129], %shift_right_logical3A_1126 {strides = array<i32>} : memref<4x128xi32, #tpu.memory_space<vmem>>, vector<16xi32>,
        %and3A_1131 = arith.constant 1 : i32
        %and3A_1132 = vector.broadcast %and3A_1131 : i32 to vector<16xi32>
        %and3A_1133 = arith.andi %get3A_1123, %and3A_1132 : vector<16xi32>
        %shift_left3A_1134 = arith.constant 6 : i32
        %shift_left3A_1135 = vector.broadcast %shift_left3A_1134 : i32 to vector<16xi32>
        %shift_left3A_1136 = arith.shli %and3A_1133, %shift_left3A_1135 : vector<16xi32>
        %swap3A_1137 = arith.constant 3 : i32
        %swap3A_1138 = arith.index_cast %swap3A_1137 : i32 to index
        %swap3A_1139 = arith.constant 96 : index
        %swap3A_1140 = tpu.vector_load %arg8[%swap3A_1138, %swap3A_1139] {strides = array<i32>} : memref<4x128xi32, #tpu.memory_space<vmem>>, vector<16xi32>,
        tpu.vector_store %arg8[%swap3A_1138, %swap3A_1139], %shift_left3A_1136 {strides = array<i32>} : memref<4x128xi32, #tpu.memory_space<vmem>>, vector<16xi32>,
        %get3A_1141 = arith.index_cast %add3A_1000 : i32 to index
        %get3A_1142 = arith.constant 112 : index
        %get3A_1143 = tpu.vector_load %arg6[%get3A_1141, %get3A_1142] {strides = array<i32>} : memref<200x128xi32, #tpu.memory_space<vmem>>, vector<16xi32>,
        %shift_right_logical3A_1144 = arith.constant 1 : i32
        %shift_right_logical3A_1145 = vector.broadcast %shift_right_logical3A_1144 : i32 to vector<16xi32>
        %shift_right_logical3A_1146 = arith.shrui %get3A_1143, %shift_right_logical3A_1145 : vector<16xi32>
        %swap3A_1147 = arith.constant 3 : i32
        %swap3A_1148 = arith.index_cast %swap3A_1147 : i32 to index
        %swap3A_1149 = arith.constant 112 : index
        %swap3A_1150 = tpu.vector_load %arg7[%swap3A_1148, %swap3A_1149] {strides = array<i32>} : memref<4x128xi32, #tpu.memory_space<vmem>>, vector<16xi32>,
        tpu.vector_store %arg7[%swap3A_1148, %swap3A_1149], %shift_right_logical3A_1146 {strides = array<i32>} : memref<4x128xi32, #tpu.memory_space<vmem>>, vector<16xi32>,
        %and3A_1151 = arith.constant 1 : i32
        %and3A_1152 = vector.broadcast %and3A_1151 : i32 to vector<16xi32>
        %and3A_1153 = arith.andi %get3A_1143, %and3A_1152 : vector<16xi32>
        %shift_left3A_1154 = arith.constant 6 : i32
        %shift_left3A_1155 = vector.broadcast %shift_left3A_1154 : i32 to vector<16xi32>
        %shift_left3A_1156 = arith.shli %and3A_1153, %shift_left3A_1155 : vector<16xi32>
        %swap3A_1157 = arith.constant 3 : i32
        %swap3A_1158 = arith.index_cast %swap3A_1157 : i32 to index
        %swap3A_1159 = arith.constant 112 : index
        %swap3A_1160 = tpu.vector_load %arg8[%swap3A_1158, %swap3A_1159] {strides = array<i32>} : memref<4x128xi32, #tpu.memory_space<vmem>>, vector<16xi32>,
        tpu.vector_store %arg8[%swap3A_1158, %swap3A_1159], %shift_left3A_1156 {strides = array<i32>} : memref<4x128xi32, #tpu.memory_space<vmem>>, vector<16xi32>,
        %add3A_1161 = arith.constant 3 : i32
        %add3A_1162 = arith.addi %add3A_592, %add3A_1161 : i32
        %dma_start3A_1163 = arith.constant 3 : i32
        %dma_start3A_1164 = arith.constant 0 : i32
        %dma_start3A_1165 = tpu.memref_slice %arg7[%dma_start3A_1163, %dma_start3A_1164] : memref<4x128xi32, #tpu.memory_space<vmem>> -> memref<1x128xi32, #tpu.memory_space<vmem>>
        %dma_start3A_1166 = tpu.memref_squeeze %dma_start3A_1165 : memref<1x128xi32, #tpu.memory_space<vmem>> -> memref<128xi32, #tpu.memory_space<vmem>>
        %dma_start3A_1167 = arith.constant 0 : i32
        %dma_start3A_1168 = arith.constant 0 : i32
        %dma_start3A_1169 = tpu.memref_slice %arg3[%dma_start3A_1167, %dma_start3A_1168] : memref<500000x128xf32, #tpu.memory_space<hbm>> -> memref<500000x128xf32, #tpu.memory_space<hbm>>
        tpu.enqueue_indirect_dma source(%dma_start3A_1169 : memref<500000x128xf32, #tpu.memory_space<hbm>>) target(%arg12 : memref<128x128xf32, #tpu.memory_space<vmem>>) offsets(%dma_start3A_1166 : memref<128xi32, #tpu.memory_space<vmem>>) semaphore(%arg19 : memref<!tpu.dma_semaphore, #tpu.memory_space<semaphore_mem>>)
        %dma_start3A_1170 = arith.constant 3 : i32
        %dma_start3A_1171 = arith.constant 0 : i32
        %dma_start3A_1172 = tpu.memref_slice %arg15[%dma_start3A_1170, %dma_start3A_1171] : memref<4x64xf32, #tpu.memory_space<vmem>> -> memref<1x64xf32, #tpu.memory_space<vmem>>
        %dma_start3A_1173 = tpu.memref_squeeze %dma_start3A_1172 : memref<1x64xf32, #tpu.memory_space<vmem>> -> memref<64xf32, #tpu.memory_space<vmem>>
        %dma_start3A_1174 = arith.constant 0 : i32
        %dma_start3A_1175 = tpu.memref_slice %arg4[%add3A_1162, %dma_start3A_1174] : memref<200x64xf32, #tpu.memory_space<hbm>> -> memref<1x64xf32, #tpu.memory_space<hbm>>
        %dma_start3A_1176 = tpu.memref_squeeze %dma_start3A_1175 : memref<1x64xf32, #tpu.memory_space<hbm>> -> memref<64xf32, #tpu.memory_space<hbm>>
        %dma_start3A_1177 = arith.constant 0 : i32
        %dma_start3A_1178 = tpu.memref_slice %arg15[%dma_start3A_1170, %dma_start3A_1177] : memref<4x64xf32, #tpu.memory_space<vmem>> -> memref<1x64xf32, #tpu.memory_space<vmem>>
        %dma_start3A_1179 = tpu.memref_squeeze %dma_start3A_1178 : memref<1x64xf32, #tpu.memory_space<vmem>> -> memref<64xf32, #tpu.memory_space<vmem>>
        %dma_start3A_1180 = arith.constant 0 : i32
        %dma_start3A_1181 = tpu.memref_slice %arg4[%add3A_1162, %dma_start3A_1180] : memref<200x64xf32, #tpu.memory_space<hbm>> -> memref<1x64xf32, #tpu.memory_space<hbm>>
        %dma_start3A_1182 = tpu.memref_squeeze %dma_start3A_1181 : memref<1x64xf32, #tpu.memory_space<hbm>> -> memref<64xf32, #tpu.memory_space<hbm>>
        tpu.enqueue_dma source(%dma_start3A_1182 : memref<64xf32, #tpu.memory_space<hbm>>) target(%dma_start3A_1179 : memref<64xf32, #tpu.memory_space<vmem>>) target_semaphore(%arg19 : memref<!tpu.dma_semaphore, #tpu.memory_space<semaphore_mem>>)
      } else {
      }
      %dma_wait3A_595 = arith.constant 0 : i32
      %dma_wait3A_596 = arith.constant 0 : i32
      %dma_wait3A_597 = tpu.memref_slice %arg3[%dma_wait3A_595, %dma_wait3A_596] : memref<500000x128xf32, #tpu.memory_space<hbm>> -> memref<128x128xf32, #tpu.memory_space<hbm>>
      %dma_wait3A_598 = arith.constant 0 : i32
      %dma_wait3A_599 = arith.constant 0 : i32
      %dma_wait3A_600 = tpu.memref_slice %arg3[%dma_wait3A_598, %dma_wait3A_599] : memref<500000x128xf32, #tpu.memory_space<hbm>> -> memref<128x128xf32, #tpu.memory_space<hbm>>
      tpu.wait_dma2 semaphore(%arg16 : memref<!tpu.dma_semaphore, #tpu.memory_space<semaphore_mem>>) src(%dma_wait3A_600 : memref<128x128xf32, #tpu.memory_space<hbm>>) dst(%arg9 : memref<128x128xf32, #tpu.memory_space<vmem>>)
      %dma_wait3A_601 = arith.constant 0 : i32
      %dma_wait3A_602 = arith.constant 0 : i32
      %dma_wait3A_603 = arith.constant 0 : i32
      %dma_wait3A_604 = tpu.memref_slice %arg15[%dma_wait3A_602, %dma_wait3A_603] : memref<4x64xf32, #tpu.memory_space<vmem>> -> memref<1x64xf32, #tpu.memory_space<vmem>>
      %dma_wait3A_605 = tpu.memref_squeeze %dma_wait3A_604 : memref<1x64xf32, #tpu.memory_space<vmem>> -> memref<64xf32, #tpu.memory_space<vmem>>
      %dma_wait3A_606 = arith.constant 0 : i32
      %dma_wait3A_607 = tpu.memref_slice %arg4[%dma_wait3A_601, %dma_wait3A_606] : memref<200x64xf32, #tpu.memory_space<hbm>> -> memref<1x64xf32, #tpu.memory_space<hbm>>
      %dma_wait3A_608 = tpu.memref_squeeze %dma_wait3A_607 : memref<1x64xf32, #tpu.memory_space<hbm>> -> memref<64xf32, #tpu.memory_space<hbm>>
      %dma_wait3A_609 = arith.constant 0 : i32
      %dma_wait3A_610 = tpu.memref_slice %arg15[%dma_wait3A_602, %dma_wait3A_609] : memref<4x64xf32, #tpu.memory_space<vmem>> -> memref<1x64xf32, #tpu.memory_space<vmem>>
      %dma_wait3A_611 = tpu.memref_squeeze %dma_wait3A_610 : memref<1x64xf32, #tpu.memory_space<vmem>> -> memref<64xf32, #tpu.memory_space<vmem>>
      %dma_wait3A_612 = arith.constant 0 : i32
      %dma_wait3A_613 = tpu.memref_slice %arg4[%dma_wait3A_601, %dma_wait3A_612] : memref<200x64xf32, #tpu.memory_space<hbm>> -> memref<1x64xf32, #tpu.memory_space<hbm>>
      %dma_wait3A_614 = tpu.memref_squeeze %dma_wait3A_613 : memref<1x64xf32, #tpu.memory_space<hbm>> -> memref<64xf32, #tpu.memory_space<hbm>>
      tpu.wait_dma2 semaphore(%arg16 : memref<!tpu.dma_semaphore, #tpu.memory_space<semaphore_mem>>) src(%dma_wait3A_614 : memref<64xf32, #tpu.memory_space<hbm>>) dst(%dma_wait3A_611 : memref<64xf32, #tpu.memory_space<vmem>>)
      %ge3A = arith.constant 2 : i32
      %ge3A_615 = arith.cmpi sge, %add3A_592, %ge3A : i32
      %convert_element_type3A_616 = arith.extui %ge3A_615 : i1 to i32
      %cond3A_617 = arith.constant 0 : i32
      %cond3A_618 = arith.cmpi ne, %convert_element_type3A_616, %cond3A_617 : i32
      scf.if %cond3A_618 {
        %dma_wait3A_999 = arith.constant 0 : i32
        %dma_wait3A_1000 = arith.constant 0 : i32
        %dma_wait3A_1001 = arith.constant 0 : i32
        %dma_wait3A_1002 = tpu.memref_slice %arg5[%dma_wait3A_999, %dma_wait3A_1000, %dma_wait3A_1001] : memref<200x64x4096xf32, #tpu.memory_space<hbm>> -> memref<1x64x128xf32, #tpu.memory_space<hbm>>
        %dma_wait3A_1003 = tpu.memref_squeeze %dma_wait3A_1002 : memref<1x64x128xf32, #tpu.memory_space<hbm>> -> memref<64x128xf32, #tpu.memory_space<hbm>>
        %dma_wait3A_1004 = arith.constant 0 : i32
        %dma_wait3A_1005 = arith.constant 0 : i32
        %dma_wait3A_1006 = tpu.memref_slice %arg5[%dma_wait3A_999, %dma_wait3A_1004, %dma_wait3A_1005] : memref<200x64x4096xf32, #tpu.memory_space<hbm>> -> memref<1x64x128xf32, #tpu.memory_space<hbm>>
        %dma_wait3A_1007 = tpu.memref_squeeze %dma_wait3A_1006 : memref<1x64x128xf32, #tpu.memory_space<hbm>> -> memref<64x128xf32, #tpu.memory_space<hbm>>
        tpu.wait_dma2 semaphore(%arg20 : memref<!tpu.dma_semaphore, #tpu.memory_space<semaphore_mem>>) src(%arg13 : memref<64x128xf32, #tpu.memory_space<vmem>>) dst(%dma_wait3A_1007 : memref<64x128xf32, #tpu.memory_space<hbm>>)
      } else {
      }
      %iota3A = tpu.iota {dimensions = array<i32: 0>} : vector<16xi32>
      %broadcast_in_dim3A = arith.constant 0 : i32
      %broadcast_in_dim3A_619 = vector.broadcast %broadcast_in_dim3A : i32 to vector<16xi32>
      %add3A_620 = arith.constant 0 : i32
      %add3A_621 = vector.broadcast %add3A_620 : i32 to vector<16xi32>
      %add3A_622 = arith.addi %iota3A, %add3A_621 : vector<16xi32>
      %get3A_623 = arith.constant 0 : i32
      %get3A_624 = arith.index_cast %get3A_623 : i32 to index
      %get3A_625 = arith.constant 0 : index
      %get3A_626 = tpu.vector_load %arg8[%get3A_624, %get3A_625] {strides = array<i32>} : memref<4x128xi32, #tpu.memory_space<vmem>>, vector<16xi32>,
      %add3A_627 = arith.constant 16 : i32
      %add3A_628 = vector.broadcast %add3A_627 : i32 to vector<16xi32>
      %add3A_629 = arith.addi %iota3A, %add3A_628 : vector<16xi32>
      %get3A_630 = arith.constant 0 : i32
      %get3A_631 = arith.index_cast %get3A_630 : i32 to index
      %get3A_632 = arith.constant 16 : index
      %get3A_633 = tpu.vector_load %arg8[%get3A_631, %get3A_632] {strides = array<i32>} : memref<4x128xi32, #tpu.memory_space<vmem>>, vector<16xi32>,
      %add3A_634 = arith.constant 32 : i32
      %add3A_635 = vector.broadcast %add3A_634 : i32 to vector<16xi32>
      %add3A_636 = arith.addi %iota3A, %add3A_635 : vector<16xi32>
      %get3A_637 = arith.constant 0 : i32
      %get3A_638 = arith.index_cast %get3A_637 : i32 to index
      %get3A_639 = arith.constant 32 : index
      %get3A_640 = tpu.vector_load %arg8[%get3A_638, %get3A_639] {strides = array<i32>} : memref<4x128xi32, #tpu.memory_space<vmem>>, vector<16xi32>,
      %add3A_641 = arith.constant 48 : i32
      %add3A_642 = vector.broadcast %add3A_641 : i32 to vector<16xi32>
      %add3A_643 = arith.addi %iota3A, %add3A_642 : vector<16xi32>
      %get3A_644 = arith.constant 0 : i32
      %get3A_645 = arith.index_cast %get3A_644 : i32 to index
      %get3A_646 = arith.constant 48 : index
      %get3A_647 = tpu.vector_load %arg8[%get3A_645, %get3A_646] {strides = array<i32>} : memref<4x128xi32, #tpu.memory_space<vmem>>, vector<16xi32>,
      %add3A_648 = arith.constant 64 : i32
      %add3A_649 = vector.broadcast %add3A_648 : i32 to vector<16xi32>
      %add3A_650 = arith.addi %iota3A, %add3A_649 : vector<16xi32>
      %get3A_651 = arith.constant 0 : i32
      %get3A_652 = arith.index_cast %get3A_651 : i32 to index
      %get3A_653 = arith.constant 64 : index
      %get3A_654 = tpu.vector_load %arg8[%get3A_652, %get3A_653] {strides = array<i32>} : memref<4x128xi32, #tpu.memory_space<vmem>>, vector<16xi32>,
      %add3A_655 = arith.constant 80 : i32
      %add3A_656 = vector.broadcast %add3A_655 : i32 to vector<16xi32>
      %add3A_657 = arith.addi %iota3A, %add3A_656 : vector<16xi32>
      %get3A_658 = arith.constant 0 : i32
      %get3A_659 = arith.index_cast %get3A_658 : i32 to index
      %get3A_660 = arith.constant 80 : index
      %get3A_661 = tpu.vector_load %arg8[%get3A_659, %get3A_660] {strides = array<i32>} : memref<4x128xi32, #tpu.memory_space<vmem>>, vector<16xi32>,
      %add3A_662 = arith.constant 96 : i32
      %add3A_663 = vector.broadcast %add3A_662 : i32 to vector<16xi32>
      %add3A_664 = arith.addi %iota3A, %add3A_663 : vector<16xi32>
      %get3A_665 = arith.constant 0 : i32
      %get3A_666 = arith.index_cast %get3A_665 : i32 to index
      %get3A_667 = arith.constant 96 : index
      %get3A_668 = tpu.vector_load %arg8[%get3A_666, %get3A_667] {strides = array<i32>} : memref<4x128xi32, #tpu.memory_space<vmem>>, vector<16xi32>,
      %add3A_669 = arith.constant 112 : i32
      %add3A_670 = vector.broadcast %add3A_669 : i32 to vector<16xi32>
      %add3A_671 = arith.addi %iota3A, %add3A_670 : vector<16xi32>
      %get3A_672 = arith.constant 0 : i32
      %get3A_673 = arith.index_cast %get3A_672 : i32 to index
      %get3A_674 = arith.constant 112 : index
      %get3A_675 = tpu.vector_load %arg8[%get3A_673, %get3A_674] {strides = array<i32>} : memref<4x128xi32, #tpu.memory_space<vmem>>, vector<16xi32>,
      %parallel_loop3A = arith.constant 0 : i32
      %parallel_loop3A_676 = arith.constant 64 : i32
      %parallel_loop3A_677 = arith.constant 1 : i32
      scf.for %parallel_loop3A_999 = %parallel_loop3A to %parallel_loop3A_676 step %parallel_loop3A_677  : i32 {
        %parallel_loop3A_1000 = vector.broadcast %parallel_loop3A_999 : i32 to vector<16xi32>
        %parallel_loop3A_1001 = arith.addi %iota3A, %parallel_loop3A_1000 : vector<16xi32>
        %parallel_loop3A_1002 = arith.constant 63 : i32
        %parallel_loop3A_1003 = vector.broadcast %parallel_loop3A_1002 : i32 to vector<16xi32>
        %parallel_loop3A_1004 = arith.andi %parallel_loop3A_1001, %parallel_loop3A_1003 : vector<16xi32>
        %parallel_loop3A_1005 = tpu.vector_load_idx %arg15[%broadcast_in_dim3A_619, %parallel_loop3A_1004] : memref<4x64xf32, #tpu.memory_space<vmem>>[vector<16xi32>, vector<16xi32>], vector<16xf32>,
        %parallel_loop3A_1006 = arith.addi %get3A_626, %parallel_loop3A_1004 : vector<16xi32>
        %parallel_loop3A_1007 = tpu.vector_load_idx %arg9[%add3A_622, %parallel_loop3A_1006] : memref<128x128xf32, #tpu.memory_space<vmem>>[vector<16xi32>, vector<16xi32>], vector<16xf32>,
        %parallel_loop3A_1008 = arith.addf %parallel_loop3A_1007, %parallel_loop3A_1005 : vector<16xf32>
        tpu.vector_store_idx %arg13[%parallel_loop3A_1004, %add3A_622], %parallel_loop3A_1008 : memref<64x128xf32, #tpu.memory_space<vmem>>[vector<16xi32>, vector<16xi32>], vector<16xf32>,
        %parallel_loop3A_1009 = arith.addi %get3A_633, %parallel_loop3A_1004 : vector<16xi32>
        %parallel_loop3A_1010 = tpu.vector_load_idx %arg9[%add3A_629, %parallel_loop3A_1009] : memref<128x128xf32, #tpu.memory_space<vmem>>[vector<16xi32>, vector<16xi32>], vector<16xf32>,
        %parallel_loop3A_1011 = arith.addf %parallel_loop3A_1010, %parallel_loop3A_1005 : vector<16xf32>
        tpu.vector_store_idx %arg13[%parallel_loop3A_1004, %add3A_629], %parallel_loop3A_1011 : memref<64x128xf32, #tpu.memory_space<vmem>>[vector<16xi32>, vector<16xi32>], vector<16xf32>,
        %parallel_loop3A_1012 = arith.addi %get3A_640, %parallel_loop3A_1004 : vector<16xi32>
        %parallel_loop3A_1013 = tpu.vector_load_idx %arg9[%add3A_636, %parallel_loop3A_1012] : memref<128x128xf32, #tpu.memory_space<vmem>>[vector<16xi32>, vector<16xi32>], vector<16xf32>,
        %parallel_loop3A_1014 = arith.addf %parallel_loop3A_1013, %parallel_loop3A_1005 : vector<16xf32>
        tpu.vector_store_idx %arg13[%parallel_loop3A_1004, %add3A_636], %parallel_loop3A_1014 : memref<64x128xf32, #tpu.memory_space<vmem>>[vector<16xi32>, vector<16xi32>], vector<16xf32>,
        %parallel_loop3A_1015 = arith.addi %get3A_647, %parallel_loop3A_1004 : vector<16xi32>
        %parallel_loop3A_1016 = tpu.vector_load_idx %arg9[%add3A_643, %parallel_loop3A_1015] : memref<128x128xf32, #tpu.memory_space<vmem>>[vector<16xi32>, vector<16xi32>], vector<16xf32>,
        %parallel_loop3A_1017 = arith.addf %parallel_loop3A_1016, %parallel_loop3A_1005 : vector<16xf32>
        tpu.vector_store_idx %arg13[%parallel_loop3A_1004, %add3A_643], %parallel_loop3A_1017 : memref<64x128xf32, #tpu.memory_space<vmem>>[vector<16xi32>, vector<16xi32>], vector<16xf32>,
        %parallel_loop3A_1018 = arith.addi %get3A_654, %parallel_loop3A_1004 : vector<16xi32>
        %parallel_loop3A_1019 = tpu.vector_load_idx %arg9[%add3A_650, %parallel_loop3A_1018] : memref<128x128xf32, #tpu.memory_space<vmem>>[vector<16xi32>, vector<16xi32>], vector<16xf32>,
        %parallel_loop3A_1020 = arith.addf %parallel_loop3A_1019, %parallel_loop3A_1005 : vector<16xf32>
        tpu.vector_store_idx %arg13[%parallel_loop3A_1004, %add3A_650], %parallel_loop3A_1020 : memref<64x128xf32, #tpu.memory_space<vmem>>[vector<16xi32>, vector<16xi32>], vector<16xf32>,
        %parallel_loop3A_1021 = arith.addi %get3A_661, %parallel_loop3A_1004 : vector<16xi32>
        %parallel_loop3A_1022 = tpu.vector_load_idx %arg9[%add3A_657, %parallel_loop3A_1021] : memref<128x128xf32, #tpu.memory_space<vmem>>[vector<16xi32>, vector<16xi32>], vector<16xf32>,
        %parallel_loop3A_1023 = arith.addf %parallel_loop3A_1022, %parallel_loop3A_1005 : vector<16xf32>
        tpu.vector_store_idx %arg13[%parallel_loop3A_1004, %add3A_657], %parallel_loop3A_1023 : memref<64x128xf32, #tpu.memory_space<vmem>>[vector<16xi32>, vector<16xi32>], vector<16xf32>,
        %parallel_loop3A_1024 = arith.addi %get3A_668, %parallel_loop3A_1004 : vector<16xi32>
        %parallel_loop3A_1025 = tpu.vector_load_idx %arg9[%add3A_664, %parallel_loop3A_1024] : memref<128x128xf32, #tpu.memory_space<vmem>>[vector<16xi32>, vector<16xi32>], vector<16xf32>,
        %parallel_loop3A_1026 = arith.addf %parallel_loop3A_1025, %parallel_loop3A_1005 : vector<16xf32>
        tpu.vector_store_idx %arg13[%parallel_loop3A_1004, %add3A_664], %parallel_loop3A_1026 : memref<64x128xf32, #tpu.memory_space<vmem>>[vector<16xi32>, vector<16xi32>], vector<16xf32>,
        %parallel_loop3A_1027 = arith.addi %get3A_675, %parallel_loop3A_1004 : vector<16xi32>
        %parallel_loop3A_1028 = tpu.vector_load_idx %arg9[%add3A_671, %parallel_loop3A_1027] : memref<128x128xf32, #tpu.memory_space<vmem>>[vector<16xi32>, vector<16xi32>], vector<16xf32>,
        %parallel_loop3A_1029 = arith.addf %parallel_loop3A_1028, %parallel_loop3A_1005 : vector<16xf32>
        tpu.vector_store_idx %arg13[%parallel_loop3A_1004, %add3A_671], %parallel_loop3A_1029 : memref<64x128xf32, #tpu.memory_space<vmem>>[vector<16xi32>, vector<16xi32>], vector<16xf32>,
      } {sc.loop_unroll_factor = 4 : i64, sc.parallel_access}
      %mul3A_678 = arith.constant 128 : i32
      %mul3A_679 = arith.muli %add3A, %mul3A_678 : i32
      %dma_start3A_680 = arith.constant 0 : i32
      %dma_start3A_681 = tpu.memref_slice %arg5[%add3A_592, %dma_start3A_680, %mul3A_679] : memref<200x64x4096xf32, #tpu.memory_space<hbm>> -> memref<1x64x128xf32, #tpu.memory_space<hbm>>
      %dma_start3A_682 = tpu.memref_squeeze %dma_start3A_681 : memref<1x64x128xf32, #tpu.memory_space<hbm>> -> memref<64x128xf32, #tpu.memory_space<hbm>>
      %dma_start3A_683 = arith.constant 0 : i32
      %dma_start3A_684 = tpu.memref_slice %arg5[%add3A_592, %dma_start3A_683, %mul3A_679] : memref<200x64x4096xf32, #tpu.memory_space<hbm>> -> memref<1x64x128xf32, #tpu.memory_space<hbm>>
      %dma_start3A_685 = tpu.memref_squeeze %dma_start3A_684 : memref<1x64x128xf32, #tpu.memory_space<hbm>> -> memref<64x128xf32, #tpu.memory_space<hbm>>
      tpu.enqueue_dma source(%arg13 : memref<64x128xf32, #tpu.memory_space<vmem>>) target(%dma_start3A_685 : memref<64x128xf32, #tpu.memory_space<hbm>>) target_semaphore(%arg20 : memref<!tpu.dma_semaphore, #tpu.memory_space<semaphore_mem>>)
      %mul3A_686 = arith.constant 4 : i32
      %mul3A_687 = arith.muli %scan3A_587, %mul3A_686 : i32
      %add3A_688 = arith.constant 1 : i32
      %add3A_689 = arith.addi %mul3A_687, %add3A_688 : i32
      %lt3A_690 = arith.constant 197 : i32
      %lt3A_691 = arith.cmpi slt, %add3A_689, %lt3A_690 : i32
      %convert_element_type3A_692 = arith.extui %lt3A_691 : i1 to i32
      %cond3A_693 = arith.constant 0 : i32
      %cond3A_694 = arith.cmpi ne, %convert_element_type3A_692, %cond3A_693 : i32
      scf.if %cond3A_694 {
        %add3A_999 = arith.constant 3 : i32
        %add3A_1000 = arith.addi %add3A_689, %add3A_999 : i32
        %get3A_1001 = arith.index_cast %add3A_1000 : i32 to index
        %get3A_1002 = arith.constant 0 : index
        %get3A_1003 = tpu.vector_load %arg6[%get3A_1001, %get3A_1002] {strides = array<i32>} : memref<200x128xi32, #tpu.memory_space<vmem>>, vector<16xi32>,
        %shift_right_logical3A_1004 = arith.constant 1 : i32
        %shift_right_logical3A_1005 = vector.broadcast %shift_right_logical3A_1004 : i32 to vector<16xi32>
        %shift_right_logical3A_1006 = arith.shrui %get3A_1003, %shift_right_logical3A_1005 : vector<16xi32>
        %swap3A_1007 = arith.constant 0 : i32
        %swap3A_1008 = arith.index_cast %swap3A_1007 : i32 to index
        %swap3A_1009 = arith.constant 0 : index
        %swap3A_1010 = tpu.vector_load %arg7[%swap3A_1008, %swap3A_1009] {strides = array<i32>} : memref<4x128xi32, #tpu.memory_space<vmem>>, vector<16xi32>,
        tpu.vector_store %arg7[%swap3A_1008, %swap3A_1009], %shift_right_logical3A_1006 {strides = array<i32>} : memref<4x128xi32, #tpu.memory_space<vmem>>, vector<16xi32>,
        %and3A_1011 = arith.constant 1 : i32
        %and3A_1012 = vector.broadcast %and3A_1011 : i32 to vector<16xi32>
        %and3A_1013 = arith.andi %get3A_1003, %and3A_1012 : vector<16xi32>
        %shift_left3A_1014 = arith.constant 6 : i32
        %shift_left3A_1015 = vector.broadcast %shift_left3A_1014 : i32 to vector<16xi32>
        %shift_left3A_1016 = arith.shli %and3A_1013, %shift_left3A_1015 : vector<16xi32>
        %swap3A_1017 = arith.constant 0 : i32
        %swap3A_1018 = arith.index_cast %swap3A_1017 : i32 to index
        %swap3A_1019 = arith.constant 0 : index
        %swap3A_1020 = tpu.vector_load %arg8[%swap3A_1018, %swap3A_1019] {strides = array<i32>} : memref<4x128xi32, #tpu.memory_space<vmem>>, vector<16xi32>,
        tpu.vector_store %arg8[%swap3A_1018, %swap3A_1019], %shift_left3A_1016 {strides = array<i32>} : memref<4x128xi32, #tpu.memory_space<vmem>>, vector<16xi32>,
        %get3A_1021 = arith.index_cast %add3A_1000 : i32 to index
        %get3A_1022 = arith.constant 16 : index
        %get3A_1023 = tpu.vector_load %arg6[%get3A_1021, %get3A_1022] {strides = array<i32>} : memref<200x128xi32, #tpu.memory_space<vmem>>, vector<16xi32>,
        %shift_right_logical3A_1024 = arith.constant 1 : i32
        %shift_right_logical3A_1025 = vector.broadcast %shift_right_logical3A_1024 : i32 to vector<16xi32>
        %shift_right_logical3A_1026 = arith.shrui %get3A_1023, %shift_right_logical3A_1025 : vector<16xi32>
        %swap3A_1027 = arith.constant 0 : i32
        %swap3A_1028 = arith.index_cast %swap3A_1027 : i32 to index
        %swap3A_1029 = arith.constant 16 : index
        %swap3A_1030 = tpu.vector_load %arg7[%swap3A_1028, %swap3A_1029] {strides = array<i32>} : memref<4x128xi32, #tpu.memory_space<vmem>>, vector<16xi32>,
        tpu.vector_store %arg7[%swap3A_1028, %swap3A_1029], %shift_right_logical3A_1026 {strides = array<i32>} : memref<4x128xi32, #tpu.memory_space<vmem>>, vector<16xi32>,
        %and3A_1031 = arith.constant 1 : i32
        %and3A_1032 = vector.broadcast %and3A_1031 : i32 to vector<16xi32>
        %and3A_1033 = arith.andi %get3A_1023, %and3A_1032 : vector<16xi32>
        %shift_left3A_1034 = arith.constant 6 : i32
        %shift_left3A_1035 = vector.broadcast %shift_left3A_1034 : i32 to vector<16xi32>
        %shift_left3A_1036 = arith.shli %and3A_1033, %shift_left3A_1035 : vector<16xi32>
        %swap3A_1037 = arith.constant 0 : i32
        %swap3A_1038 = arith.index_cast %swap3A_1037 : i32 to index
        %swap3A_1039 = arith.constant 16 : index
        %swap3A_1040 = tpu.vector_load %arg8[%swap3A_1038, %swap3A_1039] {strides = array<i32>} : memref<4x128xi32, #tpu.memory_space<vmem>>, vector<16xi32>,
        tpu.vector_store %arg8[%swap3A_1038, %swap3A_1039], %shift_left3A_1036 {strides = array<i32>} : memref<4x128xi32, #tpu.memory_space<vmem>>, vector<16xi32>,
        %get3A_1041 = arith.index_cast %add3A_1000 : i32 to index
        %get3A_1042 = arith.constant 32 : index
        %get3A_1043 = tpu.vector_load %arg6[%get3A_1041, %get3A_1042] {strides = array<i32>} : memref<200x128xi32, #tpu.memory_space<vmem>>, vector<16xi32>,
        %shift_right_logical3A_1044 = arith.constant 1 : i32
        %shift_right_logical3A_1045 = vector.broadcast %shift_right_logical3A_1044 : i32 to vector<16xi32>
        %shift_right_logical3A_1046 = arith.shrui %get3A_1043, %shift_right_logical3A_1045 : vector<16xi32>
        %swap3A_1047 = arith.constant 0 : i32
        %swap3A_1048 = arith.index_cast %swap3A_1047 : i32 to index
        %swap3A_1049 = arith.constant 32 : index
        %swap3A_1050 = tpu.vector_load %arg7[%swap3A_1048, %swap3A_1049] {strides = array<i32>} : memref<4x128xi32, #tpu.memory_space<vmem>>, vector<16xi32>,
        tpu.vector_store %arg7[%swap3A_1048, %swap3A_1049], %shift_right_logical3A_1046 {strides = array<i32>} : memref<4x128xi32, #tpu.memory_space<vmem>>, vector<16xi32>,
        %and3A_1051 = arith.constant 1 : i32
        %and3A_1052 = vector.broadcast %and3A_1051 : i32 to vector<16xi32>
        %and3A_1053 = arith.andi %get3A_1043, %and3A_1052 : vector<16xi32>
        %shift_left3A_1054 = arith.constant 6 : i32
        %shift_left3A_1055 = vector.broadcast %shift_left3A_1054 : i32 to vector<16xi32>
        %shift_left3A_1056 = arith.shli %and3A_1053, %shift_left3A_1055 : vector<16xi32>
        %swap3A_1057 = arith.constant 0 : i32
        %swap3A_1058 = arith.index_cast %swap3A_1057 : i32 to index
        %swap3A_1059 = arith.constant 32 : index
        %swap3A_1060 = tpu.vector_load %arg8[%swap3A_1058, %swap3A_1059] {strides = array<i32>} : memref<4x128xi32, #tpu.memory_space<vmem>>, vector<16xi32>,
        tpu.vector_store %arg8[%swap3A_1058, %swap3A_1059], %shift_left3A_1056 {strides = array<i32>} : memref<4x128xi32, #tpu.memory_space<vmem>>, vector<16xi32>,
        %get3A_1061 = arith.index_cast %add3A_1000 : i32 to index
        %get3A_1062 = arith.constant 48 : index
        %get3A_1063 = tpu.vector_load %arg6[%get3A_1061, %get3A_1062] {strides = array<i32>} : memref<200x128xi32, #tpu.memory_space<vmem>>, vector<16xi32>,
        %shift_right_logical3A_1064 = arith.constant 1 : i32
        %shift_right_logical3A_1065 = vector.broadcast %shift_right_logical3A_1064 : i32 to vector<16xi32>
        %shift_right_logical3A_1066 = arith.shrui %get3A_1063, %shift_right_logical3A_1065 : vector<16xi32>
        %swap3A_1067 = arith.constant 0 : i32
        %swap3A_1068 = arith.index_cast %swap3A_1067 : i32 to index
        %swap3A_1069 = arith.constant 48 : index
        %swap3A_1070 = tpu.vector_load %arg7[%swap3A_1068, %swap3A_1069] {strides = array<i32>} : memref<4x128xi32, #tpu.memory_space<vmem>>, vector<16xi32>,
        tpu.vector_store %arg7[%swap3A_1068, %swap3A_1069], %shift_right_logical3A_1066 {strides = array<i32>} : memref<4x128xi32, #tpu.memory_space<vmem>>, vector<16xi32>,
        %and3A_1071 = arith.constant 1 : i32
        %and3A_1072 = vector.broadcast %and3A_1071 : i32 to vector<16xi32>
        %and3A_1073 = arith.andi %get3A_1063, %and3A_1072 : vector<16xi32>
        %shift_left3A_1074 = arith.constant 6 : i32
        %shift_left3A_1075 = vector.broadcast %shift_left3A_1074 : i32 to vector<16xi32>
        %shift_left3A_1076 = arith.shli %and3A_1073, %shift_left3A_1075 : vector<16xi32>
        %swap3A_1077 = arith.constant 0 : i32
        %swap3A_1078 = arith.index_cast %swap3A_1077 : i32 to index
        %swap3A_1079 = arith.constant 48 : index
        %swap3A_1080 = tpu.vector_load %arg8[%swap3A_1078, %swap3A_1079] {strides = array<i32>} : memref<4x128xi32, #tpu.memory_space<vmem>>, vector<16xi32>,
        tpu.vector_store %arg8[%swap3A_1078, %swap3A_1079], %shift_left3A_1076 {strides = array<i32>} : memref<4x128xi32, #tpu.memory_space<vmem>>, vector<16xi32>,
        %get3A_1081 = arith.index_cast %add3A_1000 : i32 to index
        %get3A_1082 = arith.constant 64 : index
        %get3A_1083 = tpu.vector_load %arg6[%get3A_1081, %get3A_1082] {strides = array<i32>} : memref<200x128xi32, #tpu.memory_space<vmem>>, vector<16xi32>,
        %shift_right_logical3A_1084 = arith.constant 1 : i32
        %shift_right_logical3A_1085 = vector.broadcast %shift_right_logical3A_1084 : i32 to vector<16xi32>
        %shift_right_logical3A_1086 = arith.shrui %get3A_1083, %shift_right_logical3A_1085 : vector<16xi32>
        %swap3A_1087 = arith.constant 0 : i32
        %swap3A_1088 = arith.index_cast %swap3A_1087 : i32 to index
        %swap3A_1089 = arith.constant 64 : index
        %swap3A_1090 = tpu.vector_load %arg7[%swap3A_1088, %swap3A_1089] {strides = array<i32>} : memref<4x128xi32, #tpu.memory_space<vmem>>, vector<16xi32>,
        tpu.vector_store %arg7[%swap3A_1088, %swap3A_1089], %shift_right_logical3A_1086 {strides = array<i32>} : memref<4x128xi32, #tpu.memory_space<vmem>>, vector<16xi32>,
        %and3A_1091 = arith.constant 1 : i32
        %and3A_1092 = vector.broadcast %and3A_1091 : i32 to vector<16xi32>
        %and3A_1093 = arith.andi %get3A_1083, %and3A_1092 : vector<16xi32>
        %shift_left3A_1094 = arith.constant 6 : i32
        %shift_left3A_1095 = vector.broadcast %shift_left3A_1094 : i32 to vector<16xi32>
        %shift_left3A_1096 = arith.shli %and3A_1093, %shift_left3A_1095 : vector<16xi32>
        %swap3A_1097 = arith.constant 0 : i32
        %swap3A_1098 = arith.index_cast %swap3A_1097 : i32 to index
        %swap3A_1099 = arith.constant 64 : index
        %swap3A_1100 = tpu.vector_load %arg8[%swap3A_1098, %swap3A_1099] {strides = array<i32>} : memref<4x128xi32, #tpu.memory_space<vmem>>, vector<16xi32>,
        tpu.vector_store %arg8[%swap3A_1098, %swap3A_1099], %shift_left3A_1096 {strides = array<i32>} : memref<4x128xi32, #tpu.memory_space<vmem>>, vector<16xi32>,
        %get3A_1101 = arith.index_cast %add3A_1000 : i32 to index
        %get3A_1102 = arith.constant 80 : index
        %get3A_1103 = tpu.vector_load %arg6[%get3A_1101, %get3A_1102] {strides = array<i32>} : memref<200x128xi32, #tpu.memory_space<vmem>>, vector<16xi32>,
        %shift_right_logical3A_1104 = arith.constant 1 : i32
        %shift_right_logical3A_1105 = vector.broadcast %shift_right_logical3A_1104 : i32 to vector<16xi32>
        %shift_right_logical3A_1106 = arith.shrui %get3A_1103, %shift_right_logical3A_1105 : vector<16xi32>
        %swap3A_1107 = arith.constant 0 : i32
        %swap3A_1108 = arith.index_cast %swap3A_1107 : i32 to index
        %swap3A_1109 = arith.constant 80 : index
        %swap3A_1110 = tpu.vector_load %arg7[%swap3A_1108, %swap3A_1109] {strides = array<i32>} : memref<4x128xi32, #tpu.memory_space<vmem>>, vector<16xi32>,
        tpu.vector_store %arg7[%swap3A_1108, %swap3A_1109], %shift_right_logical3A_1106 {strides = array<i32>} : memref<4x128xi32, #tpu.memory_space<vmem>>, vector<16xi32>,
        %and3A_1111 = arith.constant 1 : i32
        %and3A_1112 = vector.broadcast %and3A_1111 : i32 to vector<16xi32>
        %and3A_1113 = arith.andi %get3A_1103, %and3A_1112 : vector<16xi32>
        %shift_left3A_1114 = arith.constant 6 : i32
        %shift_left3A_1115 = vector.broadcast %shift_left3A_1114 : i32 to vector<16xi32>
        %shift_left3A_1116 = arith.shli %and3A_1113, %shift_left3A_1115 : vector<16xi32>
        %swap3A_1117 = arith.constant 0 : i32
        %swap3A_1118 = arith.index_cast %swap3A_1117 : i32 to index
        %swap3A_1119 = arith.constant 80 : index
        %swap3A_1120 = tpu.vector_load %arg8[%swap3A_1118, %swap3A_1119] {strides = array<i32>} : memref<4x128xi32, #tpu.memory_space<vmem>>, vector<16xi32>,
        tpu.vector_store %arg8[%swap3A_1118, %swap3A_1119], %shift_left3A_1116 {strides = array<i32>} : memref<4x128xi32, #tpu.memory_space<vmem>>, vector<16xi32>,
        %get3A_1121 = arith.index_cast %add3A_1000 : i32 to index
        %get3A_1122 = arith.constant 96 : index
        %get3A_1123 = tpu.vector_load %arg6[%get3A_1121, %get3A_1122] {strides = array<i32>} : memref<200x128xi32, #tpu.memory_space<vmem>>, vector<16xi32>,
        %shift_right_logical3A_1124 = arith.constant 1 : i32
        %shift_right_logical3A_1125 = vector.broadcast %shift_right_logical3A_1124 : i32 to vector<16xi32>
        %shift_right_logical3A_1126 = arith.shrui %get3A_1123, %shift_right_logical3A_1125 : vector<16xi32>
        %swap3A_1127 = arith.constant 0 : i32
        %swap3A_1128 = arith.index_cast %swap3A_1127 : i32 to index
        %swap3A_1129 = arith.constant 96 : index
        %swap3A_1130 = tpu.vector_load %arg7[%swap3A_1128, %swap3A_1129] {strides = array<i32>} : memref<4x128xi32, #tpu.memory_space<vmem>>, vector<16xi32>,
        tpu.vector_store %arg7[%swap3A_1128, %swap3A_1129], %shift_right_logical3A_1126 {strides = array<i32>} : memref<4x128xi32, #tpu.memory_space<vmem>>, vector<16xi32>,
        %and3A_1131 = arith.constant 1 : i32
        %and3A_1132 = vector.broadcast %and3A_1131 : i32 to vector<16xi32>
        %and3A_1133 = arith.andi %get3A_1123, %and3A_1132 : vector<16xi32>
        %shift_left3A_1134 = arith.constant 6 : i32
        %shift_left3A_1135 = vector.broadcast %shift_left3A_1134 : i32 to vector<16xi32>
        %shift_left3A_1136 = arith.shli %and3A_1133, %shift_left3A_1135 : vector<16xi32>
        %swap3A_1137 = arith.constant 0 : i32
        %swap3A_1138 = arith.index_cast %swap3A_1137 : i32 to index
        %swap3A_1139 = arith.constant 96 : index
        %swap3A_1140 = tpu.vector_load %arg8[%swap3A_1138, %swap3A_1139] {strides = array<i32>} : memref<4x128xi32, #tpu.memory_space<vmem>>, vector<16xi32>,
        tpu.vector_store %arg8[%swap3A_1138, %swap3A_1139], %shift_left3A_1136 {strides = array<i32>} : memref<4x128xi32, #tpu.memory_space<vmem>>, vector<16xi32>,
        %get3A_1141 = arith.index_cast %add3A_1000 : i32 to index
        %get3A_1142 = arith.constant 112 : index
        %get3A_1143 = tpu.vector_load %arg6[%get3A_1141, %get3A_1142] {strides = array<i32>} : memref<200x128xi32, #tpu.memory_space<vmem>>, vector<16xi32>,
        %shift_right_logical3A_1144 = arith.constant 1 : i32
        %shift_right_logical3A_1145 = vector.broadcast %shift_right_logical3A_1144 : i32 to vector<16xi32>
        %shift_right_logical3A_1146 = arith.shrui %get3A_1143, %shift_right_logical3A_1145 : vector<16xi32>
        %swap3A_1147 = arith.constant 0 : i32
        %swap3A_1148 = arith.index_cast %swap3A_1147 : i32 to index
        %swap3A_1149 = arith.constant 112 : index
        %swap3A_1150 = tpu.vector_load %arg7[%swap3A_1148, %swap3A_1149] {strides = array<i32>} : memref<4x128xi32, #tpu.memory_space<vmem>>, vector<16xi32>,
        tpu.vector_store %arg7[%swap3A_1148, %swap3A_1149], %shift_right_logical3A_1146 {strides = array<i32>} : memref<4x128xi32, #tpu.memory_space<vmem>>, vector<16xi32>,
        %and3A_1151 = arith.constant 1 : i32
        %and3A_1152 = vector.broadcast %and3A_1151 : i32 to vector<16xi32>
        %and3A_1153 = arith.andi %get3A_1143, %and3A_1152 : vector<16xi32>
        %shift_left3A_1154 = arith.constant 6 : i32
        %shift_left3A_1155 = vector.broadcast %shift_left3A_1154 : i32 to vector<16xi32>
        %shift_left3A_1156 = arith.shli %and3A_1153, %shift_left3A_1155 : vector<16xi32>
        %swap3A_1157 = arith.constant 0 : i32
        %swap3A_1158 = arith.index_cast %swap3A_1157 : i32 to index
        %swap3A_1159 = arith.constant 112 : index
        %swap3A_1160 = tpu.vector_load %arg8[%swap3A_1158, %swap3A_1159] {strides = array<i32>} : memref<4x128xi32, #tpu.memory_space<vmem>>, vector<16xi32>,
        tpu.vector_store %arg8[%swap3A_1158, %swap3A_1159], %shift_left3A_1156 {strides = array<i32>} : memref<4x128xi32, #tpu.memory_space<vmem>>, vector<16xi32>,
        %add3A_1161 = arith.constant 3 : i32
        %add3A_1162 = arith.addi %add3A_689, %add3A_1161 : i32
        %dma_start3A_1163 = arith.constant 0 : i32
        %dma_start3A_1164 = arith.constant 0 : i32
        %dma_start3A_1165 = tpu.memref_slice %arg7[%dma_start3A_1163, %dma_start3A_1164] : memref<4x128xi32, #tpu.memory_space<vmem>> -> memref<1x128xi32, #tpu.memory_space<vmem>>
        %dma_start3A_1166 = tpu.memref_squeeze %dma_start3A_1165 : memref<1x128xi32, #tpu.memory_space<vmem>> -> memref<128xi32, #tpu.memory_space<vmem>>
        %dma_start3A_1167 = arith.constant 0 : i32
        %dma_start3A_1168 = arith.constant 0 : i32
        %dma_start3A_1169 = tpu.memref_slice %arg3[%dma_start3A_1167, %dma_start3A_1168] : memref<500000x128xf32, #tpu.memory_space<hbm>> -> memref<500000x128xf32, #tpu.memory_space<hbm>>
        tpu.enqueue_indirect_dma source(%dma_start3A_1169 : memref<500000x128xf32, #tpu.memory_space<hbm>>) target(%arg9 : memref<128x128xf32, #tpu.memory_space<vmem>>) offsets(%dma_start3A_1166 : memref<128xi32, #tpu.memory_space<vmem>>) semaphore(%arg16 : memref<!tpu.dma_semaphore, #tpu.memory_space<semaphore_mem>>)
        %dma_start3A_1170 = arith.constant 0 : i32
        %dma_start3A_1171 = arith.constant 0 : i32
        %dma_start3A_1172 = tpu.memref_slice %arg15[%dma_start3A_1170, %dma_start3A_1171] : memref<4x64xf32, #tpu.memory_space<vmem>> -> memref<1x64xf32, #tpu.memory_space<vmem>>
        %dma_start3A_1173 = tpu.memref_squeeze %dma_start3A_1172 : memref<1x64xf32, #tpu.memory_space<vmem>> -> memref<64xf32, #tpu.memory_space<vmem>>
        %dma_start3A_1174 = arith.constant 0 : i32
        %dma_start3A_1175 = tpu.memref_slice %arg4[%add3A_1162, %dma_start3A_1174] : memref<200x64xf32, #tpu.memory_space<hbm>> -> memref<1x64xf32, #tpu.memory_space<hbm>>
        %dma_start3A_1176 = tpu.memref_squeeze %dma_start3A_1175 : memref<1x64xf32, #tpu.memory_space<hbm>> -> memref<64xf32, #tpu.memory_space<hbm>>
        %dma_start3A_1177 = arith.constant 0 : i32
        %dma_start3A_1178 = tpu.memref_slice %arg15[%dma_start3A_1170, %dma_start3A_1177] : memref<4x64xf32, #tpu.memory_space<vmem>> -> memref<1x64xf32, #tpu.memory_space<vmem>>
        %dma_start3A_1179 = tpu.memref_squeeze %dma_start3A_1178 : memref<1x64xf32, #tpu.memory_space<vmem>> -> memref<64xf32, #tpu.memory_space<vmem>>
        %dma_start3A_1180 = arith.constant 0 : i32
        %dma_start3A_1181 = tpu.memref_slice %arg4[%add3A_1162, %dma_start3A_1180] : memref<200x64xf32, #tpu.memory_space<hbm>> -> memref<1x64xf32, #tpu.memory_space<hbm>>
        %dma_start3A_1182 = tpu.memref_squeeze %dma_start3A_1181 : memref<1x64xf32, #tpu.memory_space<hbm>> -> memref<64xf32, #tpu.memory_space<hbm>>
        tpu.enqueue_dma source(%dma_start3A_1182 : memref<64xf32, #tpu.memory_space<hbm>>) target(%dma_start3A_1179 : memref<64xf32, #tpu.memory_space<vmem>>) target_semaphore(%arg16 : memref<!tpu.dma_semaphore, #tpu.memory_space<semaphore_mem>>)
      } else {
      }
      %dma_wait3A_695 = arith.constant 0 : i32
      %dma_wait3A_696 = arith.constant 0 : i32
      %dma_wait3A_697 = tpu.memref_slice %arg3[%dma_wait3A_695, %dma_wait3A_696] : memref<500000x128xf32, #tpu.memory_space<hbm>> -> memref<128x128xf32, #tpu.memory_space<hbm>>
      %dma_wait3A_698 = arith.constant 0 : i32
      %dma_wait3A_699 = arith.constant 0 : i32
      %dma_wait3A_700 = tpu.memref_slice %arg3[%dma_wait3A_698, %dma_wait3A_699] : memref<500000x128xf32, #tpu.memory_space<hbm>> -> memref<128x128xf32, #tpu.memory_space<hbm>>
      tpu.wait_dma2 semaphore(%arg17 : memref<!tpu.dma_semaphore, #tpu.memory_space<semaphore_mem>>) src(%dma_wait3A_700 : memref<128x128xf32, #tpu.memory_space<hbm>>) dst(%arg10 : memref<128x128xf32, #tpu.memory_space<vmem>>)
      %dma_wait3A_701 = arith.constant 0 : i32
      %dma_wait3A_702 = arith.constant 1 : i32
      %dma_wait3A_703 = arith.constant 0 : i32
      %dma_wait3A_704 = tpu.memref_slice %arg15[%dma_wait3A_702, %dma_wait3A_703] : memref<4x64xf32, #tpu.memory_space<vmem>> -> memref<1x64xf32, #tpu.memory_space<vmem>>
      %dma_wait3A_705 = tpu.memref_squeeze %dma_wait3A_704 : memref<1x64xf32, #tpu.memory_space<vmem>> -> memref<64xf32, #tpu.memory_space<vmem>>
      %dma_wait3A_706 = arith.constant 0 : i32
      %dma_wait3A_707 = tpu.memref_slice %arg4[%dma_wait3A_701, %dma_wait3A_706] : memref<200x64xf32, #tpu.memory_space<hbm>> -> memref<1x64xf32, #tpu.memory_space<hbm>>
      %dma_wait3A_708 = tpu.memref_squeeze %dma_wait3A_707 : memref<1x64xf32, #tpu.memory_space<hbm>> -> memref<64xf32, #tpu.memory_space<hbm>>
      %dma_wait3A_709 = arith.constant 0 : i32
      %dma_wait3A_710 = tpu.memref_slice %arg15[%dma_wait3A_702, %dma_wait3A_709] : memref<4x64xf32, #tpu.memory_space<vmem>> -> memref<1x64xf32, #tpu.memory_space<vmem>>
      %dma_wait3A_711 = tpu.memref_squeeze %dma_wait3A_710 : memref<1x64xf32, #tpu.memory_space<vmem>> -> memref<64xf32, #tpu.memory_space<vmem>>
      %dma_wait3A_712 = arith.constant 0 : i32
      %dma_wait3A_713 = tpu.memref_slice %arg4[%dma_wait3A_701, %dma_wait3A_712] : memref<200x64xf32, #tpu.memory_space<hbm>> -> memref<1x64xf32, #tpu.memory_space<hbm>>
      %dma_wait3A_714 = tpu.memref_squeeze %dma_wait3A_713 : memref<1x64xf32, #tpu.memory_space<hbm>> -> memref<64xf32, #tpu.memory_space<hbm>>
      tpu.wait_dma2 semaphore(%arg17 : memref<!tpu.dma_semaphore, #tpu.memory_space<semaphore_mem>>) src(%dma_wait3A_714 : memref<64xf32, #tpu.memory_space<hbm>>) dst(%dma_wait3A_711 : memref<64xf32, #tpu.memory_space<vmem>>)
      %ge3A_715 = arith.constant 2 : i32
      %ge3A_716 = arith.cmpi sge, %add3A_689, %ge3A_715 : i32
      %convert_element_type3A_717 = arith.extui %ge3A_716 : i1 to i32
      %cond3A_718 = arith.constant 0 : i32
      %cond3A_719 = arith.cmpi ne, %convert_element_type3A_717, %cond3A_718 : i32
      scf.if %cond3A_719 {
        %dma_wait3A_999 = arith.constant 0 : i32
        %dma_wait3A_1000 = arith.constant 0 : i32
        %dma_wait3A_1001 = arith.constant 0 : i32
        %dma_wait3A_1002 = tpu.memref_slice %arg5[%dma_wait3A_999, %dma_wait3A_1000, %dma_wait3A_1001] : memref<200x64x4096xf32, #tpu.memory_space<hbm>> -> memref<1x64x128xf32, #tpu.memory_space<hbm>>
        %dma_wait3A_1003 = tpu.memref_squeeze %dma_wait3A_1002 : memref<1x64x128xf32, #tpu.memory_space<hbm>> -> memref<64x128xf32, #tpu.memory_space<hbm>>
        %dma_wait3A_1004 = arith.constant 0 : i32
        %dma_wait3A_1005 = arith.constant 0 : i32
        %dma_wait3A_1006 = tpu.memref_slice %arg5[%dma_wait3A_999, %dma_wait3A_1004, %dma_wait3A_1005] : memref<200x64x4096xf32, #tpu.memory_space<hbm>> -> memref<1x64x128xf32, #tpu.memory_space<hbm>>
        %dma_wait3A_1007 = tpu.memref_squeeze %dma_wait3A_1006 : memref<1x64x128xf32, #tpu.memory_space<hbm>> -> memref<64x128xf32, #tpu.memory_space<hbm>>
        tpu.wait_dma2 semaphore(%arg21 : memref<!tpu.dma_semaphore, #tpu.memory_space<semaphore_mem>>) src(%arg14 : memref<64x128xf32, #tpu.memory_space<vmem>>) dst(%dma_wait3A_1007 : memref<64x128xf32, #tpu.memory_space<hbm>>)
      } else {
      }
      %iota3A_720 = tpu.iota {dimensions = array<i32: 0>} : vector<16xi32>
      %broadcast_in_dim3A_721 = arith.constant 1 : i32
      %broadcast_in_dim3A_722 = vector.broadcast %broadcast_in_dim3A_721 : i32 to vector<16xi32>
      %add3A_723 = arith.constant 0 : i32
      %add3A_724 = vector.broadcast %add3A_723 : i32 to vector<16xi32>
      %add3A_725 = arith.addi %iota3A_720, %add3A_724 : vector<16xi32>
      %get3A_726 = arith.constant 1 : i32
      %get3A_727 = arith.index_cast %get3A_726 : i32 to index
      %get3A_728 = arith.constant 0 : index
      %get3A_729 = tpu.vector_load %arg8[%get3A_727, %get3A_728] {strides = array<i32>} : memref<4x128xi32, #tpu.memory_space<vmem>>, vector<16xi32>,
      %add3A_730 = arith.constant 16 : i32
      %add3A_731 = vector.broadcast %add3A_730 : i32 to vector<16xi32>
      %add3A_732 = arith.addi %iota3A_720, %add3A_731 : vector<16xi32>
      %get3A_733 = arith.constant 1 : i32
      %get3A_734 = arith.index_cast %get3A_733 : i32 to index
      %get3A_735 = arith.constant 16 : index
      %get3A_736 = tpu.vector_load %arg8[%get3A_734, %get3A_735] {strides = array<i32>} : memref<4x128xi32, #tpu.memory_space<vmem>>, vector<16xi32>,
      %add3A_737 = arith.constant 32 : i32
      %add3A_738 = vector.broadcast %add3A_737 : i32 to vector<16xi32>
      %add3A_739 = arith.addi %iota3A_720, %add3A_738 : vector<16xi32>
      %get3A_740 = arith.constant 1 : i32
      %get3A_741 = arith.index_cast %get3A_740 : i32 to index
      %get3A_742 = arith.constant 32 : index
      %get3A_743 = tpu.vector_load %arg8[%get3A_741, %get3A_742] {strides = array<i32>} : memref<4x128xi32, #tpu.memory_space<vmem>>, vector<16xi32>,
      %add3A_744 = arith.constant 48 : i32
      %add3A_745 = vector.broadcast %add3A_744 : i32 to vector<16xi32>
      %add3A_746 = arith.addi %iota3A_720, %add3A_745 : vector<16xi32>
      %get3A_747 = arith.constant 1 : i32
      %get3A_748 = arith.index_cast %get3A_747 : i32 to index
      %get3A_749 = arith.constant 48 : index
      %get3A_750 = tpu.vector_load %arg8[%get3A_748, %get3A_749] {strides = array<i32>} : memref<4x128xi32, #tpu.memory_space<vmem>>, vector<16xi32>,
      %add3A_751 = arith.constant 64 : i32
      %add3A_752 = vector.broadcast %add3A_751 : i32 to vector<16xi32>
      %add3A_753 = arith.addi %iota3A_720, %add3A_752 : vector<16xi32>
      %get3A_754 = arith.constant 1 : i32
      %get3A_755 = arith.index_cast %get3A_754 : i32 to index
      %get3A_756 = arith.constant 64 : index
      %get3A_757 = tpu.vector_load %arg8[%get3A_755, %get3A_756] {strides = array<i32>} : memref<4x128xi32, #tpu.memory_space<vmem>>, vector<16xi32>,
      %add3A_758 = arith.constant 80 : i32
      %add3A_759 = vector.broadcast %add3A_758 : i32 to vector<16xi32>
      %add3A_760 = arith.addi %iota3A_720, %add3A_759 : vector<16xi32>
      %get3A_761 = arith.constant 1 : i32
      %get3A_762 = arith.index_cast %get3A_761 : i32 to index
      %get3A_763 = arith.constant 80 : index
      %get3A_764 = tpu.vector_load %arg8[%get3A_762, %get3A_763] {strides = array<i32>} : memref<4x128xi32, #tpu.memory_space<vmem>>, vector<16xi32>,
      %add3A_765 = arith.constant 96 : i32
      %add3A_766 = vector.broadcast %add3A_765 : i32 to vector<16xi32>
      %add3A_767 = arith.addi %iota3A_720, %add3A_766 : vector<16xi32>
      %get3A_768 = arith.constant 1 : i32
      %get3A_769 = arith.index_cast %get3A_768 : i32 to index
      %get3A_770 = arith.constant 96 : index
      %get3A_771 = tpu.vector_load %arg8[%get3A_769, %get3A_770] {strides = array<i32>} : memref<4x128xi32, #tpu.memory_space<vmem>>, vector<16xi32>,
      %add3A_772 = arith.constant 112 : i32
      %add3A_773 = vector.broadcast %add3A_772 : i32 to vector<16xi32>
      %add3A_774 = arith.addi %iota3A_720, %add3A_773 : vector<16xi32>
      %get3A_775 = arith.constant 1 : i32
      %get3A_776 = arith.index_cast %get3A_775 : i32 to index
      %get3A_777 = arith.constant 112 : index
      %get3A_778 = tpu.vector_load %arg8[%get3A_776, %get3A_777] {strides = array<i32>} : memref<4x128xi32, #tpu.memory_space<vmem>>, vector<16xi32>,
      %parallel_loop3A_779 = arith.constant 0 : i32
      %parallel_loop3A_780 = arith.constant 64 : i32
      %parallel_loop3A_781 = arith.constant 1 : i32
      scf.for %parallel_loop3A_999 = %parallel_loop3A_779 to %parallel_loop3A_780 step %parallel_loop3A_781  : i32 {
        %parallel_loop3A_1000 = vector.broadcast %parallel_loop3A_999 : i32 to vector<16xi32>
        %parallel_loop3A_1001 = arith.addi %iota3A_720, %parallel_loop3A_1000 : vector<16xi32>
        %parallel_loop3A_1002 = arith.constant 63 : i32
        %parallel_loop3A_1003 = vector.broadcast %parallel_loop3A_1002 : i32 to vector<16xi32>
        %parallel_loop3A_1004 = arith.andi %parallel_loop3A_1001, %parallel_loop3A_1003 : vector<16xi32>
        %parallel_loop3A_1005 = tpu.vector_load_idx %arg15[%broadcast_in_dim3A_722, %parallel_loop3A_1004] : memref<4x64xf32, #tpu.memory_space<vmem>>[vector<16xi32>, vector<16xi32>], vector<16xf32>,
        %parallel_loop3A_1006 = arith.addi %get3A_729, %parallel_loop3A_1004 : vector<16xi32>
        %parallel_loop3A_1007 = tpu.vector_load_idx %arg10[%add3A_725, %parallel_loop3A_1006] : memref<128x128xf32, #tpu.memory_space<vmem>>[vector<16xi32>, vector<16xi32>], vector<16xf32>,
        %parallel_loop3A_1008 = arith.addf %parallel_loop3A_1007, %parallel_loop3A_1005 : vector<16xf32>
        tpu.vector_store_idx %arg14[%parallel_loop3A_1004, %add3A_725], %parallel_loop3A_1008 : memref<64x128xf32, #tpu.memory_space<vmem>>[vector<16xi32>, vector<16xi32>], vector<16xf32>,
        %parallel_loop3A_1009 = arith.addi %get3A_736, %parallel_loop3A_1004 : vector<16xi32>
        %parallel_loop3A_1010 = tpu.vector_load_idx %arg10[%add3A_732, %parallel_loop3A_1009] : memref<128x128xf32, #tpu.memory_space<vmem>>[vector<16xi32>, vector<16xi32>], vector<16xf32>,
        %parallel_loop3A_1011 = arith.addf %parallel_loop3A_1010, %parallel_loop3A_1005 : vector<16xf32>
        tpu.vector_store_idx %arg14[%parallel_loop3A_1004, %add3A_732], %parallel_loop3A_1011 : memref<64x128xf32, #tpu.memory_space<vmem>>[vector<16xi32>, vector<16xi32>], vector<16xf32>,
        %parallel_loop3A_1012 = arith.addi %get3A_743, %parallel_loop3A_1004 : vector<16xi32>
        %parallel_loop3A_1013 = tpu.vector_load_idx %arg10[%add3A_739, %parallel_loop3A_1012] : memref<128x128xf32, #tpu.memory_space<vmem>>[vector<16xi32>, vector<16xi32>], vector<16xf32>,
        %parallel_loop3A_1014 = arith.addf %parallel_loop3A_1013, %parallel_loop3A_1005 : vector<16xf32>
        tpu.vector_store_idx %arg14[%parallel_loop3A_1004, %add3A_739], %parallel_loop3A_1014 : memref<64x128xf32, #tpu.memory_space<vmem>>[vector<16xi32>, vector<16xi32>], vector<16xf32>,
        %parallel_loop3A_1015 = arith.addi %get3A_750, %parallel_loop3A_1004 : vector<16xi32>
        %parallel_loop3A_1016 = tpu.vector_load_idx %arg10[%add3A_746, %parallel_loop3A_1015] : memref<128x128xf32, #tpu.memory_space<vmem>>[vector<16xi32>, vector<16xi32>], vector<16xf32>,
        %parallel_loop3A_1017 = arith.addf %parallel_loop3A_1016, %parallel_loop3A_1005 : vector<16xf32>
        tpu.vector_store_idx %arg14[%parallel_loop3A_1004, %add3A_746], %parallel_loop3A_1017 : memref<64x128xf32, #tpu.memory_space<vmem>>[vector<16xi32>, vector<16xi32>], vector<16xf32>,
        %parallel_loop3A_1018 = arith.addi %get3A_757, %parallel_loop3A_1004 : vector<16xi32>
        %parallel_loop3A_1019 = tpu.vector_load_idx %arg10[%add3A_753, %parallel_loop3A_1018] : memref<128x128xf32, #tpu.memory_space<vmem>>[vector<16xi32>, vector<16xi32>], vector<16xf32>,
        %parallel_loop3A_1020 = arith.addf %parallel_loop3A_1019, %parallel_loop3A_1005 : vector<16xf32>
        tpu.vector_store_idx %arg14[%parallel_loop3A_1004, %add3A_753], %parallel_loop3A_1020 : memref<64x128xf32, #tpu.memory_space<vmem>>[vector<16xi32>, vector<16xi32>], vector<16xf32>,
        %parallel_loop3A_1021 = arith.addi %get3A_764, %parallel_loop3A_1004 : vector<16xi32>
        %parallel_loop3A_1022 = tpu.vector_load_idx %arg10[%add3A_760, %parallel_loop3A_1021] : memref<128x128xf32, #tpu.memory_space<vmem>>[vector<16xi32>, vector<16xi32>], vector<16xf32>,
        %parallel_loop3A_1023 = arith.addf %parallel_loop3A_1022, %parallel_loop3A_1005 : vector<16xf32>
        tpu.vector_store_idx %arg14[%parallel_loop3A_1004, %add3A_760], %parallel_loop3A_1023 : memref<64x128xf32, #tpu.memory_space<vmem>>[vector<16xi32>, vector<16xi32>], vector<16xf32>,
        %parallel_loop3A_1024 = arith.addi %get3A_771, %parallel_loop3A_1004 : vector<16xi32>
        %parallel_loop3A_1025 = tpu.vector_load_idx %arg10[%add3A_767, %parallel_loop3A_1024] : memref<128x128xf32, #tpu.memory_space<vmem>>[vector<16xi32>, vector<16xi32>], vector<16xf32>,
        %parallel_loop3A_1026 = arith.addf %parallel_loop3A_1025, %parallel_loop3A_1005 : vector<16xf32>
        tpu.vector_store_idx %arg14[%parallel_loop3A_1004, %add3A_767], %parallel_loop3A_1026 : memref<64x128xf32, #tpu.memory_space<vmem>>[vector<16xi32>, vector<16xi32>], vector<16xf32>,
        %parallel_loop3A_1027 = arith.addi %get3A_778, %parallel_loop3A_1004 : vector<16xi32>
        %parallel_loop3A_1028 = tpu.vector_load_idx %arg10[%add3A_774, %parallel_loop3A_1027] : memref<128x128xf32, #tpu.memory_space<vmem>>[vector<16xi32>, vector<16xi32>], vector<16xf32>,
        %parallel_loop3A_1029 = arith.addf %parallel_loop3A_1028, %parallel_loop3A_1005 : vector<16xf32>
        tpu.vector_store_idx %arg14[%parallel_loop3A_1004, %add3A_774], %parallel_loop3A_1029 : memref<64x128xf32, #tpu.memory_space<vmem>>[vector<16xi32>, vector<16xi32>], vector<16xf32>,
      } {sc.loop_unroll_factor = 4 : i64, sc.parallel_access}
      %mul3A_782 = arith.constant 128 : i32
      %mul3A_783 = arith.muli %add3A, %mul3A_782 : i32
      %dma_start3A_784 = arith.constant 0 : i32
      %dma_start3A_785 = tpu.memref_slice %arg5[%add3A_689, %dma_start3A_784, %mul3A_783] : memref<200x64x4096xf32, #tpu.memory_space<hbm>> -> memref<1x64x128xf32, #tpu.memory_space<hbm>>
      %dma_start3A_786 = tpu.memref_squeeze %dma_start3A_785 : memref<1x64x128xf32, #tpu.memory_space<hbm>> -> memref<64x128xf32, #tpu.memory_space<hbm>>
      %dma_start3A_787 = arith.constant 0 : i32
      %dma_start3A_788 = tpu.memref_slice %arg5[%add3A_689, %dma_start3A_787, %mul3A_783] : memref<200x64x4096xf32, #tpu.memory_space<hbm>> -> memref<1x64x128xf32, #tpu.memory_space<hbm>>
      %dma_start3A_789 = tpu.memref_squeeze %dma_start3A_788 : memref<1x64x128xf32, #tpu.memory_space<hbm>> -> memref<64x128xf32, #tpu.memory_space<hbm>>
      tpu.enqueue_dma source(%arg14 : memref<64x128xf32, #tpu.memory_space<vmem>>) target(%dma_start3A_789 : memref<64x128xf32, #tpu.memory_space<hbm>>) target_semaphore(%arg21 : memref<!tpu.dma_semaphore, #tpu.memory_space<semaphore_mem>>)
      %mul3A_790 = arith.constant 4 : i32
      %mul3A_791 = arith.muli %scan3A_587, %mul3A_790 : i32
      %add3A_792 = arith.constant 2 : i32
      %add3A_793 = arith.addi %mul3A_791, %add3A_792 : i32
      %lt3A_794 = arith.constant 197 : i32
      %lt3A_795 = arith.cmpi slt, %add3A_793, %lt3A_794 : i32
      %convert_element_type3A_796 = arith.extui %lt3A_795 : i1 to i32
      %cond3A_797 = arith.constant 0 : i32
      %cond3A_798 = arith.cmpi ne, %convert_element_type3A_796, %cond3A_797 : i32
      scf.if %cond3A_798 {
        %add3A_999 = arith.constant 3 : i32
        %add3A_1000 = arith.addi %add3A_793, %add3A_999 : i32
        %get3A_1001 = arith.index_cast %add3A_1000 : i32 to index
        %get3A_1002 = arith.constant 0 : index
        %get3A_1003 = tpu.vector_load %arg6[%get3A_1001, %get3A_1002] {strides = array<i32>} : memref<200x128xi32, #tpu.memory_space<vmem>>, vector<16xi32>,
        %shift_right_logical3A_1004 = arith.constant 1 : i32
        %shift_right_logical3A_1005 = vector.broadcast %shift_right_logical3A_1004 : i32 to vector<16xi32>
        %shift_right_logical3A_1006 = arith.shrui %get3A_1003, %shift_right_logical3A_1005 : vector<16xi32>
        %swap3A_1007 = arith.constant 1 : i32
        %swap3A_1008 = arith.index_cast %swap3A_1007 : i32 to index
        %swap3A_1009 = arith.constant 0 : index
        %swap3A_1010 = tpu.vector_load %arg7[%swap3A_1008, %swap3A_1009] {strides = array<i32>} : memref<4x128xi32, #tpu.memory_space<vmem>>, vector<16xi32>,
        tpu.vector_store %arg7[%swap3A_1008, %swap3A_1009], %shift_right_logical3A_1006 {strides = array<i32>} : memref<4x128xi32, #tpu.memory_space<vmem>>, vector<16xi32>,
        %and3A_1011 = arith.constant 1 : i32
        %and3A_1012 = vector.broadcast %and3A_1011 : i32 to vector<16xi32>
        %and3A_1013 = arith.andi %get3A_1003, %and3A_1012 : vector<16xi32>
        %shift_left3A_1014 = arith.constant 6 : i32
        %shift_left3A_1015 = vector.broadcast %shift_left3A_1014 : i32 to vector<16xi32>
        %shift_left3A_1016 = arith.shli %and3A_1013, %shift_left3A_1015 : vector<16xi32>
        %swap3A_1017 = arith.constant 1 : i32
        %swap3A_1018 = arith.index_cast %swap3A_1017 : i32 to index
        %swap3A_1019 = arith.constant 0 : index
        %swap3A_1020 = tpu.vector_load %arg8[%swap3A_1018, %swap3A_1019] {strides = array<i32>} : memref<4x128xi32, #tpu.memory_space<vmem>>, vector<16xi32>,
        tpu.vector_store %arg8[%swap3A_1018, %swap3A_1019], %shift_left3A_1016 {strides = array<i32>} : memref<4x128xi32, #tpu.memory_space<vmem>>, vector<16xi32>,
        %get3A_1021 = arith.index_cast %add3A_1000 : i32 to index
        %get3A_1022 = arith.constant 16 : index
        %get3A_1023 = tpu.vector_load %arg6[%get3A_1021, %get3A_1022] {strides = array<i32>} : memref<200x128xi32, #tpu.memory_space<vmem>>, vector<16xi32>,
        %shift_right_logical3A_1024 = arith.constant 1 : i32
        %shift_right_logical3A_1025 = vector.broadcast %shift_right_logical3A_1024 : i32 to vector<16xi32>
        %shift_right_logical3A_1026 = arith.shrui %get3A_1023, %shift_right_logical3A_1025 : vector<16xi32>
        %swap3A_1027 = arith.constant 1 : i32
        %swap3A_1028 = arith.index_cast %swap3A_1027 : i32 to index
        %swap3A_1029 = arith.constant 16 : index
        %swap3A_1030 = tpu.vector_load %arg7[%swap3A_1028, %swap3A_1029] {strides = array<i32>} : memref<4x128xi32, #tpu.memory_space<vmem>>, vector<16xi32>,
        tpu.vector_store %arg7[%swap3A_1028, %swap3A_1029], %shift_right_logical3A_1026 {strides = array<i32>} : memref<4x128xi32, #tpu.memory_space<vmem>>, vector<16xi32>,
        %and3A_1031 = arith.constant 1 : i32
        %and3A_1032 = vector.broadcast %and3A_1031 : i32 to vector<16xi32>
        %and3A_1033 = arith.andi %get3A_1023, %and3A_1032 : vector<16xi32>
        %shift_left3A_1034 = arith.constant 6 : i32
        %shift_left3A_1035 = vector.broadcast %shift_left3A_1034 : i32 to vector<16xi32>
        %shift_left3A_1036 = arith.shli %and3A_1033, %shift_left3A_1035 : vector<16xi32>
        %swap3A_1037 = arith.constant 1 : i32
        %swap3A_1038 = arith.index_cast %swap3A_1037 : i32 to index
        %swap3A_1039 = arith.constant 16 : index
        %swap3A_1040 = tpu.vector_load %arg8[%swap3A_1038, %swap3A_1039] {strides = array<i32>} : memref<4x128xi32, #tpu.memory_space<vmem>>, vector<16xi32>,
        tpu.vector_store %arg8[%swap3A_1038, %swap3A_1039], %shift_left3A_1036 {strides = array<i32>} : memref<4x128xi32, #tpu.memory_space<vmem>>, vector<16xi32>,
        %get3A_1041 = arith.index_cast %add3A_1000 : i32 to index
        %get3A_1042 = arith.constant 32 : index
        %get3A_1043 = tpu.vector_load %arg6[%get3A_1041, %get3A_1042] {strides = array<i32>} : memref<200x128xi32, #tpu.memory_space<vmem>>, vector<16xi32>,
        %shift_right_logical3A_1044 = arith.constant 1 : i32
        %shift_right_logical3A_1045 = vector.broadcast %shift_right_logical3A_1044 : i32 to vector<16xi32>
        %shift_right_logical3A_1046 = arith.shrui %get3A_1043, %shift_right_logical3A_1045 : vector<16xi32>
        %swap3A_1047 = arith.constant 1 : i32
        %swap3A_1048 = arith.index_cast %swap3A_1047 : i32 to index
        %swap3A_1049 = arith.constant 32 : index
        %swap3A_1050 = tpu.vector_load %arg7[%swap3A_1048, %swap3A_1049] {strides = array<i32>} : memref<4x128xi32, #tpu.memory_space<vmem>>, vector<16xi32>,
        tpu.vector_store %arg7[%swap3A_1048, %swap3A_1049], %shift_right_logical3A_1046 {strides = array<i32>} : memref<4x128xi32, #tpu.memory_space<vmem>>, vector<16xi32>,
        %and3A_1051 = arith.constant 1 : i32
        %and3A_1052 = vector.broadcast %and3A_1051 : i32 to vector<16xi32>
        %and3A_1053 = arith.andi %get3A_1043, %and3A_1052 : vector<16xi32>
        %shift_left3A_1054 = arith.constant 6 : i32
        %shift_left3A_1055 = vector.broadcast %shift_left3A_1054 : i32 to vector<16xi32>
        %shift_left3A_1056 = arith.shli %and3A_1053, %shift_left3A_1055 : vector<16xi32>
        %swap3A_1057 = arith.constant 1 : i32
        %swap3A_1058 = arith.index_cast %swap3A_1057 : i32 to index
        %swap3A_1059 = arith.constant 32 : index
        %swap3A_1060 = tpu.vector_load %arg8[%swap3A_1058, %swap3A_1059] {strides = array<i32>} : memref<4x128xi32, #tpu.memory_space<vmem>>, vector<16xi32>,
        tpu.vector_store %arg8[%swap3A_1058, %swap3A_1059], %shift_left3A_1056 {strides = array<i32>} : memref<4x128xi32, #tpu.memory_space<vmem>>, vector<16xi32>,
        %get3A_1061 = arith.index_cast %add3A_1000 : i32 to index
        %get3A_1062 = arith.constant 48 : index
        %get3A_1063 = tpu.vector_load %arg6[%get3A_1061, %get3A_1062] {strides = array<i32>} : memref<200x128xi32, #tpu.memory_space<vmem>>, vector<16xi32>,
        %shift_right_logical3A_1064 = arith.constant 1 : i32
        %shift_right_logical3A_1065 = vector.broadcast %shift_right_logical3A_1064 : i32 to vector<16xi32>
        %shift_right_logical3A_1066 = arith.shrui %get3A_1063, %shift_right_logical3A_1065 : vector<16xi32>
        %swap3A_1067 = arith.constant 1 : i32
        %swap3A_1068 = arith.index_cast %swap3A_1067 : i32 to index
        %swap3A_1069 = arith.constant 48 : index
        %swap3A_1070 = tpu.vector_load %arg7[%swap3A_1068, %swap3A_1069] {strides = array<i32>} : memref<4x128xi32, #tpu.memory_space<vmem>>, vector<16xi32>,
        tpu.vector_store %arg7[%swap3A_1068, %swap3A_1069], %shift_right_logical3A_1066 {strides = array<i32>} : memref<4x128xi32, #tpu.memory_space<vmem>>, vector<16xi32>,
        %and3A_1071 = arith.constant 1 : i32
        %and3A_1072 = vector.broadcast %and3A_1071 : i32 to vector<16xi32>
        %and3A_1073 = arith.andi %get3A_1063, %and3A_1072 : vector<16xi32>
        %shift_left3A_1074 = arith.constant 6 : i32
        %shift_left3A_1075 = vector.broadcast %shift_left3A_1074 : i32 to vector<16xi32>
        %shift_left3A_1076 = arith.shli %and3A_1073, %shift_left3A_1075 : vector<16xi32>
        %swap3A_1077 = arith.constant 1 : i32
        %swap3A_1078 = arith.index_cast %swap3A_1077 : i32 to index
        %swap3A_1079 = arith.constant 48 : index
        %swap3A_1080 = tpu.vector_load %arg8[%swap3A_1078, %swap3A_1079] {strides = array<i32>} : memref<4x128xi32, #tpu.memory_space<vmem>>, vector<16xi32>,
        tpu.vector_store %arg8[%swap3A_1078, %swap3A_1079], %shift_left3A_1076 {strides = array<i32>} : memref<4x128xi32, #tpu.memory_space<vmem>>, vector<16xi32>,
        %get3A_1081 = arith.index_cast %add3A_1000 : i32 to index
        %get3A_1082 = arith.constant 64 : index
        %get3A_1083 = tpu.vector_load %arg6[%get3A_1081, %get3A_1082] {strides = array<i32>} : memref<200x128xi32, #tpu.memory_space<vmem>>, vector<16xi32>,
        %shift_right_logical3A_1084 = arith.constant 1 : i32
        %shift_right_logical3A_1085 = vector.broadcast %shift_right_logical3A_1084 : i32 to vector<16xi32>
        %shift_right_logical3A_1086 = arith.shrui %get3A_1083, %shift_right_logical3A_1085 : vector<16xi32>
        %swap3A_1087 = arith.constant 1 : i32
        %swap3A_1088 = arith.index_cast %swap3A_1087 : i32 to index
        %swap3A_1089 = arith.constant 64 : index
        %swap3A_1090 = tpu.vector_load %arg7[%swap3A_1088, %swap3A_1089] {strides = array<i32>} : memref<4x128xi32, #tpu.memory_space<vmem>>, vector<16xi32>,
        tpu.vector_store %arg7[%swap3A_1088, %swap3A_1089], %shift_right_logical3A_1086 {strides = array<i32>} : memref<4x128xi32, #tpu.memory_space<vmem>>, vector<16xi32>,
        %and3A_1091 = arith.constant 1 : i32
        %and3A_1092 = vector.broadcast %and3A_1091 : i32 to vector<16xi32>
        %and3A_1093 = arith.andi %get3A_1083, %and3A_1092 : vector<16xi32>
        %shift_left3A_1094 = arith.constant 6 : i32
        %shift_left3A_1095 = vector.broadcast %shift_left3A_1094 : i32 to vector<16xi32>
        %shift_left3A_1096 = arith.shli %and3A_1093, %shift_left3A_1095 : vector<16xi32>
        %swap3A_1097 = arith.constant 1 : i32
        %swap3A_1098 = arith.index_cast %swap3A_1097 : i32 to index
        %swap3A_1099 = arith.constant 64 : index
        %swap3A_1100 = tpu.vector_load %arg8[%swap3A_1098, %swap3A_1099] {strides = array<i32>} : memref<4x128xi32, #tpu.memory_space<vmem>>, vector<16xi32>,
        tpu.vector_store %arg8[%swap3A_1098, %swap3A_1099], %shift_left3A_1096 {strides = array<i32>} : memref<4x128xi32, #tpu.memory_space<vmem>>, vector<16xi32>,
        %get3A_1101 = arith.index_cast %add3A_1000 : i32 to index
        %get3A_1102 = arith.constant 80 : index
        %get3A_1103 = tpu.vector_load %arg6[%get3A_1101, %get3A_1102] {strides = array<i32>} : memref<200x128xi32, #tpu.memory_space<vmem>>, vector<16xi32>,
        %shift_right_logical3A_1104 = arith.constant 1 : i32
        %shift_right_logical3A_1105 = vector.broadcast %shift_right_logical3A_1104 : i32 to vector<16xi32>
        %shift_right_logical3A_1106 = arith.shrui %get3A_1103, %shift_right_logical3A_1105 : vector<16xi32>
        %swap3A_1107 = arith.constant 1 : i32
        %swap3A_1108 = arith.index_cast %swap3A_1107 : i32 to index
        %swap3A_1109 = arith.constant 80 : index
        %swap3A_1110 = tpu.vector_load %arg7[%swap3A_1108, %swap3A_1109] {strides = array<i32>} : memref<4x128xi32, #tpu.memory_space<vmem>>, vector<16xi32>,
        tpu.vector_store %arg7[%swap3A_1108, %swap3A_1109], %shift_right_logical3A_1106 {strides = array<i32>} : memref<4x128xi32, #tpu.memory_space<vmem>>, vector<16xi32>,
        %and3A_1111 = arith.constant 1 : i32
        %and3A_1112 = vector.broadcast %and3A_1111 : i32 to vector<16xi32>
        %and3A_1113 = arith.andi %get3A_1103, %and3A_1112 : vector<16xi32>
        %shift_left3A_1114 = arith.constant 6 : i32
        %shift_left3A_1115 = vector.broadcast %shift_left3A_1114 : i32 to vector<16xi32>
        %shift_left3A_1116 = arith.shli %and3A_1113, %shift_left3A_1115 : vector<16xi32>
        %swap3A_1117 = arith.constant 1 : i32
        %swap3A_1118 = arith.index_cast %swap3A_1117 : i32 to index
        %swap3A_1119 = arith.constant 80 : index
        %swap3A_1120 = tpu.vector_load %arg8[%swap3A_1118, %swap3A_1119] {strides = array<i32>} : memref<4x128xi32, #tpu.memory_space<vmem>>, vector<16xi32>,
        tpu.vector_store %arg8[%swap3A_1118, %swap3A_1119], %shift_left3A_1116 {strides = array<i32>} : memref<4x128xi32, #tpu.memory_space<vmem>>, vector<16xi32>,
        %get3A_1121 = arith.index_cast %add3A_1000 : i32 to index
        %get3A_1122 = arith.constant 96 : index
        %get3A_1123 = tpu.vector_load %arg6[%get3A_1121, %get3A_1122] {strides = array<i32>} : memref<200x128xi32, #tpu.memory_space<vmem>>, vector<16xi32>,
        %shift_right_logical3A_1124 = arith.constant 1 : i32
        %shift_right_logical3A_1125 = vector.broadcast %shift_right_logical3A_1124 : i32 to vector<16xi32>
        %shift_right_logical3A_1126 = arith.shrui %get3A_1123, %shift_right_logical3A_1125 : vector<16xi32>
        %swap3A_1127 = arith.constant 1 : i32
        %swap3A_1128 = arith.index_cast %swap3A_1127 : i32 to index
        %swap3A_1129 = arith.constant 96 : index
        %swap3A_1130 = tpu.vector_load %arg7[%swap3A_1128, %swap3A_1129] {strides = array<i32>} : memref<4x128xi32, #tpu.memory_space<vmem>>, vector<16xi32>,
        tpu.vector_store %arg7[%swap3A_1128, %swap3A_1129], %shift_right_logical3A_1126 {strides = array<i32>} : memref<4x128xi32, #tpu.memory_space<vmem>>, vector<16xi32>,
        %and3A_1131 = arith.constant 1 : i32
        %and3A_1132 = vector.broadcast %and3A_1131 : i32 to vector<16xi32>
        %and3A_1133 = arith.andi %get3A_1123, %and3A_1132 : vector<16xi32>
        %shift_left3A_1134 = arith.constant 6 : i32
        %shift_left3A_1135 = vector.broadcast %shift_left3A_1134 : i32 to vector<16xi32>
        %shift_left3A_1136 = arith.shli %and3A_1133, %shift_left3A_1135 : vector<16xi32>
        %swap3A_1137 = arith.constant 1 : i32
        %swap3A_1138 = arith.index_cast %swap3A_1137 : i32 to index
        %swap3A_1139 = arith.constant 96 : index
        %swap3A_1140 = tpu.vector_load %arg8[%swap3A_1138, %swap3A_1139] {strides = array<i32>} : memref<4x128xi32, #tpu.memory_space<vmem>>, vector<16xi32>,
        tpu.vector_store %arg8[%swap3A_1138, %swap3A_1139], %shift_left3A_1136 {strides = array<i32>} : memref<4x128xi32, #tpu.memory_space<vmem>>, vector<16xi32>,
        %get3A_1141 = arith.index_cast %add3A_1000 : i32 to index
        %get3A_1142 = arith.constant 112 : index
        %get3A_1143 = tpu.vector_load %arg6[%get3A_1141, %get3A_1142] {strides = array<i32>} : memref<200x128xi32, #tpu.memory_space<vmem>>, vector<16xi32>,
        %shift_right_logical3A_1144 = arith.constant 1 : i32
        %shift_right_logical3A_1145 = vector.broadcast %shift_right_logical3A_1144 : i32 to vector<16xi32>
        %shift_right_logical3A_1146 = arith.shrui %get3A_1143, %shift_right_logical3A_1145 : vector<16xi32>
        %swap3A_1147 = arith.constant 1 : i32
        %swap3A_1148 = arith.index_cast %swap3A_1147 : i32 to index
        %swap3A_1149 = arith.constant 112 : index
        %swap3A_1150 = tpu.vector_load %arg7[%swap3A_1148, %swap3A_1149] {strides = array<i32>} : memref<4x128xi32, #tpu.memory_space<vmem>>, vector<16xi32>,
        tpu.vector_store %arg7[%swap3A_1148, %swap3A_1149], %shift_right_logical3A_1146 {strides = array<i32>} : memref<4x128xi32, #tpu.memory_space<vmem>>, vector<16xi32>,
        %and3A_1151 = arith.constant 1 : i32
        %and3A_1152 = vector.broadcast %and3A_1151 : i32 to vector<16xi32>
        %and3A_1153 = arith.andi %get3A_1143, %and3A_1152 : vector<16xi32>
        %shift_left3A_1154 = arith.constant 6 : i32
        %shift_left3A_1155 = vector.broadcast %shift_left3A_1154 : i32 to vector<16xi32>
        %shift_left3A_1156 = arith.shli %and3A_1153, %shift_left3A_1155 : vector<16xi32>
        %swap3A_1157 = arith.constant 1 : i32
        %swap3A_1158 = arith.index_cast %swap3A_1157 : i32 to index
        %swap3A_1159 = arith.constant 112 : index
        %swap3A_1160 = tpu.vector_load %arg8[%swap3A_1158, %swap3A_1159] {strides = array<i32>} : memref<4x128xi32, #tpu.memory_space<vmem>>, vector<16xi32>,
        tpu.vector_store %arg8[%swap3A_1158, %swap3A_1159], %shift_left3A_1156 {strides = array<i32>} : memref<4x128xi32, #tpu.memory_space<vmem>>, vector<16xi32>,
        %add3A_1161 = arith.constant 3 : i32
        %add3A_1162 = arith.addi %add3A_793, %add3A_1161 : i32
        %dma_start3A_1163 = arith.constant 1 : i32
        %dma_start3A_1164 = arith.constant 0 : i32
        %dma_start3A_1165 = tpu.memref_slice %arg7[%dma_start3A_1163, %dma_start3A_1164] : memref<4x128xi32, #tpu.memory_space<vmem>> -> memref<1x128xi32, #tpu.memory_space<vmem>>
        %dma_start3A_1166 = tpu.memref_squeeze %dma_start3A_1165 : memref<1x128xi32, #tpu.memory_space<vmem>> -> memref<128xi32, #tpu.memory_space<vmem>>
        %dma_start3A_1167 = arith.constant 0 : i32
        %dma_start3A_1168 = arith.constant 0 : i32
        %dma_start3A_1169 = tpu.memref_slice %arg3[%dma_start3A_1167, %dma_start3A_1168] : memref<500000x128xf32, #tpu.memory_space<hbm>> -> memref<500000x128xf32, #tpu.memory_space<hbm>>
        tpu.enqueue_indirect_dma source(%dma_start3A_1169 : memref<500000x128xf32, #tpu.memory_space<hbm>>) target(%arg10 : memref<128x128xf32, #tpu.memory_space<vmem>>) offsets(%dma_start3A_1166 : memref<128xi32, #tpu.memory_space<vmem>>) semaphore(%arg17 : memref<!tpu.dma_semaphore, #tpu.memory_space<semaphore_mem>>)
        %dma_start3A_1170 = arith.constant 1 : i32
        %dma_start3A_1171 = arith.constant 0 : i32
        %dma_start3A_1172 = tpu.memref_slice %arg15[%dma_start3A_1170, %dma_start3A_1171] : memref<4x64xf32, #tpu.memory_space<vmem>> -> memref<1x64xf32, #tpu.memory_space<vmem>>
        %dma_start3A_1173 = tpu.memref_squeeze %dma_start3A_1172 : memref<1x64xf32, #tpu.memory_space<vmem>> -> memref<64xf32, #tpu.memory_space<vmem>>
        %dma_start3A_1174 = arith.constant 0 : i32
        %dma_start3A_1175 = tpu.memref_slice %arg4[%add3A_1162, %dma_start3A_1174] : memref<200x64xf32, #tpu.memory_space<hbm>> -> memref<1x64xf32, #tpu.memory_space<hbm>>
        %dma_start3A_1176 = tpu.memref_squeeze %dma_start3A_1175 : memref<1x64xf32, #tpu.memory_space<hbm>> -> memref<64xf32, #tpu.memory_space<hbm>>
        %dma_start3A_1177 = arith.constant 0 : i32
        %dma_start3A_1178 = tpu.memref_slice %arg15[%dma_start3A_1170, %dma_start3A_1177] : memref<4x64xf32, #tpu.memory_space<vmem>> -> memref<1x64xf32, #tpu.memory_space<vmem>>
        %dma_start3A_1179 = tpu.memref_squeeze %dma_start3A_1178 : memref<1x64xf32, #tpu.memory_space<vmem>> -> memref<64xf32, #tpu.memory_space<vmem>>
        %dma_start3A_1180 = arith.constant 0 : i32
        %dma_start3A_1181 = tpu.memref_slice %arg4[%add3A_1162, %dma_start3A_1180] : memref<200x64xf32, #tpu.memory_space<hbm>> -> memref<1x64xf32, #tpu.memory_space<hbm>>
        %dma_start3A_1182 = tpu.memref_squeeze %dma_start3A_1181 : memref<1x64xf32, #tpu.memory_space<hbm>> -> memref<64xf32, #tpu.memory_space<hbm>>
        tpu.enqueue_dma source(%dma_start3A_1182 : memref<64xf32, #tpu.memory_space<hbm>>) target(%dma_start3A_1179 : memref<64xf32, #tpu.memory_space<vmem>>) target_semaphore(%arg17 : memref<!tpu.dma_semaphore, #tpu.memory_space<semaphore_mem>>)
      } else {
      }
      %dma_wait3A_799 = arith.constant 0 : i32
      %dma_wait3A_800 = arith.constant 0 : i32
      %dma_wait3A_801 = tpu.memref_slice %arg3[%dma_wait3A_799, %dma_wait3A_800] : memref<500000x128xf32, #tpu.memory_space<hbm>> -> memref<128x128xf32, #tpu.memory_space<hbm>>
      %dma_wait3A_802 = arith.constant 0 : i32
      %dma_wait3A_803 = arith.constant 0 : i32
      %dma_wait3A_804 = tpu.memref_slice %arg3[%dma_wait3A_802, %dma_wait3A_803] : memref<500000x128xf32, #tpu.memory_space<hbm>> -> memref<128x128xf32, #tpu.memory_space<hbm>>
      tpu.wait_dma2 semaphore(%arg18 : memref<!tpu.dma_semaphore, #tpu.memory_space<semaphore_mem>>) src(%dma_wait3A_804 : memref<128x128xf32, #tpu.memory_space<hbm>>) dst(%arg11 : memref<128x128xf32, #tpu.memory_space<vmem>>)
      %dma_wait3A_805 = arith.constant 0 : i32
      %dma_wait3A_806 = arith.constant 2 : i32
      %dma_wait3A_807 = arith.constant 0 : i32
      %dma_wait3A_808 = tpu.memref_slice %arg15[%dma_wait3A_806, %dma_wait3A_807] : memref<4x64xf32, #tpu.memory_space<vmem>> -> memref<1x64xf32, #tpu.memory_space<vmem>>
      %dma_wait3A_809 = tpu.memref_squeeze %dma_wait3A_808 : memref<1x64xf32, #tpu.memory_space<vmem>> -> memref<64xf32, #tpu.memory_space<vmem>>
      %dma_wait3A_810 = arith.constant 0 : i32
      %dma_wait3A_811 = tpu.memref_slice %arg4[%dma_wait3A_805, %dma_wait3A_810] : memref<200x64xf32, #tpu.memory_space<hbm>> -> memref<1x64xf32, #tpu.memory_space<hbm>>
      %dma_wait3A_812 = tpu.memref_squeeze %dma_wait3A_811 : memref<1x64xf32, #tpu.memory_space<hbm>> -> memref<64xf32, #tpu.memory_space<hbm>>
      %dma_wait3A_813 = arith.constant 0 : i32
      %dma_wait3A_814 = tpu.memref_slice %arg15[%dma_wait3A_806, %dma_wait3A_813] : memref<4x64xf32, #tpu.memory_space<vmem>> -> memref<1x64xf32, #tpu.memory_space<vmem>>
      %dma_wait3A_815 = tpu.memref_squeeze %dma_wait3A_814 : memref<1x64xf32, #tpu.memory_space<vmem>> -> memref<64xf32, #tpu.memory_space<vmem>>
      %dma_wait3A_816 = arith.constant 0 : i32
      %dma_wait3A_817 = tpu.memref_slice %arg4[%dma_wait3A_805, %dma_wait3A_816] : memref<200x64xf32, #tpu.memory_space<hbm>> -> memref<1x64xf32, #tpu.memory_space<hbm>>
      %dma_wait3A_818 = tpu.memref_squeeze %dma_wait3A_817 : memref<1x64xf32, #tpu.memory_space<hbm>> -> memref<64xf32, #tpu.memory_space<hbm>>
      tpu.wait_dma2 semaphore(%arg18 : memref<!tpu.dma_semaphore, #tpu.memory_space<semaphore_mem>>) src(%dma_wait3A_818 : memref<64xf32, #tpu.memory_space<hbm>>) dst(%dma_wait3A_815 : memref<64xf32, #tpu.memory_space<vmem>>)
      %ge3A_819 = arith.constant 2 : i32
      %ge3A_820 = arith.cmpi sge, %add3A_793, %ge3A_819 : i32
      %convert_element_type3A_821 = arith.extui %ge3A_820 : i1 to i32
      %cond3A_822 = arith.constant 0 : i32
      %cond3A_823 = arith.cmpi ne, %convert_element_type3A_821, %cond3A_822 : i32
      scf.if %cond3A_823 {
        %dma_wait3A_999 = arith.constant 0 : i32
        %dma_wait3A_1000 = arith.constant 0 : i32
        %dma_wait3A_1001 = arith.constant 0 : i32
        %dma_wait3A_1002 = tpu.memref_slice %arg5[%dma_wait3A_999, %dma_wait3A_1000, %dma_wait3A_1001] : memref<200x64x4096xf32, #tpu.memory_space<hbm>> -> memref<1x64x128xf32, #tpu.memory_space<hbm>>
        %dma_wait3A_1003 = tpu.memref_squeeze %dma_wait3A_1002 : memref<1x64x128xf32, #tpu.memory_space<hbm>> -> memref<64x128xf32, #tpu.memory_space<hbm>>
        %dma_wait3A_1004 = arith.constant 0 : i32
        %dma_wait3A_1005 = arith.constant 0 : i32
        %dma_wait3A_1006 = tpu.memref_slice %arg5[%dma_wait3A_999, %dma_wait3A_1004, %dma_wait3A_1005] : memref<200x64x4096xf32, #tpu.memory_space<hbm>> -> memref<1x64x128xf32, #tpu.memory_space<hbm>>
        %dma_wait3A_1007 = tpu.memref_squeeze %dma_wait3A_1006 : memref<1x64x128xf32, #tpu.memory_space<hbm>> -> memref<64x128xf32, #tpu.memory_space<hbm>>
        tpu.wait_dma2 semaphore(%arg20 : memref<!tpu.dma_semaphore, #tpu.memory_space<semaphore_mem>>) src(%arg13 : memref<64x128xf32, #tpu.memory_space<vmem>>) dst(%dma_wait3A_1007 : memref<64x128xf32, #tpu.memory_space<hbm>>)
      } else {
      }
      %iota3A_824 = tpu.iota {dimensions = array<i32: 0>} : vector<16xi32>
      %broadcast_in_dim3A_825 = arith.constant 2 : i32
      %broadcast_in_dim3A_826 = vector.broadcast %broadcast_in_dim3A_825 : i32 to vector<16xi32>
      %add3A_827 = arith.constant 0 : i32
      %add3A_828 = vector.broadcast %add3A_827 : i32 to vector<16xi32>
      %add3A_829 = arith.addi %iota3A_824, %add3A_828 : vector<16xi32>
      %get3A_830 = arith.constant 2 : i32
      %get3A_831 = arith.index_cast %get3A_830 : i32 to index
      %get3A_832 = arith.constant 0 : index
      %get3A_833 = tpu.vector_load %arg8[%get3A_831, %get3A_832] {strides = array<i32>} : memref<4x128xi32, #tpu.memory_space<vmem>>, vector<16xi32>,
      %add3A_834 = arith.constant 16 : i32
      %add3A_835 = vector.broadcast %add3A_834 : i32 to vector<16xi32>
      %add3A_836 = arith.addi %iota3A_824, %add3A_835 : vector<16xi32>
      %get3A_837 = arith.constant 2 : i32
      %get3A_838 = arith.index_cast %get3A_837 : i32 to index
      %get3A_839 = arith.constant 16 : index
      %get3A_840 = tpu.vector_load %arg8[%get3A_838, %get3A_839] {strides = array<i32>} : memref<4x128xi32, #tpu.memory_space<vmem>>, vector<16xi32>,
      %add3A_841 = arith.constant 32 : i32
      %add3A_842 = vector.broadcast %add3A_841 : i32 to vector<16xi32>
      %add3A_843 = arith.addi %iota3A_824, %add3A_842 : vector<16xi32>
      %get3A_844 = arith.constant 2 : i32
      %get3A_845 = arith.index_cast %get3A_844 : i32 to index
      %get3A_846 = arith.constant 32 : index
      %get3A_847 = tpu.vector_load %arg8[%get3A_845, %get3A_846] {strides = array<i32>} : memref<4x128xi32, #tpu.memory_space<vmem>>, vector<16xi32>,
      %add3A_848 = arith.constant 48 : i32
      %add3A_849 = vector.broadcast %add3A_848 : i32 to vector<16xi32>
      %add3A_850 = arith.addi %iota3A_824, %add3A_849 : vector<16xi32>
      %get3A_851 = arith.constant 2 : i32
      %get3A_852 = arith.index_cast %get3A_851 : i32 to index
      %get3A_853 = arith.constant 48 : index
      %get3A_854 = tpu.vector_load %arg8[%get3A_852, %get3A_853] {strides = array<i32>} : memref<4x128xi32, #tpu.memory_space<vmem>>, vector<16xi32>,
      %add3A_855 = arith.constant 64 : i32
      %add3A_856 = vector.broadcast %add3A_855 : i32 to vector<16xi32>
      %add3A_857 = arith.addi %iota3A_824, %add3A_856 : vector<16xi32>
      %get3A_858 = arith.constant 2 : i32
      %get3A_859 = arith.index_cast %get3A_858 : i32 to index
      %get3A_860 = arith.constant 64 : index
      %get3A_861 = tpu.vector_load %arg8[%get3A_859, %get3A_860] {strides = array<i32>} : memref<4x128xi32, #tpu.memory_space<vmem>>, vector<16xi32>,
      %add3A_862 = arith.constant 80 : i32
      %add3A_863 = vector.broadcast %add3A_862 : i32 to vector<16xi32>
      %add3A_864 = arith.addi %iota3A_824, %add3A_863 : vector<16xi32>
      %get3A_865 = arith.constant 2 : i32
      %get3A_866 = arith.index_cast %get3A_865 : i32 to index
      %get3A_867 = arith.constant 80 : index
      %get3A_868 = tpu.vector_load %arg8[%get3A_866, %get3A_867] {strides = array<i32>} : memref<4x128xi32, #tpu.memory_space<vmem>>, vector<16xi32>,
      %add3A_869 = arith.constant 96 : i32
      %add3A_870 = vector.broadcast %add3A_869 : i32 to vector<16xi32>
      %add3A_871 = arith.addi %iota3A_824, %add3A_870 : vector<16xi32>
      %get3A_872 = arith.constant 2 : i32
      %get3A_873 = arith.index_cast %get3A_872 : i32 to index
      %get3A_874 = arith.constant 96 : index
      %get3A_875 = tpu.vector_load %arg8[%get3A_873, %get3A_874] {strides = array<i32>} : memref<4x128xi32, #tpu.memory_space<vmem>>, vector<16xi32>,
      %add3A_876 = arith.constant 112 : i32
      %add3A_877 = vector.broadcast %add3A_876 : i32 to vector<16xi32>
      %add3A_878 = arith.addi %iota3A_824, %add3A_877 : vector<16xi32>
      %get3A_879 = arith.constant 2 : i32
      %get3A_880 = arith.index_cast %get3A_879 : i32 to index
      %get3A_881 = arith.constant 112 : index
      %get3A_882 = tpu.vector_load %arg8[%get3A_880, %get3A_881] {strides = array<i32>} : memref<4x128xi32, #tpu.memory_space<vmem>>, vector<16xi32>,
      %parallel_loop3A_883 = arith.constant 0 : i32
      %parallel_loop3A_884 = arith.constant 64 : i32
      %parallel_loop3A_885 = arith.constant 1 : i32
      scf.for %parallel_loop3A_999 = %parallel_loop3A_883 to %parallel_loop3A_884 step %parallel_loop3A_885  : i32 {
        %parallel_loop3A_1000 = vector.broadcast %parallel_loop3A_999 : i32 to vector<16xi32>
        %parallel_loop3A_1001 = arith.addi %iota3A_824, %parallel_loop3A_1000 : vector<16xi32>
        %parallel_loop3A_1002 = arith.constant 63 : i32
        %parallel_loop3A_1003 = vector.broadcast %parallel_loop3A_1002 : i32 to vector<16xi32>
        %parallel_loop3A_1004 = arith.andi %parallel_loop3A_1001, %parallel_loop3A_1003 : vector<16xi32>
        %parallel_loop3A_1005 = tpu.vector_load_idx %arg15[%broadcast_in_dim3A_826, %parallel_loop3A_1004] : memref<4x64xf32, #tpu.memory_space<vmem>>[vector<16xi32>, vector<16xi32>], vector<16xf32>,
        %parallel_loop3A_1006 = arith.addi %get3A_833, %parallel_loop3A_1004 : vector<16xi32>
        %parallel_loop3A_1007 = tpu.vector_load_idx %arg11[%add3A_829, %parallel_loop3A_1006] : memref<128x128xf32, #tpu.memory_space<vmem>>[vector<16xi32>, vector<16xi32>], vector<16xf32>,
        %parallel_loop3A_1008 = arith.addf %parallel_loop3A_1007, %parallel_loop3A_1005 : vector<16xf32>
        tpu.vector_store_idx %arg13[%parallel_loop3A_1004, %add3A_829], %parallel_loop3A_1008 : memref<64x128xf32, #tpu.memory_space<vmem>>[vector<16xi32>, vector<16xi32>], vector<16xf32>,
        %parallel_loop3A_1009 = arith.addi %get3A_840, %parallel_loop3A_1004 : vector<16xi32>
        %parallel_loop3A_1010 = tpu.vector_load_idx %arg11[%add3A_836, %parallel_loop3A_1009] : memref<128x128xf32, #tpu.memory_space<vmem>>[vector<16xi32>, vector<16xi32>], vector<16xf32>,
        %parallel_loop3A_1011 = arith.addf %parallel_loop3A_1010, %parallel_loop3A_1005 : vector<16xf32>
        tpu.vector_store_idx %arg13[%parallel_loop3A_1004, %add3A_836], %parallel_loop3A_1011 : memref<64x128xf32, #tpu.memory_space<vmem>>[vector<16xi32>, vector<16xi32>], vector<16xf32>,
        %parallel_loop3A_1012 = arith.addi %get3A_847, %parallel_loop3A_1004 : vector<16xi32>
        %parallel_loop3A_1013 = tpu.vector_load_idx %arg11[%add3A_843, %parallel_loop3A_1012] : memref<128x128xf32, #tpu.memory_space<vmem>>[vector<16xi32>, vector<16xi32>], vector<16xf32>,
        %parallel_loop3A_1014 = arith.addf %parallel_loop3A_1013, %parallel_loop3A_1005 : vector<16xf32>
        tpu.vector_store_idx %arg13[%parallel_loop3A_1004, %add3A_843], %parallel_loop3A_1014 : memref<64x128xf32, #tpu.memory_space<vmem>>[vector<16xi32>, vector<16xi32>], vector<16xf32>,
        %parallel_loop3A_1015 = arith.addi %get3A_854, %parallel_loop3A_1004 : vector<16xi32>
        %parallel_loop3A_1016 = tpu.vector_load_idx %arg11[%add3A_850, %parallel_loop3A_1015] : memref<128x128xf32, #tpu.memory_space<vmem>>[vector<16xi32>, vector<16xi32>], vector<16xf32>,
        %parallel_loop3A_1017 = arith.addf %parallel_loop3A_1016, %parallel_loop3A_1005 : vector<16xf32>
        tpu.vector_store_idx %arg13[%parallel_loop3A_1004, %add3A_850], %parallel_loop3A_1017 : memref<64x128xf32, #tpu.memory_space<vmem>>[vector<16xi32>, vector<16xi32>], vector<16xf32>,
        %parallel_loop3A_1018 = arith.addi %get3A_861, %parallel_loop3A_1004 : vector<16xi32>
        %parallel_loop3A_1019 = tpu.vector_load_idx %arg11[%add3A_857, %parallel_loop3A_1018] : memref<128x128xf32, #tpu.memory_space<vmem>>[vector<16xi32>, vector<16xi32>], vector<16xf32>,
        %parallel_loop3A_1020 = arith.addf %parallel_loop3A_1019, %parallel_loop3A_1005 : vector<16xf32>
        tpu.vector_store_idx %arg13[%parallel_loop3A_1004, %add3A_857], %parallel_loop3A_1020 : memref<64x128xf32, #tpu.memory_space<vmem>>[vector<16xi32>, vector<16xi32>], vector<16xf32>,
        %parallel_loop3A_1021 = arith.addi %get3A_868, %parallel_loop3A_1004 : vector<16xi32>
        %parallel_loop3A_1022 = tpu.vector_load_idx %arg11[%add3A_864, %parallel_loop3A_1021] : memref<128x128xf32, #tpu.memory_space<vmem>>[vector<16xi32>, vector<16xi32>], vector<16xf32>,
        %parallel_loop3A_1023 = arith.addf %parallel_loop3A_1022, %parallel_loop3A_1005 : vector<16xf32>
        tpu.vector_store_idx %arg13[%parallel_loop3A_1004, %add3A_864], %parallel_loop3A_1023 : memref<64x128xf32, #tpu.memory_space<vmem>>[vector<16xi32>, vector<16xi32>], vector<16xf32>,
        %parallel_loop3A_1024 = arith.addi %get3A_875, %parallel_loop3A_1004 : vector<16xi32>
        %parallel_loop3A_1025 = tpu.vector_load_idx %arg11[%add3A_871, %parallel_loop3A_1024] : memref<128x128xf32, #tpu.memory_space<vmem>>[vector<16xi32>, vector<16xi32>], vector<16xf32>,
        %parallel_loop3A_1026 = arith.addf %parallel_loop3A_1025, %parallel_loop3A_1005 : vector<16xf32>
        tpu.vector_store_idx %arg13[%parallel_loop3A_1004, %add3A_871], %parallel_loop3A_1026 : memref<64x128xf32, #tpu.memory_space<vmem>>[vector<16xi32>, vector<16xi32>], vector<16xf32>,
        %parallel_loop3A_1027 = arith.addi %get3A_882, %parallel_loop3A_1004 : vector<16xi32>
        %parallel_loop3A_1028 = tpu.vector_load_idx %arg11[%add3A_878, %parallel_loop3A_1027] : memref<128x128xf32, #tpu.memory_space<vmem>>[vector<16xi32>, vector<16xi32>], vector<16xf32>,
        %parallel_loop3A_1029 = arith.addf %parallel_loop3A_1028, %parallel_loop3A_1005 : vector<16xf32>
        tpu.vector_store_idx %arg13[%parallel_loop3A_1004, %add3A_878], %parallel_loop3A_1029 : memref<64x128xf32, #tpu.memory_space<vmem>>[vector<16xi32>, vector<16xi32>], vector<16xf32>,
      } {sc.loop_unroll_factor = 4 : i64, sc.parallel_access}
      %mul3A_886 = arith.constant 128 : i32
      %mul3A_887 = arith.muli %add3A, %mul3A_886 : i32
      %dma_start3A_888 = arith.constant 0 : i32
      %dma_start3A_889 = tpu.memref_slice %arg5[%add3A_793, %dma_start3A_888, %mul3A_887] : memref<200x64x4096xf32, #tpu.memory_space<hbm>> -> memref<1x64x128xf32, #tpu.memory_space<hbm>>
      %dma_start3A_890 = tpu.memref_squeeze %dma_start3A_889 : memref<1x64x128xf32, #tpu.memory_space<hbm>> -> memref<64x128xf32, #tpu.memory_space<hbm>>
      %dma_start3A_891 = arith.constant 0 : i32
      %dma_start3A_892 = tpu.memref_slice %arg5[%add3A_793, %dma_start3A_891, %mul3A_887] : memref<200x64x4096xf32, #tpu.memory_space<hbm>> -> memref<1x64x128xf32, #tpu.memory_space<hbm>>
      %dma_start3A_893 = tpu.memref_squeeze %dma_start3A_892 : memref<1x64x128xf32, #tpu.memory_space<hbm>> -> memref<64x128xf32, #tpu.memory_space<hbm>>
      tpu.enqueue_dma source(%arg13 : memref<64x128xf32, #tpu.memory_space<vmem>>) target(%dma_start3A_893 : memref<64x128xf32, #tpu.memory_space<hbm>>) target_semaphore(%arg20 : memref<!tpu.dma_semaphore, #tpu.memory_space<semaphore_mem>>)
      %mul3A_894 = arith.constant 4 : i32
      %mul3A_895 = arith.muli %scan3A_587, %mul3A_894 : i32
      %add3A_896 = arith.constant 3 : i32
      %add3A_897 = arith.addi %mul3A_895, %add3A_896 : i32
      %lt3A_898 = arith.constant 197 : i32
      %lt3A_899 = arith.cmpi slt, %add3A_897, %lt3A_898 : i32
      %convert_element_type3A_900 = arith.extui %lt3A_899 : i1 to i32
      %cond3A_901 = arith.constant 0 : i32
      %cond3A_902 = arith.cmpi ne, %convert_element_type3A_900, %cond3A_901 : i32
      scf.if %cond3A_902 {
        %add3A_999 = arith.constant 3 : i32
        %add3A_1000 = arith.addi %add3A_897, %add3A_999 : i32
        %get3A_1001 = arith.index_cast %add3A_1000 : i32 to index
        %get3A_1002 = arith.constant 0 : index
        %get3A_1003 = tpu.vector_load %arg6[%get3A_1001, %get3A_1002] {strides = array<i32>} : memref<200x128xi32, #tpu.memory_space<vmem>>, vector<16xi32>,
        %shift_right_logical3A_1004 = arith.constant 1 : i32
        %shift_right_logical3A_1005 = vector.broadcast %shift_right_logical3A_1004 : i32 to vector<16xi32>
        %shift_right_logical3A_1006 = arith.shrui %get3A_1003, %shift_right_logical3A_1005 : vector<16xi32>
        %swap3A_1007 = arith.constant 2 : i32
        %swap3A_1008 = arith.index_cast %swap3A_1007 : i32 to index
        %swap3A_1009 = arith.constant 0 : index
        %swap3A_1010 = tpu.vector_load %arg7[%swap3A_1008, %swap3A_1009] {strides = array<i32>} : memref<4x128xi32, #tpu.memory_space<vmem>>, vector<16xi32>,
        tpu.vector_store %arg7[%swap3A_1008, %swap3A_1009], %shift_right_logical3A_1006 {strides = array<i32>} : memref<4x128xi32, #tpu.memory_space<vmem>>, vector<16xi32>,
        %and3A_1011 = arith.constant 1 : i32
        %and3A_1012 = vector.broadcast %and3A_1011 : i32 to vector<16xi32>
        %and3A_1013 = arith.andi %get3A_1003, %and3A_1012 : vector<16xi32>
        %shift_left3A_1014 = arith.constant 6 : i32
        %shift_left3A_1015 = vector.broadcast %shift_left3A_1014 : i32 to vector<16xi32>
        %shift_left3A_1016 = arith.shli %and3A_1013, %shift_left3A_1015 : vector<16xi32>
        %swap3A_1017 = arith.constant 2 : i32
        %swap3A_1018 = arith.index_cast %swap3A_1017 : i32 to index
        %swap3A_1019 = arith.constant 0 : index
        %swap3A_1020 = tpu.vector_load %arg8[%swap3A_1018, %swap3A_1019] {strides = array<i32>} : memref<4x128xi32, #tpu.memory_space<vmem>>, vector<16xi32>,
        tpu.vector_store %arg8[%swap3A_1018, %swap3A_1019], %shift_left3A_1016 {strides = array<i32>} : memref<4x128xi32, #tpu.memory_space<vmem>>, vector<16xi32>,
        %get3A_1021 = arith.index_cast %add3A_1000 : i32 to index
        %get3A_1022 = arith.constant 16 : index
        %get3A_1023 = tpu.vector_load %arg6[%get3A_1021, %get3A_1022] {strides = array<i32>} : memref<200x128xi32, #tpu.memory_space<vmem>>, vector<16xi32>,
        %shift_right_logical3A_1024 = arith.constant 1 : i32
        %shift_right_logical3A_1025 = vector.broadcast %shift_right_logical3A_1024 : i32 to vector<16xi32>
        %shift_right_logical3A_1026 = arith.shrui %get3A_1023, %shift_right_logical3A_1025 : vector<16xi32>
        %swap3A_1027 = arith.constant 2 : i32
        %swap3A_1028 = arith.index_cast %swap3A_1027 : i32 to index
        %swap3A_1029 = arith.constant 16 : index
        %swap3A_1030 = tpu.vector_load %arg7[%swap3A_1028, %swap3A_1029] {strides = array<i32>} : memref<4x128xi32, #tpu.memory_space<vmem>>, vector<16xi32>,
        tpu.vector_store %arg7[%swap3A_1028, %swap3A_1029], %shift_right_logical3A_1026 {strides = array<i32>} : memref<4x128xi32, #tpu.memory_space<vmem>>, vector<16xi32>,
        %and3A_1031 = arith.constant 1 : i32
        %and3A_1032 = vector.broadcast %and3A_1031 : i32 to vector<16xi32>
        %and3A_1033 = arith.andi %get3A_1023, %and3A_1032 : vector<16xi32>
        %shift_left3A_1034 = arith.constant 6 : i32
        %shift_left3A_1035 = vector.broadcast %shift_left3A_1034 : i32 to vector<16xi32>
        %shift_left3A_1036 = arith.shli %and3A_1033, %shift_left3A_1035 : vector<16xi32>
        %swap3A_1037 = arith.constant 2 : i32
        %swap3A_1038 = arith.index_cast %swap3A_1037 : i32 to index
        %swap3A_1039 = arith.constant 16 : index
        %swap3A_1040 = tpu.vector_load %arg8[%swap3A_1038, %swap3A_1039] {strides = array<i32>} : memref<4x128xi32, #tpu.memory_space<vmem>>, vector<16xi32>,
        tpu.vector_store %arg8[%swap3A_1038, %swap3A_1039], %shift_left3A_1036 {strides = array<i32>} : memref<4x128xi32, #tpu.memory_space<vmem>>, vector<16xi32>,
        %get3A_1041 = arith.index_cast %add3A_1000 : i32 to index
        %get3A_1042 = arith.constant 32 : index
        %get3A_1043 = tpu.vector_load %arg6[%get3A_1041, %get3A_1042] {strides = array<i32>} : memref<200x128xi32, #tpu.memory_space<vmem>>, vector<16xi32>,
        %shift_right_logical3A_1044 = arith.constant 1 : i32
        %shift_right_logical3A_1045 = vector.broadcast %shift_right_logical3A_1044 : i32 to vector<16xi32>
        %shift_right_logical3A_1046 = arith.shrui %get3A_1043, %shift_right_logical3A_1045 : vector<16xi32>
        %swap3A_1047 = arith.constant 2 : i32
        %swap3A_1048 = arith.index_cast %swap3A_1047 : i32 to index
        %swap3A_1049 = arith.constant 32 : index
        %swap3A_1050 = tpu.vector_load %arg7[%swap3A_1048, %swap3A_1049] {strides = array<i32>} : memref<4x128xi32, #tpu.memory_space<vmem>>, vector<16xi32>,
        tpu.vector_store %arg7[%swap3A_1048, %swap3A_1049], %shift_right_logical3A_1046 {strides = array<i32>} : memref<4x128xi32, #tpu.memory_space<vmem>>, vector<16xi32>,
        %and3A_1051 = arith.constant 1 : i32
        %and3A_1052 = vector.broadcast %and3A_1051 : i32 to vector<16xi32>
        %and3A_1053 = arith.andi %get3A_1043, %and3A_1052 : vector<16xi32>
        %shift_left3A_1054 = arith.constant 6 : i32
        %shift_left3A_1055 = vector.broadcast %shift_left3A_1054 : i32 to vector<16xi32>
        %shift_left3A_1056 = arith.shli %and3A_1053, %shift_left3A_1055 : vector<16xi32>
        %swap3A_1057 = arith.constant 2 : i32
        %swap3A_1058 = arith.index_cast %swap3A_1057 : i32 to index
        %swap3A_1059 = arith.constant 32 : index
        %swap3A_1060 = tpu.vector_load %arg8[%swap3A_1058, %swap3A_1059] {strides = array<i32>} : memref<4x128xi32, #tpu.memory_space<vmem>>, vector<16xi32>,
        tpu.vector_store %arg8[%swap3A_1058, %swap3A_1059], %shift_left3A_1056 {strides = array<i32>} : memref<4x128xi32, #tpu.memory_space<vmem>>, vector<16xi32>,
        %get3A_1061 = arith.index_cast %add3A_1000 : i32 to index
        %get3A_1062 = arith.constant 48 : index
        %get3A_1063 = tpu.vector_load %arg6[%get3A_1061, %get3A_1062] {strides = array<i32>} : memref<200x128xi32, #tpu.memory_space<vmem>>, vector<16xi32>,
        %shift_right_logical3A_1064 = arith.constant 1 : i32
        %shift_right_logical3A_1065 = vector.broadcast %shift_right_logical3A_1064 : i32 to vector<16xi32>
        %shift_right_logical3A_1066 = arith.shrui %get3A_1063, %shift_right_logical3A_1065 : vector<16xi32>
        %swap3A_1067 = arith.constant 2 : i32
        %swap3A_1068 = arith.index_cast %swap3A_1067 : i32 to index
        %swap3A_1069 = arith.constant 48 : index
        %swap3A_1070 = tpu.vector_load %arg7[%swap3A_1068, %swap3A_1069] {strides = array<i32>} : memref<4x128xi32, #tpu.memory_space<vmem>>, vector<16xi32>,
        tpu.vector_store %arg7[%swap3A_1068, %swap3A_1069], %shift_right_logical3A_1066 {strides = array<i32>} : memref<4x128xi32, #tpu.memory_space<vmem>>, vector<16xi32>,
        %and3A_1071 = arith.constant 1 : i32
        %and3A_1072 = vector.broadcast %and3A_1071 : i32 to vector<16xi32>
        %and3A_1073 = arith.andi %get3A_1063, %and3A_1072 : vector<16xi32>
        %shift_left3A_1074 = arith.constant 6 : i32
        %shift_left3A_1075 = vector.broadcast %shift_left3A_1074 : i32 to vector<16xi32>
        %shift_left3A_1076 = arith.shli %and3A_1073, %shift_left3A_1075 : vector<16xi32>
        %swap3A_1077 = arith.constant 2 : i32
        %swap3A_1078 = arith.index_cast %swap3A_1077 : i32 to index
        %swap3A_1079 = arith.constant 48 : index
        %swap3A_1080 = tpu.vector_load %arg8[%swap3A_1078, %swap3A_1079] {strides = array<i32>} : memref<4x128xi32, #tpu.memory_space<vmem>>, vector<16xi32>,
        tpu.vector_store %arg8[%swap3A_1078, %swap3A_1079], %shift_left3A_1076 {strides = array<i32>} : memref<4x128xi32, #tpu.memory_space<vmem>>, vector<16xi32>,
        %get3A_1081 = arith.index_cast %add3A_1000 : i32 to index
        %get3A_1082 = arith.constant 64 : index
        %get3A_1083 = tpu.vector_load %arg6[%get3A_1081, %get3A_1082] {strides = array<i32>} : memref<200x128xi32, #tpu.memory_space<vmem>>, vector<16xi32>,
        %shift_right_logical3A_1084 = arith.constant 1 : i32
        %shift_right_logical3A_1085 = vector.broadcast %shift_right_logical3A_1084 : i32 to vector<16xi32>
        %shift_right_logical3A_1086 = arith.shrui %get3A_1083, %shift_right_logical3A_1085 : vector<16xi32>
        %swap3A_1087 = arith.constant 2 : i32
        %swap3A_1088 = arith.index_cast %swap3A_1087 : i32 to index
        %swap3A_1089 = arith.constant 64 : index
        %swap3A_1090 = tpu.vector_load %arg7[%swap3A_1088, %swap3A_1089] {strides = array<i32>} : memref<4x128xi32, #tpu.memory_space<vmem>>, vector<16xi32>,
        tpu.vector_store %arg7[%swap3A_1088, %swap3A_1089], %shift_right_logical3A_1086 {strides = array<i32>} : memref<4x128xi32, #tpu.memory_space<vmem>>, vector<16xi32>,
        %and3A_1091 = arith.constant 1 : i32
        %and3A_1092 = vector.broadcast %and3A_1091 : i32 to vector<16xi32>
        %and3A_1093 = arith.andi %get3A_1083, %and3A_1092 : vector<16xi32>
        %shift_left3A_1094 = arith.constant 6 : i32
        %shift_left3A_1095 = vector.broadcast %shift_left3A_1094 : i32 to vector<16xi32>
        %shift_left3A_1096 = arith.shli %and3A_1093, %shift_left3A_1095 : vector<16xi32>
        %swap3A_1097 = arith.constant 2 : i32
        %swap3A_1098 = arith.index_cast %swap3A_1097 : i32 to index
        %swap3A_1099 = arith.constant 64 : index
        %swap3A_1100 = tpu.vector_load %arg8[%swap3A_1098, %swap3A_1099] {strides = array<i32>} : memref<4x128xi32, #tpu.memory_space<vmem>>, vector<16xi32>,
        tpu.vector_store %arg8[%swap3A_1098, %swap3A_1099], %shift_left3A_1096 {strides = array<i32>} : memref<4x128xi32, #tpu.memory_space<vmem>>, vector<16xi32>,
        %get3A_1101 = arith.index_cast %add3A_1000 : i32 to index
        %get3A_1102 = arith.constant 80 : index
        %get3A_1103 = tpu.vector_load %arg6[%get3A_1101, %get3A_1102] {strides = array<i32>} : memref<200x128xi32, #tpu.memory_space<vmem>>, vector<16xi32>,
        %shift_right_logical3A_1104 = arith.constant 1 : i32
        %shift_right_logical3A_1105 = vector.broadcast %shift_right_logical3A_1104 : i32 to vector<16xi32>
        %shift_right_logical3A_1106 = arith.shrui %get3A_1103, %shift_right_logical3A_1105 : vector<16xi32>
        %swap3A_1107 = arith.constant 2 : i32
        %swap3A_1108 = arith.index_cast %swap3A_1107 : i32 to index
        %swap3A_1109 = arith.constant 80 : index
        %swap3A_1110 = tpu.vector_load %arg7[%swap3A_1108, %swap3A_1109] {strides = array<i32>} : memref<4x128xi32, #tpu.memory_space<vmem>>, vector<16xi32>,
        tpu.vector_store %arg7[%swap3A_1108, %swap3A_1109], %shift_right_logical3A_1106 {strides = array<i32>} : memref<4x128xi32, #tpu.memory_space<vmem>>, vector<16xi32>,
        %and3A_1111 = arith.constant 1 : i32
        %and3A_1112 = vector.broadcast %and3A_1111 : i32 to vector<16xi32>
        %and3A_1113 = arith.andi %get3A_1103, %and3A_1112 : vector<16xi32>
        %shift_left3A_1114 = arith.constant 6 : i32
        %shift_left3A_1115 = vector.broadcast %shift_left3A_1114 : i32 to vector<16xi32>
        %shift_left3A_1116 = arith.shli %and3A_1113, %shift_left3A_1115 : vector<16xi32>
        %swap3A_1117 = arith.constant 2 : i32
        %swap3A_1118 = arith.index_cast %swap3A_1117 : i32 to index
        %swap3A_1119 = arith.constant 80 : index
        %swap3A_1120 = tpu.vector_load %arg8[%swap3A_1118, %swap3A_1119] {strides = array<i32>} : memref<4x128xi32, #tpu.memory_space<vmem>>, vector<16xi32>,
        tpu.vector_store %arg8[%swap3A_1118, %swap3A_1119], %shift_left3A_1116 {strides = array<i32>} : memref<4x128xi32, #tpu.memory_space<vmem>>, vector<16xi32>,
        %get3A_1121 = arith.index_cast %add3A_1000 : i32 to index
        %get3A_1122 = arith.constant 96 : index
        %get3A_1123 = tpu.vector_load %arg6[%get3A_1121, %get3A_1122] {strides = array<i32>} : memref<200x128xi32, #tpu.memory_space<vmem>>, vector<16xi32>,
        %shift_right_logical3A_1124 = arith.constant 1 : i32
        %shift_right_logical3A_1125 = vector.broadcast %shift_right_logical3A_1124 : i32 to vector<16xi32>
        %shift_right_logical3A_1126 = arith.shrui %get3A_1123, %shift_right_logical3A_1125 : vector<16xi32>
        %swap3A_1127 = arith.constant 2 : i32
        %swap3A_1128 = arith.index_cast %swap3A_1127 : i32 to index
        %swap3A_1129 = arith.constant 96 : index
        %swap3A_1130 = tpu.vector_load %arg7[%swap3A_1128, %swap3A_1129] {strides = array<i32>} : memref<4x128xi32, #tpu.memory_space<vmem>>, vector<16xi32>,
        tpu.vector_store %arg7[%swap3A_1128, %swap3A_1129], %shift_right_logical3A_1126 {strides = array<i32>} : memref<4x128xi32, #tpu.memory_space<vmem>>, vector<16xi32>,
        %and3A_1131 = arith.constant 1 : i32
        %and3A_1132 = vector.broadcast %and3A_1131 : i32 to vector<16xi32>
        %and3A_1133 = arith.andi %get3A_1123, %and3A_1132 : vector<16xi32>
        %shift_left3A_1134 = arith.constant 6 : i32
        %shift_left3A_1135 = vector.broadcast %shift_left3A_1134 : i32 to vector<16xi32>
        %shift_left3A_1136 = arith.shli %and3A_1133, %shift_left3A_1135 : vector<16xi32>
        %swap3A_1137 = arith.constant 2 : i32
        %swap3A_1138 = arith.index_cast %swap3A_1137 : i32 to index
        %swap3A_1139 = arith.constant 96 : index
        %swap3A_1140 = tpu.vector_load %arg8[%swap3A_1138, %swap3A_1139] {strides = array<i32>} : memref<4x128xi32, #tpu.memory_space<vmem>>, vector<16xi32>,
        tpu.vector_store %arg8[%swap3A_1138, %swap3A_1139], %shift_left3A_1136 {strides = array<i32>} : memref<4x128xi32, #tpu.memory_space<vmem>>, vector<16xi32>,
        %get3A_1141 = arith.index_cast %add3A_1000 : i32 to index
        %get3A_1142 = arith.constant 112 : index
        %get3A_1143 = tpu.vector_load %arg6[%get3A_1141, %get3A_1142] {strides = array<i32>} : memref<200x128xi32, #tpu.memory_space<vmem>>, vector<16xi32>,
        %shift_right_logical3A_1144 = arith.constant 1 : i32
        %shift_right_logical3A_1145 = vector.broadcast %shift_right_logical3A_1144 : i32 to vector<16xi32>
        %shift_right_logical3A_1146 = arith.shrui %get3A_1143, %shift_right_logical3A_1145 : vector<16xi32>
        %swap3A_1147 = arith.constant 2 : i32
        %swap3A_1148 = arith.index_cast %swap3A_1147 : i32 to index
        %swap3A_1149 = arith.constant 112 : index
        %swap3A_1150 = tpu.vector_load %arg7[%swap3A_1148, %swap3A_1149] {strides = array<i32>} : memref<4x128xi32, #tpu.memory_space<vmem>>, vector<16xi32>,
        tpu.vector_store %arg7[%swap3A_1148, %swap3A_1149], %shift_right_logical3A_1146 {strides = array<i32>} : memref<4x128xi32, #tpu.memory_space<vmem>>, vector<16xi32>,
        %and3A_1151 = arith.constant 1 : i32
        %and3A_1152 = vector.broadcast %and3A_1151 : i32 to vector<16xi32>
        %and3A_1153 = arith.andi %get3A_1143, %and3A_1152 : vector<16xi32>
        %shift_left3A_1154 = arith.constant 6 : i32
        %shift_left3A_1155 = vector.broadcast %shift_left3A_1154 : i32 to vector<16xi32>
        %shift_left3A_1156 = arith.shli %and3A_1153, %shift_left3A_1155 : vector<16xi32>
        %swap3A_1157 = arith.constant 2 : i32
        %swap3A_1158 = arith.index_cast %swap3A_1157 : i32 to index
        %swap3A_1159 = arith.constant 112 : index
        %swap3A_1160 = tpu.vector_load %arg8[%swap3A_1158, %swap3A_1159] {strides = array<i32>} : memref<4x128xi32, #tpu.memory_space<vmem>>, vector<16xi32>,
        tpu.vector_store %arg8[%swap3A_1158, %swap3A_1159], %shift_left3A_1156 {strides = array<i32>} : memref<4x128xi32, #tpu.memory_space<vmem>>, vector<16xi32>,
        %add3A_1161 = arith.constant 3 : i32
        %add3A_1162 = arith.addi %add3A_897, %add3A_1161 : i32
        %dma_start3A_1163 = arith.constant 2 : i32
        %dma_start3A_1164 = arith.constant 0 : i32
        %dma_start3A_1165 = tpu.memref_slice %arg7[%dma_start3A_1163, %dma_start3A_1164] : memref<4x128xi32, #tpu.memory_space<vmem>> -> memref<1x128xi32, #tpu.memory_space<vmem>>
        %dma_start3A_1166 = tpu.memref_squeeze %dma_start3A_1165 : memref<1x128xi32, #tpu.memory_space<vmem>> -> memref<128xi32, #tpu.memory_space<vmem>>
        %dma_start3A_1167 = arith.constant 0 : i32
        %dma_start3A_1168 = arith.constant 0 : i32
        %dma_start3A_1169 = tpu.memref_slice %arg3[%dma_start3A_1167, %dma_start3A_1168] : memref<500000x128xf32, #tpu.memory_space<hbm>> -> memref<500000x128xf32, #tpu.memory_space<hbm>>
        tpu.enqueue_indirect_dma source(%dma_start3A_1169 : memref<500000x128xf32, #tpu.memory_space<hbm>>) target(%arg11 : memref<128x128xf32, #tpu.memory_space<vmem>>) offsets(%dma_start3A_1166 : memref<128xi32, #tpu.memory_space<vmem>>) semaphore(%arg18 : memref<!tpu.dma_semaphore, #tpu.memory_space<semaphore_mem>>)
        %dma_start3A_1170 = arith.constant 2 : i32
        %dma_start3A_1171 = arith.constant 0 : i32
        %dma_start3A_1172 = tpu.memref_slice %arg15[%dma_start3A_1170, %dma_start3A_1171] : memref<4x64xf32, #tpu.memory_space<vmem>> -> memref<1x64xf32, #tpu.memory_space<vmem>>
        %dma_start3A_1173 = tpu.memref_squeeze %dma_start3A_1172 : memref<1x64xf32, #tpu.memory_space<vmem>> -> memref<64xf32, #tpu.memory_space<vmem>>
        %dma_start3A_1174 = arith.constant 0 : i32
        %dma_start3A_1175 = tpu.memref_slice %arg4[%add3A_1162, %dma_start3A_1174] : memref<200x64xf32, #tpu.memory_space<hbm>> -> memref<1x64xf32, #tpu.memory_space<hbm>>
        %dma_start3A_1176 = tpu.memref_squeeze %dma_start3A_1175 : memref<1x64xf32, #tpu.memory_space<hbm>> -> memref<64xf32, #tpu.memory_space<hbm>>
        %dma_start3A_1177 = arith.constant 0 : i32
        %dma_start3A_1178 = tpu.memref_slice %arg15[%dma_start3A_1170, %dma_start3A_1177] : memref<4x64xf32, #tpu.memory_space<vmem>> -> memref<1x64xf32, #tpu.memory_space<vmem>>
        %dma_start3A_1179 = tpu.memref_squeeze %dma_start3A_1178 : memref<1x64xf32, #tpu.memory_space<vmem>> -> memref<64xf32, #tpu.memory_space<vmem>>
        %dma_start3A_1180 = arith.constant 0 : i32
        %dma_start3A_1181 = tpu.memref_slice %arg4[%add3A_1162, %dma_start3A_1180] : memref<200x64xf32, #tpu.memory_space<hbm>> -> memref<1x64xf32, #tpu.memory_space<hbm>>
        %dma_start3A_1182 = tpu.memref_squeeze %dma_start3A_1181 : memref<1x64xf32, #tpu.memory_space<hbm>> -> memref<64xf32, #tpu.memory_space<hbm>>
        tpu.enqueue_dma source(%dma_start3A_1182 : memref<64xf32, #tpu.memory_space<hbm>>) target(%dma_start3A_1179 : memref<64xf32, #tpu.memory_space<vmem>>) target_semaphore(%arg18 : memref<!tpu.dma_semaphore, #tpu.memory_space<semaphore_mem>>)
      } else {
      }
      %dma_wait3A_903 = arith.constant 0 : i32
      %dma_wait3A_904 = arith.constant 0 : i32
      %dma_wait3A_905 = tpu.memref_slice %arg3[%dma_wait3A_903, %dma_wait3A_904] : memref<500000x128xf32, #tpu.memory_space<hbm>> -> memref<128x128xf32, #tpu.memory_space<hbm>>
      %dma_wait3A_906 = arith.constant 0 : i32
      %dma_wait3A_907 = arith.constant 0 : i32
      %dma_wait3A_908 = tpu.memref_slice %arg3[%dma_wait3A_906, %dma_wait3A_907] : memref<500000x128xf32, #tpu.memory_space<hbm>> -> memref<128x128xf32, #tpu.memory_space<hbm>>
      tpu.wait_dma2 semaphore(%arg19 : memref<!tpu.dma_semaphore, #tpu.memory_space<semaphore_mem>>) src(%dma_wait3A_908 : memref<128x128xf32, #tpu.memory_space<hbm>>) dst(%arg12 : memref<128x128xf32, #tpu.memory_space<vmem>>)
      %dma_wait3A_909 = arith.constant 0 : i32
      %dma_wait3A_910 = arith.constant 3 : i32
      %dma_wait3A_911 = arith.constant 0 : i32
      %dma_wait3A_912 = tpu.memref_slice %arg15[%dma_wait3A_910, %dma_wait3A_911] : memref<4x64xf32, #tpu.memory_space<vmem>> -> memref<1x64xf32, #tpu.memory_space<vmem>>
      %dma_wait3A_913 = tpu.memref_squeeze %dma_wait3A_912 : memref<1x64xf32, #tpu.memory_space<vmem>> -> memref<64xf32, #tpu.memory_space<vmem>>
      %dma_wait3A_914 = arith.constant 0 : i32
      %dma_wait3A_915 = tpu.memref_slice %arg4[%dma_wait3A_909, %dma_wait3A_914] : memref<200x64xf32, #tpu.memory_space<hbm>> -> memref<1x64xf32, #tpu.memory_space<hbm>>
      %dma_wait3A_916 = tpu.memref_squeeze %dma_wait3A_915 : memref<1x64xf32, #tpu.memory_space<hbm>> -> memref<64xf32, #tpu.memory_space<hbm>>
      %dma_wait3A_917 = arith.constant 0 : i32
      %dma_wait3A_918 = tpu.memref_slice %arg15[%dma_wait3A_910, %dma_wait3A_917] : memref<4x64xf32, #tpu.memory_space<vmem>> -> memref<1x64xf32, #tpu.memory_space<vmem>>
      %dma_wait3A_919 = tpu.memref_squeeze %dma_wait3A_918 : memref<1x64xf32, #tpu.memory_space<vmem>> -> memref<64xf32, #tpu.memory_space<vmem>>
      %dma_wait3A_920 = arith.constant 0 : i32
      %dma_wait3A_921 = tpu.memref_slice %arg4[%dma_wait3A_909, %dma_wait3A_920] : memref<200x64xf32, #tpu.memory_space<hbm>> -> memref<1x64xf32, #tpu.memory_space<hbm>>
      %dma_wait3A_922 = tpu.memref_squeeze %dma_wait3A_921 : memref<1x64xf32, #tpu.memory_space<hbm>> -> memref<64xf32, #tpu.memory_space<hbm>>
      tpu.wait_dma2 semaphore(%arg19 : memref<!tpu.dma_semaphore, #tpu.memory_space<semaphore_mem>>) src(%dma_wait3A_922 : memref<64xf32, #tpu.memory_space<hbm>>) dst(%dma_wait3A_919 : memref<64xf32, #tpu.memory_space<vmem>>)
      %ge3A_923 = arith.constant 2 : i32
      %ge3A_924 = arith.cmpi sge, %add3A_897, %ge3A_923 : i32
      %convert_element_type3A_925 = arith.extui %ge3A_924 : i1 to i32
      %cond3A_926 = arith.constant 0 : i32
      %cond3A_927 = arith.cmpi ne, %convert_element_type3A_925, %cond3A_926 : i32
      scf.if %cond3A_927 {
        %dma_wait3A_999 = arith.constant 0 : i32
        %dma_wait3A_1000 = arith.constant 0 : i32
        %dma_wait3A_1001 = arith.constant 0 : i32
        %dma_wait3A_1002 = tpu.memref_slice %arg5[%dma_wait3A_999, %dma_wait3A_1000, %dma_wait3A_1001] : memref<200x64x4096xf32, #tpu.memory_space<hbm>> -> memref<1x64x128xf32, #tpu.memory_space<hbm>>
        %dma_wait3A_1003 = tpu.memref_squeeze %dma_wait3A_1002 : memref<1x64x128xf32, #tpu.memory_space<hbm>> -> memref<64x128xf32, #tpu.memory_space<hbm>>
        %dma_wait3A_1004 = arith.constant 0 : i32
        %dma_wait3A_1005 = arith.constant 0 : i32
        %dma_wait3A_1006 = tpu.memref_slice %arg5[%dma_wait3A_999, %dma_wait3A_1004, %dma_wait3A_1005] : memref<200x64x4096xf32, #tpu.memory_space<hbm>> -> memref<1x64x128xf32, #tpu.memory_space<hbm>>
        %dma_wait3A_1007 = tpu.memref_squeeze %dma_wait3A_1006 : memref<1x64x128xf32, #tpu.memory_space<hbm>> -> memref<64x128xf32, #tpu.memory_space<hbm>>
        tpu.wait_dma2 semaphore(%arg21 : memref<!tpu.dma_semaphore, #tpu.memory_space<semaphore_mem>>) src(%arg14 : memref<64x128xf32, #tpu.memory_space<vmem>>) dst(%dma_wait3A_1007 : memref<64x128xf32, #tpu.memory_space<hbm>>)
      } else {
      }
      %iota3A_928 = tpu.iota {dimensions = array<i32: 0>} : vector<16xi32>
      %broadcast_in_dim3A_929 = arith.constant 3 : i32
      %broadcast_in_dim3A_930 = vector.broadcast %broadcast_in_dim3A_929 : i32 to vector<16xi32>
      %add3A_931 = arith.constant 0 : i32
      %add3A_932 = vector.broadcast %add3A_931 : i32 to vector<16xi32>
      %add3A_933 = arith.addi %iota3A_928, %add3A_932 : vector<16xi32>
      %get3A_934 = arith.constant 3 : i32
      %get3A_935 = arith.index_cast %get3A_934 : i32 to index
      %get3A_936 = arith.constant 0 : index
      %get3A_937 = tpu.vector_load %arg8[%get3A_935, %get3A_936] {strides = array<i32>} : memref<4x128xi32, #tpu.memory_space<vmem>>, vector<16xi32>,
      %add3A_938 = arith.constant 16 : i32
      %add3A_939 = vector.broadcast %add3A_938 : i32 to vector<16xi32>
      %add3A_940 = arith.addi %iota3A_928, %add3A_939 : vector<16xi32>
      %get3A_941 = arith.constant 3 : i32
      %get3A_942 = arith.index_cast %get3A_941 : i32 to index
      %get3A_943 = arith.constant 16 : index
      %get3A_944 = tpu.vector_load %arg8[%get3A_942, %get3A_943] {strides = array<i32>} : memref<4x128xi32, #tpu.memory_space<vmem>>, vector<16xi32>,
      %add3A_945 = arith.constant 32 : i32
      %add3A_946 = vector.broadcast %add3A_945 : i32 to vector<16xi32>
      %add3A_947 = arith.addi %iota3A_928, %add3A_946 : vector<16xi32>
      %get3A_948 = arith.constant 3 : i32
      %get3A_949 = arith.index_cast %get3A_948 : i32 to index
      %get3A_950 = arith.constant 32 : index
      %get3A_951 = tpu.vector_load %arg8[%get3A_949, %get3A_950] {strides = array<i32>} : memref<4x128xi32, #tpu.memory_space<vmem>>, vector<16xi32>,
      %add3A_952 = arith.constant 48 : i32
      %add3A_953 = vector.broadcast %add3A_952 : i32 to vector<16xi32>
      %add3A_954 = arith.addi %iota3A_928, %add3A_953 : vector<16xi32>
      %get3A_955 = arith.constant 3 : i32
      %get3A_956 = arith.index_cast %get3A_955 : i32 to index
      %get3A_957 = arith.constant 48 : index
      %get3A_958 = tpu.vector_load %arg8[%get3A_956, %get3A_957] {strides = array<i32>} : memref<4x128xi32, #tpu.memory_space<vmem>>, vector<16xi32>,
      %add3A_959 = arith.constant 64 : i32
      %add3A_960 = vector.broadcast %add3A_959 : i32 to vector<16xi32>
      %add3A_961 = arith.addi %iota3A_928, %add3A_960 : vector<16xi32>
      %get3A_962 = arith.constant 3 : i32
      %get3A_963 = arith.index_cast %get3A_962 : i32 to index
      %get3A_964 = arith.constant 64 : index
      %get3A_965 = tpu.vector_load %arg8[%get3A_963, %get3A_964] {strides = array<i32>} : memref<4x128xi32, #tpu.memory_space<vmem>>, vector<16xi32>,
      %add3A_966 = arith.constant 80 : i32
      %add3A_967 = vector.broadcast %add3A_966 : i32 to vector<16xi32>
      %add3A_968 = arith.addi %iota3A_928, %add3A_967 : vector<16xi32>
      %get3A_969 = arith.constant 3 : i32
      %get3A_970 = arith.index_cast %get3A_969 : i32 to index
      %get3A_971 = arith.constant 80 : index
      %get3A_972 = tpu.vector_load %arg8[%get3A_970, %get3A_971] {strides = array<i32>} : memref<4x128xi32, #tpu.memory_space<vmem>>, vector<16xi32>,
      %add3A_973 = arith.constant 96 : i32
      %add3A_974 = vector.broadcast %add3A_973 : i32 to vector<16xi32>
      %add3A_975 = arith.addi %iota3A_928, %add3A_974 : vector<16xi32>
      %get3A_976 = arith.constant 3 : i32
      %get3A_977 = arith.index_cast %get3A_976 : i32 to index
      %get3A_978 = arith.constant 96 : index
      %get3A_979 = tpu.vector_load %arg8[%get3A_977, %get3A_978] {strides = array<i32>} : memref<4x128xi32, #tpu.memory_space<vmem>>, vector<16xi32>,
      %add3A_980 = arith.constant 112 : i32
      %add3A_981 = vector.broadcast %add3A_980 : i32 to vector<16xi32>
      %add3A_982 = arith.addi %iota3A_928, %add3A_981 : vector<16xi32>
      %get3A_983 = arith.constant 3 : i32
      %get3A_984 = arith.index_cast %get3A_983 : i32 to index
      %get3A_985 = arith.constant 112 : index
      %get3A_986 = tpu.vector_load %arg8[%get3A_984, %get3A_985] {strides = array<i32>} : memref<4x128xi32, #tpu.memory_space<vmem>>, vector<16xi32>,
      %parallel_loop3A_987 = arith.constant 0 : i32
      %parallel_loop3A_988 = arith.constant 64 : i32
      %parallel_loop3A_989 = arith.constant 1 : i32
      scf.for %parallel_loop3A_999 = %parallel_loop3A_987 to %parallel_loop3A_988 step %parallel_loop3A_989  : i32 {
        %parallel_loop3A_1000 = vector.broadcast %parallel_loop3A_999 : i32 to vector<16xi32>
        %parallel_loop3A_1001 = arith.addi %iota3A_928, %parallel_loop3A_1000 : vector<16xi32>
        %parallel_loop3A_1002 = arith.constant 63 : i32
        %parallel_loop3A_1003 = vector.broadcast %parallel_loop3A_1002 : i32 to vector<16xi32>
        %parallel_loop3A_1004 = arith.andi %parallel_loop3A_1001, %parallel_loop3A_1003 : vector<16xi32>
        %parallel_loop3A_1005 = tpu.vector_load_idx %arg15[%broadcast_in_dim3A_930, %parallel_loop3A_1004] : memref<4x64xf32, #tpu.memory_space<vmem>>[vector<16xi32>, vector<16xi32>], vector<16xf32>,
        %parallel_loop3A_1006 = arith.addi %get3A_937, %parallel_loop3A_1004 : vector<16xi32>
        %parallel_loop3A_1007 = tpu.vector_load_idx %arg12[%add3A_933, %parallel_loop3A_1006] : memref<128x128xf32, #tpu.memory_space<vmem>>[vector<16xi32>, vector<16xi32>], vector<16xf32>,
        %parallel_loop3A_1008 = arith.addf %parallel_loop3A_1007, %parallel_loop3A_1005 : vector<16xf32>
        tpu.vector_store_idx %arg14[%parallel_loop3A_1004, %add3A_933], %parallel_loop3A_1008 : memref<64x128xf32, #tpu.memory_space<vmem>>[vector<16xi32>, vector<16xi32>], vector<16xf32>,
        %parallel_loop3A_1009 = arith.addi %get3A_944, %parallel_loop3A_1004 : vector<16xi32>
        %parallel_loop3A_1010 = tpu.vector_load_idx %arg12[%add3A_940, %parallel_loop3A_1009] : memref<128x128xf32, #tpu.memory_space<vmem>>[vector<16xi32>, vector<16xi32>], vector<16xf32>,
        %parallel_loop3A_1011 = arith.addf %parallel_loop3A_1010, %parallel_loop3A_1005 : vector<16xf32>
        tpu.vector_store_idx %arg14[%parallel_loop3A_1004, %add3A_940], %parallel_loop3A_1011 : memref<64x128xf32, #tpu.memory_space<vmem>>[vector<16xi32>, vector<16xi32>], vector<16xf32>,
        %parallel_loop3A_1012 = arith.addi %get3A_951, %parallel_loop3A_1004 : vector<16xi32>
        %parallel_loop3A_1013 = tpu.vector_load_idx %arg12[%add3A_947, %parallel_loop3A_1012] : memref<128x128xf32, #tpu.memory_space<vmem>>[vector<16xi32>, vector<16xi32>], vector<16xf32>,
        %parallel_loop3A_1014 = arith.addf %parallel_loop3A_1013, %parallel_loop3A_1005 : vector<16xf32>
        tpu.vector_store_idx %arg14[%parallel_loop3A_1004, %add3A_947], %parallel_loop3A_1014 : memref<64x128xf32, #tpu.memory_space<vmem>>[vector<16xi32>, vector<16xi32>], vector<16xf32>,
        %parallel_loop3A_1015 = arith.addi %get3A_958, %parallel_loop3A_1004 : vector<16xi32>
        %parallel_loop3A_1016 = tpu.vector_load_idx %arg12[%add3A_954, %parallel_loop3A_1015] : memref<128x128xf32, #tpu.memory_space<vmem>>[vector<16xi32>, vector<16xi32>], vector<16xf32>,
        %parallel_loop3A_1017 = arith.addf %parallel_loop3A_1016, %parallel_loop3A_1005 : vector<16xf32>
        tpu.vector_store_idx %arg14[%parallel_loop3A_1004, %add3A_954], %parallel_loop3A_1017 : memref<64x128xf32, #tpu.memory_space<vmem>>[vector<16xi32>, vector<16xi32>], vector<16xf32>,
        %parallel_loop3A_1018 = arith.addi %get3A_965, %parallel_loop3A_1004 : vector<16xi32>
        %parallel_loop3A_1019 = tpu.vector_load_idx %arg12[%add3A_961, %parallel_loop3A_1018] : memref<128x128xf32, #tpu.memory_space<vmem>>[vector<16xi32>, vector<16xi32>], vector<16xf32>,
        %parallel_loop3A_1020 = arith.addf %parallel_loop3A_1019, %parallel_loop3A_1005 : vector<16xf32>
        tpu.vector_store_idx %arg14[%parallel_loop3A_1004, %add3A_961], %parallel_loop3A_1020 : memref<64x128xf32, #tpu.memory_space<vmem>>[vector<16xi32>, vector<16xi32>], vector<16xf32>,
        %parallel_loop3A_1021 = arith.addi %get3A_972, %parallel_loop3A_1004 : vector<16xi32>
        %parallel_loop3A_1022 = tpu.vector_load_idx %arg12[%add3A_968, %parallel_loop3A_1021] : memref<128x128xf32, #tpu.memory_space<vmem>>[vector<16xi32>, vector<16xi32>], vector<16xf32>,
        %parallel_loop3A_1023 = arith.addf %parallel_loop3A_1022, %parallel_loop3A_1005 : vector<16xf32>
        tpu.vector_store_idx %arg14[%parallel_loop3A_1004, %add3A_968], %parallel_loop3A_1023 : memref<64x128xf32, #tpu.memory_space<vmem>>[vector<16xi32>, vector<16xi32>], vector<16xf32>,
        %parallel_loop3A_1024 = arith.addi %get3A_979, %parallel_loop3A_1004 : vector<16xi32>
        %parallel_loop3A_1025 = tpu.vector_load_idx %arg12[%add3A_975, %parallel_loop3A_1024] : memref<128x128xf32, #tpu.memory_space<vmem>>[vector<16xi32>, vector<16xi32>], vector<16xf32>,
        %parallel_loop3A_1026 = arith.addf %parallel_loop3A_1025, %parallel_loop3A_1005 : vector<16xf32>
        tpu.vector_store_idx %arg14[%parallel_loop3A_1004, %add3A_975], %parallel_loop3A_1026 : memref<64x128xf32, #tpu.memory_space<vmem>>[vector<16xi32>, vector<16xi32>], vector<16xf32>,
        %parallel_loop3A_1027 = arith.addi %get3A_986, %parallel_loop3A_1004 : vector<16xi32>
        %parallel_loop3A_1028 = tpu.vector_load_idx %arg12[%add3A_982, %parallel_loop3A_1027] : memref<128x128xf32, #tpu.memory_space<vmem>>[vector<16xi32>, vector<16xi32>], vector<16xf32>,
        %parallel_loop3A_1029 = arith.addf %parallel_loop3A_1028, %parallel_loop3A_1005 : vector<16xf32>
        tpu.vector_store_idx %arg14[%parallel_loop3A_1004, %add3A_982], %parallel_loop3A_1029 : memref<64x128xf32, #tpu.memory_space<vmem>>[vector<16xi32>, vector<16xi32>], vector<16xf32>,
      } {sc.loop_unroll_factor = 4 : i64, sc.parallel_access}
      %mul3A_990 = arith.constant 128 : i32
      %mul3A_991 = arith.muli %add3A, %mul3A_990 : i32
      %dma_start3A_992 = arith.constant 0 : i32
      %dma_start3A_993 = tpu.memref_slice %arg5[%add3A_897, %dma_start3A_992, %mul3A_991] : memref<200x64x4096xf32, #tpu.memory_space<hbm>> -> memref<1x64x128xf32, #tpu.memory_space<hbm>>
      %dma_start3A_994 = tpu.memref_squeeze %dma_start3A_993 : memref<1x64x128xf32, #tpu.memory_space<hbm>> -> memref<64x128xf32, #tpu.memory_space<hbm>>
      %dma_start3A_995 = arith.constant 0 : i32
      %dma_start3A_996 = tpu.memref_slice %arg5[%add3A_897, %dma_start3A_995, %mul3A_991] : memref<200x64x4096xf32, #tpu.memory_space<hbm>> -> memref<1x64x128xf32, #tpu.memory_space<hbm>>
      %dma_start3A_997 = tpu.memref_squeeze %dma_start3A_996 : memref<1x64x128xf32, #tpu.memory_space<hbm>> -> memref<64x128xf32, #tpu.memory_space<hbm>>
      tpu.enqueue_dma source(%arg14 : memref<64x128xf32, #tpu.memory_space<vmem>>) target(%dma_start3A_997 : memref<64x128xf32, #tpu.memory_space<hbm>>) target_semaphore(%arg21 : memref<!tpu.dma_semaphore, #tpu.memory_space<semaphore_mem>>)
      %scan3A_998 = arith.constant 0 : i32
      scf.yield %scan3A_998 : i32
    }
    %scan3A_569 = arith.constant 50 : i32
    %dma_wait3A = arith.constant 0 : i32
    %dma_wait3A_570 = arith.constant 0 : i32
    %dma_wait3A_571 = arith.constant 0 : i32
    %dma_wait3A_572 = tpu.memref_slice %arg5[%dma_wait3A, %dma_wait3A_570, %dma_wait3A_571] : memref<200x64x4096xf32, #tpu.memory_space<hbm>> -> memref<1x64x128xf32, #tpu.memory_space<hbm>>
    %dma_wait3A_573 = tpu.memref_squeeze %dma_wait3A_572 : memref<1x64x128xf32, #tpu.memory_space<hbm>> -> memref<64x128xf32, #tpu.memory_space<hbm>>
    %dma_wait3A_574 = arith.constant 0 : i32
    %dma_wait3A_575 = arith.constant 0 : i32
    %dma_wait3A_576 = tpu.memref_slice %arg5[%dma_wait3A, %dma_wait3A_574, %dma_wait3A_575] : memref<200x64x4096xf32, #tpu.memory_space<hbm>> -> memref<1x64x128xf32, #tpu.memory_space<hbm>>
    %dma_wait3A_577 = tpu.memref_squeeze %dma_wait3A_576 : memref<1x64x128xf32, #tpu.memory_space<hbm>> -> memref<64x128xf32, #tpu.memory_space<hbm>>
    tpu.wait_dma2 semaphore(%arg20 : memref<!tpu.dma_semaphore, #tpu.memory_space<semaphore_mem>>) src(%arg13 : memref<64x128xf32, #tpu.memory_space<vmem>>) dst(%dma_wait3A_577 : memref<64x128xf32, #tpu.memory_space<hbm>>)
    %dma_wait3A_578 = arith.constant 0 : i32
    %dma_wait3A_579 = arith.constant 0 : i32
    %dma_wait3A_580 = arith.constant 0 : i32
    %dma_wait3A_581 = tpu.memref_slice %arg5[%dma_wait3A_578, %dma_wait3A_579, %dma_wait3A_580] : memref<200x64x4096xf32, #tpu.memory_space<hbm>> -> memref<1x64x128xf32, #tpu.memory_space<hbm>>
    %dma_wait3A_582 = tpu.memref_squeeze %dma_wait3A_581 : memref<1x64x128xf32, #tpu.memory_space<hbm>> -> memref<64x128xf32, #tpu.memory_space<hbm>>
    %dma_wait3A_583 = arith.constant 0 : i32
    %dma_wait3A_584 = arith.constant 0 : i32
    %dma_wait3A_585 = tpu.memref_slice %arg5[%dma_wait3A_578, %dma_wait3A_583, %dma_wait3A_584] : memref<200x64x4096xf32, #tpu.memory_space<hbm>> -> memref<1x64x128xf32, #tpu.memory_space<hbm>>
    %dma_wait3A_586 = tpu.memref_squeeze %dma_wait3A_585 : memref<1x64x128xf32, #tpu.memory_space<hbm>> -> memref<64x128xf32, #tpu.memory_space<hbm>>
    tpu.wait_dma2 semaphore(%arg21 : memref<!tpu.dma_semaphore, #tpu.memory_space<semaphore_mem>>) src(%arg14 : memref<64x128xf32, #tpu.memory_space<vmem>>) dst(%dma_wait3A_586 : memref<64x128xf32, #tpu.memory_space<hbm>>)
    return
  }
}

#map = affine_map<(d0, d1) -> (0, 0)>
module attributes {stable_mosaic.version = 14 : i64} {
  func.func @_relayout(%arg0: i32, %arg1: i32, %arg2: memref<64x1000000xf32, #tpu.memory_space<hbm>>, %arg3: memref<32x128xf32, #tpu.memory_space<hbm>>, %arg4: memref<500000x128xf32, #tpu.memory_space<hbm>>, %arg5: memref<64x128xf32, #tpu.memory_space<vmem>>, %arg6: memref<64x128xf32, #tpu.memory_space<vmem>>, %arg7: memref<64x128xf32, #tpu.memory_space<vmem>>, %arg8: memref<64x128xf32, #tpu.memory_space<vmem>>, %arg9: memref<32x128xf32, #tpu.memory_space<vmem>>, %arg10: memref<!tpu.dma_semaphore, #tpu.memory_space<semaphore_mem>>, %arg11: memref<!tpu.dma_semaphore, #tpu.memory_space<semaphore_mem>>, %arg12: memref<!tpu.dma_semaphore, #tpu.memory_space<semaphore_mem>>, %arg13: memref<!tpu.dma_semaphore, #tpu.memory_space<semaphore_mem>>) attributes {dimension_semantics = [#tpu.dimension_semantics<core_parallel>, #tpu.dimension_semantics<subcore_parallel>], iteration_bounds = array<i64: 2, 16>, scalar_prefetch = 0 : i64, scratch_operands = 9 : i64, tpu.core_type = #tpu.core_type<sc_vector_subcore>, window_params = [{transform_indices = #map}, {transform_indices = #map}, {transform_indices = #map}]} {
    %mul3A = arith.constant 2 : i32
    %mul3A_0 = arith.muli %arg1, %mul3A : i32
    %add3A = arith.addi %mul3A_0, %arg0 : i32
    %add3A_1 = arith.constant 0 : i32
    %add3A_2 = arith.addi %add3A, %add3A_1 : i32
    %mul3A_3 = arith.constant 128 : i32
    %mul3A_4 = arith.muli %mul3A_3, %add3A_2 : i32
    %dma_start3A = arith.constant 0 : i32
    %dma_start3A_5 = tpu.memref_slice %arg2[%dma_start3A, %mul3A_4] : memref<64x1000000xf32, #tpu.memory_space<hbm>> -> memref<64x128xf32, #tpu.memory_space<hbm>>
    %dma_start3A_6 = arith.constant 0 : i32
    %dma_start3A_7 = tpu.memref_slice %arg2[%dma_start3A_6, %mul3A_4] : memref<64x1000000xf32, #tpu.memory_space<hbm>> -> memref<64x128xf32, #tpu.memory_space<hbm>>
    tpu.enqueue_dma source(%dma_start3A_7 : memref<64x128xf32, #tpu.memory_space<hbm>>) target(%arg5 : memref<64x128xf32, #tpu.memory_space<vmem>>) target_semaphore(%arg10 : memref<!tpu.dma_semaphore, #tpu.memory_space<semaphore_mem>>)
    %add3A_8 = arith.constant 32 : i32
    %add3A_9 = arith.addi %add3A, %add3A_8 : i32
    %mul3A_10 = arith.constant 128 : i32
    %mul3A_11 = arith.muli %mul3A_10, %add3A_9 : i32
    %dma_start3A_12 = arith.constant 0 : i32
    %dma_start3A_13 = tpu.memref_slice %arg2[%dma_start3A_12, %mul3A_11] : memref<64x1000000xf32, #tpu.memory_space<hbm>> -> memref<64x128xf32, #tpu.memory_space<hbm>>
    %dma_start3A_14 = arith.constant 0 : i32
    %dma_start3A_15 = tpu.memref_slice %arg2[%dma_start3A_14, %mul3A_11] : memref<64x1000000xf32, #tpu.memory_space<hbm>> -> memref<64x128xf32, #tpu.memory_space<hbm>>
    tpu.enqueue_dma source(%dma_start3A_15 : memref<64x128xf32, #tpu.memory_space<hbm>>) target(%arg6 : memref<64x128xf32, #tpu.memory_space<vmem>>) target_semaphore(%arg11 : memref<!tpu.dma_semaphore, #tpu.memory_space<semaphore_mem>>)
    %scan3A = arith.constant 0 : i32
    %scan3A_16 = arith.constant 0 : i32
    %scan3A_17 = arith.constant 123 : i32
    %scan3A_18 = arith.addi %scan3A_16, %scan3A_17 : i32
    %scan3A_19 = arith.constant 1 : i32
    %scan3A_20 = scf.for %scan3A_35 = %scan3A_16 to %scan3A_18 step %scan3A_19 iter_args(%scan3A_36 = %scan3A) -> (i32)  : i32 {
      %mul3A_37 = arith.constant 2 : i32
      %mul3A_38 = arith.muli %mul3A_37, %scan3A_35 : i32
      %add3A_39 = arith.constant 0 : i32
      %add3A_40 = arith.addi %mul3A_38, %add3A_39 : i32
      %mul3A_41 = arith.constant 32 : i32
      %mul3A_42 = arith.muli %mul3A_41, %add3A_40 : i32
      %add3A_43 = arith.addi %add3A, %mul3A_42 : i32
      %lt3A = arith.constant 7812 : i32
      %lt3A_44 = arith.cmpi slt, %add3A_43, %lt3A : i32
      %convert_element_type3A_45 = arith.extui %lt3A_44 : i1 to i32
      %cond3A_46 = arith.constant 0 : i32
      %cond3A_47 = arith.cmpi ne, %convert_element_type3A_45, %cond3A_46 : i32
      scf.if %cond3A_47 {
        %dma_wait3A_61 = arith.constant 0 : i32
        %dma_wait3A_62 = arith.constant 0 : i32
        %dma_wait3A_63 = tpu.memref_slice %arg2[%dma_wait3A_61, %dma_wait3A_62] : memref<64x1000000xf32, #tpu.memory_space<hbm>> -> memref<64x128xf32, #tpu.memory_space<hbm>>
        %dma_wait3A_64 = arith.constant 0 : i32
        %dma_wait3A_65 = arith.constant 0 : i32
        %dma_wait3A_66 = tpu.memref_slice %arg2[%dma_wait3A_64, %dma_wait3A_65] : memref<64x1000000xf32, #tpu.memory_space<hbm>> -> memref<64x128xf32, #tpu.memory_space<hbm>>
        tpu.wait_dma2 semaphore(%arg10 : memref<!tpu.dma_semaphore, #tpu.memory_space<semaphore_mem>>) src(%dma_wait3A_66 : memref<64x128xf32, #tpu.memory_space<hbm>>) dst(%arg5 : memref<64x128xf32, #tpu.memory_space<vmem>>)
        %ge3A = arith.constant 2 : i32
        %ge3A_67 = arith.cmpi sge, %add3A_40, %ge3A : i32
        %convert_element_type3A_68 = arith.extui %ge3A_67 : i1 to i32
        %cond3A_69 = arith.constant 0 : i32
        %cond3A_70 = arith.cmpi ne, %convert_element_type3A_68, %cond3A_69 : i32
        scf.if %cond3A_70 {
          %dma_wait3A_125 = arith.constant 0 : i32
          %dma_wait3A_126 = arith.constant 0 : i32
          %dma_wait3A_127 = tpu.memref_slice %arg4[%dma_wait3A_125, %dma_wait3A_126] : memref<500000x128xf32, #tpu.memory_space<hbm>> -> memref<64x128xf32, #tpu.memory_space<hbm>>
          %dma_wait3A_128 = arith.constant 0 : i32
          %dma_wait3A_129 = arith.constant 0 : i32
          %dma_wait3A_130 = tpu.memref_slice %arg4[%dma_wait3A_128, %dma_wait3A_129] : memref<500000x128xf32, #tpu.memory_space<hbm>> -> memref<64x128xf32, #tpu.memory_space<hbm>>
          tpu.wait_dma2 semaphore(%arg12 : memref<!tpu.dma_semaphore, #tpu.memory_space<semaphore_mem>>) src(%arg7 : memref<64x128xf32, #tpu.memory_space<vmem>>) dst(%dma_wait3A_130 : memref<64x128xf32, #tpu.memory_space<hbm>>)
        } else {
        }
        %iota3A = tpu.iota {dimensions = array<i32: 0>} : vector<16xi32>
        %add3A_71 = arith.constant 0 : i32
        %add3A_72 = vector.broadcast %add3A_71 : i32 to vector<16xi32>
        %add3A_73 = arith.addi %iota3A, %add3A_72 : vector<16xi32>
        %add3A_74 = arith.constant 16 : i32
        %add3A_75 = vector.broadcast %add3A_74 : i32 to vector<16xi32>
        %add3A_76 = arith.addi %iota3A, %add3A_75 : vector<16xi32>
        %add3A_77 = arith.constant 32 : i32
        %add3A_78 = vector.broadcast %add3A_77 : i32 to vector<16xi32>
        %add3A_79 = arith.addi %iota3A, %add3A_78 : vector<16xi32>
        %add3A_80 = arith.constant 48 : i32
        %add3A_81 = vector.broadcast %add3A_80 : i32 to vector<16xi32>
        %add3A_82 = arith.addi %iota3A, %add3A_81 : vector<16xi32>
        %mul3A_83 = arith.constant 2 : i32
        %mul3A_84 = vector.broadcast %mul3A_83 : i32 to vector<16xi32>
        %mul3A_85 = arith.muli %mul3A_84, %iota3A : vector<16xi32>
        %add3A_86 = arith.constant 0 : i32
        %add3A_87 = vector.broadcast %add3A_86 : i32 to vector<16xi32>
        %add3A_88 = arith.addi %add3A_87, %mul3A_85 : vector<16xi32>
        %mul3A_89 = arith.constant 2 : i32
        %mul3A_90 = vector.broadcast %mul3A_89 : i32 to vector<16xi32>
        %mul3A_91 = arith.muli %mul3A_90, %iota3A : vector<16xi32>
        %add3A_92 = arith.constant 32 : i32
        %add3A_93 = vector.broadcast %add3A_92 : i32 to vector<16xi32>
        %add3A_94 = arith.addi %add3A_93, %mul3A_91 : vector<16xi32>
        %mul3A_95 = arith.constant 2 : i32
        %mul3A_96 = vector.broadcast %mul3A_95 : i32 to vector<16xi32>
        %mul3A_97 = arith.muli %mul3A_96, %iota3A : vector<16xi32>
        %add3A_98 = arith.constant 64 : i32
        %add3A_99 = vector.broadcast %add3A_98 : i32 to vector<16xi32>
        %add3A_100 = arith.addi %add3A_99, %mul3A_97 : vector<16xi32>
        %mul3A_101 = arith.constant 2 : i32
        %mul3A_102 = vector.broadcast %mul3A_101 : i32 to vector<16xi32>
        %mul3A_103 = arith.muli %mul3A_102, %iota3A : vector<16xi32>
        %add3A_104 = arith.constant 96 : i32
        %add3A_105 = vector.broadcast %add3A_104 : i32 to vector<16xi32>
        %add3A_106 = arith.addi %add3A_105, %mul3A_103 : vector<16xi32>
        %parallel_loop3A = arith.constant 0 : i32
        %parallel_loop3A_107 = arith.constant 128 : i32
        %parallel_loop3A_108 = arith.constant 1 : i32
        scf.for %parallel_loop3A_125 = %parallel_loop3A to %parallel_loop3A_107 step %parallel_loop3A_108  : i32 {
          %parallel_loop3A_126 = vector.broadcast %parallel_loop3A_125 : i32 to vector<16xi32>
          %parallel_loop3A_127 = arith.addi %iota3A, %parallel_loop3A_126 : vector<16xi32>
          %parallel_loop3A_128 = arith.constant 127 : i32
          %parallel_loop3A_129 = vector.broadcast %parallel_loop3A_128 : i32 to vector<16xi32>
          %parallel_loop3A_130 = arith.andi %parallel_loop3A_127, %parallel_loop3A_129 : vector<16xi32>
          %parallel_loop3A_131 = arith.constant 63 : i32
          %parallel_loop3A_132 = vector.broadcast %parallel_loop3A_131 : i32 to vector<16xi32>
          %parallel_loop3A_133 = arith.andi %parallel_loop3A_130, %parallel_loop3A_132 : vector<16xi32>
          %parallel_loop3A_134 = arith.constant 6 : i32
          %parallel_loop3A_135 = vector.broadcast %parallel_loop3A_134 : i32 to vector<16xi32>
          %parallel_loop3A_136 = arith.shrui %parallel_loop3A_130, %parallel_loop3A_135 : vector<16xi32>
          %parallel_loop3A_137 = arith.addi %add3A_88, %parallel_loop3A_136 : vector<16xi32>
          %parallel_loop3A_138 = tpu.vector_load_idx %arg5[%parallel_loop3A_133, %parallel_loop3A_137] : memref<64x128xf32, #tpu.memory_space<vmem>>[vector<16xi32>, vector<16xi32>], vector<16xf32>,
          tpu.vector_store_idx %arg7[%add3A_73, %parallel_loop3A_130], %parallel_loop3A_138 : memref<64x128xf32, #tpu.memory_space<vmem>>[vector<16xi32>, vector<16xi32>], vector<16xf32>,
          %parallel_loop3A_139 = arith.addi %add3A_94, %parallel_loop3A_136 : vector<16xi32>
          %parallel_loop3A_140 = tpu.vector_load_idx %arg5[%parallel_loop3A_133, %parallel_loop3A_139] : memref<64x128xf32, #tpu.memory_space<vmem>>[vector<16xi32>, vector<16xi32>], vector<16xf32>,
          tpu.vector_store_idx %arg7[%add3A_76, %parallel_loop3A_130], %parallel_loop3A_140 : memref<64x128xf32, #tpu.memory_space<vmem>>[vector<16xi32>, vector<16xi32>], vector<16xf32>,
          %parallel_loop3A_141 = arith.addi %add3A_100, %parallel_loop3A_136 : vector<16xi32>
          %parallel_loop3A_142 = tpu.vector_load_idx %arg5[%parallel_loop3A_133, %parallel_loop3A_141] : memref<64x128xf32, #tpu.memory_space<vmem>>[vector<16xi32>, vector<16xi32>], vector<16xf32>,
          tpu.vector_store_idx %arg7[%add3A_79, %parallel_loop3A_130], %parallel_loop3A_142 : memref<64x128xf32, #tpu.memory_space<vmem>>[vector<16xi32>, vector<16xi32>], vector<16xf32>,
          %parallel_loop3A_143 = arith.addi %add3A_106, %parallel_loop3A_136 : vector<16xi32>
          %parallel_loop3A_144 = tpu.vector_load_idx %arg5[%parallel_loop3A_133, %parallel_loop3A_143] : memref<64x128xf32, #tpu.memory_space<vmem>>[vector<16xi32>, vector<16xi32>], vector<16xf32>,
          tpu.vector_store_idx %arg7[%add3A_82, %parallel_loop3A_130], %parallel_loop3A_144 : memref<64x128xf32, #tpu.memory_space<vmem>>[vector<16xi32>, vector<16xi32>], vector<16xf32>,
        } {sc.loop_unroll_factor = 4 : i64, sc.parallel_access}
        %mul3A_109 = arith.constant 32 : i32
        %mul3A_110 = arith.muli %mul3A_109, %add3A_40 : i32
        %add3A_111 = arith.addi %add3A, %mul3A_110 : i32
        %mul3A_112 = arith.constant 64 : i32
        %mul3A_113 = arith.muli %mul3A_112, %add3A_111 : i32
        %dma_start3A_114 = arith.constant 0 : i32
        %dma_start3A_115 = tpu.memref_slice %arg4[%mul3A_113, %dma_start3A_114] : memref<500000x128xf32, #tpu.memory_space<hbm>> -> memref<64x128xf32, #tpu.memory_space<hbm>>
        %dma_start3A_116 = arith.constant 0 : i32
        %dma_start3A_117 = tpu.memref_slice %arg4[%mul3A_113, %dma_start3A_116] : memref<500000x128xf32, #tpu.memory_space<hbm>> -> memref<64x128xf32, #tpu.memory_space<hbm>>
        tpu.enqueue_dma source(%arg7 : memref<64x128xf32, #tpu.memory_space<vmem>>) target(%dma_start3A_117 : memref<64x128xf32, #tpu.memory_space<hbm>>) target_semaphore(%arg12 : memref<!tpu.dma_semaphore, #tpu.memory_space<semaphore_mem>>)
        %add3A_118 = arith.constant 64 : i32
        %add3A_119 = arith.addi %add3A_43, %add3A_118 : i32
        %lt3A_120 = arith.constant 7812 : i32
        %lt3A_121 = arith.cmpi slt, %add3A_119, %lt3A_120 : i32
        %convert_element_type3A_122 = arith.extui %lt3A_121 : i1 to i32
        %cond3A_123 = arith.constant 0 : i32
        %cond3A_124 = arith.cmpi ne, %convert_element_type3A_122, %cond3A_123 : i32
        scf.if %cond3A_124 {
          %add3A_125 = arith.constant 2 : i32
          %add3A_126 = arith.addi %add3A_40, %add3A_125 : i32
          %mul3A_127 = arith.constant 32 : i32
          %mul3A_128 = arith.muli %mul3A_127, %add3A_126 : i32
          %add3A_129 = arith.addi %add3A, %mul3A_128 : i32
          %mul3A_130 = arith.constant 128 : i32
          %mul3A_131 = arith.muli %mul3A_130, %add3A_129 : i32
          %dma_start3A_132 = arith.constant 0 : i32
          %dma_start3A_133 = tpu.memref_slice %arg2[%dma_start3A_132, %mul3A_131] : memref<64x1000000xf32, #tpu.memory_space<hbm>> -> memref<64x128xf32, #tpu.memory_space<hbm>>
          %dma_start3A_134 = arith.constant 0 : i32
          %dma_start3A_135 = tpu.memref_slice %arg2[%dma_start3A_134, %mul3A_131] : memref<64x1000000xf32, #tpu.memory_space<hbm>> -> memref<64x128xf32, #tpu.memory_space<hbm>>
          tpu.enqueue_dma source(%dma_start3A_135 : memref<64x128xf32, #tpu.memory_space<hbm>>) target(%arg5 : memref<64x128xf32, #tpu.memory_space<vmem>>) target_semaphore(%arg10 : memref<!tpu.dma_semaphore, #tpu.memory_space<semaphore_mem>>)
        } else {
        }
      } else {
      }
      %mul3A_48 = arith.constant 2 : i32
      %mul3A_49 = arith.muli %mul3A_48, %scan3A_35 : i32
      %add3A_50 = arith.constant 1 : i32
      %add3A_51 = arith.addi %mul3A_49, %add3A_50 : i32
      %mul3A_52 = arith.constant 32 : i32
      %mul3A_53 = arith.muli %mul3A_52, %add3A_51 : i32
      %add3A_54 = arith.addi %add3A, %mul3A_53 : i32
      %lt3A_55 = arith.constant 7812 : i32
      %lt3A_56 = arith.cmpi slt, %add3A_54, %lt3A_55 : i32
      %convert_element_type3A_57 = arith.extui %lt3A_56 : i1 to i32
      %cond3A_58 = arith.constant 0 : i32
      %cond3A_59 = arith.cmpi ne, %convert_element_type3A_57, %cond3A_58 : i32
      scf.if %cond3A_59 {
        %dma_wait3A_61 = arith.constant 0 : i32
        %dma_wait3A_62 = arith.constant 0 : i32
        %dma_wait3A_63 = tpu.memref_slice %arg2[%dma_wait3A_61, %dma_wait3A_62] : memref<64x1000000xf32, #tpu.memory_space<hbm>> -> memref<64x128xf32, #tpu.memory_space<hbm>>
        %dma_wait3A_64 = arith.constant 0 : i32
        %dma_wait3A_65 = arith.constant 0 : i32
        %dma_wait3A_66 = tpu.memref_slice %arg2[%dma_wait3A_64, %dma_wait3A_65] : memref<64x1000000xf32, #tpu.memory_space<hbm>> -> memref<64x128xf32, #tpu.memory_space<hbm>>
        tpu.wait_dma2 semaphore(%arg11 : memref<!tpu.dma_semaphore, #tpu.memory_space<semaphore_mem>>) src(%dma_wait3A_66 : memref<64x128xf32, #tpu.memory_space<hbm>>) dst(%arg6 : memref<64x128xf32, #tpu.memory_space<vmem>>)
        %ge3A = arith.constant 2 : i32
        %ge3A_67 = arith.cmpi sge, %add3A_51, %ge3A : i32
        %convert_element_type3A_68 = arith.extui %ge3A_67 : i1 to i32
        %cond3A_69 = arith.constant 0 : i32
        %cond3A_70 = arith.cmpi ne, %convert_element_type3A_68, %cond3A_69 : i32
        scf.if %cond3A_70 {
          %dma_wait3A_125 = arith.constant 0 : i32
          %dma_wait3A_126 = arith.constant 0 : i32
          %dma_wait3A_127 = tpu.memref_slice %arg4[%dma_wait3A_125, %dma_wait3A_126] : memref<500000x128xf32, #tpu.memory_space<hbm>> -> memref<64x128xf32, #tpu.memory_space<hbm>>
          %dma_wait3A_128 = arith.constant 0 : i32
          %dma_wait3A_129 = arith.constant 0 : i32
          %dma_wait3A_130 = tpu.memref_slice %arg4[%dma_wait3A_128, %dma_wait3A_129] : memref<500000x128xf32, #tpu.memory_space<hbm>> -> memref<64x128xf32, #tpu.memory_space<hbm>>
          tpu.wait_dma2 semaphore(%arg13 : memref<!tpu.dma_semaphore, #tpu.memory_space<semaphore_mem>>) src(%arg8 : memref<64x128xf32, #tpu.memory_space<vmem>>) dst(%dma_wait3A_130 : memref<64x128xf32, #tpu.memory_space<hbm>>)
        } else {
        }
        %iota3A = tpu.iota {dimensions = array<i32: 0>} : vector<16xi32>
        %add3A_71 = arith.constant 0 : i32
        %add3A_72 = vector.broadcast %add3A_71 : i32 to vector<16xi32>
        %add3A_73 = arith.addi %iota3A, %add3A_72 : vector<16xi32>
        %add3A_74 = arith.constant 16 : i32
        %add3A_75 = vector.broadcast %add3A_74 : i32 to vector<16xi32>
        %add3A_76 = arith.addi %iota3A, %add3A_75 : vector<16xi32>
        %add3A_77 = arith.constant 32 : i32
        %add3A_78 = vector.broadcast %add3A_77 : i32 to vector<16xi32>
        %add3A_79 = arith.addi %iota3A, %add3A_78 : vector<16xi32>
        %add3A_80 = arith.constant 48 : i32
        %add3A_81 = vector.broadcast %add3A_80 : i32 to vector<16xi32>
        %add3A_82 = arith.addi %iota3A, %add3A_81 : vector<16xi32>
        %mul3A_83 = arith.constant 2 : i32
        %mul3A_84 = vector.broadcast %mul3A_83 : i32 to vector<16xi32>
        %mul3A_85 = arith.muli %mul3A_84, %iota3A : vector<16xi32>
        %add3A_86 = arith.constant 0 : i32
        %add3A_87 = vector.broadcast %add3A_86 : i32 to vector<16xi32>
        %add3A_88 = arith.addi %add3A_87, %mul3A_85 : vector<16xi32>
        %mul3A_89 = arith.constant 2 : i32
        %mul3A_90 = vector.broadcast %mul3A_89 : i32 to vector<16xi32>
        %mul3A_91 = arith.muli %mul3A_90, %iota3A : vector<16xi32>
        %add3A_92 = arith.constant 32 : i32
        %add3A_93 = vector.broadcast %add3A_92 : i32 to vector<16xi32>
        %add3A_94 = arith.addi %add3A_93, %mul3A_91 : vector<16xi32>
        %mul3A_95 = arith.constant 2 : i32
        %mul3A_96 = vector.broadcast %mul3A_95 : i32 to vector<16xi32>
        %mul3A_97 = arith.muli %mul3A_96, %iota3A : vector<16xi32>
        %add3A_98 = arith.constant 64 : i32
        %add3A_99 = vector.broadcast %add3A_98 : i32 to vector<16xi32>
        %add3A_100 = arith.addi %add3A_99, %mul3A_97 : vector<16xi32>
        %mul3A_101 = arith.constant 2 : i32
        %mul3A_102 = vector.broadcast %mul3A_101 : i32 to vector<16xi32>
        %mul3A_103 = arith.muli %mul3A_102, %iota3A : vector<16xi32>
        %add3A_104 = arith.constant 96 : i32
        %add3A_105 = vector.broadcast %add3A_104 : i32 to vector<16xi32>
        %add3A_106 = arith.addi %add3A_105, %mul3A_103 : vector<16xi32>
        %parallel_loop3A = arith.constant 0 : i32
        %parallel_loop3A_107 = arith.constant 128 : i32
        %parallel_loop3A_108 = arith.constant 1 : i32
        scf.for %parallel_loop3A_125 = %parallel_loop3A to %parallel_loop3A_107 step %parallel_loop3A_108  : i32 {
          %parallel_loop3A_126 = vector.broadcast %parallel_loop3A_125 : i32 to vector<16xi32>
          %parallel_loop3A_127 = arith.addi %iota3A, %parallel_loop3A_126 : vector<16xi32>
          %parallel_loop3A_128 = arith.constant 127 : i32
          %parallel_loop3A_129 = vector.broadcast %parallel_loop3A_128 : i32 to vector<16xi32>
          %parallel_loop3A_130 = arith.andi %parallel_loop3A_127, %parallel_loop3A_129 : vector<16xi32>
          %parallel_loop3A_131 = arith.constant 63 : i32
          %parallel_loop3A_132 = vector.broadcast %parallel_loop3A_131 : i32 to vector<16xi32>
          %parallel_loop3A_133 = arith.andi %parallel_loop3A_130, %parallel_loop3A_132 : vector<16xi32>
          %parallel_loop3A_134 = arith.constant 6 : i32
          %parallel_loop3A_135 = vector.broadcast %parallel_loop3A_134 : i32 to vector<16xi32>
          %parallel_loop3A_136 = arith.shrui %parallel_loop3A_130, %parallel_loop3A_135 : vector<16xi32>
          %parallel_loop3A_137 = arith.addi %add3A_88, %parallel_loop3A_136 : vector<16xi32>
          %parallel_loop3A_138 = tpu.vector_load_idx %arg6[%parallel_loop3A_133, %parallel_loop3A_137] : memref<64x128xf32, #tpu.memory_space<vmem>>[vector<16xi32>, vector<16xi32>], vector<16xf32>,
          tpu.vector_store_idx %arg8[%add3A_73, %parallel_loop3A_130], %parallel_loop3A_138 : memref<64x128xf32, #tpu.memory_space<vmem>>[vector<16xi32>, vector<16xi32>], vector<16xf32>,
          %parallel_loop3A_139 = arith.addi %add3A_94, %parallel_loop3A_136 : vector<16xi32>
          %parallel_loop3A_140 = tpu.vector_load_idx %arg6[%parallel_loop3A_133, %parallel_loop3A_139] : memref<64x128xf32, #tpu.memory_space<vmem>>[vector<16xi32>, vector<16xi32>], vector<16xf32>,
          tpu.vector_store_idx %arg8[%add3A_76, %parallel_loop3A_130], %parallel_loop3A_140 : memref<64x128xf32, #tpu.memory_space<vmem>>[vector<16xi32>, vector<16xi32>], vector<16xf32>,
          %parallel_loop3A_141 = arith.addi %add3A_100, %parallel_loop3A_136 : vector<16xi32>
          %parallel_loop3A_142 = tpu.vector_load_idx %arg6[%parallel_loop3A_133, %parallel_loop3A_141] : memref<64x128xf32, #tpu.memory_space<vmem>>[vector<16xi32>, vector<16xi32>], vector<16xf32>,
          tpu.vector_store_idx %arg8[%add3A_79, %parallel_loop3A_130], %parallel_loop3A_142 : memref<64x128xf32, #tpu.memory_space<vmem>>[vector<16xi32>, vector<16xi32>], vector<16xf32>,
          %parallel_loop3A_143 = arith.addi %add3A_106, %parallel_loop3A_136 : vector<16xi32>
          %parallel_loop3A_144 = tpu.vector_load_idx %arg6[%parallel_loop3A_133, %parallel_loop3A_143] : memref<64x128xf32, #tpu.memory_space<vmem>>[vector<16xi32>, vector<16xi32>], vector<16xf32>,
          tpu.vector_store_idx %arg8[%add3A_82, %parallel_loop3A_130], %parallel_loop3A_144 : memref<64x128xf32, #tpu.memory_space<vmem>>[vector<16xi32>, vector<16xi32>], vector<16xf32>,
        } {sc.loop_unroll_factor = 4 : i64, sc.parallel_access}
        %mul3A_109 = arith.constant 32 : i32
        %mul3A_110 = arith.muli %mul3A_109, %add3A_51 : i32
        %add3A_111 = arith.addi %add3A, %mul3A_110 : i32
        %mul3A_112 = arith.constant 64 : i32
        %mul3A_113 = arith.muli %mul3A_112, %add3A_111 : i32
        %dma_start3A_114 = arith.constant 0 : i32
        %dma_start3A_115 = tpu.memref_slice %arg4[%mul3A_113, %dma_start3A_114] : memref<500000x128xf32, #tpu.memory_space<hbm>> -> memref<64x128xf32, #tpu.memory_space<hbm>>
        %dma_start3A_116 = arith.constant 0 : i32
        %dma_start3A_117 = tpu.memref_slice %arg4[%mul3A_113, %dma_start3A_116] : memref<500000x128xf32, #tpu.memory_space<hbm>> -> memref<64x128xf32, #tpu.memory_space<hbm>>
        tpu.enqueue_dma source(%arg8 : memref<64x128xf32, #tpu.memory_space<vmem>>) target(%dma_start3A_117 : memref<64x128xf32, #tpu.memory_space<hbm>>) target_semaphore(%arg13 : memref<!tpu.dma_semaphore, #tpu.memory_space<semaphore_mem>>)
        %add3A_118 = arith.constant 64 : i32
        %add3A_119 = arith.addi %add3A_54, %add3A_118 : i32
        %lt3A_120 = arith.constant 7812 : i32
        %lt3A_121 = arith.cmpi slt, %add3A_119, %lt3A_120 : i32
        %convert_element_type3A_122 = arith.extui %lt3A_121 : i1 to i32
        %cond3A_123 = arith.constant 0 : i32
        %cond3A_124 = arith.cmpi ne, %convert_element_type3A_122, %cond3A_123 : i32
        scf.if %cond3A_124 {
          %add3A_125 = arith.constant 2 : i32
          %add3A_126 = arith.addi %add3A_51, %add3A_125 : i32
          %mul3A_127 = arith.constant 32 : i32
          %mul3A_128 = arith.muli %mul3A_127, %add3A_126 : i32
          %add3A_129 = arith.addi %add3A, %mul3A_128 : i32
          %mul3A_130 = arith.constant 128 : i32
          %mul3A_131 = arith.muli %mul3A_130, %add3A_129 : i32
          %dma_start3A_132 = arith.constant 0 : i32
          %dma_start3A_133 = tpu.memref_slice %arg2[%dma_start3A_132, %mul3A_131] : memref<64x1000000xf32, #tpu.memory_space<hbm>> -> memref<64x128xf32, #tpu.memory_space<hbm>>
          %dma_start3A_134 = arith.constant 0 : i32
          %dma_start3A_135 = tpu.memref_slice %arg2[%dma_start3A_134, %mul3A_131] : memref<64x1000000xf32, #tpu.memory_space<hbm>> -> memref<64x128xf32, #tpu.memory_space<hbm>>
          tpu.enqueue_dma source(%dma_start3A_135 : memref<64x128xf32, #tpu.memory_space<hbm>>) target(%arg6 : memref<64x128xf32, #tpu.memory_space<vmem>>) target_semaphore(%arg11 : memref<!tpu.dma_semaphore, #tpu.memory_space<semaphore_mem>>)
        } else {
        }
      } else {
      }
      %scan3A_60 = arith.constant 0 : i32
      scf.yield %scan3A_60 : i32
    }
    %scan3A_21 = arith.constant 123 : i32
    %dma_wait3A = arith.constant 0 : i32
    %dma_wait3A_22 = arith.constant 0 : i32
    %dma_wait3A_23 = tpu.memref_slice %arg4[%dma_wait3A, %dma_wait3A_22] : memref<500000x128xf32, #tpu.memory_space<hbm>> -> memref<64x128xf32, #tpu.memory_space<hbm>>
    %dma_wait3A_24 = arith.constant 0 : i32
    %dma_wait3A_25 = arith.constant 0 : i32
    %dma_wait3A_26 = tpu.memref_slice %arg4[%dma_wait3A_24, %dma_wait3A_25] : memref<500000x128xf32, #tpu.memory_space<hbm>> -> memref<64x128xf32, #tpu.memory_space<hbm>>
    tpu.wait_dma2 semaphore(%arg12 : memref<!tpu.dma_semaphore, #tpu.memory_space<semaphore_mem>>) src(%arg7 : memref<64x128xf32, #tpu.memory_space<vmem>>) dst(%dma_wait3A_26 : memref<64x128xf32, #tpu.memory_space<hbm>>)
    %dma_wait3A_27 = arith.constant 0 : i32
    %dma_wait3A_28 = arith.constant 0 : i32
    %dma_wait3A_29 = tpu.memref_slice %arg4[%dma_wait3A_27, %dma_wait3A_28] : memref<500000x128xf32, #tpu.memory_space<hbm>> -> memref<64x128xf32, #tpu.memory_space<hbm>>
    %dma_wait3A_30 = arith.constant 0 : i32
    %dma_wait3A_31 = arith.constant 0 : i32
    %dma_wait3A_32 = tpu.memref_slice %arg4[%dma_wait3A_30, %dma_wait3A_31] : memref<500000x128xf32, #tpu.memory_space<hbm>> -> memref<64x128xf32, #tpu.memory_space<hbm>>
    tpu.wait_dma2 semaphore(%arg13 : memref<!tpu.dma_semaphore, #tpu.memory_space<semaphore_mem>>) src(%arg8 : memref<64x128xf32, #tpu.memory_space<vmem>>) dst(%dma_wait3A_32 : memref<64x128xf32, #tpu.memory_space<hbm>>)
    %eq3A = arith.constant 0 : i32
    %eq3A_33 = arith.cmpi eq, %add3A, %eq3A : i32
    %convert_element_type3A = arith.extui %eq3A_33 : i1 to i32
    %cond3A = arith.constant 0 : i32
    %cond3A_34 = arith.cmpi ne, %convert_element_type3A, %cond3A : i32
    scf.if %cond3A_34 {
      "tpu.region"() ({
        %run_scoped3A = tpu.sem_alloc : memref<!tpu.dma_semaphore, #tpu.memory_space<semaphore_mem>>
        tpu.enqueue_dma source(%arg3 : memref<32x128xf32, #tpu.memory_space<hbm>>) target(%arg9 : memref<32x128xf32, #tpu.memory_space<vmem>>) target_semaphore(%run_scoped3A : memref<!tpu.dma_semaphore, #tpu.memory_space<semaphore_mem>>)
        tpu.wait_dma2 semaphore(%run_scoped3A : memref<!tpu.dma_semaphore, #tpu.memory_space<semaphore_mem>>) src(%arg3 : memref<32x128xf32, #tpu.memory_space<hbm>>) dst(%arg9 : memref<32x128xf32, #tpu.memory_space<vmem>>)
        tpu.yield
      }) : () -> ()
      "tpu.region"() ({
        %run_scoped3A = tpu.sem_alloc : memref<!tpu.dma_semaphore, #tpu.memory_space<semaphore_mem>>
        %dma_start3A_35 = arith.constant 499968 : i32
        %dma_start3A_36 = arith.constant 0 : i32
        %dma_start3A_37 = tpu.memref_slice %arg4[%dma_start3A_35, %dma_start3A_36] : memref<500000x128xf32, #tpu.memory_space<hbm>> -> memref<32x128xf32, #tpu.memory_space<hbm>>
        %dma_start3A_38 = arith.constant 499968 : i32
        %dma_start3A_39 = arith.constant 0 : i32
        %dma_start3A_40 = tpu.memref_slice %arg4[%dma_start3A_38, %dma_start3A_39] : memref<500000x128xf32, #tpu.memory_space<hbm>> -> memref<32x128xf32, #tpu.memory_space<hbm>>
        tpu.enqueue_dma source(%arg9 : memref<32x128xf32, #tpu.memory_space<vmem>>) target(%dma_start3A_40 : memref<32x128xf32, #tpu.memory_space<hbm>>) target_semaphore(%run_scoped3A : memref<!tpu.dma_semaphore, #tpu.memory_space<semaphore_mem>>)
        %dma_wait3A_41 = arith.constant 499968 : i32
        %dma_wait3A_42 = arith.constant 0 : i32
        %dma_wait3A_43 = tpu.memref_slice %arg4[%dma_wait3A_41, %dma_wait3A_42] : memref<500000x128xf32, #tpu.memory_space<hbm>> -> memref<32x128xf32, #tpu.memory_space<hbm>>
        %dma_wait3A_44 = arith.constant 499968 : i32
        %dma_wait3A_45 = arith.constant 0 : i32
        %dma_wait3A_46 = tpu.memref_slice %arg4[%dma_wait3A_44, %dma_wait3A_45] : memref<500000x128xf32, #tpu.memory_space<hbm>> -> memref<32x128xf32, #tpu.memory_space<hbm>>
        tpu.wait_dma2 semaphore(%run_scoped3A : memref<!tpu.dma_semaphore, #tpu.memory_space<semaphore_mem>>) src(%arg9 : memref<32x128xf32, #tpu.memory_space<vmem>>) dst(%dma_wait3A_46 : memref<32x128xf32, #tpu.memory_space<hbm>>)
        tpu.yield
      }) : () -> ()
    } else {
    }
    return
  }
}

</mosaic_0001>

<sc_bundles>
// kernel: kernel.4.cloned.1.call-start
scs
__scs_entry_jumppad:
0x0: {  	(pc) =	sbr.rel $0x88, $3  }
0x1: {  	(tag) =	ssettag $0x0;
	lr =	simm.s32 $0x1  }
0x2: {  	[smem:$0x3F9F] =	sst lr;
	_ =	strace $0xD0000000  }
0x3: {  	_ = 	snop  }
0x4: {  	_ = 	snop  }
0x5: {  	_ = 	snop  }
0x6: {  	_ = 	snop  }
0x7: {  	_ = 	snop  }
__scs_overlays_trampoline_lowered:
0x8: {  	[smem:$0x3FAE] =	sst s0  }
0x9: {  	[smem:$0x3FAF] =	sst s1  }
0xa: {  	[smem:$0x3FB0] =	sst s2  }
0xb: {  	[smem:$0x3FB1] =	sst s3  }
0xc: {  	[smem:$0x3FB2] =	sst s4  }
0xd: {  	[smem:$0x3FB3] =	sst s5  }
0xe: {  	[smem:$0x3FB4] =	sst s6  }
0xf: {  	[smem:$0x3FB5] =	sst s7  }
0x10: {  	[smem:$0x3FB6] =	sst s8  }
0x11: {  	[smem:$0x3FB7] =	sst s9;
	s0 =	simm.s32 @!p0 $0x0  }
0x12: {  	s1 =	sld [smem:$0x3F9D];
	s0 =	simm.s32 @p0 $0x1  }
0x13: {  	[smem:$0x3FB8] =	sst s0;
	s0 =	simm.s32 @!p1 $0x0  }
0x14: {  	s2 =	sld [smem:$0x3F9C];
	s0 =	simm.s32 @p1 $0x1  }
0x15: {  	[smem:$0x3FB9] =	sst s0;
	s0 =	simm.s32 @!p2 $0x0  }
0x16: {  	s3 =	sld [smem:$0x3FDB];
	s0 =	simm.s32 @p2 $0x1  }
0x17: {  	s4 =	simm.s32 $0x1BF5;
	[smem:$0x3FBB] =	sst s0  }
0x18: {  	s0 =	sld [smem:$0x3F9E];
	_ =	swait.ge [sflag:s4], $0x0  }
0x19: {  	s7 =	sld [smem:$0x3F9F]  }
0x1a: {  	s8 =	sadd.s32 $0xFFFFE003, lr  }
0x1b: {  	s9 =	sadd.s32 $0xFFFFFEF7, lr;
	s5 =	simm.s32 $0xFFFFFFFF;
	p2 =	slt.u32 s8, $0xFFFFF086  }
0x1c: {  	p1 =	slt.u32 s9, $0xF7A;
	s5 =	simm.s32 @!p2 $0x0  }
0x1d: {  	s5 =	simm.s32 @p1 $0x1;
	p0 =	seq.s32 s7, s2  }
0x1e: {  	s7 =	smul.u32 @!p0 $0xF7A, s2;
	p2 =	seq.s32 @!p0 s5, $0x0  }
0x1f: {  	s9 =	smul.u32 $0xF7A, s1;
	s8 =	simm.s32 @!p0 $0x1BF5;
	p2 =	por !p2, p0  }
0x20: {  	[sflag:s8] =	ssyncset.s32 @!p0 $0xFFFFF086;
	s6 =	sadd.s32 @!p0 s3, s7;
	s7 =	simm.s32 @!p0 $0x108  }
0x21: {  	s3 =	sadd.s32 s3, s9;
	s6 =	sadd.s32 @!p0 $0x88, s6;
	s7 =	simm.s32 @p2 $0x1082  }
0x22: {  	[simem:s7], [sflag:s8] =	dma.local @!p0 [hbm:s6], $0xF7A  }
0x23: {  	s9 =	sor.u32 $0xD0000000, s2;
	s6 =	simm.s32 $0x108;
	_ =	swait.ge @!p0 [sflag:s8], $0x0  }
0x24: {  	s3 =	sadd.s32 $0x88, s3;
	s6 =	simm.s32 @!p1 $0x1082;
	[sflag:s4] =	ssyncset.s32 $0xFFFFF086  }
0x25: {  	[simem:s6], [sflag:s4] =	dma.local [hbm:s3], $0xF7A  }
0x26: {  	[smem:$0x3F9F] =	sst s1;
	(tag) =	ssettag s2;
	_ =	strace s9  }
0x27: {  	s1 =	sld [smem:$0x3FAF]  }
0x28: {  	s2 =	sld [smem:$0x3FB0]  }
0x29: {  	s4 =	sld [smem:$0x3FB2]  }
0x2a: {  	p0 =	seq.s32 s5, $0x0;
	s5 =	sld [smem:$0x3FB3]  }
0x2b: {  	s6 =	sld [smem:$0x3FB4]  }
0x2c: {  	s7 =	sld [smem:$0x3FB5]  }
0x2d: {  	s3 =	simm.s32 $0x108;
	s8 =	sld [smem:$0x3FB6]  }
0x2e: {  	s3 =	simm.s32 @!p0 $0x1082;
	s9 =	sld [smem:$0x3FB7]  }
0x2f: {  	lr =	sadd.s32 s0, s3;
	s0 =	sld [smem:$0x3FAE]  }
0x30: {  	s3 =	sld [smem:$0x3FB1]  }
0x31: {  	[smem:$0x3FBA] =	sst s10  }
0x32: {  	s10 =	sld [smem:$0x3FB8];
	_ =	sdelay $0x3  }
0x33: {  	p0 =	seq.s32 s10, $0x1;
	s10 =	sld [smem:$0x3FBA];
	_ =	sdelay $0x3  }
0x34: {  	[smem:$0x3FBA] =	sst s10  }
0x35: {  	s10 =	sld [smem:$0x3FB9];
	_ =	sdelay $0x3  }
0x36: {  	p1 =	seq.s32 s10, $0x1;
	s10 =	sld [smem:$0x3FBA];
	_ =	sdelay $0x3  }
0x37: {  	[smem:$0x3FBA] =	sst s10  }
0x38: {  	s10 =	sld [smem:$0x3FBB]  }
0x39: {  	_ = 	snop;
	(pc) =	sbr.ind lr, $3  }
0x3a: {  	_ = 	snop  }
0x3b: {  	_ = 	snop  }
0x3c: {  	p2 =	seq.s32 s10, $0x1;
	s10 =	sld [smem:$0x3FBA]  }
0x3d: {  	_ =	shalt  }
0x3e: {  	_ =	shalt  }
0x3f: {  	_ =	shalt  }
0x40: {  	_ =	shalt  }
0x41: {  	_ =	shalt  }
0x42: {  	_ =	shalt  }
0x43: {  	_ =	shalt  }
0x44: {  	_ =	shalt  }
0x45: {  	_ =	shalt  }
0x46: {  	_ =	shalt  }
0x47: {  	_ =	shalt  }
0x48: {  	_ =	shalt  }
0x49: {  	_ =	shalt  }
0x4a: {  	_ =	shalt  }
0x4b: {  	_ =	shalt  }
0x4c: {  	_ =	shalt  }
0x4d: {  	_ =	shalt  }
0x4e: {  	_ =	shalt  }
0x4f: {  	_ =	shalt  }
0x50: {  	_ =	shalt  }
0x51: {  	_ =	shalt  }
0x52: {  	_ =	shalt  }
0x53: {  	_ =	shalt  }
0x54: {  	_ =	shalt  }
0x55: {  	_ =	shalt  }
0x56: {  	_ =	shalt  }
0x57: {  	_ =	shalt  }
0x58: {  	_ =	shalt  }
0x59: {  	_ =	shalt  }
0x5a: {  	_ =	shalt  }
0x5b: {  	_ =	shalt  }
0x5c: {  	_ =	shalt  }
0x5d: {  	_ =	shalt  }
0x5e: {  	_ =	shalt  }
0x5f: {  	_ =	shalt  }
0x60: {  	_ =	shalt  }
0x61: {  	_ =	shalt  }
0x62: {  	_ =	shalt  }
0x63: {  	_ =	shalt  }
0x64: {  	_ =	shalt  }
0x65: {  	_ =	shalt  }
0x66: {  	_ =	shalt  }
0x67: {  	_ =	shalt  }
0x68: {  	_ =	shalt  }
0x69: {  	_ =	shalt  }
0x6a: {  	_ =	shalt  }
0x6b: {  	_ =	shalt  }
0x6c: {  	_ =	shalt  }
0x6d: {  	_ =	shalt  }
0x6e: {  	_ =	shalt  }
0x6f: {  	_ =	shalt  }
0x70: {  	_ =	shalt  }
0x71: {  	_ =	shalt  }
0x72: {  	_ =	shalt  }
0x73: {  	_ =	shalt  }
0x74: {  	_ =	shalt  }
0x75: {  	_ =	shalt  }
0x76: {  	_ =	shalt  }
0x77: {  	_ =	shalt  }
0x78: {  	_ =	shalt  }
0x79: {  	_ =	shalt  }
0x7a: {  	_ =	shalt  }
0x7b: {  	_ =	shalt  }
0x7c: {  	_ =	shalt  }
0x7d: {  	_ =	shalt  }
0x7e: {  	_ =	shalt  }
0x7f: {  	_ =	shalt  }
0x80: {  	_ =	shalt  }
0x81: {  	_ =	shalt  }
0x82: {  	_ =	shalt  }
0x83: {  	_ =	shalt  }
0x84: {  	_ =	shalt  }
0x85: {  	_ =	shalt  }
0x86: {  	_ =	shalt  }
0x87: {  	_ =	shalt  }
.Lfunc_end0:
.L_simem_size_0:
called_computation_lowered:
.L_overlay_start_0:
0x88: {  	s2 =	sld [smem:$0x3FD9]  }
0x89: {  	s3 =	sld [smem:$0x3FFE];
	_ =	sdelay $0x1  }
0x8a: {  	s1 =	srdreg.scid  }
0x8b: {  	s0 =	sand.u32 $0x1, s1  }
0x8c: {  	s17 =	sshll.u32 s0, $0xA;
	s2 =	sadd.s32 s3, s2  }
0x8d: {  	s2 =	sadd.s32 s2, s17  }
0x8e: {  	[smem:$0x3FC6] =	sst s2  }
0x8f: {  	_ = 	snop  }
0x90: {  	s2 =	sld [smem:$0x3FC8]  }
0x91: {  	s18 =	sld [smem:$0x3FD0];
	(tm) =	ssettm $0x1  }
0x92: {  	s4 =	sld [smem:$0x3FFB];
	_ =	sdelay $0x3  }
0x93: {  	_ =	strace s4  }
0x94: {  	s4 =	sld [smem:$0x3FFC];
	_ =	sdelay $0x3  }
0x95: {  	_ =	strace s4  }
0x96: {  	s4 =	sld [smem:$0x3FFD];
	_ =	sdelay $0x3  }
0x97: {  	_ =	strace s4  }
0x98: {  	_ =	strace $0x8FFFFFFF  }
0x99: {  	s19 =	sld [smem:$0x3FDB];
	_ =	sdelay $0x1  }
0x9a: {  	s5 =	simm.s32 $_scs_section_size  }
0x9b: {  	s6 =	simm.s32 $_size__tile_overlayer_lowered;
	s7 =	simm.s32 $_tile_overlayer_lowered  }
0x9c: {  	s22 =	simm.s32 $0x1BFF;
	s21 =	sshll.u32 s7, $0x1;
	s4 =	sadd.s32 s5, s19  }
0x9d: {  	s8 =	simm.s32 $0x0;
	s20 =	sshll.u32 s6, $0x1;
	s6 =	sadd.s32 s21, s4  }
0x9e: {  	[timem:s8], [sflag:s22] =	dma.local [hbm:s6], s20  }
0x9f: {  	_ =	swait.ge [sflag:s22], s20  }
0xa0: {  	s5 =	ssub.s32 $0x0, s20;
	[sflag:s22] =	ssyncset.done $0x0  }
0xa1: {  	[sflag:s22] =	ssyncadd.s32 s5;
	_ =	sdelay $0x1  }
0xa2: {  	s23 =	simm.s32 $0x1B8B  }
0xa3: {  	_ =	swait.ge [sflag:s23], $0x1  }
0xa4: {  	[sflag:s23] =	ssyncset.done $0x0  }
0xa5: {  	s25 =	simm.s32 $0x1B8E;
	s24 =	sld [smem:$0x3FFE];
	[sflag:s23] =	ssyncadd.s32 $0xFFFFFFFF  }
0xa6: {  	s26 =	simm.s32 $execute0_lowered;
	[smem:$0x3FD2] =	sst s25  }
0xa7: {  	s6 =	sshll.u32 s26, $0x1;
	_ =	strace $0x80000046;
	[dreg:$0x1] =	wrdreg $0xFFFFFFFF  }
0xa8: {  	s28 =	simm.s32 $_size_execute0_lowered;
	s4 =	sadd.s32 s4, s6;
	[dreg:$0x0] =	wrdreg $0x0  }
0xa9: {  	s6 =	sshll.u32 s28, $0x1;
	[dreg:$0x2] =	wrdreg s4  }
0xaa: {  	[dreg:$0x3] =	wrdreg s6  }
0xab: {  	[dreg:$0x4] =	wrdreg $0xC0  }
0xac: {  	_ =	task [dreg:s8], $0x5FFFF  }
0xad: {  	[dreg:$0x1] =	wrdreg $0xFFFFFFFF  }
0xae: {  	[dreg:$0x0] =	wrdreg $0x60  }
0xaf: {  	[dreg:$0x2] =	wrdreg s2  }
0xb0: {  	[dreg:$0x3] =	wrdreg s18  }
0xb1: {  	[dreg:$0x4] =	wrdreg s24  }
0xb2: {  	[dreg:$0x5] =	wrdreg $0x9  }
0xb3: {  	_ =	task.clear_ibuf [dreg:s8], $0x6FFFF;
	_ =	strace $0x90000046  }
0xb4: {  	s29 =	simm.s32 $0x9;
	_ =	strace $0x80000048  }
0xb5: {  	_ =	swait.ge [sflag:s29], $0x1  }
0xb6: {  	[sflag:s29] =	ssyncadd.s32 $0xFFFFFFFF  }
0xb7: {  	_ =	strace $0x90000048  }
0xb8: {  	_ =	sfence  }
0xb9: {  	s30 =	sld [smem:$0x0];
	_ =	sdelay $0x2  }
0xba: {  	s31 =	sshll.u32 s1, $0xD;
	s1 =	sshrl.u32 s1, $0x2  }
0xbb: {  	s3 =	sand.u32 $0x4000, s31;
	s1 =	sadd.s32 s1, s30  }
0xbc: {  	s0 =	sor.u32 s3, s0;
	s1 =	sshll.u32 s1, $0x11  }
0xbd: {  	s0 =	sor.u32 s1, s0  }
0xbe: {  	s0 =	sadd.s32 $0x8F2B, s0  }
0xbf: {  	[sflag:s0] =	ssyncadd.remote.s32 $0x1  }
0xc0: {  	_ =	sfence.sel $0xFFFF  }
0xc1: {  	[dreg:$0x0] =	wrdreg $0xFFFFFFFF;
	(pc) =	sbr.abs _section_cstart, $3  }
0xc2: {  	[dreg:$0x1] =	wrdreg $0xFFFFFFFF  }
0xc3: {  	_ =	task.clear_ibuf [dreg:s8], $0x2FFFF;
	_ =	strace $0x9FFFFFFF  }
0xc4: {  	(tm) =	ssettm $0x7FFFFFFF  }
0xc5: {  	_ =	shalt  }
tec
execute0_lowered:
.L_overlay_start_1:
0x0: {  	(tag) =	ssettag $0x1  }
0x1: {  	s1 =	rddreg [dreg:$0x0]  }
0x2: {  	s3 =	rddreg [dreg:$0x1];
	s2 =	srdreg.scid  }
0x3: {  	s0 =	stileid.u32;
	s11 =	rddreg [dreg:$0x2]  }
0x4: {  	s4 =	simm.s32 $0x0;
	s13 =	simm.s32 $0x400;
	s14 =	simm.s32 $0x7A1400  }
0x5: {  	s15 =	simm.s32 $0x2000;
	s16 =	simm.s32 $0x1;
	s17 =	simm.s32 $0x4000  }
0x6: {  	s18 =	simm.s32 $0x2;
	s19 =	simm.s32 $0x6000;
	s20 =	simm.s32 $0x3  }
0x7: {  	s21 =	simm.s32 $0x4;
	s6 =	sand.u32 $0x1, s2;
	s2 =	rddreg [dreg:$0x3]  }
0x8: {  	s22 =	simm.s32 $0x0;
	s5 =	sshll.u32 s0, $0x1;
	[smem:$0x7FF] =	sst s4  }
.Ltmp0:
0x9: {  	v0 =	vlaneseq.u32;
	s7 =	sadd.s32 $0xA00, s11;
	s11 =	sadd.s32 $0x7A1A00, s11;
	(pc) =	sbr.rel .LBB2_1-.Ltmp0, $4  }
0xa: {  	v1 =	vmul.u32 $0x2, v0;
	v2 =	vmul.u32 $0x80, v0;
	s5 =	sor.u32 s6, s5;
	s8 =	ssub.s32 $0x2, s6;
	_ =	strace $0x80000047  }
0xb: {  	s31 =	sshll.u32 s5, $0x7;
	s9 =	sshrl.u32 s8, $0x1;
	s10 =	sor.u32 $0x60, s5  }
0xc: {  	v3 =	vor.u32 $0x20, v1;
	v4 =	vor.u32 $0x800, v2;
	v5 =	vor.u32 $0x40, v1;
	p0 =	sne.s32 s5, $0x0;
	s6 =	sadd.s32 s1, s31;
	s12 =	ssub.s32 s8, s9  }
0xd: {  	v6 =	vor.u32 $0x1000, v2;
	v7 =	vor.u32 $0x60, v1;
	v8 =	vor.u32 $0x1800, v2;
	s9 =	sor.u32 $0x40, s5;
	s8 =	sadd.s32 $0x1000, s6;
	s12 =	smax.u32 s12, $0x1  }
.LBB2_11:
0xe: {  	_ =	swait.ge [sflag:s20], $0x2000  }
0xf: {  	[sflag:s20] =	ssyncset.done $0x0  }
0x10: {  	[sflag:s20] =	ssyncadd.s32 $0xFFFFE000  }
0x11: {  	_ =	swait.ge [sflag:s21], $0x2000  }
0x12: {  	s23 =	simm.s32 @!p0 $0x0;
	[sflag:s21] =	ssyncset.done $0x0  }
0x13: {  	s24 =	simm.s32 @!p0 $0x8000;
	s25 =	simm.s32 @!p0 $0x5;
	[sflag:s21] =	ssyncadd.s32 $0xFFFFE000  }
0x14: {  	[tilespmem:s24], [sflag:$0x5] =	stream.linear.gather @!p0 [hbm4b:s3+s23], $0x1000, $0x38;
	[tilespmem:$0x9000] =	vst v63  }
0x15: {  	s22 =	sadd.s32 $0x1, s22;
	_ =	swait.ge @!p0 [sflag:s25], $0x1000  }
0x16: {  	p1 =	sne.s32 s22, s12;
	[sflag:s25] =	ssyncset.done @!p0 $0x0  }
.Ltmp1:
0x17: {  	[sflag:s25] =	ssyncadd.s32 @!p0 $0xFFFFF000;
	(pc) =	sbr.rel @!p1 .LBB2_12-.Ltmp1, $4  }
0x18: {  	[hbm4b:s11+s23] =	stream.linear.scatter @!p0 [tilespmem:s24], [sflag:$0x5], $0x1000, $0x38;
	[tilespmem:$0x9000] =	vst v63  }
0x19: {  	_ =	swait.ge @!p0 [sflag:s25], $0x1000  }
0x1a: {  	[sflag:s25] =	ssyncset.done @!p0 $0x0  }
0x1b: {  	[sflag:s25] =	ssyncadd.s32 @!p0 $0xFFFFF000  }
.LBB2_1:
.Ltmp2:
0x1c: {  	(pc) =	sbr.rel .LBB2_2-.Ltmp2, $4  }
0x1d: {  	_ = 	snop  }
0x1e: {  	[tilespmem:s4], [sflag:$0x1] =	stream.strided.gather [hbm4b:s6+s13], $0x2000, s14, s13, $0x38;
	[tilespmem:$0x9000] =	vst v63  }
0x1f: {  	s23 =	simm.s32 $0x0  }
0x20: {  	[tilespmem:s15], [sflag:$0x2] =	stream.strided.gather [hbm4b:s8+s13], $0x2000, s14, s13, $0x38;
	[tilespmem:$0x9000] =	vst v63  }
.LBB2_10:
0x21: {  	s23 =	sadd.s32 $0x1, s23  }
0x22: {  	p1 =	sne.s32 s23, $0x7B  }
.Ltmp3:
0x23: {  	_ = 	snop;
	(pc) =	sbr.rel @!p1 .LBB2_11-.Ltmp3, $1  }
0x24: {  	_ =	sdelay $0x3  }
.LBB2_2:
0x25: {  	s24 =	sshll.u32 s23, $0x6  }
0x26: {  	s25 =	sor.u32 s5, s24  }
0x27: {  	p2 =	sgt.u32 s25, $0x1E83  }
.Ltmp4:
0x28: {  	_ = 	snop;
	(pc) =	sbr.rel @p2 .LBB2_6-.Ltmp4, $2  }
0x29: {  	_ =	sdelay $0x2  }
0x2a: {  	p1 =	seq.s32 s23, $0x0  }
0x2b: {  	s26 =	simm.s32 $0x0  }
0x2c: {  	v10 =	vadd.s32 s26, v0  }
0x2d: {  	v9 =	vand.u32 $0x7F, v10;
	v10 =	vshll.u32 v10, $0x7  }
0x2e: {  	s30 =	simm.s32 $0x3;
	s28 =	simm.s32 $0x1;
	v11 =	vshrl.u32 v9, $0x6;
	v13 =	vand.u32 $0x1F80, v10  }
0x2f: {  	_ =	swait.ge [sflag:s16], $0x2000;
	v12 =	vadd.s32 s30, v0;
	v17 =	vadd.s32 s28, v0;
	v15 =	vor.u32 v11, v13  }
0x30: {  	s31 =	simm.s32 $0x2;
	[sflag:s16] =	ssyncset.done $0x0;
	v10 =	vand.u32 $0x7F, v12;
	v12 =	vshll.u32 v12, $0x7;
	v14 =	vor.u32 v1, v15  }
0x31: {  	s26 =	simm.s32 @!p1 $0x3;
	[sflag:s16] =	ssyncadd.s32 $0xFFFFE000;
	v11 =	vshrl.u32 v10, $0x6;
	v12 =	vand.u32 $0x1F80, v12;
	v13 =	vadd.s32 s31, v0  }
0x32: {  	_ =	swait.ge @!p1 [sflag:s26], $0x2000;
	v23 =	vor.u32 v11, v12;
	v16 =	vand.u32 $0x7F, v13;
	v11 =	vshll.u32 v13, $0x7  }
0x33: {  	[sflag:s26] =	ssyncset.done @!p1 $0x0;
	v12 =	vor.u32 v1, v23;
	v13 =	vshrl.u32 v16, $0x6;
	v11 =	vand.u32 $0x1F80, v11  }
0x34: {  	[sflag:s26] =	ssyncadd.s32 @!p1 $0xFFFFE000;
	v13 =	vor.u32 v13, v11;
	v11 =	vand.u32 $0x7F, v17;
	v17 =	vshll.u32 v17, $0x7  }
0x35: {  	v17 =	vand.u32 $0x1F80, v17;
	v19 =	vld.idx.msk [tilespmem:v14+s4+$0x0], $0xffff;
	v14 =	vshrl.u32 v11, $0x6  }
0x36: {  	v18 =	vor.u32 v1, v13;
	v14 =	vor.u32 v14, v17  }
0x37: {  	s29 =	simm.s32 $0x4;
	v24 =	vor.u32 v1, v14  }
0x38: {  	v25 =	vadd.s32 s29, v0;
	v21 =	vor.u32 v2, v9  }
0x39: {  	v20 =	vor.u32 v6, v9;
	v22 =	vor.u32 v2, v10;
	v26 =	vor.u32 v3, v15;
	v17 =	vld.idx.msk [tilespmem:v12+s4+$0x0], $0xffff  }
0x3a: {  	v33 =	vor.u32 v4, v9;
	v34 =	vor.u32 v5, v15;
	v27 =	vor.u32 v2, v16  }
0x3b: {  	v28 =	vor.u32 v3, v23;
	v36 =	vor.u32 v5, v23;
	v29 =	vor.u32 v2, v11;
	v18 =	vld.idx.msk [tilespmem:v18+s4+$0x0], $0xffff  }
0x3c: {  	v30 =	vor.u32 v3, v13;
	v12 =	vand.u32 $0x7F, v25;
	v25 =	vshll.u32 v25, $0x7;
	v32 =	vld.idx.msk [tilespmem:v24+s4+$0x0], $0xffff  }
0x3d: {  	[tilespmem:v21+s17+$0x0] =	vst.idx.msk $0xffff, v19;
	v19 =	vshrl.u32 v12, $0x6;
	v21 =	vand.u32 $0x1F80, v25;
	v25 =	vor.u32 v3, v14  }
0x3e: {  	[tilespmem:v22+s17+$0x0] =	vst.idx.msk $0xffff, v17;
	v17 =	vor.u32 v19, v21;
	v21 =	vor.u32 v7, v15;
	v15 =	vld.idx.msk [tilespmem:v26+s4+$0x0], $0xffff  }
0x3f: {  	s30 =	simm.s32 $0x7;
	v38 =	vor.u32 v4, v16;
	v23 =	vor.u32 v7, v23;
	v31 =	vor.u32 v4, v11  }
0x40: {  	v22 =	vadd.s32 s30, v0;
	v26 =	vor.u32 v4, v10;
	v35 =	vld.idx.msk [tilespmem:v28+s4+$0x0], $0xffff;
	[tilespmem:v27+s17+$0x0] =	vst.idx.msk $0xffff, v18  }
0x41: {  	v24 =	vor.u32 v1, v17;
	v19 =	vand.u32 $0x7F, v22;
	v18 =	vshll.u32 v22, $0x7;
	v37 =	vld.idx.msk [tilespmem:v30+s4+$0x0], $0xffff;
	[tilespmem:v29+s17+$0x0] =	vst.idx.msk $0xffff, v32  }
0x42: {  	s31 =	simm.s32 $0x6;
	v28 =	vor.u32 v5, v13;
	v27 =	vshrl.u32 v19, $0x6;
	v18 =	vand.u32 $0x1F80, v18;
	v29 =	vld.idx.msk [tilespmem:v25+s4+$0x0], $0xffff  }
0x43: {  	v30 =	vadd.s32 s31, v0;
	v18 =	vor.u32 v27, v18;
	v27 =	vor.u32 v5, v14;
	[tilespmem:v33+s17+$0x0] =	vst.idx.msk $0xffff, v15  }
0x44: {  	v22 =	vor.u32 v6, v10;
	v15 =	vand.u32 $0x7F, v30;
	v25 =	vshll.u32 v30, $0x7;
	v30 =	vld.idx.msk [tilespmem:v34+s4+$0x0], $0xffff  }
0x45: {  	v33 =	vor.u32 v1, v18;
	[tilespmem:v26+s17+$0x0] =	vst.idx.msk $0xffff, v35;
	v26 =	vshrl.u32 v15, $0x6;
	v25 =	vand.u32 $0x1F80, v25  }
0x46: {  	s28 =	simm.s32 $0x5;
	s26 =	simm.s32 $0x8;
	v32 =	vld.idx.msk [tilespmem:v36+s4+$0x0], $0xffff;
	[tilespmem:v38+s17+$0x0] =	vst.idx.msk $0xffff, v37;
	v25 =	vor.u32 v26, v25;
	v26 =	vor.u32 v6, v16  }
.LBB2_4:
0x47: {  	p2 =	slt.u32 s26, $0x7C;
	v34 =	vadd.s32 s28, v0;
	[tilespmem:v31+s17+$0x0] =	vst.idx.msk $0xffff, v29;
	v28 =	vld.idx.msk [tilespmem:v28+s4+$0x0], $0xffff;
	v29 =	vor.u32 v7, v13;
	v13 =	vmov v25  }
0x48: {  	v25 =	vand.u32 $0x7F, v34;
	v31 =	vshll.u32 v34, $0x7;
	v34 =	vor.u32 v1, v13;
	v27 =	vld.idx.msk [tilespmem:v27+s4+$0x0], $0xffff  }
0x49: {  	v24 =	vld.idx.msk [tilespmem:v24+s4+$0x0], $0xffff;
	v35 =	vshrl.u32 v25, $0x6;
	v31 =	vand.u32 $0x1F80, v31;
	[tilespmem:v20+s17+$0x0] =	vst.idx.msk $0xffff, v30;
	v20 =	vor.u32 v6, v11  }
0x4a: {  	v36 =	vor.u32 v7, v14;
	v30 =	vor.u32 v2, v12;
	v21 =	vld.idx.msk [tilespmem:v21+s4+$0x0], $0xffff;
	v14 =	vor.u32 v35, v31  }
0x4b: {  	v35 =	vor.u32 v8, v9;
	v31 =	vor.u32 v1, v14;
	v33 =	vld.idx.msk [tilespmem:v33+s4+$0x0], $0xffff;
	[tilespmem:v22+s17+$0x0] =	vst.idx.msk $0xffff, v32  }
0x4c: {  	v9 =	vmov v12;
	v22 =	vadd.s32 s26, v0;
	v32 =	vor.u32 v2, v19;
	v23 =	vld.idx.msk [tilespmem:v23+s4+$0x0], $0xffff  }
0x4d: {  	v37 =	vor.u32 v3, v17;
	v34 =	vld.idx.msk [tilespmem:v34+s4+$0x0], $0xffff;
	[tilespmem:v26+s17+$0x0] =	vst.idx.msk $0xffff, v28;
	v26 =	vor.u32 v8, v10  }
0x4e: {  	v12 =	vand.u32 $0x7F, v22;
	v28 =	vor.u32 v2, v15;
	v10 =	vmov v19;
	[tilespmem:v20+s17+$0x0] =	vst.idx.msk $0xffff, v27;
	v27 =	vld.idx.msk [tilespmem:v29+s4+$0x0], $0xffff  }
0x4f: {  	v16 =	vor.u32 v8, v16;
	v19 =	vor.u32 v3, v18;
	[tilespmem:v30+s17+$0x0] =	vst.idx.msk $0xffff, v24;
	v29 =	vld.idx.msk [tilespmem:v36+s4+$0x0], $0xffff  }
0x50: {  	v20 =	vor.u32 v6, v9;
	v30 =	vld.idx.msk [tilespmem:v31+s4+$0x0], $0xffff;
	[tilespmem:v35+s17+$0x0] =	vst.idx.msk $0xffff, v21;
	v31 =	vor.u32 v8, v11  }
0x51: {  	v36 =	vshll.u32 v22, $0x7;
	v22 =	vor.u32 v2, v25;
	v35 =	vor.u32 v3, v13;
	[tilespmem:v32+s17+$0x0] =	vst.idx.msk $0xffff, v33  }
0x52: {  	v21 =	vshrl.u32 v12, $0x6;
	v24 =	vand.u32 $0x1F80, v36;
	v33 =	vor.u32 v3, v14;
	v32 =	vld.idx.msk [tilespmem:v37+s4+$0x0], $0xffff;
	[tilespmem:v26+s17+$0x0] =	vst.idx.msk $0xffff, v23  }
0x53: {  	v11 =	vmov v25;
	v23 =	vor.u32 v21, v24;
	v26 =	vor.u32 v4, v9;
	[tilespmem:v28+s17+$0x0] =	vst.idx.msk $0xffff, v34  }
0x54: {  	s28 =	sadd.s32 $0x3, s26;
	v25 =	vor.u32 v5, v17;
	v21 =	vor.u32 v7, v17;
	v34 =	vld.idx.msk [tilespmem:v19+s4+$0x0], $0xffff;
	[tilespmem:v16+s17+$0x0] =	vst.idx.msk $0xffff, v27  }
0x55: {  	v36 =	vor.u32 v4, v10;
	v24 =	vor.u32 v1, v23;
	v16 =	vadd.s32 s28, v0;
	[tilespmem:v31+s17+$0x0] =	vst.idx.msk $0xffff, v29  }
0x56: {  	v37 =	vor.u32 v5, v18;
	v19 =	vand.u32 $0x7F, v16;
	v16 =	vshll.u32 v16, $0x7;
	[tilespmem:v22+s17+$0x0] =	vst.idx.msk $0xffff, v30;
	v35 =	vld.idx.msk [tilespmem:v35+s4+$0x0], $0xffff  }
0x57: {  	v38 =	vor.u32 v4, v15;
	v17 =	vmovc v23;
	v27 =	vshrl.u32 v19, $0x6;
	v22 =	vor.u32 v6, v10;
	v29 =	vld.idx.msk [tilespmem:v33+s4+$0x0], $0xffff  }
.Ltmp5:
0x58: {  	v28 =	vor.u32 v5, v13;
	s28 =	sadd.s32 $0x2, s26;
	v31 =	vor.u32 v4, v11;
	v33 =	vand.u32 $0x1F80, v16;
	[tilespmem:v26+s17+$0x0] =	vst.idx.msk $0xffff, v32;
	(pc) =	sbr.rel @p2 .LBB2_4-.Ltmp5, $4  }
0x59: {  	v23 =	vadd.s32 s28, v0;
	v26 =	vor.u32 v27, v33;
	v27 =	vor.u32 v5, v14;
	v16 =	vmovc v15;
	v30 =	vld.idx.msk [tilespmem:v25+s4+$0x0], $0xffff  }
0x5a: {  	v15 =	vand.u32 $0x7F, v23;
	v25 =	vshll.u32 v23, $0x7;
	v23 =	vor.u32 v7, v18;
	v18 =	vmovc v26;
	[tilespmem:v36+s17+$0x0] =	vst.idx.msk $0xffff, v34  }
0x5b: {  	v26 =	vshrl.u32 v15, $0x6;
	v25 =	vand.u32 $0x1F80, v25;
	v33 =	vor.u32 v1, v18;
	v32 =	vld.idx.msk [tilespmem:v37+s4+$0x0], $0xffff  }
0x5c: {  	s28 =	sadd.s32 $0x1, s26;
	s26 =	sadd.s32 $0x4, s26;
	v25 =	vor.u32 v26, v25;
	v26 =	vor.u32 v6, v16;
	[tilespmem:v38+s17+$0x0] =	vst.idx.msk $0xffff, v35  }
0x5d: {  	v34 =	vadd.s32 s28, v0  }
0x5e: {  	v35 =	vand.u32 $0x7F, v34;
	v34 =	vshll.u32 v34, $0x7  }
0x5f: {  	v36 =	vshrl.u32 v35, $0x6;
	v34 =	vand.u32 $0x1F80, v34  }
0x60: {  	v37 =	vor.u32 v1, v25;
	v34 =	vor.u32 v36, v34  }
0x61: {  	v36 =	vor.u32 v1, v34;
	_ =	sdelay $0x1  }
0x62: {  	v24 =	vld.idx.msk [tilespmem:v24+s4+$0x0], $0xffff;
	v38 =	vor.u32 v2, v12  }
0x63: {  	v33 =	vld.idx.msk [tilespmem:v33+s4+$0x0], $0xffff;
	v39 =	vor.u32 v2, v19;
	v40 =	vor.u32 v3, v17  }
0x64: {  	[tilespmem:v31+s17+$0x0] =	vst.idx.msk $0xffff, v29;
	v55 =	vor.u32 v2, v15;
	v56 =	vor.u32 v3, v18;
	v54 =	vld.idx.msk [tilespmem:v37+s4+$0x0], $0xffff  }
0x65: {  	v59 =	vor.u32 v3, v25;
	[tilespmem:v20+s17+$0x0] =	vst.idx.msk $0xffff, v30;
	v58 =	vor.u32 v2, v35;
	v57 =	vld.idx.msk [tilespmem:v36+s4+$0x0], $0xffff  }
0x66: {  	v60 =	vld.idx.msk [tilespmem:v28+s4+$0x0], $0xffff;
	[tilespmem:v22+s17+$0x0] =	vst.idx.msk $0xffff, v32;
	v61 =	vor.u32 v3, v34  }
0x67: {  	v63 =	vor.u32 v6, v11;
	v62 =	vld.idx.msk [tilespmem:v27+s4+$0x0], $0xffff;
	[tilespmem:v38+s17+$0x0] =	vst.idx.msk $0xffff, v24  }
0x68: {  	v41 =	vor.u32 v4, v12;
	[tilespmem:v39+s17+$0x0] =	vst.idx.msk $0xffff, v33;
	v40 =	vld.idx.msk [tilespmem:v40+s4+$0x0], $0xffff  }
0x69: {  	v42 =	vor.u32 v5, v17;
	v44 =	vor.u32 v4, v19;
	v43 =	vld.idx.msk [tilespmem:v56+s4+$0x0], $0xffff;
	[tilespmem:v55+s17+$0x0] =	vst.idx.msk $0xffff, v54  }
0x6a: {  	v46 =	vor.u32 v5, v18;
	v47 =	vor.u32 v4, v15;
	v45 =	vld.idx.msk [tilespmem:v59+s4+$0x0], $0xffff;
	[tilespmem:v58+s17+$0x0] =	vst.idx.msk $0xffff, v57  }
0x6b: {  	v50 =	vor.u32 v5, v25;
	v49 =	vor.u32 v4, v35;
	[tilespmem:v26+s17+$0x0] =	vst.idx.msk $0xffff, v60;
	v48 =	vld.idx.msk [tilespmem:v61+s4+$0x0], $0xffff  }
0x6c: {  	v9 =	vor.u32 v8, v9;
	v21 =	vld.idx.msk [tilespmem:v21+s4+$0x0], $0xffff;
	v51 =	vor.u32 v5, v34;
	[tilespmem:v63+s17+$0x0] =	vst.idx.msk $0xffff, v62  }
0x6d: {  	v13 =	vor.u32 v7, v13;
	v10 =	vor.u32 v8, v10;
	v23 =	vld.idx.msk [tilespmem:v23+s4+$0x0], $0xffff;
	[tilespmem:v41+s17+$0x0] =	vst.idx.msk $0xffff, v40  }
0x6e: {  	v14 =	vor.u32 v7, v14;
	v52 =	vor.u32 v6, v12;
	[tilespmem:v44+s17+$0x0] =	vst.idx.msk $0xffff, v43;
	v29 =	vld.idx.msk [tilespmem:v42+s4+$0x0], $0xffff  }
0x6f: {  	v53 =	vor.u32 v7, v17;
	v54 =	vor.u32 v6, v19;
	v30 =	vld.idx.msk [tilespmem:v46+s4+$0x0], $0xffff;
	[tilespmem:v47+s17+$0x0] =	vst.idx.msk $0xffff, v45  }
0x70: {  	v56 =	vor.u32 v6, v15;
	v55 =	vor.u32 v7, v18;
	v57 =	vld.idx.msk [tilespmem:v50+s4+$0x0], $0xffff;
	[tilespmem:v49+s17+$0x0] =	vst.idx.msk $0xffff, v48  }
0x71: {  	[tilespmem:v9+s17+$0x0] =	vst.idx.msk $0xffff, v21;
	v9 =	vor.u32 v7, v25;
	v59 =	vor.u32 v6, v35;
	v58 =	vld.idx.msk [tilespmem:v51+s4+$0x0], $0xffff  }
0x72: {  	v16 =	vor.u32 v8, v16;
	v13 =	vld.idx.msk [tilespmem:v13+s4+$0x0], $0xffff;
	[tilespmem:v10+s17+$0x0] =	vst.idx.msk $0xffff, v23;
	v10 =	vor.u32 v7, v34  }
0x73: {  	v11 =	vor.u32 v8, v11;
	v14 =	vld.idx.msk [tilespmem:v14+s4+$0x0], $0xffff;
	[tilespmem:v52+s17+$0x0] =	vst.idx.msk $0xffff, v29  }
0x74: {  	v60 =	vor.u32 v8, v12;
	[tilespmem:v54+s17+$0x0] =	vst.idx.msk $0xffff, v30;
	v17 =	vld.idx.msk [tilespmem:v53+s4+$0x0], $0xffff  }
0x75: {  	v61 =	vor.u32 v8, v19;
	v18 =	vld.idx.msk [tilespmem:v55+s4+$0x0], $0xffff;
	[tilespmem:v56+s17+$0x0] =	vst.idx.msk $0xffff, v57  }
0x76: {  	v62 =	vor.u32 v8, v15;
	v9 =	vld.idx.msk [tilespmem:v9+s4+$0x0], $0xffff;
	[tilespmem:v59+s17+$0x0] =	vst.idx.msk $0xffff, v58  }
0x77: {  	v63 =	vor.u32 v8, v35;
	[tilespmem:v16+s17+$0x0] =	vst.idx.msk $0xffff, v13;
	v10 =	vld.idx.msk [tilespmem:v10+s4+$0x0], $0xffff  }
0x78: {  	[tilespmem:v11+s17+$0x0] =	vst.idx.msk $0xffff, v14  }
0x79: {  	[tilespmem:v60+s17+$0x0] =	vst.idx.msk $0xffff, v17  }
0x7a: {  	[tilespmem:v61+s17+$0x0] =	vst.idx.msk $0xffff, v18  }
0x7b: {  	s26 =	sshll.u32 s25, $0xA;
	[tilespmem:v62+s17+$0x0] =	vst.idx.msk $0xffff, v9  }
0x7c: {  	p2 =	sgt.u32 s25, $0x1E43;
	s26 =	sadd.s32 s7, s26;
	[tilespmem:v63+s17+$0x0] =	vst.idx.msk $0xffff, v10  }
0x7d: {  	[hbm4b:s26+s4] =	stream.linear.scatter [tilespmem:s17], [sflag:$0x3], $0x2000, $0x38;
	[tilespmem:$0x9000] =	vst v63  }
0x7e: {  	s26 =	sadd.s32 @!p2 s9, s24  }
0x7f: {  	s28 =	simm.s32 @!p2 $0x400;
	s26 =	sshll.u32 @!p2 s26, $0x7  }
0x80: {  	s29 =	simm.s32 @!p2 $0x7A1400;
	s30 =	simm.s32 @!p2 $0x0;
	s26 =	sadd.s32 @!p2 s1, s26  }
0x81: {  	[tilespmem:s30], [sflag:$0x1] =	stream.strided.gather @!p2 [hbm4b:s26+s28], $0x2000, s29, s28, $0x38;
	[tilespmem:$0x9000] =	vst v63  }
.LBB2_6:
0x82: {  	s25 =	sor.u32 $0x20, s25  }
0x83: {  	p2 =	sgt.u32 s25, $0x1E83  }
.Ltmp6:
0x84: {  	_ = 	snop;
	(pc) =	sbr.rel @p2 .LBB2_10-.Ltmp6, $1  }
0x85: {  	_ =	sdelay $0x3  }
0x86: {  	s26 =	simm.s32 $0x0  }
0x87: {  	v10 =	vadd.s32 s26, v0  }
0x88: {  	v9 =	vand.u32 $0x7F, v10;
	v10 =	vshll.u32 v10, $0x7  }
0x89: {  	s30 =	simm.s32 $0x3;
	s28 =	simm.s32 $0x1;
	v11 =	vshrl.u32 v9, $0x6;
	v13 =	vand.u32 $0x1F80, v10  }
0x8a: {  	_ =	swait.ge [sflag:s18], $0x2000;
	v12 =	vadd.s32 s30, v0;
	v17 =	vadd.s32 s28, v0;
	v15 =	vor.u32 v11, v13  }
0x8b: {  	s31 =	simm.s32 $0x2;
	[sflag:s18] =	ssyncset.done $0x0;
	v10 =	vand.u32 $0x7F, v12;
	v12 =	vshll.u32 v12, $0x7;
	v14 =	vor.u32 v1, v15  }
0x8c: {  	s26 =	simm.s32 @!p1 $0x4;
	[sflag:s18] =	ssyncadd.s32 $0xFFFFE000;
	v11 =	vshrl.u32 v10, $0x6;
	v12 =	vand.u32 $0x1F80, v12;
	v13 =	vadd.s32 s31, v0  }
0x8d: {  	_ =	swait.ge @!p1 [sflag:s26], $0x2000;
	v23 =	vor.u32 v11, v12;
	v16 =	vand.u32 $0x7F, v13;
	v11 =	vshll.u32 v13, $0x7  }
0x8e: {  	[sflag:s26] =	ssyncset.done @!p1 $0x0;
	v12 =	vor.u32 v1, v23;
	v13 =	vshrl.u32 v16, $0x6;
	v11 =	vand.u32 $0x1F80, v11  }
0x8f: {  	[sflag:s26] =	ssyncadd.s32 @!p1 $0xFFFFE000;
	v13 =	vor.u32 v13, v11;
	v11 =	vand.u32 $0x7F, v17;
	v17 =	vshll.u32 v17, $0x7  }
0x90: {  	v17 =	vand.u32 $0x1F80, v17;
	v19 =	vld.idx.msk [tilespmem:v14+s15+$0x0], $0xffff;
	v14 =	vshrl.u32 v11, $0x6  }
0x91: {  	v18 =	vor.u32 v1, v13;
	v14 =	vor.u32 v14, v17  }
0x92: {  	s29 =	simm.s32 $0x4;
	v24 =	vor.u32 v1, v14  }
0x93: {  	v25 =	vadd.s32 s29, v0;
	v21 =	vor.u32 v2, v9  }
0x94: {  	v20 =	vor.u32 v6, v9;
	v22 =	vor.u32 v2, v10;
	v26 =	vor.u32 v3, v15;
	v17 =	vld.idx.msk [tilespmem:v12+s15+$0x0], $0xffff  }
0x95: {  	v33 =	vor.u32 v4, v9;
	v34 =	vor.u32 v5, v15;
	v27 =	vor.u32 v2, v16  }
0x96: {  	v28 =	vor.u32 v3, v23;
	v36 =	vor.u32 v5, v23;
	v29 =	vor.u32 v2, v11;
	v18 =	vld.idx.msk [tilespmem:v18+s15+$0x0], $0xffff  }
0x97: {  	v30 =	vor.u32 v3, v13;
	v12 =	vand.u32 $0x7F, v25;
	v25 =	vshll.u32 v25, $0x7;
	v32 =	vld.idx.msk [tilespmem:v24+s15+$0x0], $0xffff  }
0x98: {  	[tilespmem:v21+s19+$0x0] =	vst.idx.msk $0xffff, v19;
	v19 =	vshrl.u32 v12, $0x6;
	v21 =	vand.u32 $0x1F80, v25;
	v25 =	vor.u32 v3, v14  }
0x99: {  	[tilespmem:v22+s19+$0x0] =	vst.idx.msk $0xffff, v17;
	v17 =	vor.u32 v19, v21;
	v21 =	vor.u32 v7, v15;
	v15 =	vld.idx.msk [tilespmem:v26+s15+$0x0], $0xffff  }
0x9a: {  	s30 =	simm.s32 $0x7;
	v38 =	vor.u32 v4, v16;
	v23 =	vor.u32 v7, v23;
	v31 =	vor.u32 v4, v11  }
0x9b: {  	v22 =	vadd.s32 s30, v0;
	v26 =	vor.u32 v4, v10;
	v35 =	vld.idx.msk [tilespmem:v28+s15+$0x0], $0xffff;
	[tilespmem:v27+s19+$0x0] =	vst.idx.msk $0xffff, v18  }
0x9c: {  	v24 =	vor.u32 v1, v17;
	v19 =	vand.u32 $0x7F, v22;
	v18 =	vshll.u32 v22, $0x7;
	v37 =	vld.idx.msk [tilespmem:v30+s15+$0x0], $0xffff;
	[tilespmem:v29+s19+$0x0] =	vst.idx.msk $0xffff, v32  }
0x9d: {  	s31 =	simm.s32 $0x6;
	v28 =	vor.u32 v5, v13;
	v27 =	vshrl.u32 v19, $0x6;
	v18 =	vand.u32 $0x1F80, v18;
	v29 =	vld.idx.msk [tilespmem:v25+s15+$0x0], $0xffff  }
0x9e: {  	v30 =	vadd.s32 s31, v0;
	v18 =	vor.u32 v27, v18;
	v27 =	vor.u32 v5, v14;
	[tilespmem:v33+s19+$0x0] =	vst.idx.msk $0xffff, v15  }
0x9f: {  	v22 =	vor.u32 v6, v10;
	v15 =	vand.u32 $0x7F, v30;
	v25 =	vshll.u32 v30, $0x7;
	v30 =	vld.idx.msk [tilespmem:v34+s15+$0x0], $0xffff  }
0xa0: {  	v33 =	vor.u32 v1, v18;
	[tilespmem:v26+s19+$0x0] =	vst.idx.msk $0xffff, v35;
	v26 =	vshrl.u32 v15, $0x6;
	v25 =	vand.u32 $0x1F80, v25  }
0xa1: {  	s28 =	simm.s32 $0x5;
	s26 =	simm.s32 $0x8;
	v32 =	vld.idx.msk [tilespmem:v36+s15+$0x0], $0xffff;
	[tilespmem:v38+s19+$0x0] =	vst.idx.msk $0xffff, v37;
	v25 =	vor.u32 v26, v25;
	v26 =	vor.u32 v6, v16  }
.LBB2_8:
0xa2: {  	p1 =	slt.u32 s26, $0x7C;
	v34 =	vadd.s32 s28, v0;
	[tilespmem:v31+s19+$0x0] =	vst.idx.msk $0xffff, v29;
	v28 =	vld.idx.msk [tilespmem:v28+s15+$0x0], $0xffff;
	v29 =	vor.u32 v7, v13;
	v13 =	vmov v25  }
0xa3: {  	v25 =	vand.u32 $0x7F, v34;
	v31 =	vshll.u32 v34, $0x7;
	v34 =	vor.u32 v1, v13;
	v27 =	vld.idx.msk [tilespmem:v27+s15+$0x0], $0xffff  }
0xa4: {  	v24 =	vld.idx.msk [tilespmem:v24+s15+$0x0], $0xffff;
	v35 =	vshrl.u32 v25, $0x6;
	v31 =	vand.u32 $0x1F80, v31;
	[tilespmem:v20+s19+$0x0] =	vst.idx.msk $0xffff, v30;
	v20 =	vor.u32 v6, v11  }
0xa5: {  	v36 =	vor.u32 v7, v14;
	v30 =	vor.u32 v2, v12;
	v21 =	vld.idx.msk [tilespmem:v21+s15+$0x0], $0xffff;
	v14 =	vor.u32 v35, v31  }
0xa6: {  	v35 =	vor.u32 v8, v9;
	v31 =	vor.u32 v1, v14;
	v33 =	vld.idx.msk [tilespmem:v33+s15+$0x0], $0xffff;
	[tilespmem:v22+s19+$0x0] =	vst.idx.msk $0xffff, v32  }
0xa7: {  	v9 =	vmov v12;
	v22 =	vadd.s32 s26, v0;
	v32 =	vor.u32 v2, v19;
	v23 =	vld.idx.msk [tilespmem:v23+s15+$0x0], $0xffff  }
0xa8: {  	v37 =	vor.u32 v3, v17;
	v34 =	vld.idx.msk [tilespmem:v34+s15+$0x0], $0xffff;
	[tilespmem:v26+s19+$0x0] =	vst.idx.msk $0xffff, v28;
	v26 =	vor.u32 v8, v10  }
0xa9: {  	v12 =	vand.u32 $0x7F, v22;
	v28 =	vor.u32 v2, v15;
	v10 =	vmov v19;
	[tilespmem:v20+s19+$0x0] =	vst.idx.msk $0xffff, v27;
	v27 =	vld.idx.msk [tilespmem:v29+s15+$0x0], $0xffff  }
0xaa: {  	v16 =	vor.u32 v8, v16;
	v19 =	vor.u32 v3, v18;
	[tilespmem:v30+s19+$0x0] =	vst.idx.msk $0xffff, v24;
	v29 =	vld.idx.msk [tilespmem:v36+s15+$0x0], $0xffff  }
0xab: {  	v20 =	vor.u32 v6, v9;
	v30 =	vld.idx.msk [tilespmem:v31+s15+$0x0], $0xffff;
	[tilespmem:v35+s19+$0x0] =	vst.idx.msk $0xffff, v21;
	v31 =	vor.u32 v8, v11  }
0xac: {  	v36 =	vshll.u32 v22, $0x7;
	v22 =	vor.u32 v2, v25;
	v35 =	vor.u32 v3, v13;
	[tilespmem:v32+s19+$0x0] =	vst.idx.msk $0xffff, v33  }
0xad: {  	v21 =	vshrl.u32 v12, $0x6;
	v24 =	vand.u32 $0x1F80, v36;
	v33 =	vor.u32 v3, v14;
	v32 =	vld.idx.msk [tilespmem:v37+s15+$0x0], $0xffff;
	[tilespmem:v26+s19+$0x0] =	vst.idx.msk $0xffff, v23  }
0xae: {  	v11 =	vmov v25;
	v23 =	vor.u32 v21, v24;
	v26 =	vor.u32 v4, v9;
	[tilespmem:v28+s19+$0x0] =	vst.idx.msk $0xffff, v34  }
0xaf: {  	s28 =	sadd.s32 $0x3, s26;
	v25 =	vor.u32 v5, v17;
	v21 =	vor.u32 v7, v17;
	v34 =	vld.idx.msk [tilespmem:v19+s15+$0x0], $0xffff;
	[tilespmem:v16+s19+$0x0] =	vst.idx.msk $0xffff, v27  }
0xb0: {  	v36 =	vor.u32 v4, v10;
	v24 =	vor.u32 v1, v23;
	v16 =	vadd.s32 s28, v0;
	[tilespmem:v31+s19+$0x0] =	vst.idx.msk $0xffff, v29  }
0xb1: {  	v37 =	vor.u32 v5, v18;
	v19 =	vand.u32 $0x7F, v16;
	v16 =	vshll.u32 v16, $0x7;
	[tilespmem:v22+s19+$0x0] =	vst.idx.msk $0xffff, v30;
	v35 =	vld.idx.msk [tilespmem:v35+s15+$0x0], $0xffff  }
0xb2: {  	v38 =	vor.u32 v4, v15;
	v17 =	vmovc v23;
	v27 =	vshrl.u32 v19, $0x6;
	v22 =	vor.u32 v6, v10;
	v29 =	vld.idx.msk [tilespmem:v33+s15+$0x0], $0xffff  }
.Ltmp7:
0xb3: {  	v28 =	vor.u32 v5, v13;
	s28 =	sadd.s32 $0x2, s26;
	v31 =	vor.u32 v4, v11;
	v33 =	vand.u32 $0x1F80, v16;
	[tilespmem:v26+s19+$0x0] =	vst.idx.msk $0xffff, v32;
	(pc) =	sbr.rel @p1 .LBB2_8-.Ltmp7, $4  }
0xb4: {  	v23 =	vadd.s32 s28, v0;
	v26 =	vor.u32 v27, v33;
	v27 =	vor.u32 v5, v14;
	v16 =	vmovc v15;
	v30 =	vld.idx.msk [tilespmem:v25+s15+$0x0], $0xffff  }
0xb5: {  	v15 =	vand.u32 $0x7F, v23;
	v25 =	vshll.u32 v23, $0x7;
	v23 =	vor.u32 v7, v18;
	v18 =	vmovc v26;
	[tilespmem:v36+s19+$0x0] =	vst.idx.msk $0xffff, v34  }
0xb6: {  	v26 =	vshrl.u32 v15, $0x6;
	v25 =	vand.u32 $0x1F80, v25;
	v33 =	vor.u32 v1, v18;
	v32 =	vld.idx.msk [tilespmem:v37+s15+$0x0], $0xffff  }
0xb7: {  	s28 =	sadd.s32 $0x1, s26;
	s26 =	sadd.s32 $0x4, s26;
	v25 =	vor.u32 v26, v25;
	v26 =	vor.u32 v6, v16;
	[tilespmem:v38+s19+$0x0] =	vst.idx.msk $0xffff, v35  }
0xb8: {  	v34 =	vadd.s32 s28, v0  }
0xb9: {  	v35 =	vand.u32 $0x7F, v34;
	v34 =	vshll.u32 v34, $0x7  }
0xba: {  	v36 =	vshrl.u32 v35, $0x6;
	v34 =	vand.u32 $0x1F80, v34  }
0xbb: {  	v37 =	vor.u32 v1, v25;
	v34 =	vor.u32 v36, v34  }
0xbc: {  	v36 =	vor.u32 v1, v34;
	_ =	sdelay $0x1  }
0xbd: {  	v24 =	vld.idx.msk [tilespmem:v24+s15+$0x0], $0xffff;
	v38 =	vor.u32 v2, v12  }
0xbe: {  	v33 =	vld.idx.msk [tilespmem:v33+s15+$0x0], $0xffff;
	v39 =	vor.u32 v2, v19;
	v40 =	vor.u32 v3, v17  }
0xbf: {  	[tilespmem:v31+s19+$0x0] =	vst.idx.msk $0xffff, v29;
	v55 =	vor.u32 v2, v15;
	v56 =	vor.u32 v3, v18;
	v54 =	vld.idx.msk [tilespmem:v37+s15+$0x0], $0xffff  }
0xc0: {  	v59 =	vor.u32 v3, v25;
	[tilespmem:v20+s19+$0x0] =	vst.idx.msk $0xffff, v30;
	v58 =	vor.u32 v2, v35;
	v57 =	vld.idx.msk [tilespmem:v36+s15+$0x0], $0xffff  }
0xc1: {  	v60 =	vld.idx.msk [tilespmem:v28+s15+$0x0], $0xffff;
	[tilespmem:v22+s19+$0x0] =	vst.idx.msk $0xffff, v32;
	v61 =	vor.u32 v3, v34  }
0xc2: {  	v63 =	vor.u32 v6, v11;
	v62 =	vld.idx.msk [tilespmem:v27+s15+$0x0], $0xffff;
	[tilespmem:v38+s19+$0x0] =	vst.idx.msk $0xffff, v24  }
0xc3: {  	v41 =	vor.u32 v4, v12;
	[tilespmem:v39+s19+$0x0] =	vst.idx.msk $0xffff, v33;
	v40 =	vld.idx.msk [tilespmem:v40+s15+$0x0], $0xffff  }
0xc4: {  	v42 =	vor.u32 v5, v17;
	v44 =	vor.u32 v4, v19;
	v43 =	vld.idx.msk [tilespmem:v56+s15+$0x0], $0xffff;
	[tilespmem:v55+s19+$0x0] =	vst.idx.msk $0xffff, v54  }
0xc5: {  	v46 =	vor.u32 v5, v18;
	v47 =	vor.u32 v4, v15;
	v45 =	vld.idx.msk [tilespmem:v59+s15+$0x0], $0xffff;
	[tilespmem:v58+s19+$0x0] =	vst.idx.msk $0xffff, v57  }
0xc6: {  	v50 =	vor.u32 v5, v25;
	v49 =	vor.u32 v4, v35;
	[tilespmem:v26+s19+$0x0] =	vst.idx.msk $0xffff, v60;
	v48 =	vld.idx.msk [tilespmem:v61+s15+$0x0], $0xffff  }
0xc7: {  	v9 =	vor.u32 v8, v9;
	v21 =	vld.idx.msk [tilespmem:v21+s15+$0x0], $0xffff;
	v51 =	vor.u32 v5, v34;
	[tilespmem:v63+s19+$0x0] =	vst.idx.msk $0xffff, v62  }
0xc8: {  	v13 =	vor.u32 v7, v13;
	v10 =	vor.u32 v8, v10;
	v23 =	vld.idx.msk [tilespmem:v23+s15+$0x0], $0xffff;
	[tilespmem:v41+s19+$0x0] =	vst.idx.msk $0xffff, v40  }
0xc9: {  	v14 =	vor.u32 v7, v14;
	v52 =	vor.u32 v6, v12;
	[tilespmem:v44+s19+$0x0] =	vst.idx.msk $0xffff, v43;
	v29 =	vld.idx.msk [tilespmem:v42+s15+$0x0], $0xffff  }
0xca: {  	v53 =	vor.u32 v7, v17;
	v54 =	vor.u32 v6, v19;
	v30 =	vld.idx.msk [tilespmem:v46+s15+$0x0], $0xffff;
	[tilespmem:v47+s19+$0x0] =	vst.idx.msk $0xffff, v45  }
0xcb: {  	v56 =	vor.u32 v6, v15;
	v55 =	vor.u32 v7, v18;
	v57 =	vld.idx.msk [tilespmem:v50+s15+$0x0], $0xffff;
	[tilespmem:v49+s19+$0x0] =	vst.idx.msk $0xffff, v48  }
0xcc: {  	[tilespmem:v9+s19+$0x0] =	vst.idx.msk $0xffff, v21;
	v9 =	vor.u32 v7, v25;
	v59 =	vor.u32 v6, v35;
	v58 =	vld.idx.msk [tilespmem:v51+s15+$0x0], $0xffff  }
0xcd: {  	v16 =	vor.u32 v8, v16;
	v13 =	vld.idx.msk [tilespmem:v13+s15+$0x0], $0xffff;
	[tilespmem:v10+s19+$0x0] =	vst.idx.msk $0xffff, v23;
	v10 =	vor.u32 v7, v34  }
0xce: {  	v11 =	vor.u32 v8, v11;
	v14 =	vld.idx.msk [tilespmem:v14+s15+$0x0], $0xffff;
	[tilespmem:v52+s19+$0x0] =	vst.idx.msk $0xffff, v29  }
0xcf: {  	v60 =	vor.u32 v8, v12;
	[tilespmem:v54+s19+$0x0] =	vst.idx.msk $0xffff, v30;
	v17 =	vld.idx.msk [tilespmem:v53+s15+$0x0], $0xffff  }
0xd0: {  	v61 =	vor.u32 v8, v19;
	v18 =	vld.idx.msk [tilespmem:v55+s15+$0x0], $0xffff;
	[tilespmem:v56+s19+$0x0] =	vst.idx.msk $0xffff, v57  }
0xd1: {  	v62 =	vor.u32 v8, v15;
	v9 =	vld.idx.msk [tilespmem:v9+s15+$0x0], $0xffff;
	[tilespmem:v59+s19+$0x0] =	vst.idx.msk $0xffff, v58  }
0xd2: {  	v63 =	vor.u32 v8, v35;
	[tilespmem:v16+s19+$0x0] =	vst.idx.msk $0xffff, v13;
	v10 =	vld.idx.msk [tilespmem:v10+s15+$0x0], $0xffff  }
0xd3: {  	[tilespmem:v11+s19+$0x0] =	vst.idx.msk $0xffff, v14  }
0xd4: {  	[tilespmem:v60+s19+$0x0] =	vst.idx.msk $0xffff, v17  }
0xd5: {  	p1 =	sgt.u32 s25, $0x1E43;
	[tilespmem:v61+s19+$0x0] =	vst.idx.msk $0xffff, v18  }
.Ltmp8:
0xd6: {  	s26 =	sshll.u32 s25, $0xA;
	s24 =	sadd.s32 @!p1 s10, s24;
	[tilespmem:v62+s19+$0x0] =	vst.idx.msk $0xffff, v9;
	(pc) =	sbr.rel .LBB2_10-.Ltmp8, $4  }
0xd7: {  	s26 =	sadd.s32 s7, s26;
	s25 =	simm.s32 @!p1 $0x400;
	s24 =	sshll.u32 @!p1 s24, $0x7;
	[tilespmem:v63+s19+$0x0] =	vst.idx.msk $0xffff, v10  }
0xd8: {  	[hbm4b:s26+s4] =	stream.linear.scatter [tilespmem:s19], [sflag:$0x4], $0x2000, $0x38;
	[tilespmem:$0x9000] =	vst v63  }
0xd9: {  	s28 =	simm.s32 @!p1 $0x2000;
	s24 =	sadd.s32 @!p1 s1, s24;
	s26 =	simm.s32 @!p1 $0x7A1400  }
0xda: {  	[tilespmem:s28], [sflag:$0x2] =	stream.strided.gather @!p1 [hbm4b:s24+s25], $0x2000, s26, s25, $0x38;
	[tilespmem:$0x9000] =	vst v63  }
.LBB2_12:
0xdb: {  	_ =	sfence.sel $0x180000  }
0xdc: {  	[bflag:$0x0] =	sbarrier.arrive $0xFFFF  }
0xdd: {  	p0 =	sne.s32 s0, $0x0;
	_ =	strace $0x90000047  }
0xde: {  	s0 =	sadd.s32 @!p0 $0x100000, s2;
	[bflag:$0x2] =	sbarrier.arrive $0xFFFF  }
0xdf: {  	[sflag:s0] =	ssyncadd.tile.s32 @!p0 $0x1;
	_ =	shalt  }
.Lfunc_end2:
_tile_overlayer_lowered:
.L_overlay_start_2:
0xe0: {  	(tag) =	ssettag $0x2  }
0xe1: {  	s0 =	rddreg [dreg:$0x0];
	s2 =	stileid.u32  }
0xe2: {  	s1 =	rddreg [dreg:$0x1];
	p0 =	sne.s32 s2, $0x0  }
0xe3: {  	s3 =	rddreg [dreg:$0x2];
	[bflag:$0x3] =	sbarrier.arrive $0xFFFF;
	s2 =	simm.s32 @!p0 $0x1C05  }
0xe4: {  	[timem:s3], [sflag:s2] =	dma.local @!p0 [hbm:s0], s1  }
0xe5: {  	s0 =	simm.s32 @!p0 $0x5  }
0xe6: {  	_ =	swait.ge @!p0 [sflag:s0], s1  }
0xe7: {  	s1 =	ssub.s32 @!p0 $0x0, s1;
	[sflag:s0] =	ssyncset.done @!p0 $0x0  }
0xe8: {  	[sflag:s0] =	ssyncadd.s32 @!p0 s1  }
0xe9: {  	[bflag:$0x3] =	sbarrier.arrive $0xFFFF  }
0xea: {  	_ =	shalt  }

// kernel: kernel.7.cloned.1.call-start
scs
__scs_entry_jumppad:
0x0: {  	(pc) =	sbr.rel $0x88, $3  }
0x1: {  	(tag) =	ssettag $0x0;
	lr =	simm.s32 $0x1  }
0x2: {  	[smem:$0x3F9F] =	sst lr;
	_ =	strace $0xD0000000  }
0x3: {  	_ = 	snop  }
0x4: {  	_ = 	snop  }
0x5: {  	_ = 	snop  }
0x6: {  	_ = 	snop  }
0x7: {  	_ = 	snop  }
__scs_overlays_trampoline_lowered:
0x8: {  	[smem:$0x3FAE] =	sst s0  }
0x9: {  	[smem:$0x3FAF] =	sst s1  }
0xa: {  	[smem:$0x3FB0] =	sst s2  }
0xb: {  	[smem:$0x3FB1] =	sst s3  }
0xc: {  	[smem:$0x3FB2] =	sst s4  }
0xd: {  	[smem:$0x3FB3] =	sst s5  }
0xe: {  	[smem:$0x3FB4] =	sst s6  }
0xf: {  	[smem:$0x3FB5] =	sst s7  }
0x10: {  	[smem:$0x3FB6] =	sst s8  }
0x11: {  	[smem:$0x3FB7] =	sst s9;
	s0 =	simm.s32 @!p0 $0x0  }
0x12: {  	s1 =	sld [smem:$0x3F9D];
	s0 =	simm.s32 @p0 $0x1  }
0x13: {  	[smem:$0x3FB8] =	sst s0;
	s0 =	simm.s32 @!p1 $0x0  }
0x14: {  	s2 =	sld [smem:$0x3F9C];
	s0 =	simm.s32 @p1 $0x1  }
0x15: {  	[smem:$0x3FB9] =	sst s0;
	s0 =	simm.s32 @!p2 $0x0  }
0x16: {  	s3 =	sld [smem:$0x3FDB];
	s0 =	simm.s32 @p2 $0x1  }
0x17: {  	s4 =	simm.s32 $0x1BF5;
	[smem:$0x3FBB] =	sst s0  }
0x18: {  	s0 =	sld [smem:$0x3F9E];
	_ =	swait.ge [sflag:s4], $0x0  }
0x19: {  	s7 =	sld [smem:$0x3F9F]  }
0x1a: {  	s8 =	sadd.s32 $0xFFFFE003, lr  }
0x1b: {  	s9 =	sadd.s32 $0xFFFFFEF7, lr;
	s5 =	simm.s32 $0xFFFFFFFF;
	p2 =	slt.u32 s8, $0xFFFFF086  }
0x1c: {  	p1 =	slt.u32 s9, $0xF7A;
	s5 =	simm.s32 @!p2 $0x0  }
0x1d: {  	s5 =	simm.s32 @p1 $0x1;
	p0 =	seq.s32 s7, s2  }
0x1e: {  	s7 =	smul.u32 @!p0 $0xF7A, s2;
	p2 =	seq.s32 @!p0 s5, $0x0  }
0x1f: {  	s9 =	smul.u32 $0xF7A, s1;
	s8 =	simm.s32 @!p0 $0x1BF5;
	p2 =	por !p2, p0  }
0x20: {  	[sflag:s8] =	ssyncset.s32 @!p0 $0xFFFFF086;
	s6 =	sadd.s32 @!p0 s3, s7;
	s7 =	simm.s32 @!p0 $0x108  }
0x21: {  	s3 =	sadd.s32 s3, s9;
	s6 =	sadd.s32 @!p0 $0x88, s6;
	s7 =	simm.s32 @p2 $0x1082  }
0x22: {  	[simem:s7], [sflag:s8] =	dma.local @!p0 [hbm:s6], $0xF7A  }
0x23: {  	s9 =	sor.u32 $0xD0000000, s2;
	s6 =	simm.s32 $0x108;
	_ =	swait.ge @!p0 [sflag:s8], $0x0  }
0x24: {  	s3 =	sadd.s32 $0x88, s3;
	s6 =	simm.s32 @!p1 $0x1082;
	[sflag:s4] =	ssyncset.s32 $0xFFFFF086  }
0x25: {  	[simem:s6], [sflag:s4] =	dma.local [hbm:s3], $0xF7A  }
0x26: {  	[smem:$0x3F9F] =	sst s1;
	(tag) =	ssettag s2;
	_ =	strace s9  }
0x27: {  	s1 =	sld [smem:$0x3FAF]  }
0x28: {  	s2 =	sld [smem:$0x3FB0]  }
0x29: {  	s4 =	sld [smem:$0x3FB2]  }
0x2a: {  	p0 =	seq.s32 s5, $0x0;
	s5 =	sld [smem:$0x3FB3]  }
0x2b: {  	s6 =	sld [smem:$0x3FB4]  }
0x2c: {  	s7 =	sld [smem:$0x3FB5]  }
0x2d: {  	s3 =	simm.s32 $0x108;
	s8 =	sld [smem:$0x3FB6]  }
0x2e: {  	s3 =	simm.s32 @!p0 $0x1082;
	s9 =	sld [smem:$0x3FB7]  }
0x2f: {  	lr =	sadd.s32 s0, s3;
	s0 =	sld [smem:$0x3FAE]  }
0x30: {  	s3 =	sld [smem:$0x3FB1]  }
0x31: {  	[smem:$0x3FBA] =	sst s10  }
0x32: {  	s10 =	sld [smem:$0x3FB8];
	_ =	sdelay $0x3  }
0x33: {  	p0 =	seq.s32 s10, $0x1;
	s10 =	sld [smem:$0x3FBA];
	_ =	sdelay $0x3  }
0x34: {  	[smem:$0x3FBA] =	sst s10  }
0x35: {  	s10 =	sld [smem:$0x3FB9];
	_ =	sdelay $0x3  }
0x36: {  	p1 =	seq.s32 s10, $0x1;
	s10 =	sld [smem:$0x3FBA];
	_ =	sdelay $0x3  }
0x37: {  	[smem:$0x3FBA] =	sst s10  }
0x38: {  	s10 =	sld [smem:$0x3FBB]  }
0x39: {  	_ = 	snop;
	(pc) =	sbr.ind lr, $3  }
0x3a: {  	_ = 	snop  }
0x3b: {  	_ = 	snop  }
0x3c: {  	p2 =	seq.s32 s10, $0x1;
	s10 =	sld [smem:$0x3FBA]  }
0x3d: {  	_ =	shalt  }
0x3e: {  	_ =	shalt  }
0x3f: {  	_ =	shalt  }
0x40: {  	_ =	shalt  }
0x41: {  	_ =	shalt  }
0x42: {  	_ =	shalt  }
0x43: {  	_ =	shalt  }
0x44: {  	_ =	shalt  }
0x45: {  	_ =	shalt  }
0x46: {  	_ =	shalt  }
0x47: {  	_ =	shalt  }
0x48: {  	_ =	shalt  }
0x49: {  	_ =	shalt  }
0x4a: {  	_ =	shalt  }
0x4b: {  	_ =	shalt  }
0x4c: {  	_ =	shalt  }
0x4d: {  	_ =	shalt  }
0x4e: {  	_ =	shalt  }
0x4f: {  	_ =	shalt  }
0x50: {  	_ =	shalt  }
0x51: {  	_ =	shalt  }
0x52: {  	_ =	shalt  }
0x53: {  	_ =	shalt  }
0x54: {  	_ =	shalt  }
0x55: {  	_ =	shalt  }
0x56: {  	_ =	shalt  }
0x57: {  	_ =	shalt  }
0x58: {  	_ =	shalt  }
0x59: {  	_ =	shalt  }
0x5a: {  	_ =	shalt  }
0x5b: {  	_ =	shalt  }
0x5c: {  	_ =	shalt  }
0x5d: {  	_ =	shalt  }
0x5e: {  	_ =	shalt  }
0x5f: {  	_ =	shalt  }
0x60: {  	_ =	shalt  }
0x61: {  	_ =	shalt  }
0x62: {  	_ =	shalt  }
0x63: {  	_ =	shalt  }
0x64: {  	_ =	shalt  }
0x65: {  	_ =	shalt  }
0x66: {  	_ =	shalt  }
0x67: {  	_ =	shalt  }
0x68: {  	_ =	shalt  }
0x69: {  	_ =	shalt  }
0x6a: {  	_ =	shalt  }
0x6b: {  	_ =	shalt  }
0x6c: {  	_ =	shalt  }
0x6d: {  	_ =	shalt  }
0x6e: {  	_ =	shalt  }
0x6f: {  	_ =	shalt  }
0x70: {  	_ =	shalt  }
0x71: {  	_ =	shalt  }
0x72: {  	_ =	shalt  }
0x73: {  	_ =	shalt  }
0x74: {  	_ =	shalt  }
0x75: {  	_ =	shalt  }
0x76: {  	_ =	shalt  }
0x77: {  	_ =	shalt  }
0x78: {  	_ =	shalt  }
0x79: {  	_ =	shalt  }
0x7a: {  	_ =	shalt  }
0x7b: {  	_ =	shalt  }
0x7c: {  	_ =	shalt  }
0x7d: {  	_ =	shalt  }
0x7e: {  	_ =	shalt  }
0x7f: {  	_ =	shalt  }
0x80: {  	_ =	shalt  }
0x81: {  	_ =	shalt  }
0x82: {  	_ =	shalt  }
0x83: {  	_ =	shalt  }
0x84: {  	_ =	shalt  }
0x85: {  	_ =	shalt  }
0x86: {  	_ =	shalt  }
0x87: {  	_ =	shalt  }
.Lfunc_end0:
.L_simem_size_0:
called_computation.1_lowered:
.L_overlay_start_0:
0x88: {  	s2 =	sld [smem:$0x3FD9]  }
0x89: {  	s3 =	sld [smem:$0x3FFE];
	_ =	sdelay $0x1  }
0x8a: {  	s1 =	srdreg.scid  }
0x8b: {  	s0 =	sand.u32 $0x1, s1  }
0x8c: {  	s17 =	sshll.u32 s0, $0xA;
	s2 =	sadd.s32 s3, s2  }
0x8d: {  	s2 =	sadd.s32 s2, s17  }
0x8e: {  	[smem:$0x3FC6] =	sst s2  }
0x8f: {  	_ = 	snop  }
0x90: {  	s2 =	sld [smem:$0x3FC9]  }
0x91: {  	s18 =	sld [smem:$0x3FD0];
	(tm) =	ssettm $0x1  }
0x92: {  	s4 =	sld [smem:$0x3FFB];
	_ =	sdelay $0x3  }
0x93: {  	_ =	strace s4  }
0x94: {  	s4 =	sld [smem:$0x3FFC];
	_ =	sdelay $0x3  }
0x95: {  	_ =	strace s4  }
0x96: {  	s4 =	sld [smem:$0x3FFD];
	_ =	sdelay $0x3  }
0x97: {  	_ =	strace s4  }
0x98: {  	_ =	strace $0x8FFFFFFF  }
0x99: {  	s19 =	sld [smem:$0x3FDB];
	_ =	sdelay $0x1  }
0x9a: {  	s5 =	simm.s32 $_scs_section_size  }
0x9b: {  	s6 =	simm.s32 $_size__tile_overlayer_lowered;
	s7 =	simm.s32 $_tile_overlayer_lowered  }
0x9c: {  	s22 =	simm.s32 $0x1BFF;
	s21 =	sshll.u32 s7, $0x1;
	s4 =	sadd.s32 s5, s19  }
0x9d: {  	s8 =	simm.s32 $0x0;
	s20 =	sshll.u32 s6, $0x1;
	s6 =	sadd.s32 s21, s4  }
0x9e: {  	[timem:s8], [sflag:s22] =	dma.local [hbm:s6], s20  }
0x9f: {  	_ =	swait.ge [sflag:s22], s20  }
0xa0: {  	s5 =	ssub.s32 $0x0, s20;
	[sflag:s22] =	ssyncset.done $0x0  }
0xa1: {  	[sflag:s22] =	ssyncadd.s32 s5;
	_ =	sdelay $0x1  }
0xa2: {  	s23 =	simm.s32 $0x1B8B  }
0xa3: {  	_ =	swait.ge [sflag:s23], $0x1  }
0xa4: {  	[sflag:s23] =	ssyncset.done $0x0  }
0xa5: {  	s25 =	simm.s32 $0x1B8E;
	s24 =	sld [smem:$0x3FFE];
	[sflag:s23] =	ssyncadd.s32 $0xFFFFFFFF  }
0xa6: {  	s26 =	simm.s32 $execute0_lowered;
	[smem:$0x3FD2] =	sst s25  }
0xa7: {  	s6 =	sshll.u32 s26, $0x1;
	_ =	strace $0x80000049;
	[dreg:$0x1] =	wrdreg $0xFFFFFFFF  }
0xa8: {  	s28 =	simm.s32 $_size_execute0_lowered;
	s4 =	sadd.s32 s4, s6;
	[dreg:$0x0] =	wrdreg $0x0  }
0xa9: {  	s6 =	sshll.u32 s28, $0x1;
	[dreg:$0x2] =	wrdreg s4  }
0xaa: {  	[dreg:$0x3] =	wrdreg s6  }
0xab: {  	[dreg:$0x4] =	wrdreg $0xC0  }
0xac: {  	_ =	task [dreg:s8], $0x5FFFF  }
0xad: {  	[dreg:$0x1] =	wrdreg $0xFFFFFFFF  }
0xae: {  	[dreg:$0x0] =	wrdreg $0x60  }
0xaf: {  	[dreg:$0x2] =	wrdreg s2  }
0xb0: {  	[dreg:$0x3] =	wrdreg s24  }
0xb1: {  	[dreg:$0x4] =	wrdreg s18  }
0xb2: {  	[dreg:$0x5] =	wrdreg $0x9  }
0xb3: {  	_ =	task.clear_ibuf [dreg:s8], $0x6FFFF;
	_ =	strace $0x90000049  }
0xb4: {  	s29 =	simm.s32 $0x9;
	_ =	strace $0x8000004B  }
0xb5: {  	_ =	swait.ge [sflag:s29], $0x1  }
0xb6: {  	[sflag:s29] =	ssyncadd.s32 $0xFFFFFFFF  }
0xb7: {  	_ =	strace $0x9000004B  }
0xb8: {  	_ =	sfence  }
0xb9: {  	s30 =	sld [smem:$0x0];
	_ =	sdelay $0x2  }
0xba: {  	s31 =	sshll.u32 s1, $0xD;
	s1 =	sshrl.u32 s1, $0x2  }
0xbb: {  	s3 =	sand.u32 $0x4000, s31;
	s1 =	sadd.s32 s1, s30  }
0xbc: {  	s0 =	sor.u32 s3, s0;
	s1 =	sshll.u32 s1, $0x11  }
0xbd: {  	s0 =	sor.u32 s1, s0  }
0xbe: {  	s0 =	sadd.s32 $0x8F2B, s0  }
0xbf: {  	[sflag:s0] =	ssyncadd.remote.s32 $0x1  }
0xc0: {  	_ =	sfence.sel $0xFFFF  }
0xc1: {  	[dreg:$0x0] =	wrdreg $0xFFFFFFFF;
	(pc) =	sbr.abs _section_cstart, $3  }
0xc2: {  	[dreg:$0x1] =	wrdreg $0xFFFFFFFF  }
0xc3: {  	_ =	task.clear_ibuf [dreg:s8], $0x2FFFF;
	_ =	strace $0x9FFFFFFF  }
0xc4: {  	(tm) =	ssettm $0x7FFFFFFF  }
0xc5: {  	_ =	shalt  }
tec
execute0_lowered:
.L_overlay_start_1:
0x0: {  	(tag) =	ssettag $0x1  }
0x1: {  	s0 =	rddreg [dreg:$0x0]  }
0x2: {  	s2 =	rddreg [dreg:$0x1];
	s3 =	simm.s32 $0x0;
	v39 =	vlaneseq.u32  }
0x3: {  	[smem:$0x7FF] =	sst s3;
	v43 =	vor.u32 $0x70, v39  }
0x4: {  	s1 =	rddreg [dreg:$0x2];
	v45 =	vor.u32 $0x60, v39;
	_ =	strace $0x8000004A;
	[tilespmem:$0x1FF10] =	vst v43  }
0x5: {  	v36 =	vor.u32 $0x30, v39;
	[tilespmem:$0x1FF20] =	vst v45  }
0x6: {  	s4 =	srdreg.scid;
	s6 =	stileid.u32;
	s11 =	simm.s32 $0x400;
	v53 =	vor.u32 $0x50, v39;
	[tilespmem:$0x1FF60] =	vst v36  }
0x7: {  	s12 =	simm.s32 $0x8000;
	s14 =	simm.s32 $0x80;
	s16 =	simm.s32 $0x6800;
	v21 =	vor.u32 $0x10, v39;
	[tilespmem:$0x1FF80] =	vst v53  }
0x8: {  	s17 =	simm.s32 $0x1A800;
	s19 =	simm.s32 $0xA800;
	s22 =	simm.s32 $0xE800;
	v60 =	vor.u32 $0x20, v39;
	[tilespmem:$0x1FF90] =	vst v21  }
0x9: {  	s28 =	simm.s32 $0x1;
	s29 =	simm.s32 $0x16800;
	s30 =	simm.s32 $0x2;
	v44 =	vmul.u32 $0x80, v39;
	v42 =	vor.u32 $0x40, v39;
	[tilespmem:$0x1FFB0] =	vst v60  }
0xa: {  	s31 =	simm.s32 $0x18800;
	s15 =	simm.s32 $0x4;
	s18 =	simm.s32 $0x6;
	[tilespmem:$0x1FFD0] =	vst v42  }
0xb: {  	s5 =	sand.u32 $0x1, s4;
	s6 =	sshll.u32 s6, $0xB;
	s24 =	sadd.s32 $0x7A1C10, s2;
	v46 =	vor.u32 $0x2800, v44;
	[tilespmem:$0x1FFF0] =	vst v44  }
0xc: {  	s4 =	sadd.s32 $0xA00, s2;
	s25 =	sadd.s32 $0x7A1C20, s2;
	[dreg:$0x5] =	wrdreg s24;
	v49 =	vor.u32 $0x3800, v44;
	[tilespmem:$0x1FF30] =	vst v46  }
0xd: {  	s7 =	sshll.u32 s5, $0xA;
	s8 =	ssub.s32 $0x2, s5;
	[dreg:$0x6] =	wrdreg s25;
	v47 =	vor.u32 $0x3000, v44;
	[tilespmem:$0x1FF40] =	vst v49  }
0xe: {  	s24 =	simm.s32 $0x6580;
	s25 =	simm.s32 $0x12800;
	s5 =	sor.u32 s7, s6;
	v38 =	vor.u32 $0x2000, v44;
	[tilespmem:$0x1FF50] =	vst v47  }
0xf: {  	s6 =	sadd.s32 $0x7A1C00, s2;
	s23 =	sshrl.u32 s8, $0x1;
	v41 =	vor.u32 $0x800, v44;
	s9 =	sshrl.u32 s5, $0x3;
	[tilespmem:$0x1FF70] =	vst v38  }
0x10: {  	v59 =	vor.u32 $0x1000, v44;
	s2 =	simm.s32 $0x5;
	s7 =	ssub.s32 s8, s23;
	[tilespmem:$0x1FFA0] =	vst v41;
	s0 =	sadd.s32 s0, s9  }
0x11: {  	v35 =	vor.u32 $0x1800, v44;
	s8 =	simm.s32 $0x0;
	[tilespmem:$0x1FFC0] =	vst v59;
	s26 =	smax.u32 s7, $0x1;
	[dreg:$0x4] =	wrdreg s0  }
0x12: {  	[tilespmem:$0x1FFE0] =	vst v35;
	[dreg:$0x7] =	wrdreg s26;
	s26 =	simm.s32 $0x1A980;
	s0 =	simm.s32 $0x3  }
.LBB2_1:
0x13: {  	[dreg:$0x8] =	wrdreg s8  }
0x14: {  	s7 =	rddreg [dreg:$0x4];
	s23 =	simm.s32 $0x7  }
0x15: {  	[tilespmem:s3], [sflag:$0x7] =	stream.strided.gather [hbm4b:s7+s11], $0x6400, s12, s11, $0x38;
	[tilespmem:$0x1AA00] =	vst v63  }
0x16: {  	_ =	swait.ge [sflag:s23], $0x6400  }
0x17: {  	[sflag:s23] =	ssyncset.done $0x0  }
0x18: {  	[sflag:s23] =	ssyncadd.s32 $0xFFFF9C00  }
0x19: {  	v0 =	vld [tilespmem:$0x0]  }
0x1a: {  	v1 =	vld [tilespmem:$0x10]  }
0x1b: {  	v2 =	vld [tilespmem:$0x20]  }
0x1c: {  	v17 =	vld [tilespmem:$0x30]  }
0x1d: {  	v24 =	vld [tilespmem:$0x40]  }
0x1e: {  	v27 =	vld [tilespmem:$0x50];
	v3 =	vshrl.u32 v0, $0x1  }
0x1f: {  	v30 =	vld [tilespmem:$0x60];
	v18 =	vshrl.u32 v1, $0x1;
	[tilespmem:$0x6400] =	vst v3  }
0x20: {  	v33 =	vld [tilespmem:$0x70];
	v25 =	vshrl.u32 v2, $0x1;
	[tilespmem:$0x6410] =	vst v18  }
0x21: {  	v28 =	vshrl.u32 v17, $0x1;
	[tilespmem:$0x6420] =	vst v25  }
0x22: {  	v31 =	vshrl.u32 v24, $0x1;
	[tilespmem:$0x6430] =	vst v28  }
0x23: {  	v34 =	vshrl.u32 v27, $0x1;
	[tilespmem:$0x6440] =	vst v31  }
0x24: {  	v40 =	vshrl.u32 v30, $0x1;
	[tilespmem:$0x6450] =	vst v34  }
0x25: {  	v0 =	vshll.u32 v0, $0x6;
	v51 =	vshrl.u32 v33, $0x1;
	[tilespmem:$0x6460] =	vst v40  }
0x26: {  	v1 =	vshll.u32 v1, $0x6;
	v0 =	vand.u32 $0x40, v0;
	[tilespmem:$0x6470] =	vst v51  }
0x27: {  	v2 =	vshll.u32 v2, $0x6;
	v19 =	vand.u32 $0x40, v1;
	[tilespmem:$0x6600] =	vst v0  }
0x28: {  	v48 =	vshll.u32 v30, $0x6;
	v26 =	vand.u32 $0x40, v2;
	[tilespmem:$0x6610] =	vst v19  }
0x29: {  	v3 =	vshll.u32 v17, $0x6;
	v50 =	vand.u32 $0x40, v48;
	[tilespmem:$0x6620] =	vst v26  }
0x2a: {  	v1 =	vshll.u32 v24, $0x6;
	v29 =	vand.u32 $0x40, v3;
	[tilespmem:$0x6660] =	vst v50  }
0x2b: {  	v2 =	vshll.u32 v27, $0x6;
	v32 =	vand.u32 $0x40, v1;
	[tilespmem:$0x6630] =	vst v29  }
0x2c: {  	v37 =	vand.u32 $0x40, v2;
	v1 =	vshll.u32 v33, $0x6;
	[tilespmem:$0x6640] =	vst v32  }
0x2d: {  	[tilespmem:$0x6650] =	vst v37;
	v52 =	vand.u32 $0x40, v1  }
0x2e: {  	s8 =	simm.s32 $0x6400;
	[tilespmem:$0x6670] =	vst v52  }
0x2f: {  	[tilespmem:s16], [sflag:$0x1] =	stream.indirect.gather [hbm4b:s4+s14], $0x80, s8, s14, $0xb8;
	[tilespmem:$0x1AA00] =	vst v63  }
0x30: {  	_ = 	snop  }
0x31: {  	[tilespmem:s17], [sflag:$0x1] =	stream.linear.gather [hbm4b:s6+s3], $0x80, $0x38;
	[tilespmem:$0x1AA00] =	vst v63  }
0x32: {  	v54 =	vld [tilespmem:$0x80]  }
0x33: {  	v55 =	vld [tilespmem:$0x90]  }
0x34: {  	v56 =	vld [tilespmem:$0xA0]  }
0x35: {  	v58 =	vld [tilespmem:$0xB0]  }
0x36: {  	v63 =	vld [tilespmem:$0xC0]  }
0x37: {  	v7 =	vld [tilespmem:$0xD0];
	v57 =	vshrl.u32 v54, $0x1  }
0x38: {  	v10 =	vld [tilespmem:$0xE0];
	v61 =	vshrl.u32 v55, $0x1;
	[tilespmem:$0x6480] =	vst v57  }
0x39: {  	v13 =	vld [tilespmem:$0xF0];
	v5 =	vshrl.u32 v56, $0x1;
	[tilespmem:$0x6490] =	vst v61  }
0x3a: {  	v8 =	vshrl.u32 v58, $0x1;
	[tilespmem:$0x64A0] =	vst v5  }
0x3b: {  	v11 =	vshrl.u32 v63, $0x1;
	[tilespmem:$0x64B0] =	vst v8  }
0x3c: {  	v14 =	vshrl.u32 v7, $0x1;
	[tilespmem:$0x64C0] =	vst v11  }
0x3d: {  	v16 =	vshrl.u32 v10, $0x1;
	[tilespmem:$0x64D0] =	vst v14  }
0x3e: {  	v0 =	vshll.u32 v54, $0x6;
	v19 =	vshrl.u32 v13, $0x1;
	[tilespmem:$0x64E0] =	vst v16  }
0x3f: {  	v1 =	vshll.u32 v55, $0x6;
	v0 =	vand.u32 $0x40, v0;
	[tilespmem:$0x64F0] =	vst v19  }
0x40: {  	v2 =	vshll.u32 v56, $0x6;
	v62 =	vand.u32 $0x40, v1;
	[tilespmem:$0x6680] =	vst v0  }
0x41: {  	v3 =	vshll.u32 v58, $0x6;
	v6 =	vand.u32 $0x40, v2;
	[tilespmem:$0x6690] =	vst v62  }
0x42: {  	v17 =	vshll.u32 v10, $0x6;
	v9 =	vand.u32 $0x40, v3;
	[tilespmem:$0x66A0] =	vst v6  }
0x43: {  	v1 =	vshll.u32 v63, $0x6;
	v18 =	vand.u32 $0x40, v17;
	[tilespmem:$0x66B0] =	vst v9  }
0x44: {  	v2 =	vshll.u32 v7, $0x6;
	v12 =	vand.u32 $0x40, v1;
	[tilespmem:$0x66E0] =	vst v18  }
0x45: {  	v15 =	vand.u32 $0x40, v2;
	v1 =	vshll.u32 v13, $0x6;
	[tilespmem:$0x66C0] =	vst v12  }
0x46: {  	[tilespmem:$0x66D0] =	vst v15;
	v24 =	vand.u32 $0x40, v1  }
0x47: {  	s9 =	simm.s32 $0x6480;
	[tilespmem:$0x66F0] =	vst v24  }
0x48: {  	[tilespmem:s19], [sflag:$0x2] =	stream.indirect.gather [hbm4b:s4+s14], $0x80, s9, s14, $0xb8;
	[tilespmem:$0x1AA00] =	vst v63  }
0x49: {  	s13 =	simm.s32 $0x1A880;
	s10 =	rddreg [dreg:$0x5]  }
0x4a: {  	[tilespmem:s13], [sflag:$0x2] =	stream.linear.gather [hbm4b:s10+s3], $0x80, $0x38;
	[tilespmem:$0x1AA00] =	vst v63  }
0x4b: {  	v25 =	vld [tilespmem:$0x100]  }
0x4c: {  	v26 =	vld [tilespmem:$0x110]  }
0x4d: {  	v27 =	vld [tilespmem:$0x120]  }
0x4e: {  	v29 =	vld [tilespmem:$0x130]  }
0x4f: {  	v32 =	vld [tilespmem:$0x140]  }
0x50: {  	v37 =	vld [tilespmem:$0x150];
	v28 =	vshrl.u32 v25, $0x1  }
0x51: {  	v50 =	vld [tilespmem:$0x160];
	v30 =	vshrl.u32 v26, $0x1;
	[tilespmem:$0x6500] =	vst v28  }
0x52: {  	v54 =	vld [tilespmem:$0x170];
	v33 =	vshrl.u32 v27, $0x1;
	[tilespmem:$0x6510] =	vst v30  }
0x53: {  	v40 =	vshrl.u32 v29, $0x1;
	[tilespmem:$0x6520] =	vst v33  }
0x54: {  	v51 =	vshrl.u32 v32, $0x1;
	[tilespmem:$0x6530] =	vst v40  }
0x55: {  	v55 =	vshrl.u32 v37, $0x1;
	[tilespmem:$0x6540] =	vst v51  }
0x56: {  	v57 =	vshrl.u32 v50, $0x1;
	[tilespmem:$0x6550] =	vst v55  }
0x57: {  	v0 =	vshll.u32 v25, $0x6;
	v62 =	vshrl.u32 v54, $0x1;
	[tilespmem:$0x6560] =	vst v57  }
0x58: {  	v1 =	vshll.u32 v26, $0x6;
	v0 =	vand.u32 $0x40, v0;
	[tilespmem:$0x6570] =	vst v62  }
0x59: {  	v2 =	vshll.u32 v27, $0x6;
	v31 =	vand.u32 $0x40, v1;
	[tilespmem:$0x6700] =	vst v0  }
0x5a: {  	v3 =	vshll.u32 v29, $0x6;
	v34 =	vand.u32 $0x40, v2;
	[tilespmem:$0x6710] =	vst v31  }
0x5b: {  	v58 =	vshll.u32 v50, $0x6;
	v48 =	vand.u32 $0x40, v3;
	[tilespmem:$0x6720] =	vst v34  }
0x5c: {  	v1 =	vshll.u32 v32, $0x6;
	v61 =	vand.u32 $0x40, v58;
	[tilespmem:$0x6730] =	vst v48  }
0x5d: {  	v2 =	vshll.u32 v37, $0x6;
	v52 =	vand.u32 $0x40, v1;
	[tilespmem:$0x6760] =	vst v61  }
0x5e: {  	v56 =	vand.u32 $0x40, v2;
	v1 =	vshll.u32 v54, $0x6;
	[tilespmem:$0x6740] =	vst v52  }
0x5f: {  	[tilespmem:$0x6750] =	vst v56;
	v63 =	vand.u32 $0x40, v1  }
0x60: {  	s20 =	simm.s32 $0x6500;
	[tilespmem:$0x6770] =	vst v63  }
0x61: {  	[tilespmem:s22], [sflag:$0x3] =	stream.indirect.gather [hbm4b:s4+s14], $0x80, s20, s14, $0xb8;
	[tilespmem:$0x1AA00] =	vst v63  }
0x62: {  	s21 =	rddreg [dreg:$0x6];
	s23 =	simm.s32 $0x1A900  }
0x63: {  	[tilespmem:s23], [sflag:$0x3] =	stream.linear.gather [hbm4b:s21+s3], $0x80, $0x38;
	[tilespmem:$0x1AA00] =	vst v63  }
0x64: {  	v55 =	vmov v60;
	s21 =	simm.s32 $0x0  }
.LBB2_2:
0x65: {  	s23 =	sshllo.u32 s21, $0x2  }
0x66: {  	s7 =	sshll.u32 s23, $0x7  }
0x67: {  	s7 =	sand.u32 $0x3FFFFF80, s7  }
0x68: {  	v0 =	vld [tilespmem:s7+$0x0];
	_ =	sdelay $0x4  }
0x69: {  	v1 =	vshrl.u32 v0, $0x1;
	v0 =	vshll.u32 v0, $0x6  }
0x6a: {  	[tilespmem:$0x6580] =	vst v1;
	v0 =	vand.u32 $0x40, v0  }
0x6b: {  	[tilespmem:$0x6780] =	vst v0  }
0x6c: {  	v0 =	vld [tilespmem:s7+$0x10];
	_ =	sdelay $0x4  }
0x6d: {  	v1 =	vshrl.u32 v0, $0x1;
	v0 =	vshll.u32 v0, $0x6  }
0x6e: {  	[tilespmem:$0x6590] =	vst v1;
	v0 =	vand.u32 $0x40, v0  }
0x6f: {  	[tilespmem:$0x6790] =	vst v0  }
0x70: {  	v0 =	vld [tilespmem:s7+$0x20];
	_ =	sdelay $0x4  }
0x71: {  	v1 =	vshrl.u32 v0, $0x1;
	v0 =	vshll.u32 v0, $0x6  }
0x72: {  	[tilespmem:$0x65A0] =	vst v1;
	v0 =	vand.u32 $0x40, v0  }
0x73: {  	[tilespmem:$0x67A0] =	vst v0  }
0x74: {  	v0 =	vld [tilespmem:s7+$0x30];
	_ =	sdelay $0x4  }
0x75: {  	v1 =	vshrl.u32 v0, $0x1;
	v0 =	vshll.u32 v0, $0x6  }
0x76: {  	[tilespmem:$0x65B0] =	vst v1;
	v0 =	vand.u32 $0x40, v0  }
0x77: {  	[tilespmem:$0x67B0] =	vst v0  }
0x78: {  	v0 =	vld [tilespmem:s7+$0x40];
	_ =	sdelay $0x4  }
0x79: {  	v1 =	vshrl.u32 v0, $0x1;
	v0 =	vshll.u32 v0, $0x6  }
0x7a: {  	[tilespmem:$0x65C0] =	vst v1;
	v0 =	vand.u32 $0x40, v0  }
0x7b: {  	[tilespmem:$0x67C0] =	vst v0  }
0x7c: {  	v0 =	vld [tilespmem:s7+$0x50];
	_ =	sdelay $0x4  }
0x7d: {  	v1 =	vshrl.u32 v0, $0x1;
	v0 =	vshll.u32 v0, $0x6  }
0x7e: {  	[tilespmem:$0x65D0] =	vst v1;
	v0 =	vand.u32 $0x40, v0  }
0x7f: {  	[tilespmem:$0x67D0] =	vst v0  }
0x80: {  	v0 =	vld [tilespmem:s7+$0x60];
	_ =	sdelay $0x4  }
0x81: {  	v1 =	vshrl.u32 v0, $0x1;
	v0 =	vshll.u32 v0, $0x6  }
0x82: {  	[tilespmem:$0x65E0] =	vst v1;
	v0 =	vand.u32 $0x40, v0  }
0x83: {  	[tilespmem:$0x67E0] =	vst v0  }
0x84: {  	v0 =	vld [tilespmem:s7+$0x70];
	_ =	sdelay $0x4  }
0x85: {  	s9 =	sshll.u32 s21, $0x6;
	v1 =	vshrl.u32 v0, $0x1;
	v0 =	vshll.u32 v0, $0x6  }
0x86: {  	s8 =	sshll.u32 s23, $0x4;
	s7 =	sand.u32 $0xF80, s9;
	[tilespmem:$0x65F0] =	vst v1;
	v0 =	vand.u32 $0x40, v0  }
0x87: {  	s8 =	sand.u32 $0x70, s8;
	s7 =	sadd.s32 s6, s7;
	[tilespmem:$0x67F0] =	vst v0  }
0x88: {  	[tilespmem:s25], [sflag:$0x4] =	stream.indirect.gather [hbm4b:s4+s14], $0x80, s24, s14, $0xb8;
	[tilespmem:$0x1AA00] =	vst v63  }
0x89: {  	s7 =	sadd.s32 s8, s7  }
0x8a: {  	[tilespmem:s26], [sflag:$0x4] =	stream.linear.gather [hbm4b:s7+s3], $0x80, $0x38;
	[tilespmem:$0x1AA00] =	vst v63  }
0x8b: {  	_ =	swait.ge [sflag:s28], $0x4000  }
0x8c: {  	[sflag:s28] =	ssyncset.done $0x0  }
0x8d: {  	[sflag:s28] =	ssyncadd.s32 $0xFFFFC000  }
0x8e: {  	_ =	swait.ge [sflag:s28], $0x80  }
0x8f: {  	p0 =	seq.s32 s21, $0x0;
	[sflag:s28] =	ssyncset.done $0x0  }
0x90: {  	s7 =	simm.s32 @!p0 $0x5;
	[sflag:s28] =	ssyncadd.s32 $0xFFFFFF80  }
0x91: {  	_ =	swait.ge @!p0 [sflag:s7], $0x2000  }
0x92: {  	[sflag:s7] =	ssyncset.done @!p0 $0x0  }
0x93: {  	[sflag:s7] =	ssyncadd.s32 @!p0 $0xFFFFE000  }
0x94: {  	v57 =	vld [tilespmem:$0x6600];
	_ =	sdelay $0x1  }
0x95: {  	s10 =	simm.s32 $0x0  }
0x96: {  	v0 =	vadd.s32 s10, v39  }
0x97: {  	v0 =	vand.u32 $0x3F, v0;
	v60 =	vld [tilespmem:$0x6610]  }
0x98: {  	s13 =	simm.s32 $0x1;
	s20 =	simm.s32 $0x2;
	v54 =	vld [tilespmem:$0x6620];
	v3 =	vadd.s32 v57, v0  }
0x99: {  	v2 =	vadd.s32 s20, v39;
	v1 =	vadd.s32 s13, v39;
	v24 =	vld [tilespmem:$0x6630];
	v3 =	vadd.s32 v44, v3  }
0x9a: {  	v2 =	vand.u32 $0x3F, v2;
	v1 =	vand.u32 $0x3F, v1;
	v50 =	vld [tilespmem:$0x6640]  }
0x9b: {  	v61 =	vld [tilespmem:$0x6650];
	v4 =	vadd.s32 v57, v1  }
0x9c: {  	s8 =	simm.s32 $0x3;
	v18 =	vld [tilespmem:$0x6660];
	v5 =	vadd.s32 v57, v2;
	v4 =	vadd.s32 v44, v4  }
0x9d: {  	v23 =	vshll.u32 v2, $0x7;
	v9 =	vadd.s32 s8, v39;
	v58 =	vld.idx.msk [tilespmem:v0+s17+$0x0], $0xffff;
	v5 =	vadd.s32 v44, v5  }
0x9e: {  	v28 =	vor.u32 v39, v23;
	v9 =	vand.u32 $0x3F, v9;
	v3 =	vld.idx.msk [tilespmem:v3+s16+$0x0], $0xffff  }
0x9f: {  	v6 =	vshll.u32 v1, $0x7;
	v48 =	vshll.u32 v0, $0x7;
	v20 =	vld.idx.msk [tilespmem:v2+s17+$0x0], $0xffff;
	v14 =	vadd.s32 v57, v9  }
0xa0: {  	v17 =	vor.u32 v39, v48;
	v40 =	vld.idx.msk [tilespmem:v1+s17+$0x0], $0xffff;
	v11 =	vadd.s32 v60, v0;
	v14 =	vadd.s32 v44, v14  }
0xa1: {  	v62 =	vor.u32 v42, v23;
	v8 =	vor.u32 v21, v6;
	v11 =	vadd.s32 v41, v11;
	v4 =	vld.idx.msk [tilespmem:v4+s16+$0x0], $0xffff  }
0xa2: {  	v29 =	vor.u32 v39, v6;
	v7 =	vadd.s32 v60, v2;
	v10 =	vadd.s32 v54, v1;
	v5 =	vld.idx.msk [tilespmem:v5+s16+$0x0], $0xffff  }
0xa3: {  	v51 =	vld [tilespmem:$0x6670];
	v12 =	vadd.s32 v54, v0;
	v27 =	vadd.s32 v60, v1;
	v3 =	vadd.f32 v3, v58  }
0xa4: {  	v13 =	vadd.s32 v24, v1;
	v15 =	vadd.s32 v24, v0;
	v30 =	vadd.s32 v41, v27  }
0xa5: {  	v7 =	vadd.s32 v41, v7;
	v14 =	vld.idx.msk [tilespmem:v14+s16+$0x0], $0xffff;
	[tilespmem:v17+s29+$0x0] =	vst.idx.msk $0xffff, v3;
	v17 =	vadd.s32 v61, v9  }
0xa6: {  	v4 =	vadd.f32 v4, v40;
	v11 =	vld.idx.msk [tilespmem:v11+s16+$0x0], $0xffff;
	[tilespmem:$0x1FD40] =	vst v17;
	v17 =	vadd.s32 v18, v9  }
0xa7: {  	v16 =	vadd.s32 v50, v0;
	v19 =	vadd.s32 v54, v9;
	v5 =	vadd.f32 v5, v20;
	[tilespmem:$0x1FD50] =	vst v17  }
0xa8: {  	v34 =	vadd.s32 v51, v9;
	[tilespmem:v29+s29+$0x0] =	vst.idx.msk $0xffff, v4;
	v52 =	vld.idx.msk [tilespmem:v9+s17+$0x0], $0xffff;
	v4 =	vor.u32 v21, v48  }
0xa9: {  	v63 =	vadd.s32 v51, v1;
	v27 =	vshll.u32 v9, $0x7;
	[tilespmem:v28+s29+$0x0] =	vst.idx.msk $0xffff, v5;
	v5 =	vld.idx.msk [tilespmem:v30+s16+$0x0], $0xffff  }
0xaa: {  	v12 =	vadd.s32 v59, v12;
	v34 =	vadd.s32 v49, v34;
	v37 =	vor.u32 v39, v27;
	v7 =	vld.idx.msk [tilespmem:v7+s16+$0x0], $0xffff  }
0xab: {  	v22 =	vadd.s32 v24, v9;
	[tilespmem:$0x1FD60] =	vst v34;
	v34 =	vadd.s32 v49, v63;
	v11 =	vadd.f32 v11, v58  }
0xac: {  	v25 =	vadd.s32 v50, v1;
	v10 =	vadd.s32 v59, v10;
	v30 =	vor.u32 v21, v23;
	[tilespmem:$0x1FD70] =	vst v34  }
0xad: {  	v3 =	vadd.s32 v50, v9;
	[tilespmem:v4+s29+$0x0] =	vst.idx.msk $0xffff, v11;
	v4 =	vadd.f32 v14, v52  }
0xae: {  	v28 =	vadd.s32 v54, v2;
	v9 =	vadd.s32 v60, v9;
	v5 =	vadd.f32 v5, v40  }
0xaf: {  	v9 =	vadd.s32 v41, v9;
	v11 =	vld.idx.msk [tilespmem:v12+s16+$0x0], $0xffff;
	v7 =	vadd.f32 v7, v20;
	[tilespmem:v37+s29+$0x0] =	vst.idx.msk $0xffff, v4  }
0xb0: {  	v28 =	vadd.s32 v59, v28;
	v12 =	vadd.s32 v51, v2;
	[tilespmem:v8+s29+$0x0] =	vst.idx.msk $0xffff, v5  }
0xb1: {  	v4 =	vor.u32 v43, v6;
	v5 =	vor.u32 v55, v48;
	[tilespmem:v30+s29+$0x0] =	vst.idx.msk $0xffff, v7  }
0xb2: {  	v26 =	vadd.s32 v24, v2;
	v10 =	vld.idx.msk [tilespmem:v10+s16+$0x0], $0xffff;
	[tilespmem:$0x1FD80] =	vst v4;
	v4 =	vadd.s32 v49, v12  }
0xb3: {  	v31 =	vadd.s32 v61, v0;
	v56 =	vadd.s32 v18, v0;
	v15 =	vadd.s32 v35, v15;
	[tilespmem:$0x1FD90] =	vst v4  }
0xb4: {  	v32 =	vadd.s32 v61, v1;
	v17 =	vor.u32 v45, v6;
	v11 =	vadd.f32 v11, v58;
	v9 =	vld.idx.msk [tilespmem:v9+s16+$0x0], $0xffff  }
0xb5: {  	v1 =	vadd.s32 v18, v1;
	v29 =	vadd.s32 v18, v2;
	v4 =	vld.idx.msk [tilespmem:v28+s16+$0x0], $0xffff;
	[tilespmem:$0x1FDA0] =	vst v17  }
0xb6: {  	v7 =	vor.u32 v21, v27;
	[tilespmem:v5+s29+$0x0] =	vst.idx.msk $0xffff, v11;
	v5 =	vadd.s32 v47, v29  }
0xb7: {  	v0 =	vadd.s32 v51, v0;
	v33 =	vadd.s32 v61, v2;
	v1 =	vadd.s32 v47, v1;
	[tilespmem:$0x1FDB0] =	vst v5  }
0xb8: {  	v12 =	vadd.s32 v59, v19;
	v5 =	vld.idx.msk [tilespmem:v15+s16+$0x0], $0xffff;
	[tilespmem:$0x1FDC0] =	vst v1;
	v15 =	vor.u32 v53, v6  }
0xb9: {  	v13 =	vadd.s32 v35, v13;
	[tilespmem:$0x1FDD0] =	vst v15;
	v15 =	vadd.s32 v46, v33;
	v9 =	vadd.f32 v9, v52  }
0xba: {  	v14 =	vor.u32 v55, v6;
	v2 =	vadd.s32 v50, v2;
	v8 =	vor.u32 v55, v23;
	[tilespmem:$0x1FDE0] =	vst v15  }
0xbb: {  	v11 =	vadd.s32 v35, v26;
	[tilespmem:v7+s29+$0x0] =	vst.idx.msk $0xffff, v9;
	v9 =	vadd.s32 v46, v32  }
0xbc: {  	v26 =	vor.u32 v36, v6;
	v1 =	vor.u32 v36, v48;
	v6 =	vor.u32 v42, v6;
	[tilespmem:$0x1FDF0] =	vst v9  }
0xbd: {  	v10 =	vadd.f32 v10, v40;
	v9 =	vld.idx.msk [tilespmem:v12+s16+$0x0], $0xffff;
	v12 =	vor.u32 v42, v27;
	[tilespmem:$0x1FE10] =	vst v6  }
0xbe: {  	v22 =	vadd.s32 v35, v22;
	v7 =	vadd.s32 v38, v16;
	v16 =	vadd.s32 v38, v2;
	[tilespmem:$0x1FE00] =	vst v12  }
0xbf: {  	v2 =	vor.u32 v53, v23;
	v5 =	vadd.f32 v5, v58;
	[tilespmem:v14+s29+$0x0] =	vst.idx.msk $0xffff, v10  }
0xc0: {  	s9 =	simm.s32 $0x4;
	s10 =	simm.s32 $0x5;
	v19 =	vadd.s32 v46, v31;
	v4 =	vadd.f32 v4, v20;
	v15 =	vor.u32 v55, v27;
	[tilespmem:$0x1FE20] =	vst v2  }
0xc1: {  	s13 =	simm.s32 $0x6;
	v14 =	vadd.s32 v38, v3;
	v3 =	vadd.s32 s10, v39;
	v2 =	vadd.s32 s9, v39;
	[tilespmem:v1+s29+$0x0] =	vst.idx.msk $0xffff, v5  }
0xc2: {  	v47 =	vand.u32 $0x3F, v3;
	v1 =	vand.u32 $0x3F, v2;
	v2 =	vadd.s32 s13, v39;
	[tilespmem:v8+s29+$0x0] =	vst.idx.msk $0xffff, v4  }
0xc3: {  	v46 =	vmovc v49;
	v3 =	vld.idx.msk [tilespmem:v7+s16+$0x0], $0xffff;
	v5 =	vadd.s32 v57, v1;
	v49 =	vand.u32 $0x3F, v2;
	v2 =	vadd.f32 v9, v52  }
0xc4: {  	v45 =	vadd.s32 v38, v25;
	v10 =	vld.idx.msk [tilespmem:v13+s16+$0x0], $0xffff;
	[tilespmem:$0x1FE30] =	vst v23;
	v5 =	vadd.s32 v44, v5  }
0xc5: {  	v28 =	vor.u32 v36, v27;
	v12 =	vor.u32 v42, v48;
	v11 =	vld.idx.msk [tilespmem:v11+s16+$0x0], $0xffff;
	[tilespmem:v15+s29+$0x0] =	vst.idx.msk $0xffff, v2  }
0xc6: {  	v0 =	vadd.s32 v46, v0;
	v4 =	vadd.s32 v57, v47;
	v8 =	vadd.s32 v54, v47;
	v22 =	vld.idx.msk [tilespmem:v22+s16+$0x0], $0xffff  }
0xc7: {  	v7 =	vor.u32 v36, v23;
	v25 =	vadd.s32 v44, v4;
	v30 =	vadd.s32 v60, v1;
	v32 =	vld.idx.msk [tilespmem:v1+s17+$0x0], $0xffff  }
0xc8: {  	v13 =	vadd.s32 v54, v1;
	v6 =	vadd.s32 v57, v49;
	v3 =	vadd.f32 v3, v58;
	v17 =	vld.idx.msk [tilespmem:v49+s17+$0x0], $0xffff  }
0xc9: {  	v4 =	vadd.s32 v24, v47;
	v29 =	vadd.s32 v44, v6;
	v5 =	vld.idx.msk [tilespmem:v5+s16+$0x0], $0xffff;
	[tilespmem:$0x1FE40] =	vst v57  }
0xca: {  	s20 =	simm.s32 $0x7;
	v63 =	vshll.u32 v47, $0x7;
	[tilespmem:v12+s29+$0x0] =	vst.idx.msk $0xffff, v3;
	v3 =	vadd.f32 v11, v20;
	v11 =	vadd.s32 v50, v1  }
0xcb: {  	v23 =	vshll.u32 v1, $0x7;
	v6 =	vadd.s32 s20, v39;
	v10 =	vadd.f32 v10, v40;
	v12 =	vld.idx.msk [tilespmem:v19+s16+$0x0], $0xffff;
	[tilespmem:$0x1FE50] =	vst v11  }
0xcc: {  	v38 =	vadd.s32 v51, v1;
	v2 =	vor.u32 v21, v63;
	v9 =	vand.u32 $0x3F, v6;
	[tilespmem:v7+s29+$0x0] =	vst.idx.msk $0xffff, v3  }
0xcd: {  	v19 =	vor.u32 v39, v23;
	v25 =	vld.idx.msk [tilespmem:v25+s16+$0x0], $0xffff;
	[tilespmem:v26+s29+$0x0] =	vst.idx.msk $0xffff, v10;
	v39 =	vmov v17;
	v17 =	vmov v52  }
0xce: {  	v21 =	vadd.s32 v24, v9;
	v34 =	vld.idx.msk [tilespmem:v47+s17+$0x0], $0xffff;
	[tilespmem:$0x1FE60] =	vst v54;
	v3 =	vadd.f32 v22, v17  }
0xcf: {  	v15 =	vadd.s32 v60, v49;
	v7 =	vor.u32 v53, v48;
	v10 =	vld.idx.msk [tilespmem:v29+s16+$0x0], $0xffff;
	[tilespmem:$0x1FE70] =	vst v21  }
0xd0: {  	v37 =	vmov v43;
	v5 =	vadd.f32 v5, v32;
	[tilespmem:v28+s29+$0x0] =	vst.idx.msk $0xffff, v3;
	v3 =	vadd.s32 v50, v47  }
0xd1: {  	v6 =	vadd.s32 v24, v1;
	v31 =	vadd.s32 v57, v9;
	v43 =	vadd.s32 v50, v9;
	[tilespmem:$0x1FE80] =	vst v3  }
0xd2: {  	v36 =	vlaneseq.u32;
	v33 =	vadd.s32 v44, v31;
	[tilespmem:v19+s29+$0x0] =	vst.idx.msk $0xffff, v5;
	v5 =	vadd.f32 v12, v58  }
0xd3: {  	v57 =	vshll.u32 v9, $0x7;
	v11 =	vadd.s32 v54, v9;
	v22 =	vadd.s32 v41, v15;
	v26 =	vld.idx.msk [tilespmem:v16+s16+$0x0], $0xffff;
	[tilespmem:$0x1FE90] =	vst v60  }
0xd4: {  	v54 =	vshll.u32 v49, $0x7;
	v21 =	vadd.s32 v61, v1;
	v3 =	vadd.s32 v60, v47;
	[tilespmem:v7+s29+$0x0] =	vst.idx.msk $0xffff, v5  }
0xd5: {  	v29 =	vor.u32 v36, v54;
	v31 =	vadd.f32 v25, v34;
	v16 =	vadd.s32 v41, v3;
	[tilespmem:$0x1FEA0] =	vst v51  }
0xd6: {  	v52 =	vmovc v40;
	v12 =	vadd.s32 v41, v30;
	v30 =	vor.u32 v36, v63;
	v60 =	vmov v23;
	[tilespmem:$0x1FEB0] =	vst v0  }
0xd7: {  	v23 =	vmov v58;
	v58 =	vor.u32 v37, v27;
	v7 =	vadd.s32 v18, v1;
	v25 =	vld.idx.msk [tilespmem:v33+s16+$0x0], $0xffff;
	[tilespmem:$0x1FEC0] =	vst v24  }
0xd8: {  	v40 =	vmov v44;
	v5 =	vadd.s32 v61, v49;
	v0 =	vadd.s32 v61, v47;
	v15 =	vld.idx.msk [tilespmem:v14+s16+$0x0], $0xffff;
	[tilespmem:$0x1FED0] =	vst v50  }
0xd9: {  	v1 =	vmov v48;
	v48 =	vor.u32 v37, v48;
	v33 =	vadd.f32 v10, v39;
	v19 =	vld.idx.msk [tilespmem:v45+s16+$0x0], $0xffff;
	[tilespmem:$0x1FEE0] =	vst v0  }
0xda: {  	v36 =	vmovc v55;
	v10 =	vadd.s32 v24, v49;
	v24 =	vmov v34;
	v26 =	vadd.f32 v26, v20;
	[tilespmem:$0x1FEF0] =	vst v61  }
0xdb: {  	s8 =	simm.s32 $0x8;
	s7 =	sshll.u32 s21, $0x2;
	v14 =	vadd.s32 v61, v9;
	v45 =	vmov v35;
	v28 =	vld.idx.msk [tilespmem:v12+s16+$0x0], $0xffff;
	[tilespmem:$0x1FF00] =	vst v18;
	v12 =	vadd.s32 v18, v9  }
.LBB2_3:
0xdc: {  	v0 =	vld [tilespmem:$0x1FF00];
	_ =	sdelay $0x3  }
0xdd: {  	[tilespmem:$0x1FCC0] =	vst v5;
	v46 =	vld [tilespmem:$0x1FF30]  }
0xde: {  	v5 =	vmov v21;
	[tilespmem:v30+s29+$0x0] =	vst.idx.msk $0xffff, v31;
	v30 =	vadd.s32 v0, v49;
	v21 =	vmov v0;
	v0 =	vld [tilespmem:$0x1FD40];
	_ =	sdelay $0x4  }
0xdf: {  	v31 =	vadd.s32 v46, v0;
	v0 =	vmov v14  }
0xe0: {  	[tilespmem:$0x1FD40] =	vst v0;
	v0 =	vld [tilespmem:$0x1FDE0];
	_ =	sdelay $0x1  }
0xe1: {  	v34 =	vld [tilespmem:$0x1FEA0]  }
0xe2: {  	v53 =	vld [tilespmem:$0x1FF40]  }
0xe3: {  	[tilespmem:$0x1FCF0] =	vst v58  }
0xe4: {  	[tilespmem:$0x1FCE0] =	vst v43;
	v43 =	vld [tilespmem:$0x1FE60]  }
0xe5: {  	[tilespmem:v29+s29+$0x0] =	vst.idx.msk $0xffff, v33  }
0xe6: {  	v22 =	vld.idx.msk [tilespmem:v22+s16+$0x0], $0xffff;
	[tilespmem:v62+s29+$0x0] =	vst.idx.msk $0xffff, v26;
	v58 =	vadd.s32 v34, v9  }
0xe7: {  	v55 =	vld.idx.msk [tilespmem:v0+s16+$0x0], $0xffff;
	v0 =	vadd.s32 v53, v58  }
0xe8: {  	[tilespmem:$0x1FCD0] =	vst v0;
	v0 =	vld [tilespmem:$0x1FE10]  }
0xe9: {  	v14 =	vadd.s32 v43, v49  }
0xea: {  	v62 =	vadd.s32 v59, v14;
	v14 =	vld [tilespmem:$0x1FDF0];
	_ =	sdelay $0x3  }
0xeb: {  	v19 =	vadd.f32 v19, v52;
	_ =	sdelay $0x1  }
0xec: {  	[tilespmem:v0+s29+$0x0] =	vst.idx.msk $0xffff, v19;
	v0 =	vld [tilespmem:$0x1FE00]  }
0xed: {  	v16 =	vld.idx.msk [tilespmem:v16+s16+$0x0], $0xffff  }
0xee: {  	v50 =	vld.idx.msk [tilespmem:v14+s16+$0x0], $0xffff;
	_ =	sdelay $0x1  }
0xef: {  	v44 =	vld [tilespmem:$0x1FF90]  }
0xf0: {  	v37 =	vld [tilespmem:$0x1FF20]  }
0xf1: {  	v35 =	vadd.s32 v59, v13;
	v13 =	vld.idx.msk [tilespmem:v9+s17+$0x0], $0xffff;
	v15 =	vadd.f32 v15, v17  }
0xf2: {  	v18 =	vmov v24;
	v16 =	vadd.f32 v16, v24;
	v24 =	vadd.f32 v50, v52;
	v50 =	vld [tilespmem:$0x1FF10]  }
0xf3: {  	[tilespmem:v0+s29+$0x0] =	vst.idx.msk $0xffff, v15;
	v0 =	vld [tilespmem:$0x1FE30];
	_ =	sdelay $0x2  }
0xf4: {  	[tilespmem:$0x1FD30] =	vst v38;
	v38 =	vld [tilespmem:$0x1FF50];
	v19 =	vadd.s32 v34, v47;
	v14 =	vmov v7  }
0xf5: {  	v29 =	vor.u32 v44, v60;
	[tilespmem:$0x1FD20] =	vst v14;
	v14 =	vld [tilespmem:$0x1FE20];
	v15 =	vadd.s32 v53, v19  }
0xf6: {  	v51 =	vlaneseq.u32;
	[tilespmem:v2+s29+$0x0] =	vst.idx.msk $0xffff, v16;
	v19 =	vor.u32 v37, v0;
	v16 =	vor.u32 v50, v0;
	v0 =	vld [tilespmem:$0x1FDD0]  }
0xf7: {  	v33 =	vor.u32 v51, v57  }
0xf8: {  	v28 =	vadd.f32 v28, v32  }
0xf9: {  	v7 =	vadd.s32 v59, v8  }
0xfa: {  	v56 =	vadd.s32 v38, v56;
	v25 =	vadd.f32 v25, v13;
	[tilespmem:v29+s29+$0x0] =	vst.idx.msk $0xffff, v28  }
0xfb: {  	v35 =	vld.idx.msk [tilespmem:v35+s16+$0x0], $0xffff;
	v55 =	vadd.f32 v55, v20  }
0xfc: {  	v31 =	vld.idx.msk [tilespmem:v31+s16+$0x0], $0xffff;
	[tilespmem:v33+s29+$0x0] =	vst.idx.msk $0xffff, v25  }
0xfd: {  	v22 =	vadd.f32 v22, v39;
	v2 =	vld [tilespmem:$0x1FDB0];
	[tilespmem:v14+s29+$0x0] =	vst.idx.msk $0xffff, v55  }
0xfe: {  	v33 =	vld.idx.msk [tilespmem:v7+s16+$0x0], $0xffff;
	v14 =	vmov v39;
	[tilespmem:v0+s29+$0x0] =	vst.idx.msk $0xffff, v24;
	v0 =	vadd.s32 v46, v5  }
0xff: {  	v39 =	vadd.s32 v45, v4;
	v4 =	vmov v12;
	v12 =	vld.idx.msk [tilespmem:v56+s16+$0x0], $0xffff;
	[tilespmem:$0x1FD10] =	vst v0;
	v0 =	vadd.s32 v38, v30  }
0x100: {  	v55 =	vmov v36;
	[tilespmem:$0x1FDB0] =	vst v0;
	v0 =	vld [tilespmem:$0x1FEB0]  }
0x101: {  	v61 =	vmov v23;
	v23 =	vor.u32 v55, v60  }
0x102: {  	v6 =	vadd.s32 v45, v6;
	v25 =	vor.u32 v37, v1  }
0x103: {  	[tilespmem:$0x1FD00] =	vst v48;
	v48 =	vld [tilespmem:$0x1FF80]  }
0x104: {  	v24 =	vadd.f32 v35, v32  }
0x105: {  	v12 =	vadd.f32 v12, v61  }
0x106: {  	v7 =	vld [tilespmem:$0x1FDC0];
	[tilespmem:v23+s29+$0x0] =	vst.idx.msk $0xffff, v24  }
0x107: {  	v6 =	vld.idx.msk [tilespmem:v6+s16+$0x0], $0xffff;
	[tilespmem:v25+s29+$0x0] =	vst.idx.msk $0xffff, v12  }
0x108: {  	v25 =	vld.idx.msk [tilespmem:v0+s16+$0x0], $0xffff;
	v0 =	vor.u32 v48, v63  }
0x109: {  	v26 =	vor.u32 v44, v54;
	[tilespmem:$0x1FDD0] =	vst v0;
	v0 =	vld [tilespmem:$0x1FCC0];
	_ =	sdelay $0x2  }
0x10a: {  	v2 =	vld.idx.msk [tilespmem:v2+s16+$0x0], $0xffff;
	_ =	sdelay $0x1  }
0x10b: {  	[tilespmem:v26+s29+$0x0] =	vst.idx.msk $0xffff, v22;
	v22 =	vld.idx.msk [tilespmem:v7+s16+$0x0], $0xffff;
	v0 =	vadd.s32 v46, v0  }
0x10c: {  	[tilespmem:$0x1FDE0] =	vst v0;
	v0 =	vld [tilespmem:$0x1FE70]  }
0x10d: {  	v28 =	vor.u32 v48, v27;
	v58 =	vor.u32 v37, v27;
	v27 =	vld [tilespmem:$0x1FD50]  }
0x10e: {  	v8 =	vadd.s32 v34, v49;
	v2 =	vadd.f32 v2, v20  }
0x10f: {  	v8 =	vadd.s32 v53, v8;
	v35 =	vld.idx.msk [tilespmem:v62+s16+$0x0], $0xffff  }
0x110: {  	[tilespmem:v19+s29+$0x0] =	vst.idx.msk $0xffff, v2;
	v2 =	vld [tilespmem:$0x1FD90];
	v5 =	vadd.f32 v22, v52;
	v22 =	vmov v8  }
0x111: {  	[tilespmem:$0x1FD90] =	vst v22;
	v22 =	vadd.s32 v45, v0;
	v0 =	vld [tilespmem:$0x1FDA0]  }
0x112: {  	v29 =	vadd.s32 v38, v27  }
0x113: {  	v27 =	vmov v57;
	v57 =	vor.u32 v36, v63;
	v31 =	vadd.f32 v31, v17  }
0x114: {  	v3 =	vld [tilespmem:$0x1FE90]  }
0x115: {  	v56 =	vld [tilespmem:$0x1FED0];
	[tilespmem:v28+s29+$0x0] =	vst.idx.msk $0xffff, v31;
	v31 =	vadd.s32 v21, v47  }
0x116: {  	v21 =	vadd.s32 v38, v31;
	v23 =	vadd.f32 v33, v18  }
0x117: {  	v29 =	vld.idx.msk [tilespmem:v29+s16+$0x0], $0xffff;
	[tilespmem:$0x1FDC0] =	vst v21  }
0x118: {  	v21 =	vld [tilespmem:$0x1FE50];
	[tilespmem:v57+s29+$0x0] =	vst.idx.msk $0xffff, v23  }
0x119: {  	v9 =	vadd.s32 v3, v9;
	[tilespmem:v0+s29+$0x0] =	vst.idx.msk $0xffff, v5;
	v5 =	vld [tilespmem:$0x1FD60]  }
0x11a: {  	v9 =	vadd.s32 v41, v9;
	v62 =	vadd.s32 v56, v49;
	v49 =	vld [tilespmem:$0x1FF60]  }
0x11b: {  	v38 =	vld [tilespmem:$0x1FF70];
	_ =	sdelay $0x1  }
0x11c: {  	v0 =	vld [tilespmem:$0x1FE80]  }
0x11d: {  	v11 =	vadd.s32 v59, v11;
	v59 =	vmov v60;
	v1 =	vld [tilespmem:$0x1FCD0];
	v19 =	vadd.f32 v29, v17  }
0x11e: {  	v9 =	vld.idx.msk [tilespmem:v9+s16+$0x0], $0xffff;
	v12 =	vor.u32 v49, v59  }
0x11f: {  	[tilespmem:v58+s29+$0x0] =	vst.idx.msk $0xffff, v19;
	v21 =	vadd.s32 v38, v21;
	v2 =	vld.idx.msk [tilespmem:v2+s16+$0x0], $0xffff  }
0x120: {  	v36 =	vor.u32 v36, v54;
	v30 =	vld.idx.msk [tilespmem:v5+s16+$0x0], $0xffff  }
0x121: {  	v6 =	vadd.f32 v6, v32;
	v5 =	vadd.s32 v38, v0;
	v0 =	vld [tilespmem:$0x1FEE0]  }
0x122: {  	[tilespmem:$0x1FD50] =	vst v4  }
0x123: {  	v31 =	vor.u32 v42, v63;
	v29 =	vadd.f32 v35, v14;
	[tilespmem:v12+s29+$0x0] =	vst.idx.msk $0xffff, v6;
	v12 =	vld [tilespmem:$0x1FCF0]  }
0x124: {  	[tilespmem:$0x1FE10] =	vst v31;
	v6 =	vld.idx.msk [tilespmem:v21+s16+$0x0], $0xffff;
	v2 =	vadd.f32 v2, v20  }
0x125: {  	v28 =	vor.u32 v44, v27;
	v8 =	vadd.f32 v9, v13;
	[tilespmem:v36+s29+$0x0] =	vst.idx.msk $0xffff, v29;
	v20 =	vmov v1;
	v1 =	vld [tilespmem:$0x1FCE0]  }
0x126: {  	[tilespmem:v16+s29+$0x0] =	vst.idx.msk $0xffff, v2;
	v0 =	vadd.s32 v46, v0;
	v2 =	vadd.f32 v30, v17;
	v17 =	vmov v13;
	v13 =	vld [tilespmem:$0x1FD00]  }
0x127: {  	v23 =	vmov v54;
	[tilespmem:$0x1FDF0] =	vst v0;
	v0 =	vld [tilespmem:$0x1FD70]  }
0x128: {  	v10 =	vadd.s32 v45, v10;
	[tilespmem:$0x1FE30] =	vst v23;
	v21 =	vld [tilespmem:$0x1FE40]  }
0x129: {  	s9 =	smov.u32 s8;
	v4 =	vor.u32 v50, v63;
	v26 =	vor.u32 v37, v63;
	v7 =	vor.u32 v49, v27;
	[tilespmem:$0x1FD60] =	vst v20  }
0x12a: {  	s10 =	sadd.s32 $0x1, s9;
	v19 =	vor.u32 v49, v63;
	v58 =	vadd.s32 v38, v1;
	v1 =	vmov v15;
	[tilespmem:v28+s29+$0x0] =	vst.idx.msk $0xffff, v8  }
0x12b: {  	v16 =	vadd.s32 s10, v51;
	v8 =	vld.idx.msk [tilespmem:v11+s16+$0x0], $0xffff;
	v11 =	vor.u32 v42, v27;
	[tilespmem:$0x1FD70] =	vst v1;
	v1 =	vadd.s32 s9, v51  }
0x12c: {  	v47 =	vand.u32 $0x3F, v16;
	[tilespmem:$0x1FE00] =	vst v11;
	v11 =	vadd.f32 v25, v61;
	v1 =	vand.u32 $0x3F, v1  }
0x12d: {  	v10 =	vld.idx.msk [tilespmem:v10+s16+$0x0], $0xffff;
	v25 =	vor.u32 v42, v59;
	[tilespmem:v12+s29+$0x0] =	vst.idx.msk $0xffff, v2;
	v2 =	vadd.s32 v21, v47  }
0x12e: {  	s13 =	sadd.s32 $0x2, s9;
	v20 =	vor.u32 v48, v23;
	[tilespmem:v13+s29+$0x0] =	vst.idx.msk $0xffff, v11;
	v11 =	vadd.s32 v40, v2;
	v2 =	vld [tilespmem:$0x1FD80]  }
0x12f: {  	v31 =	vadd.s32 v38, v62;
	v62 =	vor.u32 v42, v23;
	[tilespmem:$0x1FE20] =	vst v20;
	v20 =	vadd.s32 s13, v51;
	v0 =	vld.idx.msk [tilespmem:v0+s16+$0x0], $0xffff  }
0x130: {  	v15 =	vor.u32 v49, v23;
	v23 =	vmovc v4;
	v4 =	vmovc v26;
	v26 =	vadd.f32 v6, v32;
	v49 =	vand.u32 $0x3F, v20  }
0x131: {  	v9 =	vor.u32 v55, v27;
	v16 =	vadd.s32 v3, v49;
	v61 =	vmov v32;
	v32 =	vld.idx.msk [tilespmem:v1+s17+$0x0], $0xffff  }
0x132: {  	v20 =	vmov v14;
	v46 =	vadd.s32 v3, v1;
	[tilespmem:v25+s29+$0x0] =	vst.idx.msk $0xffff, v26;
	v25 =	vadd.s32 v3, v47;
	v3 =	vld [tilespmem:$0x1FD10]  }
0x133: {  	v10 =	vadd.f32 v10, v20;
	v12 =	vadd.s32 v21, v49  }
0x134: {  	v28 =	vld.idx.msk [tilespmem:v39+s16+$0x0], $0xffff;
	v12 =	vadd.s32 v40, v12;
	v0 =	vadd.f32 v0, v52  }
0x135: {  	v39 =	vld.idx.msk [tilespmem:v49+s17+$0x0], $0xffff;
	[tilespmem:v15+s29+$0x0] =	vst.idx.msk $0xffff, v10;
	v8 =	vadd.f32 v8, v17  }
0x136: {  	v30 =	vld [tilespmem:$0x1FEC0];
	[tilespmem:v2+s29+$0x0] =	vst.idx.msk $0xffff, v0;
	v0 =	vadd.s32 v21, v1  }
0x137: {  	v37 =	vld.idx.msk [tilespmem:v31+s16+$0x0], $0xffff;
	[tilespmem:v9+s29+$0x0] =	vst.idx.msk $0xffff, v8;
	v0 =	vadd.s32 v40, v0  }
0x138: {  	v63 =	vshll.u32 v47, $0x7;
	s9 =	sadd.s32 $0x3, s9;
	v22 =	vld.idx.msk [tilespmem:v22+s16+$0x0], $0xffff  }
0x139: {  	v54 =	vshll.u32 v49, $0x7;
	v8 =	vadd.s32 v43, v47;
	v9 =	vadd.s32 s9, v51;
	v12 =	vld.idx.msk [tilespmem:v12+s16+$0x0], $0xffff  }
0x13a: {  	[tilespmem:$0x1FDA0] =	vst v4;
	v14 =	vadd.s32 v56, v1;
	v60 =	vshll.u32 v1, $0x7;
	v9 =	vand.u32 $0x3F, v9;
	v36 =	vld.idx.msk [tilespmem:v3+s16+$0x0], $0xffff  }
0x13b: {  	v35 =	vadd.s32 v34, v1;
	[tilespmem:$0x1FE50] =	vst v14;
	v4 =	vadd.s32 v30, v47;
	v10 =	vadd.s32 v30, v9;
	v3 =	vld [tilespmem:$0x1FEF0]  }
0x13c: {  	v38 =	vmov v35;
	v29 =	vadd.s32 v21, v9;
	[tilespmem:$0x1FE70] =	vst v10;
	v10 =	vadd.s32 v56, v47;
	v0 =	vld.idx.msk [tilespmem:v0+s16+$0x0], $0xffff  }
0x13d: {  	v6 =	vadd.s32 v30, v1;
	[tilespmem:$0x1FE80] =	vst v10;
	v10 =	vadd.s32 v30, v49;
	v30 =	vor.u32 v51, v63  }
0x13e: {  	v57 =	vshll.u32 v9, $0x7;
	v13 =	vadd.s32 v43, v1;
	[tilespmem:$0x1FD80] =	vst v23;
	v33 =	vadd.f32 v12, v39;
	v21 =	vmovc v18  }
0x13f: {  	v23 =	vmovc v61;
	v2 =	vor.u32 v44, v63;
	v18 =	vld [tilespmem:$0x1FF00];
	v15 =	vadd.f32 v28, v21;
	v28 =	vadd.f32 v22, v17  }
0x140: {  	v44 =	vadd.s32 v40, v29;
	v29 =	vor.u32 v51, v54;
	v51 =	vor.u32 v51, v60;
	v26 =	vld.idx.msk [tilespmem:v11+s16+$0x0], $0xffff  }
0x141: {  	v24 =	vld.idx.msk [tilespmem:v47+s17+$0x0], $0xffff;
	[tilespmem:v7+s29+$0x0] =	vst.idx.msk $0xffff, v28;
	v31 =	vadd.f32 v0, v32;
	v0 =	vadd.s32 v3, v47  }
0x142: {  	v11 =	vadd.s32 v43, v9;
	v28 =	vadd.s32 v41, v46;
	v46 =	vor.u32 v48, v59;
	[tilespmem:$0x1FEE0] =	vst v0;
	v0 =	vld [tilespmem:$0x1FD30]  }
0x143: {  	p1 =	slt.u32 s8, $0x3C;
	v52 =	vmovc v21;
	v22 =	vadd.s32 v41, v16;
	v16 =	vadd.s32 v41, v25;
	v43 =	vadd.s32 v56, v9;
	v56 =	vld [tilespmem:$0x1FD20]  }
.Ltmp0:
0x144: {  	[tilespmem:v19+s29+$0x0] =	vst.idx.msk $0xffff, v15;
	v48 =	vor.u32 v50, v59;
	v15 =	vld.idx.msk [tilespmem:v58+s16+$0x0], $0xffff;
	v21 =	vadd.s32 v3, v1;
	(pc) =	sbr.rel @p1 .LBB2_3-.Ltmp0, $4  }
0x145: {  	v19 =	vld.idx.msk [tilespmem:v5+s16+$0x0], $0xffff;
	v5 =	vadd.s32 v3, v49;
	v14 =	vadd.s32 v3, v9;
	v3 =	vadd.f32 v36, v61  }
0x146: {  	v58 =	vor.u32 v50, v27;
	v7 =	vadd.s32 v18, v1;
	v25 =	vld.idx.msk [tilespmem:v44+s16+$0x0], $0xffff;
	[tilespmem:v51+s29+$0x0] =	vst.idx.msk $0xffff, v31  }
0x147: {  	v12 =	vadd.s32 v18, v9;
	v28 =	vld.idx.msk [tilespmem:v28+s16+$0x0], $0xffff;
	[tilespmem:v46+s29+$0x0] =	vst.idx.msk $0xffff, v3;
	v0 =	vadd.s32 v53, v0  }
0x148: {  	s8 =	sadd.s32 $0x4, s8;
	v1 =	vmovc v59;
	v59 =	vld [tilespmem:$0x1FFC0];
	v36 =	vmov v55;
	v31 =	vadd.f32 v26, v24;
	v26 =	vadd.f32 v37, v20;
	[tilespmem:$0x1FEB0] =	vst v0  }
0x149: {  	v3 =	vld [tilespmem:$0x1FE90];
	_ =	sdelay $0x3  }
0x14a: {  	v34 =	vmov v36;
	v36 =	vld.idx.msk [tilespmem:v9+s17+$0x0], $0xffff  }
0x14b: {  	v35 =	vadd.s32 v3, v9;
	v3 =	vlaneseq.u32  }
0x14c: {  	v37 =	vor.u32 v3, v57;
	_ =	sdelay $0x2  }
0x14d: {  	[tilespmem:v29+s29+$0x0] =	vst.idx.msk $0xffff, v33;
	v25 =	vadd.f32 v25, v36  }
0x14e: {  	[tilespmem:v30+s29+$0x0] =	vst.idx.msk $0xffff, v31  }
0x14f: {  	[tilespmem:v37+s29+$0x0] =	vst.idx.msk $0xffff, v25  }
0x150: {  	v35 =	vadd.s32 v41, v35;
	v18 =	vld [tilespmem:$0x1FE60]  }
0x151: {  	v44 =	vmov v45;
	v45 =	vmov v59;
	v59 =	vld [tilespmem:$0x1FF90];
	_ =	sdelay $0x2  }
0x152: {  	v22 =	vld.idx.msk [tilespmem:v22+s16+$0x0], $0xffff  }
0x153: {  	v25 =	vld.idx.msk [tilespmem:v35+s16+$0x0], $0xffff  }
0x154: {  	v29 =	vadd.s32 v18, v49;
	v30 =	vor.u32 v59, v54  }
0x155: {  	v16 =	vld.idx.msk [tilespmem:v16+s16+$0x0], $0xffff;
	v31 =	vor.u32 v59, v57;
	v29 =	vadd.s32 v45, v29;
	_ =	sdelay $0x1  }
0x156: {  	v22 =	vadd.f32 v22, v39  }
0x157: {  	v11 =	vadd.s32 v45, v11;
	v37 =	vor.u32 v59, v60;
	v25 =	vadd.f32 v25, v36  }
0x158: {  	[tilespmem:v30+s29+$0x0] =	vst.idx.msk $0xffff, v22  }
0x159: {  	v13 =	vadd.s32 v45, v13;
	v16 =	vadd.f32 v16, v24;
	[tilespmem:v31+s29+$0x0] =	vst.idx.msk $0xffff, v25;
	v25 =	vld.idx.msk [tilespmem:v29+s16+$0x0], $0xffff  }
0x15a: {  	v8 =	vadd.s32 v45, v8;
	v22 =	vadd.f32 v28, v32  }
0x15b: {  	[tilespmem:v2+s29+$0x0] =	vst.idx.msk $0xffff, v16;
	v2 =	vor.u32 v34, v54  }
0x15c: {  	v11 =	vld.idx.msk [tilespmem:v11+s16+$0x0], $0xffff;
	[tilespmem:v37+s29+$0x0] =	vst.idx.msk $0xffff, v22  }
0x15d: {  	v0 =	vld [tilespmem:$0x1FE70]  }
0x15e: {  	v13 =	vld.idx.msk [tilespmem:v13+s16+$0x0], $0xffff;
	v25 =	vadd.f32 v25, v39  }
0x15f: {  	v16 =	vor.u32 v34, v57;
	v8 =	vld.idx.msk [tilespmem:v8+s16+$0x0], $0xffff;
	[tilespmem:v62+s29+$0x0] =	vst.idx.msk $0xffff, v26  }
0x160: {  	v28 =	vor.u32 v34, v60;
	[tilespmem:v2+s29+$0x0] =	vst.idx.msk $0xffff, v25  }
0x161: {  	v29 =	vor.u32 v34, v63;
	v61 =	vld [tilespmem:$0x1FF30]  }
0x162: {  	v11 =	vadd.f32 v11, v36;
	v22 =	vadd.s32 v44, v0;
	v0 =	vld [tilespmem:$0x1FD40]  }
0x163: {  	v13 =	vadd.f32 v13, v32  }
0x164: {  	v8 =	vadd.f32 v8, v24;
	v18 =	vld [tilespmem:$0x1FF00];
	[tilespmem:v16+s29+$0x0] =	vst.idx.msk $0xffff, v11  }
0x165: {  	v30 =	vld [tilespmem:$0x1FEA0];
	[tilespmem:v28+s29+$0x0] =	vst.idx.msk $0xffff, v13  }
0x166: {  	v16 =	vld [tilespmem:$0x1FED0];
	[tilespmem:v29+s29+$0x0] =	vst.idx.msk $0xffff, v8  }
0x167: {  	v25 =	vadd.s32 v61, v0;
	v0 =	vld [tilespmem:$0x1FE10];
	_ =	sdelay $0x5  }
0x168: {  	v11 =	vadd.f32 v19, v52  }
0x169: {  	v51 =	vld [tilespmem:$0x1FF60]  }
0x16a: {  	v53 =	vld [tilespmem:$0x1FF70];
	[tilespmem:v0+s29+$0x0] =	vst.idx.msk $0xffff, v11  }
0x16b: {  	v0 =	vld [tilespmem:$0x1FE50];
	_ =	sdelay $0x4  }
0x16c: {  	v26 =	vadd.s32 v53, v0;
	v0 =	vld [tilespmem:$0x1FDE0];
	_ =	sdelay $0x6  }
0x16d: {  	v10 =	vadd.s32 v44, v10  }
0x16e: {  	v28 =	vld.idx.msk [tilespmem:v0+s16+$0x0], $0xffff  }
0x16f: {  	v0 =	vld [tilespmem:$0x1FE00]  }
0x170: {  	v6 =	vadd.s32 v44, v6  }
0x171: {  	v4 =	vadd.s32 v44, v4  }
0x172: {  	v10 =	vld.idx.msk [tilespmem:v10+s16+$0x0], $0xffff  }
0x173: {  	v13 =	vld.idx.msk [tilespmem:v22+s16+$0x0], $0xffff  }
0x174: {  	v8 =	vor.u32 v51, v54  }
0x175: {  	v15 =	vadd.f32 v15, v17;
	v6 =	vld.idx.msk [tilespmem:v6+s16+$0x0], $0xffff;
	v19 =	vor.u32 v51, v57  }
0x176: {  	v4 =	vld.idx.msk [tilespmem:v4+s16+$0x0], $0xffff  }
0x177: {  	v10 =	vadd.f32 v10, v39;
	v11 =	vor.u32 v51, v60;
	[tilespmem:v0+s29+$0x0] =	vst.idx.msk $0xffff, v15  }
0x178: {  	v22 =	vor.u32 v51, v63;
	v13 =	vadd.f32 v13, v36;
	v0 =	vld [tilespmem:$0x1FE80]  }
0x179: {  	v55 =	vld [tilespmem:$0x1FF40];
	[tilespmem:v8+s29+$0x0] =	vst.idx.msk $0xffff, v10  }
0x17a: {  	v6 =	vadd.f32 v6, v32;
	[tilespmem:v19+s29+$0x0] =	vst.idx.msk $0xffff, v13  }
0x17b: {  	v4 =	vadd.f32 v4, v24;
	v46 =	vld [tilespmem:$0x1FF20]  }
0x17c: {  	v31 =	vld [tilespmem:$0x1FE30];
	[tilespmem:v11+s29+$0x0] =	vst.idx.msk $0xffff, v6  }
0x17d: {  	v50 =	vmov v60;
	v60 =	vld [tilespmem:$0x1FF50];
	[tilespmem:v22+s29+$0x0] =	vst.idx.msk $0xffff, v4  }
0x17e: {  	v15 =	vadd.s32 v53, v0;
	v0 =	vld [tilespmem:$0x1FDF0];
	_ =	sdelay $0x3  }
0x17f: {  	v16 =	vadd.s32 v16, v49  }
0x180: {  	v16 =	vadd.s32 v53, v16  }
0x181: {  	v3 =	vadd.s32 v53, v43;
	_ =	sdelay $0x1  }
0x182: {  	v4 =	vadd.f32 v28, v20;
	v28 =	vld.idx.msk [tilespmem:v0+s16+$0x0], $0xffff  }
0x183: {  	v0 =	vld [tilespmem:$0x1FE20]  }
0x184: {  	v10 =	vld.idx.msk [tilespmem:v16+s16+$0x0], $0xffff  }
0x185: {  	v43 =	vld.idx.msk [tilespmem:v3+s16+$0x0], $0xffff  }
0x186: {  	v6 =	vadd.s32 v60, v56;
	v56 =	vld [tilespmem:$0x1FF80]  }
0x187: {  	v11 =	vor.u32 v42, v54;
	v16 =	vld.idx.msk [tilespmem:v26+s16+$0x0], $0xffff  }
0x188: {  	v19 =	vor.u32 v42, v57;
	v15 =	vld.idx.msk [tilespmem:v15+s16+$0x0], $0xffff  }
0x189: {  	v22 =	vld.idx.msk [tilespmem:v25+s16+$0x0], $0xffff;
	v26 =	vor.u32 v42, v50  }
0x18a: {  	v29 =	vor.u32 v42, v63;
	v3 =	vadd.s32 v61, v21;
	v10 =	vadd.f32 v10, v39  }
0x18b: {  	v21 =	vadd.f32 v43, v36;
	v25 =	vor.u32 v56, v27;
	[tilespmem:v0+s29+$0x0] =	vst.idx.msk $0xffff, v4  }
0x18c: {  	v16 =	vadd.f32 v16, v32;
	v0 =	vld [tilespmem:$0x1FEE0];
	[tilespmem:v11+s29+$0x0] =	vst.idx.msk $0xffff, v10  }
0x18d: {  	v11 =	vadd.f32 v15, v24;
	v10 =	vld [tilespmem:$0x1FD50];
	[tilespmem:v19+s29+$0x0] =	vst.idx.msk $0xffff, v21  }
0x18e: {  	v15 =	vadd.f32 v22, v17;
	[tilespmem:v26+s29+$0x0] =	vst.idx.msk $0xffff, v16  }
0x18f: {  	[tilespmem:v29+s29+$0x0] =	vst.idx.msk $0xffff, v11  }
0x190: {  	[tilespmem:v25+s29+$0x0] =	vst.idx.msk $0xffff, v15  }
0x191: {  	v5 =	vadd.s32 v61, v5;
	v15 =	vld [tilespmem:$0x1FDB0]  }
0x192: {  	v2 =	vadd.s32 v18, v49;
	v14 =	vadd.s32 v61, v14;
	v22 =	vadd.s32 v18, v47;
	v18 =	vld [tilespmem:$0x1FDD0];
	_ =	sdelay $0x1  }
0x193: {  	v0 =	vadd.s32 v61, v0;
	_ =	sdelay $0x1  }
0x194: {  	v5 =	vld.idx.msk [tilespmem:v5+s16+$0x0], $0xffff  }
0x195: {  	v14 =	vld.idx.msk [tilespmem:v14+s16+$0x0], $0xffff;
	v10 =	vadd.s32 v60, v10  }
0x196: {  	v16 =	vadd.f32 v28, v52;
	v19 =	vor.u32 v56, v54;
	v3 =	vld.idx.msk [tilespmem:v3+s16+$0x0], $0xffff  }
0x197: {  	v11 =	vor.u32 v56, v57;
	v0 =	vld.idx.msk [tilespmem:v0+s16+$0x0], $0xffff  }
0x198: {  	v25 =	vor.u32 v56, v50;
	v15 =	vld.idx.msk [tilespmem:v15+s16+$0x0], $0xffff;
	[tilespmem:v18+s29+$0x0] =	vst.idx.msk $0xffff, v16  }
0x199: {  	v26 =	vor.u32 v56, v63;
	v5 =	vadd.f32 v5, v39;
	v18 =	vld [tilespmem:$0x1FDC0]  }
0x19a: {  	v13 =	vor.u32 v46, v31;
	v14 =	vadd.f32 v14, v36;
	v10 =	vld.idx.msk [tilespmem:v10+s16+$0x0], $0xffff  }
0x19b: {  	v6 =	vld.idx.msk [tilespmem:v6+s16+$0x0], $0xffff;
	v4 =	vor.u32 v46, v27;
	v3 =	vadd.f32 v3, v32;
	[tilespmem:v19+s29+$0x0] =	vst.idx.msk $0xffff, v5  }
0x19c: {  	v16 =	vadd.s32 v60, v22;
	[tilespmem:v11+s29+$0x0] =	vst.idx.msk $0xffff, v14;
	v0 =	vadd.f32 v0, v24  }
0x19d: {  	v22 =	vor.u32 v46, v1;
	[tilespmem:v25+s29+$0x0] =	vst.idx.msk $0xffff, v3;
	v11 =	vadd.f32 v15, v20  }
0x19e: {  	[tilespmem:v26+s29+$0x0] =	vst.idx.msk $0xffff, v0  }
0x19f: {  	v10 =	vadd.f32 v10, v17;
	[tilespmem:v13+s29+$0x0] =	vst.idx.msk $0xffff, v11  }
0x1a0: {  	v0 =	vadd.f32 v6, v23;
	v13 =	vld [tilespmem:$0x1FD90]  }
0x1a1: {  	[tilespmem:v4+s29+$0x0] =	vst.idx.msk $0xffff, v10;
	v18 =	vld.idx.msk [tilespmem:v18+s16+$0x0], $0xffff  }
0x1a2: {  	v2 =	vadd.s32 v60, v2;
	[tilespmem:v22+s29+$0x0] =	vst.idx.msk $0xffff, v0  }
0x1a3: {  	v12 =	vadd.s32 v60, v12;
	v0 =	vld [tilespmem:$0x1FD60]  }
0x1a4: {  	v7 =	vadd.s32 v60, v7;
	v11 =	vld.idx.msk [tilespmem:v16+s16+$0x0], $0xffff  }
0x1a5: {  	v16 =	vld [tilespmem:$0x1FEB0]  }
0x1a6: {  	v14 =	vadd.f32 v18, v52;
	v18 =	vld [tilespmem:$0x1FDA0]  }
0x1a7: {  	v2 =	vld.idx.msk [tilespmem:v2+s16+$0x0], $0xffff  }
0x1a8: {  	v3 =	vld.idx.msk [tilespmem:v12+s16+$0x0], $0xffff  }
0x1a9: {  	v7 =	vld.idx.msk [tilespmem:v7+s16+$0x0], $0xffff  }
0x1aa: {  	v12 =	vor.u32 v46, v54;
	v37 =	vld [tilespmem:$0x1FF10]  }
0x1ab: {  	v6 =	vor.u32 v46, v57;
	v0 =	vld.idx.msk [tilespmem:v0+s16+$0x0], $0xffff  }
0x1ac: {  	v4 =	vor.u32 v46, v50  }
0x1ad: {  	v21 =	vadd.s32 v30, v49;
	v2 =	vadd.f32 v2, v39;
	v13 =	vld.idx.msk [tilespmem:v13+s16+$0x0], $0xffff  }
0x1ae: {  	v5 =	vor.u32 v46, v63;
	v3 =	vadd.f32 v3, v36;
	v16 =	vld.idx.msk [tilespmem:v16+s16+$0x0], $0xffff;
	[tilespmem:v18+s29+$0x0] =	vst.idx.msk $0xffff, v14  }
0x1af: {  	v7 =	vadd.f32 v7, v32;
	v15 =	vor.u32 v37, v31;
	v14 =	vld [tilespmem:$0x1FD70];
	[tilespmem:v12+s29+$0x0] =	vst.idx.msk $0xffff, v2  }
0x1b0: {  	v1 =	vadd.s32 v55, v21;
	v0 =	vadd.f32 v0, v17;
	[tilespmem:v6+s29+$0x0] =	vst.idx.msk $0xffff, v3  }
0x1b1: {  	v9 =	vadd.s32 v30, v9;
	v2 =	vadd.f32 v11, v24;
	[tilespmem:v4+s29+$0x0] =	vst.idx.msk $0xffff, v7  }
0x1b2: {  	v8 =	vadd.s32 v30, v47;
	v3 =	vadd.f32 v13, v20;
	[tilespmem:v58+s29+$0x0] =	vst.idx.msk $0xffff, v0  }
0x1b3: {  	v8 =	vadd.s32 v55, v8;
	[tilespmem:v5+s29+$0x0] =	vst.idx.msk $0xffff, v2;
	v2 =	vadd.f32 v16, v23  }
0x1b4: {  	v9 =	vadd.s32 v55, v9;
	[tilespmem:v15+s29+$0x0] =	vst.idx.msk $0xffff, v3  }
0x1b5: {  	v10 =	vadd.s32 v55, v38;
	v1 =	vld.idx.msk [tilespmem:v1+s16+$0x0], $0xffff;
	[tilespmem:v48+s29+$0x0] =	vst.idx.msk $0xffff, v2  }
0x1b6: {  	v2 =	vld [tilespmem:$0x1FD80]  }
0x1b7: {  	v14 =	vld.idx.msk [tilespmem:v14+s16+$0x0], $0xffff  }
0x1b8: {  	v6 =	vor.u32 v37, v54;
	v5 =	vld.idx.msk [tilespmem:v8+s16+$0x0], $0xffff  }
0x1b9: {  	v4 =	vld.idx.msk [tilespmem:v9+s16+$0x0], $0xffff  }
0x1ba: {  	v7 =	vld.idx.msk [tilespmem:v10+s16+$0x0], $0xffff;
	v9 =	vor.u32 v37, v63  }
0x1bb: {  	v3 =	vor.u32 v37, v57;
	v1 =	vadd.f32 v1, v39  }
0x1bc: {  	v0 =	vor.u32 v37, v50;
	v8 =	vadd.f32 v14, v52  }
0x1bd: {  	[tilespmem:v6+s29+$0x0] =	vst.idx.msk $0xffff, v1;
	v1 =	vadd.f32 v5, v24  }
0x1be: {  	s8 =	sshll.u32 s21, $0x14;
	[tilespmem:v2+s29+$0x0] =	vst.idx.msk $0xffff, v8;
	v2 =	vadd.f32 v4, v36  }
0x1bf: {  	s8 =	sor.u32 s5, s8;
	[tilespmem:v9+s29+$0x0] =	vst.idx.msk $0xffff, v1;
	v4 =	vadd.f32 v7, v32  }
0x1c0: {  	s8 =	sshrl.u32 s8, $0x3;
	[tilespmem:v3+s29+$0x0] =	vst.idx.msk $0xffff, v2  }
0x1c1: {  	s8 =	sadd.s32 s1, s8;
	[tilespmem:v0+s29+$0x0] =	vst.idx.msk $0xffff, v4  }
0x1c2: {  	[hbm4b:s8+s11] =	stream.strided.scatter [tilespmem:s29], [sflag:$0x5], $0x2000, s12, s11, $0x38;
	[tilespmem:$0x1AA00] =	vst v63  }
0x1c3: {  	s8 =	sor.u32 $0x1, s7  }
0x1c4: {  	p1 =	sgt.u32 s8, $0xC4  }
0x1c5: {  	s9 =	sadd.s32 @!p1 $0x4, s7  }
0x1c6: {  	s10 =	sshll.u32 @!p1 s9, $0x7  }
0x1c7: {  	s10 =	sand.u32 @!p1 $0x3FFFFF80, s10  }
0x1c8: {  	v0 =	vld @!p1 [tilespmem:s10+$0x0];
	_ =	sdelay $0x4  }
0x1c9: {  	v1 =	vshrl.u32 @!p1 v0, $0x1;
	v0 =	vshll.u32 @!p1 v0, $0x6  }
0x1ca: {  	[tilespmem:$0x6400] =	vst @!p1 v1;
	v0 =	vand.u32 @!p1 $0x40, v0  }
0x1cb: {  	[tilespmem:$0x6600] =	vst @!p1 v0  }
0x1cc: {  	v0 =	vld @!p1 [tilespmem:s10+$0x10];
	_ =	sdelay $0x4  }
0x1cd: {  	v1 =	vshrl.u32 @!p1 v0, $0x1;
	v0 =	vshll.u32 @!p1 v0, $0x6  }
0x1ce: {  	[tilespmem:$0x6410] =	vst @!p1 v1;
	v0 =	vand.u32 @!p1 $0x40, v0  }
0x1cf: {  	[tilespmem:$0x6610] =	vst @!p1 v0  }
0x1d0: {  	v0 =	vld @!p1 [tilespmem:s10+$0x20];
	_ =	sdelay $0x4  }
0x1d1: {  	v1 =	vshrl.u32 @!p1 v0, $0x1;
	v0 =	vshll.u32 @!p1 v0, $0x6  }
0x1d2: {  	[tilespmem:$0x6420] =	vst @!p1 v1;
	v0 =	vand.u32 @!p1 $0x40, v0  }
0x1d3: {  	[tilespmem:$0x6620] =	vst @!p1 v0  }
0x1d4: {  	v0 =	vld @!p1 [tilespmem:s10+$0x30];
	_ =	sdelay $0x4  }
0x1d5: {  	v1 =	vshrl.u32 @!p1 v0, $0x1;
	v0 =	vshll.u32 @!p1 v0, $0x6  }
0x1d6: {  	[tilespmem:$0x6430] =	vst @!p1 v1;
	v0 =	vand.u32 @!p1 $0x40, v0  }
0x1d7: {  	[tilespmem:$0x6630] =	vst @!p1 v0  }
0x1d8: {  	v0 =	vld @!p1 [tilespmem:s10+$0x40];
	_ =	sdelay $0x4  }
0x1d9: {  	v1 =	vshrl.u32 @!p1 v0, $0x1;
	v0 =	vshll.u32 @!p1 v0, $0x6  }
0x1da: {  	[tilespmem:$0x6440] =	vst @!p1 v1;
	v0 =	vand.u32 @!p1 $0x40, v0  }
0x1db: {  	[tilespmem:$0x6640] =	vst @!p1 v0  }
0x1dc: {  	v0 =	vld @!p1 [tilespmem:s10+$0x50];
	_ =	sdelay $0x4  }
0x1dd: {  	v1 =	vshrl.u32 @!p1 v0, $0x1;
	v0 =	vshll.u32 @!p1 v0, $0x6  }
0x1de: {  	[tilespmem:$0x6450] =	vst @!p1 v1;
	v0 =	vand.u32 @!p1 $0x40, v0  }
0x1df: {  	[tilespmem:$0x6650] =	vst @!p1 v0  }
0x1e0: {  	v0 =	vld @!p1 [tilespmem:s10+$0x60];
	_ =	sdelay $0x4  }
0x1e1: {  	v1 =	vshrl.u32 @!p1 v0, $0x1;
	v0 =	vshll.u32 @!p1 v0, $0x6  }
0x1e2: {  	[tilespmem:$0x6460] =	vst @!p1 v1;
	v0 =	vand.u32 @!p1 $0x40, v0  }
0x1e3: {  	[tilespmem:$0x6660] =	vst @!p1 v0  }
0x1e4: {  	v0 =	vld @!p1 [tilespmem:s10+$0x70];
	_ =	sdelay $0x4  }
0x1e5: {  	v1 =	vshrl.u32 @!p1 v0, $0x1;
	v0 =	vshll.u32 @!p1 v0, $0x6  }
0x1e6: {  	s13 =	simm.s32 @!p1 $0x6400;
	[tilespmem:$0x6470] =	vst @!p1 v1;
	v0 =	vand.u32 @!p1 $0x40, v0  }
0x1e7: {  	s20 =	simm.s32 @!p1 $0x6800;
	s9 =	sshll.u32 @!p1 s9, $0x4;
	s10 =	simm.s32 @!p1 $0x80;
	[tilespmem:$0x6670] =	vst @!p1 v0  }
0x1e8: {  	[tilespmem:s20], [sflag:$0x1] =	stream.indirect.gather @!p1 [hbm4b:s4+s10], $0x80, s13, s10, $0xb8;
	[tilespmem:$0x1AA00] =	vst v63  }
0x1e9: {  	s9 =	sadd.s32 @!p1 s6, s9;
	s10 =	simm.s32 @!p1 $0x0;
	s13 =	simm.s32 @!p1 $0x1A800  }
0x1ea: {  	[tilespmem:s13], [sflag:$0x1] =	stream.linear.gather @!p1 [hbm4b:s9+s10], $0x80, $0x38;
	[tilespmem:$0x1AA00] =	vst v63  }
0x1eb: {  	_ =	swait.ge [sflag:s30], $0x4000  }
0x1ec: {  	[sflag:s30] =	ssyncset.done $0x0  }
0x1ed: {  	[sflag:s30] =	ssyncadd.s32 $0xFFFFC000  }
0x1ee: {  	_ =	swait.ge [sflag:s30], $0x80  }
0x1ef: {  	[sflag:s30] =	ssyncset.done $0x0  }
0x1f0: {  	s9 =	simm.s32 @!p0 $0x6;
	[sflag:s30] =	ssyncadd.s32 $0xFFFFFF80  }
0x1f1: {  	_ =	swait.ge @!p0 [sflag:s9], $0x2000  }
0x1f2: {  	[sflag:s9] =	ssyncset.done @!p0 $0x0  }
0x1f3: {  	[sflag:s9] =	ssyncadd.s32 @!p0 $0xFFFFE000  }
0x1f4: {  	v48 =	vld [tilespmem:$0x6680];
	_ =	sdelay $0x1  }
0x1f5: {  	v3 =	vlaneseq.u32;
	s10 =	simm.s32 $0x1  }
0x1f6: {  	s20 =	simm.s32 $0x0;
	v1 =	vadd.s32 s10, v3  }
0x1f7: {  	v0 =	vadd.s32 s20, v3;
	s13 =	simm.s32 $0x2;
	v1 =	vand.u32 $0x3F, v1  }
0x1f8: {  	v4 =	vand.u32 $0x3F, v0;
	v2 =	vadd.s32 s13, v3;
	v0 =	vadd.s32 v48, v1  }
0x1f9: {  	s20 =	simm.s32 $0x3;
	v2 =	vand.u32 $0x3F, v2;
	v49 =	vld [tilespmem:$0x6690];
	v0 =	vadd.s32 v40, v0  }
0x1fa: {  	v3 =	vadd.s32 s20, v3;
	v24 =	vshll.u32 v1, $0x7;
	v58 =	vld [tilespmem:$0x66A0];
	v5 =	vadd.s32 v48, v2  }
0x1fb: {  	v3 =	vand.u32 $0x3F, v3;
	v9 =	vor.u32 v37, v24;
	v38 =	vld [tilespmem:$0x66B0];
	v5 =	vadd.s32 v40, v5  }
0x1fc: {  	v52 =	vlaneseq.u32;
	v26 =	vshll.u32 v3, $0x7;
	[tilespmem:$0x1FB40] =	vst v9;
	v9 =	vor.u32 $0x80, v1;
	v54 =	vld [tilespmem:$0x66C0]  }
0x1fd: {  	v7 =	vor.u32 $0x80, v2;
	v17 =	vor.u32 v37, v26;
	v50 =	vld [tilespmem:$0x66D0];
	v12 =	vadd.s32 v48, v4  }
0x1fe: {  	v47 =	vshll.u32 v2, $0x7;
	v12 =	vadd.s32 v40, v12;
	v0 =	vld.idx.msk [tilespmem:v0+s19+$0x0], $0xffff;
	[tilespmem:$0x1FB50] =	vst v17;
	v17 =	vor.u32 v42, v26  }
0x1ff: {  	v16 =	vor.u32 $0x80, v4;
	v25 =	vor.u32 v52, v24;
	v28 =	vor.u32 v52, v47;
	v18 =	vld [tilespmem:$0x66E0];
	[tilespmem:$0x1FB60] =	vst v17  }
0x200: {  	v32 =	vor.u32 v56, v47;
	v6 =	vadd.s32 v49, v1;
	v8 =	vadd.s32 v58, v1;
	v5 =	vld.idx.msk [tilespmem:v5+s19+$0x0], $0xffff  }
0x201: {  	v10 =	vadd.s32 v49, v2;
	v11 =	vadd.s32 v38, v1;
	v15 =	vadd.s32 v48, v3;
	v43 =	vld.idx.msk [tilespmem:v9+s17+$0x0], $0xffff  }
0x202: {  	v13 =	vadd.s32 v58, v2;
	v14 =	vadd.s32 v38, v2;
	v15 =	vadd.s32 v40, v15;
	v21 =	vld.idx.msk [tilespmem:v7+s17+$0x0], $0xffff  }
0x203: {  	v19 =	vadd.s32 v49, v4;
	v23 =	vadd.s32 v49, v3;
	v17 =	vor.u32 $0x80, v3;
	v12 =	vld.idx.msk [tilespmem:v12+s19+$0x0], $0xffff  }
0x204: {  	v27 =	vadd.s32 v54, v1;
	v29 =	vadd.s32 v58, v3;
	v30 =	vadd.s32 v50, v4;
	v22 =	vld.idx.msk [tilespmem:v16+s17+$0x0], $0xffff  }
0x205: {  	v31 =	vadd.s32 v50, v1;
	v62 =	vadd.s32 v38, v3;
	v6 =	vadd.s32 v41, v6  }
0x206: {  	v39 =	vmovc v42;
	v36 =	vmovc v41;
	v10 =	vadd.s32 v41, v10;
	v41 =	vld [tilespmem:$0x66F0];
	v42 =	vshll.u32 v4, $0x7;
	v0 =	vadd.f32 v0, v43  }
0x207: {  	v63 =	vadd.s32 v50, v3;
	v57 =	vor.u32 v52, v42;
	v15 =	vld.idx.msk [tilespmem:v15+s19+$0x0], $0xffff;
	v5 =	vadd.f32 v5, v21  }
0x208: {  	v11 =	vadd.s32 v44, v11;
	v20 =	vld.idx.msk [tilespmem:v17+s17+$0x0], $0xffff;
	v17 =	vadd.s32 v36, v19;
	[tilespmem:v25+s31+$0x0] =	vst.idx.msk $0xffff, v0  }
0x209: {  	[tilespmem:v28+s31+$0x0] =	vst.idx.msk $0xffff, v5;
	v5 =	vadd.f32 v12, v22;
	v12 =	vadd.s32 v18, v3  }
0x20a: {  	v7 =	vadd.s32 v58, v4;
	v0 =	vor.u32 v52, v26;
	v6 =	vld.idx.msk [tilespmem:v6+s19+$0x0], $0xffff;
	[tilespmem:$0x1FB70] =	vst v12  }
0x20b: {  	v19 =	vadd.s32 v54, v3;
	v3 =	vadd.s32 v41, v3;
	v12 =	vadd.s32 v36, v23;
	v10 =	vld.idx.msk [tilespmem:v10+s19+$0x0], $0xffff  }
0x20c: {  	v23 =	vor.u32 v59, v24;
	v3 =	vadd.s32 v55, v3;
	[tilespmem:v57+s31+$0x0] =	vst.idx.msk $0xffff, v5  }
0x20d: {  	v5 =	vadd.s32 v45, v8;
	v8 =	vor.u32 v59, v47;
	v15 =	vadd.f32 v15, v20  }
0x20e: {  	v9 =	vadd.s32 v38, v4;
	v17 =	vld.idx.msk [tilespmem:v17+s19+$0x0], $0xffff;
	[tilespmem:$0x1FB80] =	vst v3;
	v3 =	vadd.s32 v45, v13  }
0x20f: {  	v16 =	vadd.s32 v54, v2;
	[tilespmem:v0+s31+$0x0] =	vst.idx.msk $0xffff, v15;
	v0 =	vadd.f32 v6, v43  }
0x210: {  	v7 =	vadd.s32 v45, v7;
	v13 =	vor.u32 v59, v42;
	v12 =	vld.idx.msk [tilespmem:v12+s19+$0x0], $0xffff;
	v10 =	vadd.f32 v10, v21  }
0x211: {  	v33 =	vmov v34;
	v19 =	vadd.s32 v53, v19;
	v52 =	vadd.s32 v61, v63;
	[tilespmem:v23+s31+$0x0] =	vst.idx.msk $0xffff, v0  }
0x212: {  	v25 =	vadd.s32 v50, v2;
	v5 =	vld.idx.msk [tilespmem:v5+s19+$0x0], $0xffff;
	[tilespmem:v8+s31+$0x0] =	vst.idx.msk $0xffff, v10;
	v8 =	vor.u32 v59, v26  }
0x213: {  	v28 =	vadd.s32 v18, v2;
	v2 =	vadd.s32 v41, v2;
	v17 =	vadd.f32 v17, v22;
	v3 =	vld.idx.msk [tilespmem:v3+s19+$0x0], $0xffff  }
0x214: {  	v0 =	vadd.s32 v60, v28;
	v23 =	vor.u32 v33, v24;
	v28 =	vor.u32 v33, v47  }
0x215: {  	v10 =	vadd.s32 v45, v29;
	[tilespmem:v13+s31+$0x0] =	vst.idx.msk $0xffff, v17;
	v12 =	vadd.f32 v12, v20  }
0x216: {  	v2 =	vadd.s32 v55, v2;
	v15 =	vadd.s32 v18, v1;
	v1 =	vadd.s32 v41, v1;
	v7 =	vld.idx.msk [tilespmem:v7+s19+$0x0], $0xffff  }
0x217: {  	v6 =	vadd.s32 v18, v4;
	v5 =	vadd.f32 v5, v43;
	[tilespmem:v8+s31+$0x0] =	vst.idx.msk $0xffff, v12  }
0x218: {  	v1 =	vadd.s32 v55, v1;
	v13 =	vadd.s32 v44, v14;
	v3 =	vadd.f32 v3, v21;
	[tilespmem:$0x1FB90] =	vst v2  }
0x219: {  	v17 =	vadd.s32 v41, v4;
	v14 =	vor.u32 v33, v42;
	[tilespmem:v23+s31+$0x0] =	vst.idx.msk $0xffff, v5  }
0x21a: {  	v4 =	vadd.s32 v54, v4;
	v8 =	vadd.s32 v44, v9;
	v2 =	vld.idx.msk [tilespmem:v10+s19+$0x0], $0xffff;
	[tilespmem:v28+s31+$0x0] =	vst.idx.msk $0xffff, v3  }
0x21b: {  	v5 =	vadd.f32 v7, v22;
	v7 =	vld.idx.msk [tilespmem:v11+s19+$0x0], $0xffff;
	[tilespmem:$0x1FBA0] =	vst v1;
	v1 =	vor.u32 v37, v42  }
0x21c: {  	v63 =	vadd.s32 v61, v31;
	v6 =	vadd.s32 v60, v6;
	v4 =	vadd.s32 v53, v4;
	[tilespmem:$0x1FBB0] =	vst v1  }
0x21d: {  	v9 =	vor.u32 v51, v26;
	v12 =	vor.u32 v51, v47;
	v10 =	vor.u32 v33, v26;
	v3 =	vld.idx.msk [tilespmem:v13+s19+$0x0], $0xffff  }
0x21e: {  	v11 =	vor.u32 v51, v24;
	[tilespmem:v14+s31+$0x0] =	vst.idx.msk $0xffff, v5;
	v5 =	vor.u32 v46, v24  }
0x21f: {  	v1 =	vadd.s32 v44, v62;
	v13 =	vor.u32 v46, v42;
	v14 =	vadd.s32 v60, v15;
	[tilespmem:$0x1FBC0] =	vst v5  }
0x220: {  	v15 =	vadd.s32 v61, v30;
	v8 =	vld.idx.msk [tilespmem:v8+s19+$0x0], $0xffff;
	[tilespmem:$0x1FBD0] =	vst v13;
	v13 =	vadd.s32 v53, v16  }
0x221: {  	v5 =	vadd.s32 v53, v27;
	v2 =	vadd.f32 v2, v20;
	[tilespmem:$0x1FBE0] =	vst v14;
	v7 =	vadd.f32 v7, v43  }
0x222: {  	s13 =	simm.s32 $0x5;
	v27 =	vlaneseq.u32;
	[tilespmem:$0x1FBF0] =	vst v6;
	v6 =	vadd.s32 v61, v25;
	v3 =	vadd.f32 v3, v21  }
0x223: {  	v14 =	vor.u32 v51, v42;
	v16 =	vor.u32 v39, v42;
	v23 =	vadd.s32 s13, v27;
	s13 =	simm.s32 $0x7;
	[tilespmem:v11+s31+$0x0] =	vst.idx.msk $0xffff, v7  }
0x224: {  	s20 =	simm.s32 $0x6;
	v53 =	vand.u32 $0x3F, v23;
	v23 =	vor.u32 v39, v24;
	v7 =	vadd.s32 s13, v27;
	[tilespmem:v12+s31+$0x0] =	vst.idx.msk $0xffff, v3  }
0x225: {  	[tilespmem:v10+s31+$0x0] =	vst.idx.msk $0xffff, v2;
	v2 =	vadd.s32 v49, v53;
	v28 =	vand.u32 $0x3F, v7;
	v12 =	vadd.s32 s20, v27;
	v13 =	vld.idx.msk [tilespmem:v13+s19+$0x0], $0xffff  }
0x226: {  	v8 =	vadd.f32 v8, v22;
	v46 =	vand.u32 $0x3F, v12;
	v12 =	vadd.s32 v48, v53  }
0x227: {  	v59 =	vshll.u32 v28, $0x7;
	v3 =	vor.u32 v39, v47;
	v25 =	vadd.s32 v40, v12  }
0x228: {  	v57 =	vshll.u32 v53, $0x7;
	v29 =	vor.u32 $0x80, v53;
	s20 =	simm.s32 $0x4;
	v62 =	vor.u32 v39, v59;
	[tilespmem:v14+s31+$0x0] =	vst.idx.msk $0xffff, v8;
	v8 =	vld.idx.msk [tilespmem:v5+s19+$0x0], $0xffff  }
0x229: {  	v27 =	vadd.s32 s20, v27;
	v11 =	vadd.s32 v48, v46;
	v5 =	vor.u32 v37, v57;
	v4 =	vld.idx.msk [tilespmem:v4+s19+$0x0], $0xffff  }
0x22a: {  	v10 =	vor.u32 $0x80, v46;
	v11 =	vadd.s32 v40, v11;
	[tilespmem:$0x1FC00] =	vst v5;
	v7 =	vadd.f32 v13, v21  }
0x22b: {  	v12 =	vadd.s32 v58, v53;
	v56 =	vand.u32 $0x3F, v27;
	v14 =	vadd.s32 v58, v46;
	v1 =	vld.idx.msk [tilespmem:v1+s19+$0x0], $0xffff  }
0x22c: {  	v27 =	vor.u32 v37, v59;
	v5 =	vadd.s32 v38, v53;
	v30 =	vld.idx.msk [tilespmem:v25+s19+$0x0], $0xffff;
	[tilespmem:v3+s31+$0x0] =	vst.idx.msk $0xffff, v7  }
0x22d: {  	v13 =	vadd.s32 v49, v46;
	v8 =	vadd.f32 v8, v43;
	v6 =	vld.idx.msk [tilespmem:v6+s19+$0x0], $0xffff;
	[tilespmem:$0x1FC10] =	vst v48  }
0x22e: {  	v25 =	vadd.s32 v48, v28;
	v3 =	vadd.s32 v48, v56;
	v4 =	vadd.f32 v4, v22;
	[tilespmem:$0x1FC20] =	vst v27  }
0x22f: {  	v7 =	vadd.s32 v38, v46;
	v31 =	vadd.s32 v40, v25;
	v37 =	vld.idx.msk [tilespmem:v11+s19+$0x0], $0xffff;
	[tilespmem:v23+s31+$0x0] =	vst.idx.msk $0xffff, v8  }
0x230: {  	v1 =	vadd.f32 v1, v20;
	v45 =	vld.idx.msk [tilespmem:v10+s17+$0x0], $0xffff;
	[tilespmem:v16+s31+$0x0] =	vst.idx.msk $0xffff, v4;
	v4 =	vadd.s32 v55, v17  }
0x231: {  	v25 =	vadd.s32 v36, v13;
	v3 =	vadd.s32 v40, v3;
	v44 =	vld.idx.msk [tilespmem:v29+s17+$0x0], $0xffff;
	[tilespmem:$0x1FC30] =	vst v4  }
0x232: {  	v27 =	vadd.s32 v36, v2;
	[tilespmem:v9+s31+$0x0] =	vst.idx.msk $0xffff, v1;
	v1 =	vadd.f32 v6, v21  }
0x233: {  	v29 =	vadd.s32 v49, v28;
	v16 =	vor.u32 $0x80, v28;
	v8 =	vadd.s32 v38, v28;
	v4 =	vld.idx.msk [tilespmem:v15+s19+$0x0], $0xffff  }
0x234: {  	v11 =	vadd.s32 v54, v28;
	[tilespmem:v32+s31+$0x0] =	vst.idx.msk $0xffff, v1;
	v1 =	vadd.s32 v50, v28  }
0x235: {  	v2 =	vor.u32 $0x80, v56;
	v31 =	vld.idx.msk [tilespmem:v31+s19+$0x0], $0xffff;
	v61 =	vadd.s32 v61, v1;
	[tilespmem:$0x1FC40] =	vst v18;
	v1 =	vadd.s32 v18, v28  }
0x236: {  	v15 =	vadd.s32 v58, v28;
	v9 =	vadd.s32 v38, v56;
	v6 =	vadd.s32 v50, v46;
	[tilespmem:$0x1FC50] =	vst v1  }
0x237: {  	v33 =	vlaneseq.u32;
	v34 =	vadd.f32 v37, v45;
	v10 =	vadd.f32 v30, v44;
	v23 =	vld.idx.msk [tilespmem:v19+s19+$0x0], $0xffff;
	[tilespmem:$0x1FC60] =	vst v41  }
0x238: {  	v60 =	vmov v47;
	v30 =	vor.u32 v33, v57;
	v13 =	vadd.f32 v4, v22;
	v51 =	vld.idx.msk [tilespmem:v16+s17+$0x0], $0xffff;
	[tilespmem:$0x1FC70] =	vst v49  }
0x239: {  	v4 =	vadd.s32 v54, v53;
	v1 =	vadd.s32 v41, v28;
	v28 =	vadd.s32 v49, v56;
	[tilespmem:$0x1FC80] =	vst v58  }
0x23a: {  	v36 =	vadd.s32 v55, v1;
	v55 =	vshll.u32 v46, $0x7;
	v1 =	vadd.s32 v50, v53;
	v35 =	vld.idx.msk [tilespmem:v3+s19+$0x0], $0xffff;
	[tilespmem:$0x1FC90] =	vst v38  }
0x23b: {  	v47 =	vmovc v43;
	v39 =	vlaneseq.u32;
	v16 =	vadd.s32 v58, v56;
	v32 =	vor.u32 v33, v55;
	v49 =	vld.idx.msk [tilespmem:v2+s17+$0x0], $0xffff;
	[tilespmem:$0x1FCA0] =	vst v54  }
0x23c: {  	s9 =	simm.s32 $0x8;
	v48 =	vshll.u32 v56, $0x7;
	v3 =	vadd.s32 v54, v46;
	v2 =	vld.idx.msk [tilespmem:v0+s19+$0x0], $0xffff;
	v0 =	vadd.s32 v50, v56;
	[tilespmem:$0x1FCB0] =	vst v50  }
.LBB2_5:
0x23d: {  	_ =	sdelay $0x2  }
0x23e: {  	v63 =	vld.idx.msk [tilespmem:v63+s19+$0x0], $0xffff  }
0x23f: {  	[tilespmem:v30+s31+$0x0] =	vst.idx.msk $0xffff, v10;
	v30 =	vadd.f32 v2, v21;
	v2 =	vld [tilespmem:$0x1FB60];
	_ =	sdelay $0x2  }
0x240: {  	v41 =	vld [tilespmem:$0x1FF80];
	_ =	sdelay $0x2  }
0x241: {  	v58 =	vld [tilespmem:$0x1FFC0];
	v23 =	vadd.f32 v23, v20;
	_ =	sdelay $0x1  }
0x242: {  	[tilespmem:v2+s31+$0x0] =	vst.idx.msk $0xffff, v23;
	v23 =	vor.u32 v41, v24  }
0x243: {  	v54 =	vld [tilespmem:$0x1FFA0];
	_ =	sdelay $0x1  }
0x244: {  	v33 =	vld [tilespmem:$0x1FF90];
	v40 =	vadd.s32 v58, v15;
	v15 =	vadd.f32 v63, v47  }
0x245: {  	[tilespmem:$0x1FB20] =	vst v36;
	v10 =	vld.idx.msk [tilespmem:v27+s19+$0x0], $0xffff  }
0x246: {  	v36 =	vor.u32 v39, v48;
	[tilespmem:v23+s31+$0x0] =	vst.idx.msk $0xffff, v15;
	v23 =	vld [tilespmem:$0x1FBE0]  }
0x247: {  	[tilespmem:v32+s31+$0x0] =	vst.idx.msk $0xffff, v34;
	v28 =	vadd.s32 v54, v28;
	v32 =	vld.idx.msk [tilespmem:v52+s19+$0x0], $0xffff  }
0x248: {  	v27 =	vor.u32 v41, v42;
	v52 =	vld [tilespmem:$0x1FF20]  }
0x249: {  	v50 =	vadd.f32 v35, v49  }
0x24a: {  	v37 =	vor.u32 v33, v57  }
0x24b: {  	v18 =	vld [tilespmem:$0x1FC40];
	[tilespmem:v36+s31+$0x0] =	vst.idx.msk $0xffff, v50  }
0x24c: {  	v28 =	vld.idx.msk [tilespmem:v28+s19+$0x0], $0xffff  }
0x24d: {  	v10 =	vadd.f32 v10, v44;
	[tilespmem:v27+s31+$0x0] =	vst.idx.msk $0xffff, v13;
	v13 =	vld [tilespmem:$0x1FBF0];
	v34 =	vor.u32 v52, v60  }
0x24e: {  	v43 =	vlaneseq.u32;
	v23 =	vld.idx.msk [tilespmem:v23+s19+$0x0], $0xffff  }
0x24f: {  	v39 =	vor.u32 v43, v59;
	[tilespmem:v37+s31+$0x0] =	vst.idx.msk $0xffff, v10;
	v37 =	vld [tilespmem:$0x1FF10]  }
0x250: {  	v43 =	vld [tilespmem:$0x1FF50]  }
0x251: {  	v25 =	vld.idx.msk [tilespmem:v25+s19+$0x0], $0xffff;
	v31 =	vadd.f32 v31, v51  }
0x252: {  	v29 =	vadd.s32 v54, v29;
	v35 =	vor.u32 v41, v26;
	[tilespmem:v34+s31+$0x0] =	vst.idx.msk $0xffff, v30;
	v30 =	vld [tilespmem:$0x1FB90]  }
0x253: {  	v38 =	vor.u32 v33, v55;
	v42 =	vor.u32 v33, v48;
	v50 =	vadd.s32 v18, v46;
	v2 =	vmovc v60  }
0x254: {  	[tilespmem:v39+s31+$0x0] =	vst.idx.msk $0xffff, v31;
	v39 =	vor.u32 v33, v59;
	v33 =	vor.u32 v37, v2;
	v2 =	vld [tilespmem:$0x1FBD0]  }
0x255: {  	v24 =	vadd.s32 v43, v50;
	v50 =	vld.idx.msk [tilespmem:v13+s19+$0x0], $0xffff;
	v15 =	vadd.f32 v32, v20  }
0x256: {  	v16 =	vadd.s32 v58, v16  }
0x257: {  	v29 =	vld.idx.msk [tilespmem:v29+s19+$0x0], $0xffff;
	[tilespmem:v35+s31+$0x0] =	vst.idx.msk $0xffff, v15;
	v15 =	vadd.f32 v28, v49  }
0x258: {  	v25 =	vadd.f32 v25, v45  }
0x259: {  	[tilespmem:v42+s31+$0x0] =	vst.idx.msk $0xffff, v15  }
0x25a: {  	v30 =	vld.idx.msk [tilespmem:v30+s19+$0x0], $0xffff;
	[tilespmem:v38+s31+$0x0] =	vst.idx.msk $0xffff, v25;
	v25 =	vadd.f32 v50, v22  }
0x25b: {  	v16 =	vld.idx.msk [tilespmem:v16+s19+$0x0], $0xffff  }
0x25c: {  	[tilespmem:v2+s31+$0x0] =	vst.idx.msk $0xffff, v25;
	v2 =	vld [tilespmem:$0x1FC30];
	_ =	sdelay $0x1  }
0x25d: {  	v12 =	vadd.s32 v58, v12;
	v14 =	vadd.s32 v58, v14;
	v58 =	vld [tilespmem:$0x1FC60]  }
0x25e: {  	v50 =	vld [tilespmem:$0x1FCA0]  }
0x25f: {  	[tilespmem:$0x1FB30] =	vst v24;
	v24 =	vld [tilespmem:$0x1FB70];
	_ =	sdelay $0x3  }
0x260: {  	v17 =	vadd.s32 v18, v56;
	v13 =	vadd.s32 v58, v56;
	v25 =	vadd.s32 v50, v56;
	v56 =	vld.idx.msk [tilespmem:v2+s19+$0x0], $0xffff  }
0x261: {  	v36 =	vadd.s32 v43, v24;
	v2 =	vld [tilespmem:$0x1FBC0];
	_ =	sdelay $0x1  }
0x262: {  	v10 =	vor.u32 v41, v55;
	v41 =	vld [tilespmem:$0x1FF40];
	_ =	sdelay $0x1  }
0x263: {  	v19 =	vadd.s32 v18, v53;
	v63 =	vld [tilespmem:$0x1FFB0]  }
0x264: {  	v31 =	vor.u32 v52, v26;
	v26 =	vmov v59;
	v29 =	vadd.f32 v29, v51;
	v59 =	vld.idx.msk [tilespmem:v36+s19+$0x0], $0xffff  }
0x265: {  	v28 =	vadd.s32 v58, v53;
	v53 =	vadd.s32 v58, v46;
	v12 =	vld.idx.msk [tilespmem:v12+s19+$0x0], $0xffff;
	v23 =	vadd.f32 v23, v47  }
0x266: {  	[tilespmem:v39+s31+$0x0] =	vst.idx.msk $0xffff, v29;
	v29 =	vadd.s32 v41, v53;
	v53 =	vld [tilespmem:$0x1FBA0]  }
0x267: {  	v14 =	vld.idx.msk [tilespmem:v14+s19+$0x0], $0xffff;
	[tilespmem:v2+s31+$0x0] =	vst.idx.msk $0xffff, v23;
	v2 =	vmov v62  }
0x268: {  	[tilespmem:$0x1FB60] =	vst v2;
	v2 =	vld [tilespmem:$0x1FB80]  }
0x269: {  	v27 =	vor.u32 v63, v55;
	_ =	sdelay $0x1  }
0x26a: {  	v60 =	vor.u32 v63, v57;
	v59 =	vadd.f32 v59, v20  }
0x26b: {  	[tilespmem:$0x1FB90] =	vst v29;
	v14 =	vadd.f32 v14, v45  }
0x26c: {  	v28 =	vadd.s32 v41, v28;
	v29 =	vld.idx.msk [tilespmem:v40+s19+$0x0], $0xffff;
	[tilespmem:v31+s31+$0x0] =	vst.idx.msk $0xffff, v59  }
0x26d: {  	v12 =	vadd.f32 v12, v44;
	[tilespmem:v27+s31+$0x0] =	vst.idx.msk $0xffff, v14;
	v23 =	vmov v28  }
0x26e: {  	v24 =	vmov v57;
	v35 =	vld.idx.msk [tilespmem:v53+s19+$0x0], $0xffff;
	[tilespmem:$0x1FBA0] =	vst v23  }
0x26f: {  	[tilespmem:v60+s31+$0x0] =	vst.idx.msk $0xffff, v12;
	v23 =	vld.idx.msk [tilespmem:v2+s19+$0x0], $0xffff;
	v2 =	vor.u32 v52, v24  }
0x270: {  	v12 =	vor.u32 v63, v26;
	[tilespmem:$0x1FBC0] =	vst v2;
	v2 =	vor.u32 v52, v48  }
0x271: {  	v57 =	vld [tilespmem:$0x1FFE0];
	[tilespmem:$0x1FBD0] =	vst v2;
	v2 =	vadd.s32 v43, v19  }
0x272: {  	v40 =	vld [tilespmem:$0x1FF30];
	[tilespmem:$0x1FBE0] =	vst v2;
	v2 =	vadd.s32 v43, v17  }
0x273: {  	v14 =	vadd.f32 v29, v51;
	[tilespmem:$0x1FBF0] =	vst v2;
	v2 =	vld [tilespmem:$0x1FC00];
	_ =	sdelay $0x1  }
0x274: {  	[tilespmem:v12+s31+$0x0] =	vst.idx.msk $0xffff, v14;
	v12 =	vld [tilespmem:$0x1FB40];
	_ =	sdelay $0x1  }
0x275: {  	v5 =	vadd.s32 v57, v5  }
0x276: {  	v21 =	vadd.f32 v30, v21;
	v30 =	vor.u32 v63, v48;
	v63 =	vadd.s32 v40, v1;
	v1 =	vmovc v2;
	v2 =	vld [tilespmem:$0x1FC20];
	_ =	sdelay $0x2  }
0x277: {  	v7 =	vadd.s32 v57, v7;
	v36 =	vld [tilespmem:$0x1FF60];
	v17 =	vadd.f32 v35, v47  }
0x278: {  	v5 =	vld.idx.msk [tilespmem:v5+s19+$0x0], $0xffff  }
0x279: {  	[tilespmem:v12+s31+$0x0] =	vst.idx.msk $0xffff, v17;
	v12 =	vmov v2;
	v2 =	vld [tilespmem:$0x1FBB0]  }
0x27a: {  	v9 =	vadd.s32 v57, v9  }
0x27b: {  	v38 =	vld [tilespmem:$0x1FF70]  }
0x27c: {  	v16 =	vadd.f32 v16, v49;
	v7 =	vld.idx.msk [tilespmem:v7+s19+$0x0], $0xffff;
	_ =	sdelay $0x1  }
0x27d: {  	[tilespmem:v30+s31+$0x0] =	vst.idx.msk $0xffff, v16;
	v19 =	vor.u32 v36, v55  }
0x27e: {  	v9 =	vld.idx.msk [tilespmem:v9+s19+$0x0], $0xffff;
	v16 =	vadd.f32 v56, v22;
	v28 =	vor.u32 v36, v24  }
0x27f: {  	v32 =	vld [tilespmem:$0x1FFF0];
	v46 =	vor.u32 v37, v48;
	v3 =	vadd.s32 v38, v3;
	[tilespmem:v33+s31+$0x0] =	vst.idx.msk $0xffff, v21;
	v21 =	vmov v45  }
0x280: {  	s10 =	smov.u32 s9;
	v42 =	vmovc v48;
	v39 =	vlaneseq.u32;
	v33 =	vld [tilespmem:$0x1FFD0];
	v7 =	vadd.f32 v7, v21;
	[tilespmem:v2+s31+$0x0] =	vst.idx.msk $0xffff, v16;
	v2 =	vmov v46  }
0x281: {  	s13 =	sadd.s32 $0x1, s10;
	v8 =	vadd.s32 v57, v8;
	v5 =	vadd.f32 v5, v44;
	v14 =	vor.u32 v36, v42;
	[tilespmem:$0x1FBB0] =	vst v2;
	v2 =	vld [tilespmem:$0x1FC10]  }
0x282: {  	v4 =	vadd.s32 v38, v4;
	v22 =	vadd.s32 s13, v39;
	[tilespmem:v19+s31+$0x0] =	vst.idx.msk $0xffff, v7;
	v17 =	vld [tilespmem:$0x1FB50]  }
0x283: {  	s20 =	sadd.s32 $0x2, s10;
	v15 =	vor.u32 v36, v26;
	v9 =	vadd.f32 v9, v49;
	v7 =	vld [tilespmem:$0x1FC50];
	[tilespmem:v28+s31+$0x0] =	vst.idx.msk $0xffff, v5  }
0x284: {  	v20 =	vadd.f32 v23, v20;
	v23 =	vadd.s32 s20, v39;
	v3 =	vld.idx.msk [tilespmem:v3+s19+$0x0], $0xffff;
	[tilespmem:$0x1FB40] =	vst v1;
	v1 =	vadd.s32 v38, v25  }
0x285: {  	v53 =	vand.u32 $0x3F, v22;
	v22 =	vmovc v49;
	v49 =	vld [tilespmem:$0x1FC80];
	[tilespmem:$0x1FB50] =	vst v12;
	v12 =	vadd.s32 s10, v39;
	v46 =	vand.u32 $0x3F, v23  }
0x286: {  	v8 =	vld.idx.msk [tilespmem:v8+s19+$0x0], $0xffff;
	[tilespmem:v14+s31+$0x0] =	vst.idx.msk $0xffff, v9;
	v27 =	vor.u32 $0x80, v46;
	v14 =	vadd.s32 v2, v46  }
0x287: {  	v11 =	vadd.s32 v38, v11;
	v4 =	vld.idx.msk [tilespmem:v4+s19+$0x0], $0xffff;
	v16 =	vor.u32 v33, v55;
	v19 =	vadd.s32 v32, v14  }
0x288: {  	v6 =	vadd.s32 v40, v6;
	v0 =	vadd.s32 v40, v0;
	v29 =	vmovc v44;
	s10 =	sadd.s32 $0x3, s10;
	v56 =	vand.u32 $0x3F, v12;
	v12 =	vmovc v7;
	v7 =	vld [tilespmem:$0x1FB20]  }
0x289: {  	v60 =	vmovc v55;
	v25 =	vor.u32 v33, v24;
	v3 =	vadd.f32 v3, v21;
	v5 =	vadd.s32 s10, v39;
	v1 =	vld.idx.msk [tilespmem:v1+s19+$0x0], $0xffff  }
0x28a: {  	v57 =	vshll.u32 v53, $0x7;
	[tilespmem:v17+s31+$0x0] =	vst.idx.msk $0xffff, v20;
	v17 =	vor.u32 v33, v42;
	v20 =	vmovc v51;
	v51 =	vld [tilespmem:$0x1FC90];
	v36 =	vand.u32 $0x3F, v5  }
0x28b: {  	v59 =	vshll.u32 v36, $0x7;
	[tilespmem:$0x1FB70] =	vst v12;
	v9 =	vadd.s32 v2, v53;
	v28 =	vadd.s32 v2, v56;
	v45 =	vld.idx.msk [tilespmem:v27+s17+$0x0], $0xffff  }
0x28c: {  	v30 =	vadd.s32 v2, v36;
	v2 =	vor.u32 v37, v59;
	v19 =	vld.idx.msk [tilespmem:v19+s19+$0x0], $0xffff;
	[tilespmem:v16+s31+$0x0] =	vst.idx.msk $0xffff, v3  }
0x28d: {  	v52 =	vmov v61;
	v9 =	vadd.s32 v32, v9;
	[tilespmem:$0x1FC20] =	vst v2;
	v2 =	vadd.s32 v41, v13;
	v6 =	vld.idx.msk [tilespmem:v6+s19+$0x0], $0xffff  }
0x28e: {  	v4 =	vadd.f32 v4, v29;
	v61 =	vor.u32 $0x80, v36;
	v5 =	vmovc v7;
	v1 =	vadd.f32 v1, v22;
	[tilespmem:$0x1FC30] =	vst v2;
	v2 =	vld [tilespmem:$0x1FCB0]  }
0x28f: {  	v18 =	vadd.s32 v18, v36;
	v12 =	vadd.s32 v49, v53;
	v7 =	vadd.s32 v51, v46;
	[tilespmem:$0x1FB80] =	vst v5  }
0x290: {  	v47 =	vmov v29;
	v55 =	vld [tilespmem:$0x1FC70];
	v5 =	vor.u32 v37, v57;
	[tilespmem:v17+s31+$0x0] =	vst.idx.msk $0xffff, v1;
	v3 =	vadd.f32 v8, v20  }
0x291: {  	v29 =	vor.u32 $0x80, v53;
	[tilespmem:$0x1FC00] =	vst v5;
	v5 =	vadd.s32 v51, v53;
	v35 =	vadd.s32 v32, v28;
	v13 =	vld.idx.msk [tilespmem:v0+s19+$0x0], $0xffff  }
0x292: {  	v37 =	vld.idx.msk [tilespmem:v9+s19+$0x0], $0xffff;
	v9 =	vadd.s32 v51, v56;
	[tilespmem:v15+s31+$0x0] =	vst.idx.msk $0xffff, v3;
	v6 =	vadd.f32 v6, v21  }
0x293: {  	v8 =	vadd.s32 v51, v36;
	v0 =	vadd.s32 v2, v56;
	v1 =	vadd.s32 v2, v53;
	v51 =	vld.idx.msk [tilespmem:v61+s17+$0x0], $0xffff  }
0x294: {  	v17 =	vor.u32 $0x80, v56;
	v61 =	vadd.s32 v2, v36;
	[tilespmem:v10+s31+$0x0] =	vst.idx.msk $0xffff, v6;
	v6 =	vadd.s32 v2, v46;
	v2 =	vld [tilespmem:$0x1FB30]  }
0x295: {  	v62 =	vor.u32 v33, v59;
	v23 =	vadd.s32 v55, v53;
	v34 =	vadd.s32 v32, v30  }
0x296: {  	v48 =	vshll.u32 v56, $0x7;
	v31 =	vadd.s32 v55, v46;
	v27 =	vadd.s32 v54, v23;
	[tilespmem:v25+s31+$0x0] =	vst.idx.msk $0xffff, v4  }
0x297: {  	p0 =	slt.u32 s9, $0x3C;
	v14 =	vadd.s32 v49, v46;
	v28 =	vadd.s32 v55, v56;
	v30 =	vor.u32 v39, v57;
	v44 =	vld.idx.msk [tilespmem:v29+s17+$0x0], $0xffff  }
.Ltmp1:
0x298: {  	v16 =	vadd.s32 v49, v56;
	v4 =	vadd.s32 v50, v53;
	v25 =	vadd.s32 v54, v31;
	v35 =	vld.idx.msk [tilespmem:v35+s19+$0x0], $0xffff;
	(pc) =	sbr.rel @p0 .LBB2_5-.Ltmp1, $4  }
0x299: {  	[tilespmem:$0x1FC50] =	vst v18;
	v29 =	vadd.s32 v55, v36;
	v55 =	vshll.u32 v46, $0x7;
	v15 =	vadd.s32 v49, v36;
	v49 =	vld.idx.msk [tilespmem:v17+s17+$0x0], $0xffff  }
0x29a: {  	v32 =	vor.u32 v39, v55;
	v3 =	vadd.s32 v50, v46;
	v17 =	vadd.s32 v58, v36;
	v31 =	vld.idx.msk [tilespmem:v34+s19+$0x0], $0xffff  }
0x29b: {  	v23 =	vld.idx.msk [tilespmem:v11+s19+$0x0], $0xffff;
	v11 =	vadd.s32 v50, v36;
	v13 =	vadd.f32 v13, v22;
	v36 =	vadd.s32 v41, v17  }
0x29c: {  	s9 =	sadd.s32 $0x4, s9;
	v61 =	vadd.s32 v40, v61;
	v34 =	vadd.f32 v19, v45;
	v10 =	vadd.f32 v37, v44;
	v2 =	vld.idx.msk [tilespmem:v2+s19+$0x0], $0xffff  }
0x29d: {  	v18 =	vld [tilespmem:$0x1FFA0];
	_ =	sdelay $0x3  }
0x29e: {  	v17 =	vor.u32 v39, v59  }
0x29f: {  	v19 =	vadd.s32 v18, v29;
	v29 =	vor.u32 v39, v48;
	_ =	sdelay $0x1  }
0x2a0: {  	[tilespmem:v32+s31+$0x0] =	vst.idx.msk $0xffff, v34;
	v31 =	vadd.f32 v31, v51  }
0x2a1: {  	[tilespmem:v30+s31+$0x0] =	vst.idx.msk $0xffff, v10;
	v10 =	vadd.f32 v35, v49  }
0x2a2: {  	[tilespmem:v17+s31+$0x0] =	vst.idx.msk $0xffff, v31  }
0x2a3: {  	[tilespmem:v29+s31+$0x0] =	vst.idx.msk $0xffff, v10  }
0x2a4: {  	v31 =	vld [tilespmem:$0x1FF90]  }
0x2a5: {  	v28 =	vadd.s32 v18, v28  }
0x2a6: {  	v25 =	vld.idx.msk [tilespmem:v25+s19+$0x0], $0xffff  }
0x2a7: {  	v17 =	vld.idx.msk [tilespmem:v27+s19+$0x0], $0xffff  }
0x2a8: {  	v10 =	vld.idx.msk [tilespmem:v19+s19+$0x0], $0xffff  }
0x2a9: {  	v33 =	vld [tilespmem:$0x1FFC0];
	v19 =	vor.u32 v31, v55  }
0x2aa: {  	v27 =	vld.idx.msk [tilespmem:v28+s19+$0x0], $0xffff;
	v28 =	vor.u32 v31, v57  }
0x2ab: {  	v29 =	vor.u32 v31, v59  }
0x2ac: {  	v25 =	vadd.f32 v25, v45  }
0x2ad: {  	v17 =	vadd.f32 v17, v44;
	v10 =	vadd.f32 v10, v51  }
0x2ae: {  	v14 =	vadd.s32 v33, v14;
	v30 =	vor.u32 v31, v48;
	[tilespmem:v19+s31+$0x0] =	vst.idx.msk $0xffff, v25  }
0x2af: {  	[tilespmem:v28+s31+$0x0] =	vst.idx.msk $0xffff, v17  }
0x2b0: {  	v12 =	vadd.s32 v33, v12;
	[tilespmem:v29+s31+$0x0] =	vst.idx.msk $0xffff, v10  }
0x2b1: {  	v15 =	vadd.s32 v33, v15;
	v17 =	vadd.f32 v27, v49;
	v54 =	vld [tilespmem:$0x1FFB0]  }
0x2b2: {  	v16 =	vadd.s32 v33, v16  }
0x2b3: {  	v14 =	vld.idx.msk [tilespmem:v14+s19+$0x0], $0xffff;
	[tilespmem:v30+s31+$0x0] =	vst.idx.msk $0xffff, v17  }
0x2b4: {  	v38 =	vld [tilespmem:$0x1FFE0]  }
0x2b5: {  	v12 =	vld.idx.msk [tilespmem:v12+s19+$0x0], $0xffff  }
0x2b6: {  	v15 =	vld.idx.msk [tilespmem:v15+s19+$0x0], $0xffff;
	v10 =	vor.u32 v54, v55  }
0x2b7: {  	v16 =	vld.idx.msk [tilespmem:v16+s19+$0x0], $0xffff;
	v17 =	vor.u32 v54, v57  }
0x2b8: {  	v19 =	vor.u32 v54, v59  }
0x2b9: {  	v25 =	vor.u32 v54, v48;
	v14 =	vadd.f32 v14, v45;
	v7 =	vadd.s32 v38, v7  }
0x2ba: {  	v12 =	vadd.f32 v12, v44  }
0x2bb: {  	[tilespmem:v10+s31+$0x0] =	vst.idx.msk $0xffff, v14;
	v10 =	vadd.f32 v15, v51  }
0x2bc: {  	v5 =	vadd.s32 v38, v5;
	v14 =	vadd.f32 v16, v49;
	[tilespmem:v17+s31+$0x0] =	vst.idx.msk $0xffff, v12  }
0x2bd: {  	v8 =	vadd.s32 v38, v8;
	[tilespmem:v19+s31+$0x0] =	vst.idx.msk $0xffff, v10  }
0x2be: {  	v7 =	vld.idx.msk [tilespmem:v7+s19+$0x0], $0xffff;
	[tilespmem:v25+s31+$0x0] =	vst.idx.msk $0xffff, v14  }
0x2bf: {  	v43 =	vld [tilespmem:$0x1FF60]  }
0x2c0: {  	v9 =	vadd.s32 v38, v9;
	v18 =	vld [tilespmem:$0x1FB60]  }
0x2c1: {  	v5 =	vld.idx.msk [tilespmem:v5+s19+$0x0], $0xffff  }
0x2c2: {  	v8 =	vld.idx.msk [tilespmem:v8+s19+$0x0], $0xffff  }
0x2c3: {  	v34 =	vld [tilespmem:$0x1FF70]  }
0x2c4: {  	v16 =	vld [tilespmem:$0x1FCA0];
	v10 =	vor.u32 v43, v55  }
0x2c5: {  	v9 =	vld.idx.msk [tilespmem:v9+s19+$0x0], $0xffff;
	v14 =	vor.u32 v43, v57  }
0x2c6: {  	v12 =	vadd.f32 v23, v20;
	v15 =	vor.u32 v43, v59  }
0x2c7: {  	v7 =	vadd.f32 v7, v45;
	v5 =	vadd.f32 v5, v44;
	v17 =	vor.u32 v43, v48  }
0x2c8: {  	v3 =	vadd.s32 v34, v3;
	v4 =	vadd.s32 v34, v4;
	[tilespmem:v18+s31+$0x0] =	vst.idx.msk $0xffff, v12  }
0x2c9: {  	v16 =	vadd.s32 v16, v56;
	[tilespmem:v10+s31+$0x0] =	vst.idx.msk $0xffff, v7;
	v7 =	vadd.f32 v8, v51  }
0x2ca: {  	v9 =	vadd.f32 v9, v49;
	v12 =	vadd.s32 v34, v16;
	v16 =	vld [tilespmem:$0x1FC40];
	[tilespmem:v14+s31+$0x0] =	vst.idx.msk $0xffff, v5  }
0x2cb: {  	v27 =	vld [tilespmem:$0x1FF80];
	[tilespmem:v15+s31+$0x0] =	vst.idx.msk $0xffff, v7  }
0x2cc: {  	v11 =	vadd.s32 v34, v11;
	v58 =	vld [tilespmem:$0x1FFD0];
	[tilespmem:v17+s31+$0x0] =	vst.idx.msk $0xffff, v9  }
0x2cd: {  	v18 =	vld [tilespmem:$0x1FF30]  }
0x2ce: {  	v3 =	vld.idx.msk [tilespmem:v3+s19+$0x0], $0xffff  }
0x2cf: {  	v4 =	vld.idx.msk [tilespmem:v4+s19+$0x0], $0xffff  }
0x2d0: {  	v15 =	vld.idx.msk [tilespmem:v63+s19+$0x0], $0xffff;
	v10 =	vor.u32 v27, v42  }
0x2d1: {  	v9 =	vld.idx.msk [tilespmem:v11+s19+$0x0], $0xffff;
	v7 =	vor.u32 v58, v55  }
0x2d2: {  	v12 =	vld.idx.msk [tilespmem:v12+s19+$0x0], $0xffff;
	v14 =	vor.u32 v58, v57;
	v6 =	vadd.s32 v18, v6  }
0x2d3: {  	v17 =	vld.idx.msk [tilespmem:v52+s19+$0x0], $0xffff;
	v8 =	vadd.s32 v16, v56;
	v5 =	vadd.s32 v16, v53;
	v11 =	vadd.s32 v16, v46  }
0x2d4: {  	v63 =	vld [tilespmem:$0x1FF50];
	v3 =	vadd.f32 v3, v45;
	v23 =	vor.u32 v58, v48;
	v1 =	vadd.s32 v18, v1  }
0x2d5: {  	v37 =	vld [tilespmem:$0x1FF20];
	v16 =	vor.u32 v27, v24;
	v4 =	vadd.f32 v4, v44;
	[tilespmem:v10+s31+$0x0] =	vst.idx.msk $0xffff, v13  }
0x2d6: {  	v0 =	vadd.s32 v18, v0;
	v13 =	vld [tilespmem:$0x1FBF0];
	[tilespmem:v7+s31+$0x0] =	vst.idx.msk $0xffff, v3;
	v3 =	vadd.f32 v9, v51  }
0x2d7: {  	v10 =	vor.u32 v27, v26;
	v9 =	vadd.f32 v12, v49;
	[tilespmem:v14+s31+$0x0] =	vst.idx.msk $0xffff, v4;
	v4 =	vld.idx.msk [tilespmem:v6+s19+$0x0], $0xffff  }
0x2d8: {  	v12 =	vadd.f32 v15, v47;
	v6 =	vld [tilespmem:$0x1FB70];
	[tilespmem:v62+s31+$0x0] =	vst.idx.msk $0xffff, v3  }
0x2d9: {  	v1 =	vld.idx.msk [tilespmem:v1+s19+$0x0], $0xffff;
	[tilespmem:v23+s31+$0x0] =	vst.idx.msk $0xffff, v9  }
0x2da: {  	v7 =	vor.u32 v37, v60;
	v3 =	vadd.f32 v17, v20;
	[tilespmem:v16+s31+$0x0] =	vst.idx.msk $0xffff, v12;
	v9 =	vld.idx.msk [tilespmem:v61+s19+$0x0], $0xffff  }
0x2db: {  	v14 =	vor.u32 v27, v55;
	v23 =	vld [tilespmem:$0x1FC60]  }
0x2dc: {  	v15 =	vor.u32 v27, v57;
	v0 =	vld.idx.msk [tilespmem:v0+s19+$0x0], $0xffff;
	[tilespmem:v10+s31+$0x0] =	vst.idx.msk $0xffff, v3  }
0x2dd: {  	v2 =	vadd.f32 v2, v21;
	v3 =	vadd.s32 v63, v5;
	v5 =	vor.u32 v27, v59;
	v10 =	vld [tilespmem:$0x1FBE0]  }
0x2de: {  	v16 =	vor.u32 v27, v48;
	v4 =	vadd.f32 v4, v45  }
0x2df: {  	v17 =	vld [tilespmem:$0x1FC50];
	[tilespmem:v7+s31+$0x0] =	vst.idx.msk $0xffff, v2;
	v1 =	vadd.f32 v1, v44  }
0x2e0: {  	[tilespmem:v14+s31+$0x0] =	vst.idx.msk $0xffff, v4;
	v4 =	vadd.f32 v9, v51  }
0x2e1: {  	v6 =	vadd.s32 v63, v6;
	v0 =	vadd.f32 v0, v49;
	[tilespmem:v15+s31+$0x0] =	vst.idx.msk $0xffff, v1  }
0x2e2: {  	v62 =	vld [tilespmem:$0x1FF10];
	[tilespmem:v5+s31+$0x0] =	vst.idx.msk $0xffff, v4  }
0x2e3: {  	[tilespmem:v16+s31+$0x0] =	vst.idx.msk $0xffff, v0  }
0x2e4: {  	v14 =	vld [tilespmem:$0x1FBC0]  }
0x2e5: {  	v10 =	vld.idx.msk [tilespmem:v10+s19+$0x0], $0xffff  }
0x2e6: {  	v2 =	vld.idx.msk [tilespmem:v6+s19+$0x0], $0xffff  }
0x2e7: {  	v13 =	vld.idx.msk [tilespmem:v13+s19+$0x0], $0xffff  }
0x2e8: {  	v19 =	vor.u32 v37, v26;
	_ =	sdelay $0x1  }
0x2e9: {  	v4 =	vadd.f32 v10, v47  }
0x2ea: {  	v40 =	vld [tilespmem:$0x1FF40];
	v2 =	vadd.f32 v2, v20  }
0x2eb: {  	v6 =	vadd.s32 v63, v8;
	v8 =	vadd.f32 v13, v22;
	v13 =	vld [tilespmem:$0x1FB90];
	[tilespmem:v14+s31+$0x0] =	vst.idx.msk $0xffff, v4  }
0x2ec: {  	v14 =	vld [tilespmem:$0x1FBA0];
	[tilespmem:v19+s31+$0x0] =	vst.idx.msk $0xffff, v2  }
0x2ed: {  	v15 =	vld [tilespmem:$0x1FBD0];
	_ =	sdelay $0x4  }
0x2ee: {  	v11 =	vadd.s32 v63, v11;
	_ =	sdelay $0x1  }
0x2ef: {  	v17 =	vadd.s32 v63, v17  }
0x2f0: {  	[tilespmem:v15+s31+$0x0] =	vst.idx.msk $0xffff, v8  }
0x2f1: {  	v8 =	vld [tilespmem:$0x1FB80]  }
0x2f2: {  	v9 =	vld.idx.msk [tilespmem:v11+s19+$0x0], $0xffff  }
0x2f3: {  	v3 =	vld.idx.msk [tilespmem:v3+s19+$0x0], $0xffff  }
0x2f4: {  	v11 =	vadd.s32 v23, v46;
	v5 =	vor.u32 v37, v55;
	v0 =	vld.idx.msk [tilespmem:v17+s19+$0x0], $0xffff  }
0x2f5: {  	v6 =	vld.idx.msk [tilespmem:v6+s19+$0x0], $0xffff;
	v10 =	vadd.s32 v40, v11;
	v11 =	vor.u32 v37, v57  }
0x2f6: {  	v4 =	vor.u32 v37, v59;
	v13 =	vld.idx.msk [tilespmem:v13+s19+$0x0], $0xffff  }
0x2f7: {  	v9 =	vadd.f32 v9, v45;
	v2 =	vor.u32 v37, v48  }
0x2f8: {  	v1 =	vor.u32 v62, v60;
	v3 =	vadd.f32 v3, v44;
	v15 =	vld [tilespmem:$0x1FC30]  }
0x2f9: {  	v0 =	vadd.f32 v0, v51;
	[tilespmem:v5+s31+$0x0] =	vst.idx.msk $0xffff, v9;
	v8 =	vld.idx.msk [tilespmem:v8+s19+$0x0], $0xffff  }
0x2fa: {  	v6 =	vadd.f32 v6, v49;
	[tilespmem:v11+s31+$0x0] =	vst.idx.msk $0xffff, v3  }
0x2fb: {  	v3 =	vadd.f32 v13, v21;
	[tilespmem:v4+s31+$0x0] =	vst.idx.msk $0xffff, v0  }
0x2fc: {  	[tilespmem:v2+s31+$0x0] =	vst.idx.msk $0xffff, v6  }
0x2fd: {  	[tilespmem:v1+s31+$0x0] =	vst.idx.msk $0xffff, v3  }
0x2fe: {  	v1 =	vadd.f32 v8, v20;
	v8 =	vld [tilespmem:$0x1FB40]  }
0x2ff: {  	v14 =	vld.idx.msk [tilespmem:v14+s19+$0x0], $0xffff;
	_ =	sdelay $0x4  }
0x300: {  	v0 =	vadd.f32 v14, v47;
	_ =	sdelay $0x1  }
0x301: {  	[tilespmem:v8+s31+$0x0] =	vst.idx.msk $0xffff, v0  }
0x302: {  	v8 =	vld [tilespmem:$0x1FB50];
	_ =	sdelay $0x3  }
0x303: {  	v5 =	vld.idx.msk [tilespmem:v10+s19+$0x0], $0xffff;
	_ =	sdelay $0x2  }
0x304: {  	v12 =	vadd.s32 v23, v56  }
0x305: {  	v12 =	vadd.s32 v40, v12;
	[tilespmem:v8+s31+$0x0] =	vst.idx.msk $0xffff, v1  }
0x306: {  	v1 =	vadd.f32 v5, v45;
	v5 =	vld [tilespmem:$0x1FBB0]  }
0x307: {  	v15 =	vld.idx.msk [tilespmem:v15+s19+$0x0], $0xffff  }
0x308: {  	v4 =	vor.u32 v62, v55  }
0x309: {  	v2 =	vld.idx.msk [tilespmem:v36+s19+$0x0], $0xffff  }
0x30a: {  	v7 =	vadd.s32 v23, v53;
	v3 =	vld.idx.msk [tilespmem:v12+s19+$0x0], $0xffff  }
0x30b: {  	v7 =	vadd.s32 v40, v7  }
0x30c: {  	v6 =	vadd.f32 v15, v22  }
0x30d: {  	[tilespmem:v4+s31+$0x0] =	vst.idx.msk $0xffff, v1  }
0x30e: {  	[tilespmem:v5+s31+$0x0] =	vst.idx.msk $0xffff, v6  }
0x30f: {  	v1 =	vadd.f32 v2, v51;
	v2 =	vadd.f32 v3, v49;
	v3 =	vld [tilespmem:$0x1FC00]  }
0x310: {  	v7 =	vld.idx.msk [tilespmem:v7+s19+$0x0], $0xffff;
	_ =	sdelay $0x4  }
0x311: {  	v5 =	vadd.f32 v7, v44;
	_ =	sdelay $0x1  }
0x312: {  	[tilespmem:v3+s31+$0x0] =	vst.idx.msk $0xffff, v5  }
0x313: {  	v3 =	vld [tilespmem:$0x1FC20];
	_ =	sdelay $0x1  }
0x314: {  	v0 =	vor.u32 v62, v48;
	_ =	sdelay $0x2  }
0x315: {  	s8 =	sshll.u32 s8, $0x12  }
0x316: {  	s8 =	sor.u32 s5, s8  }
0x317: {  	s8 =	sshrl.u32 s8, $0x3;
	[tilespmem:v0+s31+$0x0] =	vst.idx.msk $0xffff, v2  }
0x318: {  	s8 =	sadd.s32 s1, s8;
	[tilespmem:v3+s31+$0x0] =	vst.idx.msk $0xffff, v1  }
0x319: {  	[hbm4b:s8+s11] =	stream.strided.scatter [tilespmem:s31], [sflag:$0x6], $0x2000, s12, s11, $0x38;
	[tilespmem:$0x1AA00] =	vst v63  }
0x31a: {  	s8 =	sor.u32 $0x2, s7  }
0x31b: {  	p0 =	sgt.u32 s8, $0xC4  }
0x31c: {  	s9 =	sadd.s32 @!p0 $0x5, s7  }
0x31d: {  	s10 =	sshll.u32 @!p0 s9, $0x7  }
0x31e: {  	s10 =	sand.u32 @!p0 $0x3FFFFF80, s10  }
0x31f: {  	v0 =	vld @!p0 [tilespmem:s10+$0x0];
	_ =	sdelay $0x4  }
0x320: {  	v1 =	vshrl.u32 @!p0 v0, $0x1;
	v0 =	vshll.u32 @!p0 v0, $0x6  }
0x321: {  	[tilespmem:$0x6480] =	vst @!p0 v1;
	v0 =	vand.u32 @!p0 $0x40, v0  }
0x322: {  	[tilespmem:$0x6680] =	vst @!p0 v0  }
0x323: {  	v0 =	vld @!p0 [tilespmem:s10+$0x10];
	_ =	sdelay $0x4  }
0x324: {  	v1 =	vshrl.u32 @!p0 v0, $0x1;
	v0 =	vshll.u32 @!p0 v0, $0x6  }
0x325: {  	[tilespmem:$0x6490] =	vst @!p0 v1;
	v0 =	vand.u32 @!p0 $0x40, v0  }
0x326: {  	[tilespmem:$0x6690] =	vst @!p0 v0  }
0x327: {  	v0 =	vld @!p0 [tilespmem:s10+$0x20];
	_ =	sdelay $0x4  }
0x328: {  	v1 =	vshrl.u32 @!p0 v0, $0x1;
	v0 =	vshll.u32 @!p0 v0, $0x6  }
0x329: {  	[tilespmem:$0x64A0] =	vst @!p0 v1;
	v0 =	vand.u32 @!p0 $0x40, v0  }
0x32a: {  	[tilespmem:$0x66A0] =	vst @!p0 v0  }
0x32b: {  	v0 =	vld @!p0 [tilespmem:s10+$0x30];
	_ =	sdelay $0x4  }
0x32c: {  	v1 =	vshrl.u32 @!p0 v0, $0x1;
	v0 =	vshll.u32 @!p0 v0, $0x6  }
0x32d: {  	[tilespmem:$0x64B0] =	vst @!p0 v1;
	v0 =	vand.u32 @!p0 $0x40, v0  }
0x32e: {  	[tilespmem:$0x66B0] =	vst @!p0 v0  }
0x32f: {  	v0 =	vld @!p0 [tilespmem:s10+$0x40];
	_ =	sdelay $0x4  }
0x330: {  	v1 =	vshrl.u32 @!p0 v0, $0x1;
	v0 =	vshll.u32 @!p0 v0, $0x6  }
0x331: {  	[tilespmem:$0x64C0] =	vst @!p0 v1;
	v0 =	vand.u32 @!p0 $0x40, v0  }
0x332: {  	[tilespmem:$0x66C0] =	vst @!p0 v0  }
0x333: {  	v0 =	vld @!p0 [tilespmem:s10+$0x50];
	_ =	sdelay $0x4  }
0x334: {  	v1 =	vshrl.u32 @!p0 v0, $0x1;
	v0 =	vshll.u32 @!p0 v0, $0x6  }
0x335: {  	[tilespmem:$0x64D0] =	vst @!p0 v1;
	v0 =	vand.u32 @!p0 $0x40, v0  }
0x336: {  	[tilespmem:$0x66D0] =	vst @!p0 v0  }
0x337: {  	v0 =	vld @!p0 [tilespmem:s10+$0x60];
	_ =	sdelay $0x4  }
0x338: {  	v1 =	vshrl.u32 @!p0 v0, $0x1;
	v0 =	vshll.u32 @!p0 v0, $0x6  }
0x339: {  	[tilespmem:$0x64E0] =	vst @!p0 v1;
	v0 =	vand.u32 @!p0 $0x40, v0  }
0x33a: {  	[tilespmem:$0x66E0] =	vst @!p0 v0  }
0x33b: {  	v0 =	vld @!p0 [tilespmem:s10+$0x70];
	_ =	sdelay $0x4  }
0x33c: {  	v1 =	vshrl.u32 @!p0 v0, $0x1;
	v0 =	vshll.u32 @!p0 v0, $0x6  }
0x33d: {  	s13 =	simm.s32 @!p0 $0x6480;
	[tilespmem:$0x64F0] =	vst @!p0 v1;
	v0 =	vand.u32 @!p0 $0x40, v0  }
0x33e: {  	s20 =	simm.s32 @!p0 $0xA800;
	s9 =	sshll.u32 @!p0 s9, $0x4;
	s10 =	simm.s32 @!p0 $0x80;
	[tilespmem:$0x66F0] =	vst @!p0 v0  }
0x33f: {  	[tilespmem:s20], [sflag:$0x2] =	stream.indirect.gather @!p0 [hbm4b:s4+s10], $0x80, s13, s10, $0xb8;
	[tilespmem:$0x1AA00] =	vst v63  }
0x340: {  	s9 =	sadd.s32 @!p0 s6, s9;
	s10 =	simm.s32 @!p0 $0x0;
	s13 =	simm.s32 @!p0 $0x1A880  }
0x341: {  	[tilespmem:s13], [sflag:$0x2] =	stream.linear.gather @!p0 [hbm4b:s9+s10], $0x80, $0x38;
	[tilespmem:$0x1AA00] =	vst v63  }
0x342: {  	_ =	swait.ge [sflag:s0], $0x4000  }
0x343: {  	[sflag:s0] =	ssyncset.done $0x0  }
0x344: {  	[sflag:s0] =	ssyncadd.s32 $0xFFFFC000  }
0x345: {  	_ =	swait.ge [sflag:s0], $0x80  }
0x346: {  	[sflag:s0] =	ssyncset.done $0x0  }
0x347: {  	[sflag:s0] =	ssyncadd.s32 $0xFFFFFF80  }
0x348: {  	_ =	swait.ge [sflag:s2], $0x2000  }
0x349: {  	[sflag:s2] =	ssyncset.done $0x0  }
0x34a: {  	[sflag:s2] =	ssyncadd.s32 $0xFFFFE000  }
0x34b: {  	v50 =	vld [tilespmem:$0x6700]  }
0x34c: {  	v49 =	vld [tilespmem:$0x1FFF0]  }
0x34d: {  	s10 =	simm.s32 $0x1  }
0x34e: {  	s20 =	simm.s32 $0x0;
	v1 =	vadd.s32 s10, v39  }
0x34f: {  	v0 =	vadd.s32 s20, v39;
	v1 =	vand.u32 $0x3F, v1  }
0x350: {  	v4 =	vand.u32 $0x3F, v0;
	v0 =	vadd.s32 v50, v1  }
0x351: {  	s20 =	simm.s32 $0x3;
	s13 =	simm.s32 $0x2;
	v24 =	vshll.u32 v1, $0x7;
	v55 =	vld [tilespmem:$0x6710];
	v0 =	vadd.s32 v49, v0  }
0x352: {  	v3 =	vadd.s32 s20, v39;
	v2 =	vadd.s32 s13, v39;
	v9 =	vor.u32 v62, v24;
	v36 =	vld [tilespmem:$0x6720]  }
0x353: {  	v3 =	vand.u32 $0x3F, v3;
	v2 =	vand.u32 $0x3F, v2;
	[tilespmem:$0x1F9A0] =	vst v9;
	v9 =	vor.u32 $0x100, v1;
	v41 =	vld [tilespmem:$0x6730]  }
0x354: {  	v26 =	vshll.u32 v3, $0x7;
	v61 =	vld [tilespmem:$0x6740];
	v5 =	vadd.s32 v50, v2  }
0x355: {  	v52 =	vmov v18;
	v17 =	vor.u32 v62, v26;
	v18 =	vld [tilespmem:$0x6750];
	v5 =	vadd.s32 v49, v5  }
0x356: {  	v7 =	vor.u32 $0x100, v2;
	v12 =	vadd.s32 v50, v4;
	v0 =	vld.idx.msk [tilespmem:v0+s22+$0x0], $0xffff;
	[tilespmem:$0x1F9B0] =	vst v17;
	v17 =	vor.u32 v58, v26  }
0x357: {  	v30 =	vld [tilespmem:$0x6760];
	v12 =	vadd.s32 v49, v12;
	[tilespmem:$0x1F9C0] =	vst v17  }
0x358: {  	v16 =	vor.u32 $0x100, v4;
	v53 =	vld.idx.msk [tilespmem:v9+s17+$0x0], $0xffff  }
0x359: {  	v42 =	vshll.u32 v4, $0x7;
	v15 =	vadd.s32 v50, v3;
	v9 =	vld [tilespmem:$0x1FFA0]  }
0x35a: {  	v32 =	vor.u32 v39, v42;
	v15 =	vadd.s32 v49, v15;
	v5 =	vld.idx.msk [tilespmem:v5+s22+$0x0], $0xffff  }
0x35b: {  	v56 =	vshll.u32 v2, $0x7;
	v35 =	vor.u32 v43, v26;
	v17 =	vor.u32 $0x100, v3;
	v21 =	vld.idx.msk [tilespmem:v7+s17+$0x0], $0xffff  }
0x35c: {  	v25 =	vor.u32 v39, v24;
	v28 =	vor.u32 v39, v56;
	v6 =	vadd.s32 v55, v1;
	v12 =	vld.idx.msk [tilespmem:v12+s22+$0x0], $0xffff  }
0x35d: {  	v8 =	vadd.s32 v36, v1;
	v10 =	vadd.s32 v55, v2;
	v11 =	vadd.s32 v41, v1;
	v22 =	vld.idx.msk [tilespmem:v16+s17+$0x0], $0xffff  }
0x35e: {  	v51 =	vld [tilespmem:$0x6770];
	v13 =	vadd.s32 v36, v2;
	v14 =	vadd.s32 v41, v2;
	v6 =	vadd.s32 v9, v6  }
0x35f: {  	v19 =	vadd.s32 v55, v4;
	v15 =	vld.idx.msk [tilespmem:v15+s22+$0x0], $0xffff;
	v10 =	vadd.s32 v9, v10;
	v0 =	vadd.f32 v0, v53  }
0x360: {  	v23 =	vadd.s32 v55, v3;
	v29 =	vadd.s32 v36, v3;
	v20 =	vld.idx.msk [tilespmem:v17+s17+$0x0], $0xffff;
	v5 =	vadd.f32 v5, v21  }
0x361: {  	v48 =	vadd.s32 v41, v3;
	v17 =	vadd.s32 v9, v19;
	[tilespmem:v25+s29+$0x0] =	vst.idx.msk $0xffff, v0  }
0x362: {  	[tilespmem:v28+s29+$0x0] =	vst.idx.msk $0xffff, v5;
	v5 =	vadd.f32 v12, v22;
	v12 =	vadd.s32 v30, v3  }
0x363: {  	v60 =	vadd.s32 v18, v3;
	v0 =	vor.u32 v39, v26;
	v6 =	vld.idx.msk [tilespmem:v6+s22+$0x0], $0xffff;
	[tilespmem:$0x1FA60] =	vst v12  }
0x364: {  	v19 =	vadd.s32 v61, v3;
	v3 =	vadd.s32 v51, v3;
	v12 =	vadd.s32 v9, v23;
	v10 =	vld.idx.msk [tilespmem:v10+s22+$0x0], $0xffff  }
0x365: {  	v3 =	vadd.s32 v40, v3;
	v15 =	vadd.f32 v15, v20;
	v23 =	vor.u32 v31, v24  }
0x366: {  	[tilespmem:v32+s29+$0x0] =	vst.idx.msk $0xffff, v5;
	v5 =	vadd.s32 v33, v8;
	v8 =	vor.u32 v31, v56  }
0x367: {  	v47 =	vadd.s32 v41, v4;
	v17 =	vld.idx.msk [tilespmem:v17+s22+$0x0], $0xffff;
	[tilespmem:$0x1F9D0] =	vst v3;
	v3 =	vadd.s32 v33, v13  }
0x368: {  	v45 =	vadd.s32 v61, v1;
	[tilespmem:v0+s29+$0x0] =	vst.idx.msk $0xffff, v15;
	v0 =	vadd.f32 v6, v53  }
0x369: {  	v7 =	vadd.s32 v36, v4;
	v13 =	vor.u32 v31, v42;
	v12 =	vld.idx.msk [tilespmem:v12+s22+$0x0], $0xffff;
	v10 =	vadd.f32 v10, v21  }
0x36a: {  	v16 =	vadd.s32 v61, v2;
	v7 =	vadd.s32 v33, v7;
	[tilespmem:v23+s29+$0x0] =	vst.idx.msk $0xffff, v0  }
0x36b: {  	v25 =	vadd.s32 v18, v2;
	v5 =	vld.idx.msk [tilespmem:v5+s22+$0x0], $0xffff;
	[tilespmem:v8+s29+$0x0] =	vst.idx.msk $0xffff, v10;
	v8 =	vor.u32 v31, v26  }
0x36c: {  	v28 =	vadd.s32 v30, v2;
	v2 =	vadd.s32 v51, v2;
	v17 =	vadd.f32 v17, v22;
	v3 =	vld.idx.msk [tilespmem:v3+s22+$0x0], $0xffff  }
0x36d: {  	v0 =	vadd.s32 v63, v28;
	v23 =	vor.u32 v54, v24;
	v28 =	vor.u32 v54, v56  }
0x36e: {  	v10 =	vadd.s32 v33, v29;
	[tilespmem:v13+s29+$0x0] =	vst.idx.msk $0xffff, v17;
	v12 =	vadd.f32 v12, v20  }
0x36f: {  	v44 =	vadd.s32 v18, v4;
	v11 =	vadd.s32 v38, v11;
	v2 =	vadd.s32 v40, v2;
	v7 =	vld.idx.msk [tilespmem:v7+s22+$0x0], $0xffff  }
0x370: {  	v13 =	vadd.s32 v38, v14;
	v5 =	vadd.f32 v5, v53;
	[tilespmem:v8+s29+$0x0] =	vst.idx.msk $0xffff, v12  }
0x371: {  	v46 =	vadd.s32 v18, v1;
	v14 =	vor.u32 v54, v42;
	v3 =	vadd.f32 v3, v21;
	[tilespmem:$0x1F9E0] =	vst v2  }
0x372: {  	v15 =	vadd.s32 v30, v1;
	v1 =	vadd.s32 v51, v1;
	[tilespmem:v23+s29+$0x0] =	vst.idx.msk $0xffff, v5  }
0x373: {  	v1 =	vadd.s32 v40, v1;
	v8 =	vadd.s32 v38, v47;
	v2 =	vld.idx.msk [tilespmem:v10+s22+$0x0], $0xffff;
	[tilespmem:v28+s29+$0x0] =	vst.idx.msk $0xffff, v3  }
0x374: {  	v57 =	vmov v52;
	v52 =	vadd.s32 v52, v60;
	v5 =	vadd.f32 v7, v22;
	v7 =	vld.idx.msk [tilespmem:v11+s22+$0x0], $0xffff;
	[tilespmem:$0x1F9F0] =	vst v1  }
0x375: {  	v60 =	vor.u32 v62, v42;
	v19 =	vadd.s32 v34, v19;
	v32 =	vor.u32 v27, v56;
	v3 =	vld.idx.msk [tilespmem:v13+s22+$0x0], $0xffff  }
0x376: {  	v6 =	vadd.s32 v30, v4;
	[tilespmem:v14+s29+$0x0] =	vst.idx.msk $0xffff, v5;
	v5 =	vor.u32 v37, v24  }
0x377: {  	v6 =	vadd.s32 v63, v6;
	v12 =	vor.u32 v43, v56;
	v13 =	vor.u32 v37, v42;
	[tilespmem:$0x1FA00] =	vst v5  }
0x378: {  	v17 =	vadd.s32 v51, v4;
	v8 =	vld.idx.msk [tilespmem:v8+s22+$0x0], $0xffff;
	[tilespmem:$0x1FA10] =	vst v13;
	v13 =	vadd.s32 v34, v16  }
0x379: {  	v4 =	vadd.s32 v61, v4;
	v10 =	vor.u32 v54, v26;
	v14 =	vadd.s32 v63, v15  }
0x37a: {  	v4 =	vadd.s32 v34, v4;
	v11 =	vor.u32 v43, v24;
	[tilespmem:$0x1FA20] =	vst v14;
	v3 =	vadd.f32 v3, v21  }
0x37b: {  	s13 =	simm.s32 $0x5;
	v1 =	vadd.s32 v38, v48;
	v63 =	vadd.s32 v57, v46;
	v5 =	vadd.s32 v34, v45;
	[tilespmem:$0x1FA30] =	vst v6  }
0x37c: {  	s20 =	simm.s32 $0x6;
	v23 =	vadd.s32 s13, v39;
	v2 =	vadd.f32 v2, v20;
	v14 =	vor.u32 v43, v42;
	[tilespmem:v12+s29+$0x0] =	vst.idx.msk $0xffff, v3  }
0x37d: {  	v43 =	vmovc v53;
	v7 =	vadd.f32 v7, v53;
	v53 =	vand.u32 $0x3F, v23;
	v12 =	vadd.s32 s20, v39;
	v13 =	vld.idx.msk [tilespmem:v13+s22+$0x0], $0xffff  }
0x37e: {  	v6 =	vadd.s32 v57, v25;
	[tilespmem:v10+s29+$0x0] =	vst.idx.msk $0xffff, v2;
	v46 =	vand.u32 $0x3F, v12;
	v12 =	vadd.s32 v50, v53  }
0x37f: {  	s13 =	simm.s32 $0x7;
	v8 =	vadd.f32 v8, v22;
	v3 =	vor.u32 v58, v56;
	v25 =	vadd.s32 v49, v12  }
0x380: {  	v15 =	vadd.s32 v57, v44;
	v37 =	vmovc v57;
	v57 =	vshll.u32 v53, $0x7;
	[tilespmem:v11+s29+$0x0] =	vst.idx.msk $0xffff, v7;
	v7 =	vadd.s32 s13, v39  }
0x381: {  	v11 =	vadd.s32 v50, v46;
	[tilespmem:v14+s29+$0x0] =	vst.idx.msk $0xffff, v8;
	v8 =	vld.idx.msk [tilespmem:v5+s22+$0x0], $0xffff;
	v5 =	vor.u32 v62, v57  }
0x382: {  	v28 =	vand.u32 $0x3F, v7;
	v11 =	vadd.s32 v49, v11;
	v4 =	vld.idx.msk [tilespmem:v4+s22+$0x0], $0xffff;
	[tilespmem:$0x1FA40] =	vst v5;
	v7 =	vadd.f32 v13, v21  }
0x383: {  	v16 =	vor.u32 v58, v42;
	v23 =	vor.u32 v58, v24;
	v2 =	vadd.s32 v55, v53;
	s20 =	simm.s32 $0x4;
	v1 =	vld.idx.msk [tilespmem:v1+s22+$0x0], $0xffff  }
0x384: {  	v29 =	vor.u32 $0x100, v53;
	v59 =	vshll.u32 v28, $0x7;
	v27 =	vadd.s32 s20, v39;
	v38 =	vld.idx.msk [tilespmem:v25+s22+$0x0], $0xffff;
	[tilespmem:v3+s29+$0x0] =	vst.idx.msk $0xffff, v7  }
0x385: {  	v47 =	vmovc v56;
	v10 =	vor.u32 $0x100, v46;
	v56 =	vand.u32 $0x3F, v27;
	v27 =	vor.u32 v62, v59;
	v6 =	vld.idx.msk [tilespmem:v6+s22+$0x0], $0xffff;
	[tilespmem:$0x1FA50] =	vst v50  }
0x386: {  	v12 =	vadd.s32 v36, v53;
	v14 =	vadd.s32 v36, v46;
	v5 =	vadd.s32 v41, v53;
	[tilespmem:$0x1FA70] =	vst v27  }
0x387: {  	v13 =	vadd.s32 v55, v46;
	v8 =	vadd.f32 v8, v43;
	v54 =	vld.idx.msk [tilespmem:v11+s22+$0x0], $0xffff;
	v11 =	vor.u32 v58, v59  }
0x388: {  	v25 =	vadd.s32 v50, v28;
	v3 =	vadd.s32 v50, v56;
	v4 =	vadd.f32 v4, v22;
	[tilespmem:$0x1FA80] =	vst v11  }
0x389: {  	v7 =	vadd.s32 v41, v46;
	v31 =	vadd.s32 v49, v25;
	v62 =	vld [tilespmem:$0x1FA60];
	[tilespmem:v23+s29+$0x0] =	vst.idx.msk $0xffff, v8  }
0x38a: {  	v1 =	vadd.f32 v1, v20;
	v45 =	vld.idx.msk [tilespmem:v10+s17+$0x0], $0xffff;
	[tilespmem:v16+s29+$0x0] =	vst.idx.msk $0xffff, v4;
	v4 =	vadd.s32 v40, v17  }
0x38b: {  	v25 =	vadd.s32 v9, v13;
	v3 =	vadd.s32 v49, v3;
	v44 =	vld.idx.msk [tilespmem:v29+s17+$0x0], $0xffff;
	[tilespmem:$0x1FA90] =	vst v4  }
0x38c: {  	v27 =	vadd.s32 v9, v2;
	[tilespmem:v35+s29+$0x0] =	vst.idx.msk $0xffff, v1;
	v1 =	vadd.f32 v6, v21  }
0x38d: {  	v9 =	vadd.s32 v41, v56;
	v11 =	vadd.s32 v61, v28;
	v16 =	vor.u32 $0x100, v28  }
0x38e: {  	v29 =	vadd.s32 v55, v28;
	v4 =	vld.idx.msk [tilespmem:v15+s22+$0x0], $0xffff;
	[tilespmem:v32+s29+$0x0] =	vst.idx.msk $0xffff, v1;
	v1 =	vadd.s32 v18, v28  }
0x38f: {  	v2 =	vor.u32 $0x100, v56;
	v8 =	vadd.s32 v41, v28;
	v31 =	vld.idx.msk [tilespmem:v31+s22+$0x0], $0xffff;
	v1 =	vadd.s32 v37, v1;
	[tilespmem:$0x1FAB0] =	vst v30  }
0x390: {  	v15 =	vadd.s32 v36, v28;
	v6 =	vadd.s32 v18, v46;
	v34 =	vadd.f32 v54, v45;
	[tilespmem:$0x1FAA0] =	vst v1  }
0x391: {  	v54 =	vadd.s32 v30, v28;
	v10 =	vadd.f32 v38, v44;
	v23 =	vld.idx.msk [tilespmem:v19+s22+$0x0], $0xffff;
	[tilespmem:$0x1FAC0] =	vst v51  }
0x392: {  	v30 =	vor.u32 v39, v57;
	v1 =	vadd.s32 v51, v28;
	v51 =	vld.idx.msk [tilespmem:v16+s17+$0x0], $0xffff;
	[tilespmem:$0x1FAD0] =	vst v55  }
0x393: {  	v28 =	vadd.s32 v55, v56;
	v13 =	vadd.f32 v4, v22;
	v50 =	vadd.s32 v40, v1;
	[tilespmem:$0x1FAE0] =	vst v36  }
0x394: {  	v4 =	vadd.s32 v61, v53;
	v1 =	vadd.s32 v18, v53;
	v55 =	vshll.u32 v46, $0x7;
	v35 =	vld.idx.msk [tilespmem:v3+s22+$0x0], $0xffff;
	[tilespmem:$0x1FAF0] =	vst v41  }
0x395: {  	v16 =	vadd.s32 v36, v56;
	v32 =	vor.u32 v39, v55;
	v49 =	vld.idx.msk [tilespmem:v2+s17+$0x0], $0xffff;
	[tilespmem:$0x1FB00] =	vst v61  }
0x396: {  	s9 =	simm.s32 $0x8;
	v48 =	vshll.u32 v56, $0x7;
	v3 =	vadd.s32 v61, v46;
	v2 =	vld.idx.msk [tilespmem:v0+s22+$0x0], $0xffff;
	v0 =	vadd.s32 v18, v56;
	[tilespmem:$0x1FB10] =	vst v18  }
.LBB2_7:
0x397: {  	_ =	sdelay $0x2  }
0x398: {  	v63 =	vld.idx.msk [tilespmem:v63+s22+$0x0], $0xffff  }
0x399: {  	[tilespmem:v30+s29+$0x0] =	vst.idx.msk $0xffff, v10;
	v30 =	vadd.f32 v2, v21;
	v2 =	vld [tilespmem:$0x1F9C0];
	_ =	sdelay $0x2  }
0x39a: {  	v41 =	vld [tilespmem:$0x1FF80]  }
0x39b: {  	[tilespmem:$0x1F980] =	vst v54;
	v54 =	vld [tilespmem:$0x1FFA0]  }
0x39c: {  	v36 =	vor.u32 v39, v48;
	v61 =	vlaneseq.u32  }
0x39d: {  	v58 =	vld [tilespmem:$0x1FFC0];
	v39 =	vor.u32 v61, v59;
	v23 =	vadd.f32 v23, v20;
	v61 =	vadd.f32 v35, v49;
	_ =	sdelay $0x1  }
0x39e: {  	[tilespmem:v2+s29+$0x0] =	vst.idx.msk $0xffff, v23;
	v23 =	vor.u32 v41, v24  }
0x39f: {  	v18 =	vld [tilespmem:$0x1FAB0];
	v28 =	vadd.s32 v54, v28  }
0x3a0: {  	v10 =	vld.idx.msk [tilespmem:v27+s22+$0x0], $0xffff;
	v27 =	vor.u32 v41, v42;
	[tilespmem:v36+s29+$0x0] =	vst.idx.msk $0xffff, v61;
	v61 =	vmov v60;
	v60 =	vmov v43  }
0x3a1: {  	v33 =	vld [tilespmem:$0x1FF90];
	v40 =	vadd.s32 v58, v15;
	v15 =	vadd.f32 v63, v60  }
0x3a2: {  	v43 =	vld [tilespmem:$0x1FF50]  }
0x3a3: {  	[tilespmem:v23+s29+$0x0] =	vst.idx.msk $0xffff, v15;
	v23 =	vld [tilespmem:$0x1FA20]  }
0x3a4: {  	v29 =	vadd.s32 v54, v29;
	v28 =	vld.idx.msk [tilespmem:v28+s22+$0x0], $0xffff  }
0x3a5: {  	[tilespmem:v27+s29+$0x0] =	vst.idx.msk $0xffff, v13;
	v13 =	vld [tilespmem:$0x1FA30]  }
0x3a6: {  	[tilespmem:v32+s29+$0x0] =	vst.idx.msk $0xffff, v34;
	v31 =	vadd.f32 v31, v51;
	v32 =	vld.idx.msk [tilespmem:v52+s22+$0x0], $0xffff  }
0x3a7: {  	v37 =	vor.u32 v33, v57;
	v52 =	vld [tilespmem:$0x1FF20]  }
0x3a8: {  	[tilespmem:v39+s29+$0x0] =	vst.idx.msk $0xffff, v31  }
0x3a9: {  	v12 =	vadd.s32 v58, v12;
	v14 =	vadd.s32 v58, v14;
	v35 =	vor.u32 v41, v26;
	v29 =	vld.idx.msk [tilespmem:v29+s22+$0x0], $0xffff  }
0x3aa: {  	v16 =	vadd.s32 v58, v16;
	v58 =	vld [tilespmem:$0x1FAC0];
	v10 =	vadd.f32 v10, v44;
	v2 =	vadd.s32 v18, v46  }
0x3ab: {  	v2 =	vadd.s32 v43, v2;
	v36 =	vadd.s32 v43, v62;
	v39 =	vor.u32 v33, v59;
	v23 =	vld.idx.msk [tilespmem:v23+s22+$0x0], $0xffff  }
0x3ac: {  	v34 =	vor.u32 v52, v47;
	[tilespmem:v37+s29+$0x0] =	vst.idx.msk $0xffff, v10;
	v10 =	vor.u32 v41, v55;
	v41 =	vld [tilespmem:$0x1FF40]  }
0x3ad: {  	v25 =	vld.idx.msk [tilespmem:v25+s22+$0x0], $0xffff;
	v19 =	vadd.s32 v18, v53;
	v15 =	vadd.f32 v32, v20  }
0x3ae: {  	v42 =	vor.u32 v33, v48;
	[tilespmem:$0x1F990] =	vst v2;
	v31 =	vor.u32 v52, v26;
	v29 =	vadd.f32 v29, v51  }
0x3af: {  	v2 =	vmov v50;
	v50 =	vld.idx.msk [tilespmem:v13+s22+$0x0], $0xffff;
	v26 =	vmov v59;
	v59 =	vadd.s32 v58, v46;
	[tilespmem:v35+s29+$0x0] =	vst.idx.msk $0xffff, v15  }
0x3b0: {  	v15 =	vadd.f32 v28, v49;
	v28 =	vadd.s32 v58, v53;
	v53 =	vld.idx.msk [tilespmem:v36+s22+$0x0], $0xffff;
	[tilespmem:v39+s29+$0x0] =	vst.idx.msk $0xffff, v29  }
0x3b1: {  	[tilespmem:v34+s29+$0x0] =	vst.idx.msk $0xffff, v30;
	v30 =	vld [tilespmem:$0x1F9E0];
	v29 =	vadd.s32 v41, v59  }
0x3b2: {  	[tilespmem:$0x1F9E0] =	vst v29;
	v29 =	vld.idx.msk [tilespmem:v40+s22+$0x0], $0xffff  }
0x3b3: {  	v40 =	vld [tilespmem:$0x1FA10]  }
0x3b4: {  	v38 =	vor.u32 v33, v55;
	[tilespmem:v42+s29+$0x0] =	vst.idx.msk $0xffff, v15;
	v42 =	vld [tilespmem:$0x1FA90];
	_ =	sdelay $0x2  }
0x3b5: {  	v25 =	vadd.f32 v25, v45  }
0x3b6: {  	v46 =	vld [tilespmem:$0x1FA00]  }
0x3b7: {  	v30 =	vld.idx.msk [tilespmem:v30+s22+$0x0], $0xffff;
	[tilespmem:v38+s29+$0x0] =	vst.idx.msk $0xffff, v25;
	v25 =	vadd.f32 v50, v22  }
0x3b8: {  	v63 =	vld [tilespmem:$0x1FFB0]  }
0x3b9: {  	v16 =	vld.idx.msk [tilespmem:v16+s22+$0x0], $0xffff;
	[tilespmem:v40+s29+$0x0] =	vst.idx.msk $0xffff, v25  }
0x3ba: {  	v23 =	vadd.f32 v23, v60;
	v34 =	vld.idx.msk [tilespmem:v42+s22+$0x0], $0xffff  }
0x3bb: {  	v42 =	vld [tilespmem:$0x1F9F0]  }
0x3bc: {  	v12 =	vld.idx.msk [tilespmem:v12+s22+$0x0], $0xffff  }
0x3bd: {  	v37 =	vld [tilespmem:$0x1FF10];
	v28 =	vadd.s32 v41, v28  }
0x3be: {  	v62 =	vor.u32 v63, v57;
	v14 =	vld.idx.msk [tilespmem:v14+s22+$0x0], $0xffff;
	[tilespmem:v46+s29+$0x0] =	vst.idx.msk $0xffff, v23;
	v23 =	vmov v28  }
0x3bf: {  	[tilespmem:$0x1F9F0] =	vst v23;
	v23 =	vld [tilespmem:$0x1F9D0];
	_ =	sdelay $0x1  }
0x3c0: {  	v27 =	vor.u32 v63, v55;
	v12 =	vadd.f32 v12, v44  }
0x3c1: {  	v33 =	vor.u32 v37, v47  }
0x3c2: {  	v47 =	vadd.f32 v53, v20;
	v35 =	vld.idx.msk [tilespmem:v42+s22+$0x0], $0xffff;
	[tilespmem:v62+s29+$0x0] =	vst.idx.msk $0xffff, v12;
	v12 =	vor.u32 v63, v26  }
0x3c3: {  	v14 =	vadd.f32 v14, v45  }
0x3c4: {  	v24 =	vmov v57;
	v57 =	vld [tilespmem:$0x1FFE0];
	[tilespmem:v31+s29+$0x0] =	vst.idx.msk $0xffff, v47  }
0x3c5: {  	[tilespmem:v27+s29+$0x0] =	vst.idx.msk $0xffff, v14;
	v14 =	vadd.f32 v29, v51  }
0x3c6: {  	v21 =	vadd.f32 v30, v21;
	v30 =	vor.u32 v63, v48;
	v23 =	vld.idx.msk [tilespmem:v23+s22+$0x0], $0xffff  }
0x3c7: {  	[tilespmem:v12+s29+$0x0] =	vst.idx.msk $0xffff, v14;
	v12 =	vld [tilespmem:$0x1F9A0];
	_ =	sdelay $0x1  }
0x3c8: {  	v5 =	vadd.s32 v57, v5;
	v16 =	vadd.f32 v16, v49;
	_ =	sdelay $0x1  }
0x3c9: {  	[tilespmem:v30+s29+$0x0] =	vst.idx.msk $0xffff, v16;
	v16 =	vor.u32 v52, v48  }
0x3ca: {  	v17 =	vadd.s32 v18, v56;
	[tilespmem:$0x1FA10] =	vst v16;
	v16 =	vadd.s32 v43, v19  }
0x3cb: {  	v40 =	vld [tilespmem:$0x1FF30];
	[tilespmem:$0x1FA20] =	vst v16;
	v16 =	vadd.s32 v43, v17;
	v17 =	vadd.f32 v35, v60  }
0x3cc: {  	v5 =	vld.idx.msk [tilespmem:v5+s22+$0x0], $0xffff  }
0x3cd: {  	[tilespmem:v12+s29+$0x0] =	vst.idx.msk $0xffff, v17;
	v17 =	vld [tilespmem:$0x1FA40];
	_ =	sdelay $0x1  }
0x3ce: {  	v7 =	vadd.s32 v57, v7  }
0x3cf: {  	v36 =	vld [tilespmem:$0x1FF60]  }
0x3d0: {  	v38 =	vld [tilespmem:$0x1FF70]  }
0x3d1: {  	v9 =	vadd.s32 v57, v9;
	v63 =	vadd.s32 v40, v1;
	v1 =	vmov v17;
	v17 =	vld [tilespmem:$0x1F9B0]  }
0x3d2: {  	v53 =	vld [tilespmem:$0x1FA80]  }
0x3d3: {  	v8 =	vadd.s32 v57, v8;
	v7 =	vld.idx.msk [tilespmem:v7+s22+$0x0], $0xffff  }
0x3d4: {  	v50 =	vld [tilespmem:$0x1FB00]  }
0x3d5: {  	v13 =	vadd.s32 v58, v56;
	[tilespmem:v33+s29+$0x0] =	vst.idx.msk $0xffff, v21;
	v33 =	vld [tilespmem:$0x1FFD0];
	v19 =	vor.u32 v36, v55  }
0x3d6: {  	v3 =	vadd.s32 v38, v3;
	v9 =	vld.idx.msk [tilespmem:v9+s22+$0x0], $0xffff;
	[tilespmem:$0x1FA30] =	vst v16;
	v16 =	vadd.f32 v34, v22  }
0x3d7: {  	s10 =	smov.u32 s9;
	v15 =	vor.u32 v36, v26;
	v21 =	vmovc v45;
	v45 =	vld [tilespmem:$0x1FFF0];
	v42 =	vmov v48;
	v20 =	vadd.f32 v23, v20  }
0x3d8: {  	s13 =	sadd.s32 $0x1, s10;
	v39 =	vlaneseq.u32;
	v7 =	vadd.f32 v7, v21;
	[tilespmem:v61+s29+$0x0] =	vst.idx.msk $0xffff, v16;
	v14 =	vor.u32 v36, v42;
	v8 =	vld.idx.msk [tilespmem:v8+s22+$0x0], $0xffff  }
0x3d9: {  	v59 =	vor.u32 v37, v48;
	v28 =	vor.u32 v36, v24;
	v22 =	vadd.s32 s13, v39;
	[tilespmem:v17+s29+$0x0] =	vst.idx.msk $0xffff, v20;
	v17 =	vld [tilespmem:$0x1FA70]  }
0x3da: {  	v4 =	vadd.s32 v38, v4;
	v25 =	vadd.s32 v50, v56;
	[tilespmem:v19+s29+$0x0] =	vst.idx.msk $0xffff, v7;
	v61 =	vld [tilespmem:$0x1FAF0]  }
0x3db: {  	v9 =	vadd.f32 v9, v49;
	v3 =	vld.idx.msk [tilespmem:v3+s22+$0x0], $0xffff;
	[tilespmem:$0x1F9A0] =	vst v1;
	v1 =	vadd.s32 v38, v25  }
0x3dc: {  	v31 =	vor.u32 v52, v24;
	v56 =	vmovc v53;
	v53 =	vand.u32 $0x3F, v22;
	v22 =	vmovc v49;
	v49 =	vld [tilespmem:$0x1FAE0];
	v5 =	vadd.f32 v5, v44  }
0x3dd: {  	s20 =	sadd.s32 $0x2, s10;
	v11 =	vadd.s32 v38, v11;
	v30 =	vld [tilespmem:$0x1FA50];
	v6 =	vadd.s32 v40, v6;
	[tilespmem:v14+s29+$0x0] =	vst.idx.msk $0xffff, v9  }
0x3de: {  	v0 =	vadd.s32 v40, v0;
	v23 =	vadd.s32 s20, v39;
	v9 =	vld [tilespmem:$0x1FAA0];
	[tilespmem:v28+s29+$0x0] =	vst.idx.msk $0xffff, v5;
	v12 =	vmov v17  }
0x3df: {  	v16 =	vor.u32 v33, v55;
	v46 =	vand.u32 $0x3F, v23;
	v4 =	vld.idx.msk [tilespmem:v4+s22+$0x0], $0xffff;
	[tilespmem:$0x1F9B0] =	vst v12;
	v12 =	vadd.s32 s10, v39;
	s10 =	sadd.s32 $0x3, s10  }
0x3e0: {  	v3 =	vadd.f32 v3, v21;
	v27 =	vor.u32 $0x100, v46;
	v1 =	vld.idx.msk [tilespmem:v1+s22+$0x0], $0xffff;
	v5 =	vadd.s32 s10, v39  }
0x3e1: {  	v7 =	vadd.s32 v61, v46;
	v14 =	vadd.s32 v49, v46;
	v36 =	vand.u32 $0x3F, v5;
	v5 =	vld [tilespmem:$0x1F980]  }
0x3e2: {  	[tilespmem:$0x1F9C0] =	vst v56;
	v17 =	vor.u32 v33, v42;
	v56 =	vand.u32 $0x3F, v12;
	v12 =	vadd.s32 v30, v46  }
0x3e3: {  	v43 =	vmovc v44;
	v52 =	vmovc v9;
	v9 =	vadd.s32 v30, v53;
	v20 =	vmov v51;
	v51 =	vld [tilespmem:$0x1FAD0];
	v19 =	vadd.s32 v45, v12  }
0x3e4: {  	[tilespmem:$0x1FA00] =	vst v31;
	v9 =	vadd.s32 v45, v9;
	v25 =	vor.u32 v33, v24;
	v4 =	vadd.f32 v4, v43  }
0x3e5: {  	v47 =	vmovc v55;
	v60 =	vmovc v59;
	v1 =	vadd.f32 v1, v22;
	v28 =	vadd.s32 v30, v56;
	v59 =	vshll.u32 v36, $0x7  }
0x3e6: {  	v57 =	vshll.u32 v53, $0x7;
	v30 =	vadd.s32 v30, v36;
	v62 =	vmovc v5;
	v5 =	vmovc v2;
	v2 =	vor.u32 v33, v59;
	v33 =	vld [tilespmem:$0x1FB10]  }
0x3e7: {  	v35 =	vadd.s32 v45, v28;
	v34 =	vadd.s32 v45, v30;
	v45 =	vld.idx.msk [tilespmem:v27+s17+$0x0], $0xffff;
	[tilespmem:v17+s29+$0x0] =	vst.idx.msk $0xffff, v1  }
0x3e8: {  	v23 =	vadd.s32 v51, v53;
	v31 =	vadd.s32 v51, v46;
	v19 =	vld.idx.msk [tilespmem:v19+s22+$0x0], $0xffff;
	[tilespmem:v16+s29+$0x0] =	vst.idx.msk $0xffff, v3  }
0x3e9: {  	v55 =	vor.u32 v37, v59;
	v3 =	vadd.f32 v8, v20;
	v8 =	vadd.s32 v61, v36;
	[tilespmem:$0x1F9D0] =	vst v5  }
0x3ea: {  	v29 =	vor.u32 $0x100, v53;
	v5 =	vor.u32 v37, v57;
	v37 =	vld.idx.msk [tilespmem:v9+s22+$0x0], $0xffff;
	[tilespmem:$0x1FA80] =	vst v2;
	v2 =	vadd.s32 v41, v13  }
0x3eb: {  	v9 =	vadd.s32 v61, v56;
	[tilespmem:$0x1FA40] =	vst v5;
	v5 =	vadd.s32 v61, v53;
	v61 =	vadd.s32 v33, v36  }
0x3ec: {  	v12 =	vadd.s32 v49, v53;
	v17 =	vor.u32 $0x100, v56;
	v6 =	vld.idx.msk [tilespmem:v6+s22+$0x0], $0xffff;
	[tilespmem:$0x1FA90] =	vst v2;
	v2 =	vadd.s32 v40, v61  }
0x3ed: {  	v48 =	vshll.u32 v56, $0x7;
	v38 =	vor.u32 $0x100, v36;
	v28 =	vadd.s32 v51, v56;
	[tilespmem:$0x1FAA0] =	vst v2;
	v2 =	vld [tilespmem:$0x1F990]  }
0x3ee: {  	v30 =	vor.u32 v39, v57;
	v27 =	vadd.s32 v54, v23;
	[tilespmem:$0x1FA70] =	vst v55;
	v55 =	vshll.u32 v46, $0x7;
	v13 =	vld.idx.msk [tilespmem:v0+s22+$0x0], $0xffff  }
0x3ef: {  	v32 =	vor.u32 v39, v55;
	v16 =	vadd.s32 v49, v56;
	[tilespmem:v25+s29+$0x0] =	vst.idx.msk $0xffff, v4;
	v35 =	vld.idx.msk [tilespmem:v35+s22+$0x0], $0xffff  }
0x3f0: {  	p0 =	slt.u32 s9, $0x3C;
	v4 =	vadd.s32 v50, v53;
	v25 =	vadd.s32 v54, v31;
	v54 =	vadd.s32 v18, v36;
	v44 =	vld.idx.msk [tilespmem:v29+s17+$0x0], $0xffff  }
.Ltmp2:
0x3f1: {  	v29 =	vadd.s32 v51, v36;
	[tilespmem:v15+s29+$0x0] =	vst.idx.msk $0xffff, v3;
	v15 =	vadd.s32 v49, v36;
	v49 =	vld.idx.msk [tilespmem:v17+s17+$0x0], $0xffff;
	(pc) =	sbr.rel @p0 .LBB2_7-.Ltmp2, $4  }
0x3f2: {  	v3 =	vadd.s32 v50, v46;
	v17 =	vadd.s32 v58, v36;
	v31 =	vld.idx.msk [tilespmem:v34+s22+$0x0], $0xffff;
	v6 =	vadd.f32 v6, v21  }
0x3f3: {  	v23 =	vld.idx.msk [tilespmem:v11+s22+$0x0], $0xffff;
	v11 =	vadd.s32 v50, v36;
	v50 =	vadd.s32 v41, v17;
	v0 =	vadd.s32 v33, v56  }
0x3f4: {  	v51 =	vld.idx.msk [tilespmem:v38+s17+$0x0], $0xffff;
	v1 =	vadd.s32 v33, v53;
	v34 =	vadd.f32 v19, v45;
	[tilespmem:v10+s29+$0x0] =	vst.idx.msk $0xffff, v6  }
0x3f5: {  	s9 =	sadd.s32 $0x4, s9;
	v13 =	vadd.f32 v13, v22;
	v10 =	vadd.f32 v37, v44;
	v6 =	vadd.s32 v33, v46;
	v2 =	vld.idx.msk [tilespmem:v2+s22+$0x0], $0xffff  }
0x3f6: {  	v33 =	vld [tilespmem:$0x1FFA0];
	_ =	sdelay $0x3  }
0x3f7: {  	v17 =	vor.u32 v39, v59  }
0x3f8: {  	v19 =	vadd.s32 v33, v29;
	v29 =	vor.u32 v39, v48;
	_ =	sdelay $0x1  }
0x3f9: {  	[tilespmem:v32+s29+$0x0] =	vst.idx.msk $0xffff, v34;
	v31 =	vadd.f32 v31, v51  }
0x3fa: {  	[tilespmem:v30+s29+$0x0] =	vst.idx.msk $0xffff, v10;
	v10 =	vadd.f32 v35, v49  }
0x3fb: {  	[tilespmem:v17+s29+$0x0] =	vst.idx.msk $0xffff, v31  }
0x3fc: {  	[tilespmem:v29+s29+$0x0] =	vst.idx.msk $0xffff, v10  }
0x3fd: {  	v34 =	vld [tilespmem:$0x1FF90]  }
0x3fe: {  	v28 =	vadd.s32 v33, v28  }
0x3ff: {  	v25 =	vld.idx.msk [tilespmem:v25+s22+$0x0], $0xffff  }
0x400: {  	v17 =	vld.idx.msk [tilespmem:v27+s22+$0x0], $0xffff  }
0x401: {  	v10 =	vld.idx.msk [tilespmem:v19+s22+$0x0], $0xffff  }
0x402: {  	v31 =	vld [tilespmem:$0x1FFC0];
	v19 =	vor.u32 v34, v55  }
0x403: {  	v27 =	vld.idx.msk [tilespmem:v28+s22+$0x0], $0xffff;
	v28 =	vor.u32 v34, v57  }
0x404: {  	v29 =	vor.u32 v34, v59  }
0x405: {  	v25 =	vadd.f32 v25, v45  }
0x406: {  	v17 =	vadd.f32 v17, v44  }
0x407: {  	v10 =	vadd.f32 v10, v51;
	v14 =	vadd.s32 v31, v14;
	[tilespmem:v19+s29+$0x0] =	vst.idx.msk $0xffff, v25  }
0x408: {  	v12 =	vadd.s32 v31, v12;
	[tilespmem:v28+s29+$0x0] =	vst.idx.msk $0xffff, v17  }
0x409: {  	v15 =	vadd.s32 v31, v15;
	v30 =	vor.u32 v34, v48;
	[tilespmem:v29+s29+$0x0] =	vst.idx.msk $0xffff, v10  }
0x40a: {  	v17 =	vadd.f32 v27, v49;
	v27 =	vmov v62;
	v62 =	vld [tilespmem:$0x1FFB0]  }
0x40b: {  	v16 =	vadd.s32 v31, v16  }
0x40c: {  	v14 =	vld.idx.msk [tilespmem:v14+s22+$0x0], $0xffff  }
0x40d: {  	v12 =	vld.idx.msk [tilespmem:v12+s22+$0x0], $0xffff  }
0x40e: {  	v15 =	vld.idx.msk [tilespmem:v15+s22+$0x0], $0xffff;
	[tilespmem:v30+s29+$0x0] =	vst.idx.msk $0xffff, v17  }
0x40f: {  	v58 =	vld [tilespmem:$0x1FFE0];
	v10 =	vor.u32 v62, v55  }
0x410: {  	v16 =	vld.idx.msk [tilespmem:v16+s22+$0x0], $0xffff;
	v17 =	vor.u32 v62, v57  }
0x411: {  	v19 =	vor.u32 v62, v59  }
0x412: {  	v25 =	vor.u32 v62, v48;
	v14 =	vadd.f32 v14, v45  }
0x413: {  	v12 =	vadd.f32 v12, v44  }
0x414: {  	[tilespmem:v10+s29+$0x0] =	vst.idx.msk $0xffff, v14;
	v10 =	vadd.f32 v15, v51  }
0x415: {  	v7 =	vadd.s32 v58, v7;
	v14 =	vadd.f32 v16, v49;
	[tilespmem:v17+s29+$0x0] =	vst.idx.msk $0xffff, v12  }
0x416: {  	v5 =	vadd.s32 v58, v5;
	[tilespmem:v19+s29+$0x0] =	vst.idx.msk $0xffff, v10  }
0x417: {  	v8 =	vadd.s32 v58, v8;
	[tilespmem:v25+s29+$0x0] =	vst.idx.msk $0xffff, v14  }
0x418: {  	v38 =	vld [tilespmem:$0x1FF60]  }
0x419: {  	v18 =	vld [tilespmem:$0x1F9C0]  }
0x41a: {  	v7 =	vld.idx.msk [tilespmem:v7+s22+$0x0], $0xffff  }
0x41b: {  	v5 =	vld.idx.msk [tilespmem:v5+s22+$0x0], $0xffff  }
0x41c: {  	v8 =	vld.idx.msk [tilespmem:v8+s22+$0x0], $0xffff  }
0x41d: {  	v9 =	vadd.s32 v58, v9;
	v16 =	vld [tilespmem:$0x1FB00];
	v10 =	vor.u32 v38, v55  }
0x41e: {  	v32 =	vld [tilespmem:$0x1FF70];
	v14 =	vor.u32 v38, v57  }
0x41f: {  	v12 =	vadd.f32 v23, v20;
	v15 =	vor.u32 v38, v59  }
0x420: {  	v7 =	vadd.f32 v7, v45  }
0x421: {  	v5 =	vadd.f32 v5, v44;
	[tilespmem:v18+s29+$0x0] =	vst.idx.msk $0xffff, v12  }
0x422: {  	v9 =	vld.idx.msk [tilespmem:v9+s22+$0x0], $0xffff;
	v16 =	vadd.s32 v16, v56;
	[tilespmem:v10+s29+$0x0] =	vst.idx.msk $0xffff, v7;
	v7 =	vadd.f32 v8, v51  }
0x423: {  	v3 =	vadd.s32 v32, v3;
	v12 =	vadd.s32 v32, v16;
	v16 =	vld [tilespmem:$0x1FAB0];
	[tilespmem:v14+s29+$0x0] =	vst.idx.msk $0xffff, v5  }
0x424: {  	v4 =	vadd.s32 v32, v4;
	v28 =	vld [tilespmem:$0x1FF80];
	[tilespmem:v15+s29+$0x0] =	vst.idx.msk $0xffff, v7  }
0x425: {  	v18 =	vld [tilespmem:$0x1FFD0]  }
0x426: {  	v11 =	vadd.s32 v32, v11;
	v17 =	vor.u32 v38, v48;
	_ =	sdelay $0x1  }
0x427: {  	v3 =	vld.idx.msk [tilespmem:v3+s22+$0x0], $0xffff  }
0x428: {  	v9 =	vadd.f32 v9, v49;
	v4 =	vld.idx.msk [tilespmem:v4+s22+$0x0], $0xffff;
	v10 =	vor.u32 v28, v42  }
0x429: {  	v7 =	vor.u32 v18, v55  }
0x42a: {  	[tilespmem:v17+s29+$0x0] =	vst.idx.msk $0xffff, v9;
	v9 =	vld.idx.msk [tilespmem:v11+s22+$0x0], $0xffff;
	v14 =	vor.u32 v18, v57  }
0x42b: {  	v25 =	vld [tilespmem:$0x1FF30]  }
0x42c: {  	v37 =	vld [tilespmem:$0x1FF20];
	v3 =	vadd.f32 v3, v45  }
0x42d: {  	v42 =	vld [tilespmem:$0x1FF50];
	v4 =	vadd.f32 v4, v44;
	[tilespmem:v10+s29+$0x0] =	vst.idx.msk $0xffff, v13  }
0x42e: {  	v13 =	vld [tilespmem:$0x1FA30];
	[tilespmem:v7+s29+$0x0] =	vst.idx.msk $0xffff, v3  }
0x42f: {  	v12 =	vld.idx.msk [tilespmem:v12+s22+$0x0], $0xffff;
	[tilespmem:v14+s29+$0x0] =	vst.idx.msk $0xffff, v4  }
0x430: {  	v14 =	vld [tilespmem:$0x1FA80];
	_ =	sdelay $0x1  }
0x431: {  	v23 =	vor.u32 v18, v48;
	_ =	sdelay $0x2  }
0x432: {  	v3 =	vadd.f32 v9, v51;
	v9 =	vadd.f32 v12, v49;
	_ =	sdelay $0x1  }
0x433: {  	[tilespmem:v23+s29+$0x0] =	vst.idx.msk $0xffff, v9  }
0x434: {  	v15 =	vld.idx.msk [tilespmem:v63+s22+$0x0], $0xffff;
	v6 =	vadd.s32 v25, v6;
	[tilespmem:v14+s29+$0x0] =	vst.idx.msk $0xffff, v3  }
0x435: {  	v8 =	vadd.s32 v16, v56;
	v5 =	vadd.s32 v16, v53;
	v1 =	vadd.s32 v25, v1;
	v9 =	vld [tilespmem:$0x1FAA0]  }
0x436: {  	v17 =	vld.idx.msk [tilespmem:v52+s22+$0x0], $0xffff;
	v11 =	vadd.s32 v16, v46;
	v16 =	vor.u32 v28, v24;
	v0 =	vadd.s32 v25, v0;
	_ =	sdelay $0x1  }
0x437: {  	v10 =	vor.u32 v28, v26  }
0x438: {  	v12 =	vadd.f32 v15, v43;
	v4 =	vld.idx.msk [tilespmem:v6+s22+$0x0], $0xffff  }
0x439: {  	v1 =	vld.idx.msk [tilespmem:v1+s22+$0x0], $0xffff  }
0x43a: {  	v7 =	vor.u32 v37, v47;
	v0 =	vld.idx.msk [tilespmem:v0+s22+$0x0], $0xffff;
	v3 =	vadd.f32 v17, v20;
	[tilespmem:v16+s29+$0x0] =	vst.idx.msk $0xffff, v12  }
0x43b: {  	v15 =	vor.u32 v28, v57;
	v23 =	vld [tilespmem:$0x1FAC0]  }
0x43c: {  	v14 =	vor.u32 v28, v55;
	[tilespmem:v10+s29+$0x0] =	vst.idx.msk $0xffff, v3;
	v9 =	vld.idx.msk [tilespmem:v9+s22+$0x0], $0xffff  }
0x43d: {  	v2 =	vadd.f32 v2, v21;
	v16 =	vor.u32 v28, v48;
	v10 =	vld [tilespmem:$0x1FA20]  }
0x43e: {  	v1 =	vadd.f32 v1, v44;
	v3 =	vadd.s32 v42, v5;
	v5 =	vor.u32 v28, v59  }
0x43f: {  	v4 =	vadd.f32 v4, v45;
	[tilespmem:v7+s29+$0x0] =	vst.idx.msk $0xffff, v2  }
0x440: {  	v0 =	vadd.f32 v0, v49;
	[tilespmem:v15+s29+$0x0] =	vst.idx.msk $0xffff, v1  }
0x441: {  	v6 =	vadd.s32 v42, v27;
	[tilespmem:v14+s29+$0x0] =	vst.idx.msk $0xffff, v4;
	v4 =	vadd.f32 v9, v51  }
0x442: {  	v36 =	vld [tilespmem:$0x1FF10];
	[tilespmem:v16+s29+$0x0] =	vst.idx.msk $0xffff, v0  }
0x443: {  	[tilespmem:v5+s29+$0x0] =	vst.idx.msk $0xffff, v4  }
0x444: {  	v14 =	vld [tilespmem:$0x1FA00]  }
0x445: {  	v10 =	vld.idx.msk [tilespmem:v10+s22+$0x0], $0xffff  }
0x446: {  	v2 =	vld.idx.msk [tilespmem:v6+s22+$0x0], $0xffff  }
0x447: {  	v13 =	vld.idx.msk [tilespmem:v13+s22+$0x0], $0xffff  }
0x448: {  	v19 =	vor.u32 v37, v26;
	_ =	sdelay $0x1  }
0x449: {  	v4 =	vadd.f32 v10, v43  }
0x44a: {  	v2 =	vadd.f32 v2, v20;
	v40 =	vld [tilespmem:$0x1FF40]  }
0x44b: {  	v6 =	vadd.s32 v42, v8;
	v8 =	vadd.f32 v13, v22;
	v13 =	vld [tilespmem:$0x1F9E0];
	[tilespmem:v14+s29+$0x0] =	vst.idx.msk $0xffff, v4  }
0x44c: {  	v14 =	vld [tilespmem:$0x1F9F0];
	[tilespmem:v19+s29+$0x0] =	vst.idx.msk $0xffff, v2  }
0x44d: {  	v15 =	vld [tilespmem:$0x1FA10];
	_ =	sdelay $0x4  }
0x44e: {  	v11 =	vadd.s32 v42, v11;
	_ =	sdelay $0x1  }
0x44f: {  	v17 =	vadd.s32 v42, v54  }
0x450: {  	[tilespmem:v15+s29+$0x0] =	vst.idx.msk $0xffff, v8  }
0x451: {  	v8 =	vld [tilespmem:$0x1F9D0]  }
0x452: {  	v9 =	vld.idx.msk [tilespmem:v11+s22+$0x0], $0xffff  }
0x453: {  	v3 =	vld.idx.msk [tilespmem:v3+s22+$0x0], $0xffff  }
0x454: {  	v11 =	vadd.s32 v23, v46;
	v5 =	vor.u32 v37, v55;
	v0 =	vld.idx.msk [tilespmem:v17+s22+$0x0], $0xffff  }
0x455: {  	v6 =	vld.idx.msk [tilespmem:v6+s22+$0x0], $0xffff;
	v10 =	vadd.s32 v40, v11;
	v11 =	vor.u32 v37, v57  }
0x456: {  	v13 =	vld.idx.msk [tilespmem:v13+s22+$0x0], $0xffff;
	v4 =	vor.u32 v37, v59  }
0x457: {  	v9 =	vadd.f32 v9, v45;
	v2 =	vor.u32 v37, v48  }
0x458: {  	v1 =	vor.u32 v36, v47;
	v3 =	vadd.f32 v3, v44;
	v15 =	vld [tilespmem:$0x1FA90]  }
0x459: {  	v0 =	vadd.f32 v0, v51;
	[tilespmem:v5+s29+$0x0] =	vst.idx.msk $0xffff, v9;
	v8 =	vld.idx.msk [tilespmem:v8+s22+$0x0], $0xffff  }
0x45a: {  	v6 =	vadd.f32 v6, v49;
	[tilespmem:v11+s29+$0x0] =	vst.idx.msk $0xffff, v3  }
0x45b: {  	v3 =	vadd.f32 v13, v21;
	[tilespmem:v4+s29+$0x0] =	vst.idx.msk $0xffff, v0  }
0x45c: {  	[tilespmem:v2+s29+$0x0] =	vst.idx.msk $0xffff, v6  }
0x45d: {  	[tilespmem:v1+s29+$0x0] =	vst.idx.msk $0xffff, v3  }
0x45e: {  	v1 =	vadd.f32 v8, v20;
	v8 =	vld [tilespmem:$0x1F9A0]  }
0x45f: {  	v14 =	vld.idx.msk [tilespmem:v14+s22+$0x0], $0xffff;
	_ =	sdelay $0x4  }
0x460: {  	v0 =	vadd.f32 v14, v43;
	_ =	sdelay $0x1  }
0x461: {  	[tilespmem:v8+s29+$0x0] =	vst.idx.msk $0xffff, v0  }
0x462: {  	v12 =	vadd.s32 v23, v56;
	v8 =	vld [tilespmem:$0x1F9B0]  }
0x463: {  	v12 =	vadd.s32 v40, v12  }
0x464: {  	v15 =	vld.idx.msk [tilespmem:v15+s22+$0x0], $0xffff  }
0x465: {  	v5 =	vld.idx.msk [tilespmem:v10+s22+$0x0], $0xffff;
	_ =	sdelay $0x1  }
0x466: {  	v4 =	vor.u32 v36, v55;
	v2 =	vld.idx.msk [tilespmem:v50+s22+$0x0], $0xffff  }
0x467: {  	v7 =	vadd.s32 v23, v53;
	v3 =	vld.idx.msk [tilespmem:v12+s22+$0x0], $0xffff  }
0x468: {  	v7 =	vadd.s32 v40, v7;
	v6 =	vadd.f32 v15, v22  }
0x469: {  	[tilespmem:v8+s29+$0x0] =	vst.idx.msk $0xffff, v1;
	v1 =	vadd.f32 v5, v45  }
0x46a: {  	[tilespmem:v60+s29+$0x0] =	vst.idx.msk $0xffff, v6  }
0x46b: {  	[tilespmem:v4+s29+$0x0] =	vst.idx.msk $0xffff, v1  }
0x46c: {  	v1 =	vadd.f32 v2, v51;
	v2 =	vadd.f32 v3, v49;
	v3 =	vld [tilespmem:$0x1FA40]  }
0x46d: {  	v7 =	vld.idx.msk [tilespmem:v7+s22+$0x0], $0xffff;
	_ =	sdelay $0x4  }
0x46e: {  	v5 =	vadd.f32 v7, v44;
	_ =	sdelay $0x1  }
0x46f: {  	[tilespmem:v3+s29+$0x0] =	vst.idx.msk $0xffff, v5  }
0x470: {  	v3 =	vld [tilespmem:$0x1FA70];
	_ =	sdelay $0x1  }
0x471: {  	v0 =	vor.u32 v36, v48;
	_ =	sdelay $0x2  }
0x472: {  	s8 =	sshll.u32 s8, $0x12  }
0x473: {  	s8 =	sor.u32 s5, s8  }
0x474: {  	p0 =	sgt.u32 s23, $0xC4;
	s8 =	sshrl.u32 s8, $0x3;
	[tilespmem:v0+s29+$0x0] =	vst.idx.msk $0xffff, v2  }
0x475: {  	s7 =	sadd.s32 @!p0 $0x6, s7;
	s8 =	sadd.s32 s1, s8;
	[tilespmem:v3+s29+$0x0] =	vst.idx.msk $0xffff, v1  }
0x476: {  	[hbm4b:s8+s11] =	stream.strided.scatter [tilespmem:s29], [sflag:$0x5], $0x2000, s12, s11, $0x38;
	[tilespmem:$0x1AA00] =	vst v63  }
0x477: {  	s8 =	sshll.u32 @!p0 s7, $0x7  }
0x478: {  	s8 =	sand.u32 @!p0 $0x3FFFFF80, s8  }
0x479: {  	v0 =	vld @!p0 [tilespmem:s8+$0x0];
	_ =	sdelay $0x4  }
0x47a: {  	v1 =	vshrl.u32 @!p0 v0, $0x1;
	v0 =	vshll.u32 @!p0 v0, $0x6  }
0x47b: {  	[tilespmem:$0x6500] =	vst @!p0 v1;
	v0 =	vand.u32 @!p0 $0x40, v0  }
0x47c: {  	[tilespmem:$0x6700] =	vst @!p0 v0  }
0x47d: {  	v0 =	vld @!p0 [tilespmem:s8+$0x10];
	_ =	sdelay $0x4  }
0x47e: {  	v1 =	vshrl.u32 @!p0 v0, $0x1;
	v0 =	vshll.u32 @!p0 v0, $0x6  }
0x47f: {  	[tilespmem:$0x6510] =	vst @!p0 v1;
	v0 =	vand.u32 @!p0 $0x40, v0  }
0x480: {  	[tilespmem:$0x6710] =	vst @!p0 v0  }
0x481: {  	v0 =	vld @!p0 [tilespmem:s8+$0x20];
	_ =	sdelay $0x4  }
0x482: {  	v1 =	vshrl.u32 @!p0 v0, $0x1;
	v0 =	vshll.u32 @!p0 v0, $0x6  }
0x483: {  	[tilespmem:$0x6520] =	vst @!p0 v1;
	v0 =	vand.u32 @!p0 $0x40, v0  }
0x484: {  	[tilespmem:$0x6720] =	vst @!p0 v0  }
0x485: {  	v0 =	vld @!p0 [tilespmem:s8+$0x30];
	_ =	sdelay $0x4  }
0x486: {  	v1 =	vshrl.u32 @!p0 v0, $0x1;
	v0 =	vshll.u32 @!p0 v0, $0x6  }
0x487: {  	[tilespmem:$0x6530] =	vst @!p0 v1;
	v0 =	vand.u32 @!p0 $0x40, v0  }
0x488: {  	[tilespmem:$0x6730] =	vst @!p0 v0  }
0x489: {  	v0 =	vld @!p0 [tilespmem:s8+$0x40];
	_ =	sdelay $0x4  }
0x48a: {  	v1 =	vshrl.u32 @!p0 v0, $0x1;
	v0 =	vshll.u32 @!p0 v0, $0x6  }
0x48b: {  	[tilespmem:$0x6540] =	vst @!p0 v1;
	v0 =	vand.u32 @!p0 $0x40, v0  }
0x48c: {  	[tilespmem:$0x6740] =	vst @!p0 v0  }
0x48d: {  	v0 =	vld @!p0 [tilespmem:s8+$0x50];
	_ =	sdelay $0x4  }
0x48e: {  	v1 =	vshrl.u32 @!p0 v0, $0x1;
	v0 =	vshll.u32 @!p0 v0, $0x6  }
0x48f: {  	[tilespmem:$0x6550] =	vst @!p0 v1;
	v0 =	vand.u32 @!p0 $0x40, v0  }
0x490: {  	[tilespmem:$0x6750] =	vst @!p0 v0  }
0x491: {  	v0 =	vld @!p0 [tilespmem:s8+$0x60];
	_ =	sdelay $0x4  }
0x492: {  	v1 =	vshrl.u32 @!p0 v0, $0x1;
	v0 =	vshll.u32 @!p0 v0, $0x6  }
0x493: {  	[tilespmem:$0x6560] =	vst @!p0 v1;
	v0 =	vand.u32 @!p0 $0x40, v0  }
0x494: {  	[tilespmem:$0x6760] =	vst @!p0 v0  }
0x495: {  	v0 =	vld @!p0 [tilespmem:s8+$0x70];
	_ =	sdelay $0x4  }
0x496: {  	v1 =	vshrl.u32 @!p0 v0, $0x1;
	v0 =	vshll.u32 @!p0 v0, $0x6  }
0x497: {  	s9 =	simm.s32 @!p0 $0x6500;
	[tilespmem:$0x6570] =	vst @!p0 v1;
	v0 =	vand.u32 @!p0 $0x40, v0  }
0x498: {  	s10 =	simm.s32 @!p0 $0xE800;
	s7 =	sshll.u32 @!p0 s7, $0x4;
	s8 =	simm.s32 @!p0 $0x80;
	[tilespmem:$0x6770] =	vst @!p0 v0  }
0x499: {  	[tilespmem:s10], [sflag:$0x3] =	stream.indirect.gather @!p0 [hbm4b:s4+s8], $0x80, s9, s8, $0xb8;
	[tilespmem:$0x1AA00] =	vst v63  }
0x49a: {  	s7 =	sadd.s32 @!p0 s6, s7;
	s8 =	simm.s32 @!p0 $0x0;
	s9 =	simm.s32 @!p0 $0x1A900  }
0x49b: {  	[tilespmem:s9], [sflag:$0x3] =	stream.linear.gather @!p0 [hbm4b:s7+s8], $0x80, $0x38;
	[tilespmem:$0x1AA00] =	vst v63  }
0x49c: {  	_ =	swait.ge [sflag:s15], $0x4000  }
0x49d: {  	[sflag:s15] =	ssyncset.done $0x0  }
0x49e: {  	[sflag:s15] =	ssyncadd.s32 $0xFFFFC000  }
0x49f: {  	_ =	swait.ge [sflag:s15], $0x80  }
0x4a0: {  	[sflag:s15] =	ssyncset.done $0x0  }
0x4a1: {  	[sflag:s15] =	ssyncadd.s32 $0xFFFFFF80  }
0x4a2: {  	_ =	swait.ge [sflag:s18], $0x2000  }
0x4a3: {  	[sflag:s18] =	ssyncset.done $0x0  }
0x4a4: {  	[sflag:s18] =	ssyncadd.s32 $0xFFFFE000  }
0x4a5: {  	v53 =	vld [tilespmem:$0x6780]  }
0x4a6: {  	s13 =	simm.s32 $0x2;
	v49 =	vld [tilespmem:$0x1FFF0]  }
0x4a7: {  	v2 =	vadd.s32 s13, v39;
	s10 =	simm.s32 $0x1  }
0x4a8: {  	v2 =	vand.u32 $0x3F, v2;
	v1 =	vadd.s32 s10, v39;
	s9 =	simm.s32 $0x0  }
0x4a9: {  	s20 =	simm.s32 $0x3;
	v7 =	vor.u32 $0x180, v2;
	v1 =	vand.u32 $0x3F, v1;
	v0 =	vadd.s32 s9, v39  }
0x4aa: {  	v3 =	vadd.s32 s20, v39;
	v4 =	vand.u32 $0x3F, v0;
	v55 =	vld [tilespmem:$0x6790];
	v0 =	vadd.s32 v53, v1  }
0x4ab: {  	v27 =	vshll.u32 v1, $0x7;
	v61 =	vld [tilespmem:$0x67A0];
	v5 =	vadd.s32 v53, v2;
	v0 =	vadd.s32 v49, v0  }
0x4ac: {  	v3 =	vand.u32 $0x3F, v3;
	v9 =	vor.u32 v36, v27;
	v44 =	vld [tilespmem:$0x67B0];
	v5 =	vadd.s32 v49, v5  }
0x4ad: {  	v50 =	vshll.u32 v2, $0x7;
	v48 =	vshll.u32 v3, $0x7;
	[tilespmem:$0x1F820] =	vst v9;
	v9 =	vor.u32 $0x180, v1;
	v57 =	vld [tilespmem:$0x67C0]  }
0x4ae: {  	v29 =	vor.u32 v39, v50;
	v20 =	vor.u32 v36, v48;
	v54 =	vld [tilespmem:$0x67D0];
	v12 =	vadd.s32 v53, v4  }
0x4af: {  	v63 =	vmovc v25;
	v17 =	vor.u32 v18, v48;
	v25 =	vor.u32 v39, v27;
	v21 =	vld [tilespmem:$0x67E0];
	v12 =	vadd.s32 v49, v12  }
0x4b0: {  	v60 =	vmovc v18;
	v16 =	vor.u32 $0x180, v4;
	v43 =	vshll.u32 v4, $0x7;
	v6 =	vadd.s32 v55, v1;
	v0 =	vld.idx.msk [tilespmem:v0+s25+$0x0], $0xffff;
	[tilespmem:$0x1F830] =	vst v17  }
0x4b1: {  	v8 =	vadd.s32 v61, v1;
	v10 =	vadd.s32 v55, v2;
	v11 =	vadd.s32 v44, v1;
	v5 =	vld.idx.msk [tilespmem:v5+s25+$0x0], $0xffff  }
0x4b2: {  	v13 =	vadd.s32 v61, v2;
	v14 =	vadd.s32 v44, v2;
	v15 =	vadd.s32 v53, v3;
	v59 =	vld.idx.msk [tilespmem:v9+s17+$0x0], $0xffff  }
0x4b3: {  	v18 =	vadd.s32 v55, v4;
	v41 =	vadd.s32 v44, v4;
	v15 =	vadd.s32 v49, v15;
	v23 =	vld.idx.msk [tilespmem:v7+s17+$0x0], $0xffff  }
0x4b4: {  	v19 =	vadd.s32 v55, v3;
	v26 =	vadd.s32 v57, v1;
	v17 =	vor.u32 $0x180, v3;
	v12 =	vld.idx.msk [tilespmem:v12+s25+$0x0], $0xffff  }
0x4b5: {  	v30 =	vadd.s32 v61, v3;
	v52 =	vadd.s32 v54, v4;
	v45 =	vadd.s32 v54, v1;
	v24 =	vld.idx.msk [tilespmem:v16+s17+$0x0], $0xffff  }
0x4b6: {  	v46 =	vadd.s32 v44, v3;
	v56 =	vadd.s32 v54, v3;
	v6 =	vadd.s32 v33, v6  }
0x4b7: {  	v51 =	vld [tilespmem:$0x67F0];
	v10 =	vadd.s32 v33, v10;
	v56 =	vadd.s32 v63, v56;
	v0 =	vadd.f32 v0, v59  }
0x4b8: {  	v9 =	vmov v33;
	v15 =	vld.idx.msk [tilespmem:v15+s25+$0x0], $0xffff;
	v33 =	vor.u32 v39, v43;
	v5 =	vadd.f32 v5, v23  }
0x4b9: {  	v11 =	vadd.s32 v58, v11;
	v22 =	vld.idx.msk [tilespmem:v17+s17+$0x0], $0xffff;
	v17 =	vadd.s32 v9, v18;
	[tilespmem:v25+s31+$0x0] =	vst.idx.msk $0xffff, v0  }
0x4ba: {  	[tilespmem:v29+s31+$0x0] =	vst.idx.msk $0xffff, v5;
	v5 =	vadd.f32 v12, v24;
	v12 =	vadd.s32 v21, v3  }
0x4bb: {  	v7 =	vadd.s32 v61, v4;
	v0 =	vor.u32 v39, v48;
	v6 =	vld.idx.msk [tilespmem:v6+s25+$0x0], $0xffff;
	[tilespmem:$0x1F840] =	vst v12  }
0x4bc: {  	v18 =	vadd.s32 v57, v3;
	v3 =	vadd.s32 v51, v3;
	v12 =	vadd.s32 v9, v19;
	v10 =	vld.idx.msk [tilespmem:v10+s25+$0x0], $0xffff  }
0x4bd: {  	v19 =	vor.u32 v34, v27;
	v3 =	vadd.s32 v40, v3;
	[tilespmem:v33+s31+$0x0] =	vst.idx.msk $0xffff, v5  }
0x4be: {  	v5 =	vadd.s32 v31, v8;
	v8 =	vor.u32 v34, v50;
	v15 =	vadd.f32 v15, v22  }
0x4bf: {  	v16 =	vadd.s32 v57, v2;
	v17 =	vld.idx.msk [tilespmem:v17+s25+$0x0], $0xffff;
	[tilespmem:$0x1F850] =	vst v3;
	v3 =	vadd.s32 v31, v13  }
0x4c0: {  	v7 =	vadd.s32 v31, v7;
	[tilespmem:v0+s31+$0x0] =	vst.idx.msk $0xffff, v15;
	v0 =	vadd.f32 v6, v59  }
0x4c1: {  	v18 =	vadd.s32 v32, v18;
	v13 =	vor.u32 v34, v43;
	v12 =	vld.idx.msk [tilespmem:v12+s25+$0x0], $0xffff;
	v10 =	vadd.f32 v10, v23  }
0x4c2: {  	v25 =	vadd.s32 v54, v2;
	v29 =	vadd.s32 v21, v2;
	[tilespmem:v19+s31+$0x0] =	vst.idx.msk $0xffff, v0  }
0x4c3: {  	v2 =	vadd.s32 v51, v2;
	v5 =	vld.idx.msk [tilespmem:v5+s25+$0x0], $0xffff;
	[tilespmem:v8+s31+$0x0] =	vst.idx.msk $0xffff, v10;
	v8 =	vor.u32 v34, v48  }
0x4c4: {  	v15 =	vadd.s32 v21, v1;
	v1 =	vadd.s32 v51, v1;
	v17 =	vadd.f32 v17, v24;
	v3 =	vld.idx.msk [tilespmem:v3+s25+$0x0], $0xffff  }
0x4c5: {  	v0 =	vadd.s32 v42, v29;
	v19 =	vor.u32 v62, v27;
	v29 =	vor.u32 v62, v50  }
0x4c6: {  	v10 =	vadd.s32 v31, v30;
	[tilespmem:v13+s31+$0x0] =	vst.idx.msk $0xffff, v17;
	v12 =	vadd.f32 v12, v22  }
0x4c7: {  	v2 =	vadd.s32 v40, v2;
	v6 =	vadd.s32 v21, v4;
	v1 =	vadd.s32 v40, v1;
	v7 =	vld.idx.msk [tilespmem:v7+s25+$0x0], $0xffff  }
0x4c8: {  	v13 =	vadd.s32 v58, v14;
	v5 =	vadd.f32 v5, v59;
	[tilespmem:v8+s31+$0x0] =	vst.idx.msk $0xffff, v12  }
0x4c9: {  	v6 =	vadd.s32 v42, v6;
	v14 =	vor.u32 v62, v43;
	v3 =	vadd.f32 v3, v23;
	[tilespmem:$0x1F860] =	vst v2  }
0x4ca: {  	v30 =	vor.u32 v28, v50;
	v28 =	vor.u32 v38, v48;
	[tilespmem:v19+s31+$0x0] =	vst.idx.msk $0xffff, v5  }
0x4cb: {  	v17 =	vadd.s32 v51, v4;
	v8 =	vadd.s32 v58, v41;
	v2 =	vld.idx.msk [tilespmem:v10+s25+$0x0], $0xffff;
	[tilespmem:v29+s31+$0x0] =	vst.idx.msk $0xffff, v3  }
0x4cc: {  	v4 =	vadd.s32 v57, v4;
	v5 =	vadd.f32 v7, v24;
	v7 =	vld.idx.msk [tilespmem:v11+s25+$0x0], $0xffff;
	[tilespmem:$0x1F870] =	vst v1  }
0x4cd: {  	v4 =	vadd.s32 v32, v4;
	v41 =	vor.u32 v36, v43;
	v12 =	vor.u32 v38, v50;
	v3 =	vld.idx.msk [tilespmem:v13+s25+$0x0], $0xffff  }
0x4ce: {  	v10 =	vor.u32 v62, v48;
	[tilespmem:v14+s31+$0x0] =	vst.idx.msk $0xffff, v5;
	v5 =	vor.u32 v37, v27  }
0x4cf: {  	v19 =	vor.u32 v60, v43;
	v11 =	vor.u32 v38, v27;
	v13 =	vor.u32 v37, v43;
	[tilespmem:$0x1F880] =	vst v5  }
0x4d0: {  	v14 =	vadd.s32 v42, v15;
	v8 =	vld.idx.msk [tilespmem:v8+s25+$0x0], $0xffff;
	[tilespmem:$0x1F890] =	vst v13;
	v13 =	vadd.s32 v32, v16  }
0x4d1: {  	v1 =	vadd.s32 v58, v46;
	v15 =	vadd.s32 v63, v25;
	v25 =	vor.u32 v60, v27;
	[tilespmem:$0x1F8A0] =	vst v14  }
0x4d2: {  	v5 =	vadd.s32 v32, v26;
	v2 =	vadd.f32 v2, v22;
	[tilespmem:$0x1F8B0] =	vst v6;
	v3 =	vadd.f32 v3, v23  }
0x4d3: {  	s9 =	simm.s32 $0x5;
	v6 =	vor.u32 v38, v43;
	v14 =	vmovc v63;
	v7 =	vadd.f32 v7, v59;
	v63 =	vadd.s32 v63, v45  }
0x4d4: {  	s13 =	simm.s32 $0x7;
	s10 =	simm.s32 $0x6;
	v16 =	vadd.s32 v14, v52;
	v35 =	vmov v14;
	v14 =	vadd.s32 s9, v39;
	[tilespmem:v12+s31+$0x0] =	vst.idx.msk $0xffff, v3  }
0x4d5: {  	v47 =	vmovc v48;
	v48 =	vand.u32 $0x3F, v14;
	[tilespmem:v11+s31+$0x0] =	vst.idx.msk $0xffff, v7;
	v7 =	vadd.s32 s13, v39;
	v12 =	vadd.s32 s10, v39;
	v13 =	vld.idx.msk [tilespmem:v13+s25+$0x0], $0xffff  }
0x4d6: {  	s20 =	simm.s32 $0x4;
	v8 =	vadd.f32 v8, v24;
	v46 =	vand.u32 $0x3F, v12;
	v12 =	vadd.s32 v53, v48  }
0x4d7: {  	[tilespmem:v10+s31+$0x0] =	vst.idx.msk $0xffff, v2;
	v14 =	vadd.s32 s20, v39;
	v3 =	vor.u32 v60, v50;
	v26 =	vadd.s32 v49, v12  }
0x4d8: {  	v5 =	vld.idx.msk [tilespmem:v5+s25+$0x0], $0xffff;
	v29 =	vand.u32 $0x3F, v7;
	v58 =	vshll.u32 v48, $0x7;
	v2 =	vadd.s32 v55, v48;
	[tilespmem:v6+s31+$0x0] =	vst.idx.msk $0xffff, v8  }
0x4d9: {  	v42 =	vmovc v60;
	v60 =	vshll.u32 v29, $0x7;
	v11 =	vadd.s32 v53, v46;
	v6 =	vor.u32 v36, v58;
	v4 =	vld.idx.msk [tilespmem:v4+s25+$0x0], $0xffff  }
0x4da: {  	v37 =	vor.u32 v36, v60;
	v8 =	vadd.s32 v49, v11;
	[tilespmem:$0x1F8C0] =	vst v6;
	v7 =	vadd.f32 v13, v23  }
0x4db: {  	v52 =	vmovc v50;
	v62 =	vor.u32 v42, v60;
	v10 =	vor.u32 $0x180, v46;
	v12 =	vadd.s32 v61, v48;
	v1 =	vld.idx.msk [tilespmem:v1+s25+$0x0], $0xffff  }
0x4dc: {  	v50 =	vand.u32 $0x3F, v14;
	v14 =	vadd.s32 v61, v46;
	v13 =	vor.u32 $0x180, v48;
	v31 =	vld.idx.msk [tilespmem:v26+s25+$0x0], $0xffff;
	[tilespmem:v3+s31+$0x0] =	vst.idx.msk $0xffff, v7  }
0x4dd: {  	v11 =	vadd.s32 v55, v46;
	v5 =	vadd.f32 v5, v59;
	v15 =	vld.idx.msk [tilespmem:v15+s25+$0x0], $0xffff;
	[tilespmem:$0x1F8D0] =	vst v53  }
0x4de: {  	v6 =	vadd.s32 v44, v48;
	v26 =	vadd.s32 v53, v29;
	v4 =	vadd.f32 v4, v24;
	[tilespmem:$0x1F8E0] =	vst v37  }
0x4df: {  	v3 =	vadd.s32 v53, v50;
	v53 =	vadd.s32 v49, v26;
	v38 =	vld.idx.msk [tilespmem:v8+s25+$0x0], $0xffff;
	[tilespmem:v25+s31+$0x0] =	vst.idx.msk $0xffff, v5  }
0x4e0: {  	v1 =	vadd.f32 v1, v22;
	v45 =	vld.idx.msk [tilespmem:v10+s17+$0x0], $0xffff;
	[tilespmem:v19+s31+$0x0] =	vst.idx.msk $0xffff, v4;
	v4 =	vadd.s32 v40, v17  }
0x4e1: {  	v7 =	vadd.s32 v44, v46;
	v3 =	vadd.s32 v49, v3;
	v42 =	vld.idx.msk [tilespmem:v13+s17+$0x0], $0xffff;
	[tilespmem:$0x1F8F0] =	vst v4  }
0x4e2: {  	v26 =	vadd.s32 v55, v29;
	v5 =	vor.u32 $0x180, v29;
	[tilespmem:v28+s31+$0x0] =	vst.idx.msk $0xffff, v1;
	v1 =	vadd.f32 v15, v23  }
0x4e3: {  	v25 =	vadd.s32 v9, v2;
	v19 =	vadd.s32 v9, v11;
	v8 =	vadd.s32 v44, v29;
	v4 =	vld.idx.msk [tilespmem:v16+s25+$0x0], $0xffff  }
0x4e4: {  	v11 =	vadd.s32 v57, v29;
	[tilespmem:v30+s31+$0x0] =	vst.idx.msk $0xffff, v1;
	v1 =	vadd.s32 v54, v29  }
0x4e5: {  	v2 =	vor.u32 $0x180, v50;
	v9 =	vadd.s32 v44, v50;
	v32 =	vld.idx.msk [tilespmem:v53+s25+$0x0], $0xffff;
	v1 =	vadd.s32 v35, v1;
	[tilespmem:$0x1F910] =	vst v21  }
0x4e6: {  	v16 =	vadd.s32 v61, v50;
	v15 =	vadd.s32 v61, v29;
	v34 =	vadd.f32 v38, v45;
	[tilespmem:$0x1F900] =	vst v1  }
0x4e7: {  	v38 =	vadd.s32 v21, v29;
	v10 =	vadd.f32 v31, v42;
	v30 =	vld.idx.msk [tilespmem:v18+s25+$0x0], $0xffff;
	[tilespmem:$0x1F920] =	vst v51  }
0x4e8: {  	v31 =	vor.u32 v39, v58;
	v13 =	vadd.f32 v4, v24;
	v53 =	vld.idx.msk [tilespmem:v5+s17+$0x0], $0xffff;
	[tilespmem:$0x1F930] =	vst v55  }
0x4e9: {  	v4 =	vadd.s32 v54, v46;
	v1 =	vadd.s32 v51, v29;
	v29 =	vadd.s32 v55, v50;
	[tilespmem:$0x1F940] =	vst v61  }
0x4ea: {  	v21 =	vadd.s32 v40, v1;
	v1 =	vadd.s32 v54, v48;
	v55 =	vshll.u32 v46, $0x7;
	v35 =	vld.idx.msk [tilespmem:v3+s25+$0x0], $0xffff;
	[tilespmem:$0x1F950] =	vst v44  }
0x4eb: {  	v5 =	vadd.s32 v57, v48;
	v33 =	vor.u32 v39, v55;
	v51 =	vld.idx.msk [tilespmem:v2+s17+$0x0], $0xffff;
	[tilespmem:$0x1F960] =	vst v57  }
0x4ec: {  	s7 =	simm.s32 $0x8;
	v49 =	vshll.u32 v50, $0x7;
	v3 =	vadd.s32 v57, v46;
	v2 =	vld.idx.msk [tilespmem:v0+s25+$0x0], $0xffff;
	v0 =	vadd.s32 v54, v50;
	[tilespmem:$0x1F970] =	vst v54  }
.LBB2_9:
0x4ed: {  	_ =	sdelay $0x2  }
0x4ee: {  	v63 =	vld.idx.msk [tilespmem:v63+s25+$0x0], $0xffff  }
0x4ef: {  	[tilespmem:v31+s31+$0x0] =	vst.idx.msk $0xffff, v10;
	v31 =	vadd.f32 v2, v23;
	v2 =	vld [tilespmem:$0x1F830];
	_ =	sdelay $0x1  }
0x4f0: {  	v44 =	vlaneseq.u32  }
0x4f1: {  	v36 =	vor.u32 v39, v49;
	v39 =	vor.u32 v44, v60;
	v44 =	vld [tilespmem:$0x1FF80];
	_ =	sdelay $0x2  }
0x4f2: {  	v30 =	vadd.f32 v30, v22;
	v57 =	vld [tilespmem:$0x1FFC0];
	_ =	sdelay $0x1  }
0x4f3: {  	v54 =	vld [tilespmem:$0x1FFA0];
	[tilespmem:v2+s31+$0x0] =	vst.idx.msk $0xffff, v30;
	v30 =	vor.u32 v44, v27  }
0x4f4: {  	[tilespmem:$0x1F800] =	vst v21;
	v21 =	vld [tilespmem:$0x1F910];
	v61 =	vadd.f32 v35, v51  }
0x4f5: {  	v28 =	vld [tilespmem:$0x1FF90]  }
0x4f6: {  	v40 =	vld [tilespmem:$0x1FF50];
	[tilespmem:v36+s31+$0x0] =	vst.idx.msk $0xffff, v61;
	v61 =	vadd.s32 v57, v15;
	v15 =	vadd.f32 v63, v59  }
0x4f7: {  	v10 =	vld.idx.msk [tilespmem:v25+s25+$0x0], $0xffff  }
0x4f8: {  	v29 =	vadd.s32 v54, v29;
	v25 =	vor.u32 v44, v43;
	[tilespmem:v30+s31+$0x0] =	vst.idx.msk $0xffff, v15;
	v30 =	vld [tilespmem:$0x1F8A0]  }
0x4f9: {  	v12 =	vadd.s32 v57, v12;
	v14 =	vadd.s32 v57, v14;
	v16 =	vadd.s32 v57, v16;
	v57 =	vld [tilespmem:$0x1F920]  }
0x4fa: {  	[tilespmem:v33+s31+$0x0] =	vst.idx.msk $0xffff, v34;
	v26 =	vadd.s32 v54, v26;
	v36 =	vadd.s32 v21, v46;
	v33 =	vld.idx.msk [tilespmem:v56+s25+$0x0], $0xffff  }
0x4fb: {  	v27 =	vadd.s32 v40, v36;
	v56 =	vld [tilespmem:$0x1FF20]  }
0x4fc: {  	v32 =	vadd.f32 v32, v53;
	v37 =	vor.u32 v28, v58;
	[tilespmem:$0x1F810] =	vst v27;
	v27 =	vld [tilespmem:$0x1F840]  }
0x4fd: {  	v29 =	vld.idx.msk [tilespmem:v29+s25+$0x0], $0xffff;
	[tilespmem:v25+s31+$0x0] =	vst.idx.msk $0xffff, v13  }
0x4fe: {  	v13 =	vld [tilespmem:$0x1F8B0];
	[tilespmem:v39+s31+$0x0] =	vst.idx.msk $0xffff, v32  }
0x4ff: {  	v35 =	vor.u32 v44, v47;
	v10 =	vadd.f32 v10, v42;
	v26 =	vld.idx.msk [tilespmem:v26+s25+$0x0], $0xffff  }
0x500: {  	v39 =	vor.u32 v28, v60;
	v34 =	vor.u32 v56, v52;
	v30 =	vld.idx.msk [tilespmem:v30+s25+$0x0], $0xffff  }
0x501: {  	v36 =	vadd.s32 v40, v27;
	[tilespmem:v37+s31+$0x0] =	vst.idx.msk $0xffff, v10;
	v10 =	vor.u32 v44, v55;
	v44 =	vld [tilespmem:$0x1FF40]  }
0x502: {  	v15 =	vadd.f32 v33, v22  }
0x503: {  	v19 =	vld.idx.msk [tilespmem:v19+s25+$0x0], $0xffff  }
0x504: {  	v18 =	vadd.s32 v21, v48;
	v2 =	vmov v41;
	v26 =	vadd.f32 v26, v53;
	[tilespmem:v35+s31+$0x0] =	vst.idx.msk $0xffff, v15  }
0x505: {  	v41 =	vmov v60;
	v60 =	vadd.s32 v57, v46;
	v15 =	vadd.f32 v29, v51;
	[tilespmem:v34+s31+$0x0] =	vst.idx.msk $0xffff, v31;
	v31 =	vld [tilespmem:$0x1F860]  }
0x506: {  	v29 =	vadd.s32 v57, v48;
	v48 =	vld.idx.msk [tilespmem:v36+s25+$0x0], $0xffff;
	[tilespmem:v39+s31+$0x0] =	vst.idx.msk $0xffff, v26;
	v26 =	vadd.s32 v44, v60  }
0x507: {  	v43 =	vor.u32 v28, v49;
	[tilespmem:$0x1F860] =	vst v26;
	v26 =	vld.idx.msk [tilespmem:v61+s25+$0x0], $0xffff  }
0x508: {  	v61 =	vld [tilespmem:$0x1F890]  }
0x509: {  	[tilespmem:$0x1F7F0] =	vst v38;
	v38 =	vor.u32 v28, v55;
	v28 =	vld.idx.msk [tilespmem:v13+s25+$0x0], $0xffff  }
0x50a: {  	v63 =	vld [tilespmem:$0x1FFB0]  }
0x50b: {  	v46 =	vld [tilespmem:$0x1F880]  }
0x50c: {  	v19 =	vadd.f32 v19, v45;
	[tilespmem:v43+s31+$0x0] =	vst.idx.msk $0xffff, v15;
	v43 =	vld [tilespmem:$0x1F8F0]  }
0x50d: {  	v16 =	vld.idx.msk [tilespmem:v16+s25+$0x0], $0xffff  }
0x50e: {  	v31 =	vld.idx.msk [tilespmem:v31+s25+$0x0], $0xffff;
	[tilespmem:v38+s31+$0x0] =	vst.idx.msk $0xffff, v19;
	v19 =	vadd.f32 v28, v24  }
0x50f: {  	v14 =	vld.idx.msk [tilespmem:v14+s25+$0x0], $0xffff  }
0x510: {  	[tilespmem:v61+s31+$0x0] =	vst.idx.msk $0xffff, v19;
	v61 =	vld [tilespmem:$0x1F960];
	_ =	sdelay $0x1  }
0x511: {  	v25 =	vor.u32 v63, v55  }
0x512: {  	v17 =	vadd.s32 v21, v50;
	v32 =	vor.u32 v56, v47;
	v47 =	vor.u32 v63, v58  }
0x513: {  	v27 =	vmovc v58;
	v58 =	vld [tilespmem:$0x1FFE0];
	v13 =	vadd.s32 v57, v50;
	v23 =	vadd.f32 v31, v23;
	v19 =	vadd.f32 v30, v59  }
0x514: {  	v31 =	vor.u32 v63, v49;
	v14 =	vadd.f32 v14, v45;
	v30 =	vadd.s32 v61, v50;
	v50 =	vmovc v62;
	v62 =	vld [tilespmem:$0x1F870]  }
0x515: {  	v12 =	vld.idx.msk [tilespmem:v12+s25+$0x0], $0xffff  }
0x516: {  	v29 =	vadd.s32 v44, v29;
	[tilespmem:v25+s31+$0x0] =	vst.idx.msk $0xffff, v14  }
0x517: {  	v16 =	vadd.f32 v16, v51;
	v34 =	vld.idx.msk [tilespmem:v43+s25+$0x0], $0xffff;
	[tilespmem:v46+s31+$0x0] =	vst.idx.msk $0xffff, v19;
	v19 =	vmov v29  }
0x518: {  	v7 =	vadd.s32 v58, v7;
	[tilespmem:$0x1F870] =	vst v19;
	v19 =	vld [tilespmem:$0x1F850]  }
0x519: {  	v9 =	vadd.s32 v58, v9;
	v37 =	vld [tilespmem:$0x1FF10];
	[tilespmem:v31+s31+$0x0] =	vst.idx.msk $0xffff, v16;
	v16 =	vor.u32 v56, v49  }
0x51a: {  	v12 =	vadd.f32 v12, v42;
	[tilespmem:$0x1F890] =	vst v16;
	v16 =	vadd.s32 v40, v18  }
0x51b: {  	v36 =	vld [tilespmem:$0x1FF60];
	v48 =	vadd.f32 v48, v22;
	[tilespmem:$0x1F8A0] =	vst v16  }
0x51c: {  	v16 =	vadd.s32 v40, v17;
	v35 =	vld.idx.msk [tilespmem:v62+s25+$0x0], $0xffff;
	[tilespmem:v47+s31+$0x0] =	vst.idx.msk $0xffff, v12;
	v12 =	vor.u32 v63, v41  }
0x51d: {  	v7 =	vld.idx.msk [tilespmem:v7+s25+$0x0], $0xffff;
	[tilespmem:$0x1F8B0] =	vst v16;
	v16 =	vadd.f32 v34, v24  }
0x51e: {  	v28 =	vor.u32 v37, v52;
	[tilespmem:v32+s31+$0x0] =	vst.idx.msk $0xffff, v48;
	v9 =	vld.idx.msk [tilespmem:v9+s25+$0x0], $0xffff  }
0x51f: {  	v14 =	vadd.f32 v26, v53;
	[tilespmem:v2+s31+$0x0] =	vst.idx.msk $0xffff, v16;
	v2 =	vld [tilespmem:$0x1F900]  }
0x520: {  	v19 =	vld.idx.msk [tilespmem:v19+s25+$0x0], $0xffff  }
0x521: {  	v43 =	vor.u32 v56, v27;
	[tilespmem:v12+s31+$0x0] =	vst.idx.msk $0xffff, v14;
	v12 =	vld [tilespmem:$0x1F820]  }
0x522: {  	v6 =	vadd.s32 v58, v6;
	v38 =	vld [tilespmem:$0x1FF70]  }
0x523: {  	[tilespmem:v28+s31+$0x0] =	vst.idx.msk $0xffff, v23;
	v18 =	vor.u32 v36, v55  }
0x524: {  	v28 =	vld [tilespmem:$0x1FFD0];
	[tilespmem:$0x1F880] =	vst v43;
	v43 =	vmov v49  }
0x525: {  	v8 =	vadd.s32 v58, v8;
	v23 =	vmov v45;
	v45 =	vld [tilespmem:$0x1FFF0];
	v14 =	vor.u32 v36, v43  }
0x526: {  	v7 =	vadd.f32 v7, v23;
	v56 =	vmov v2;
	v2 =	vld [tilespmem:$0x1F8D0]  }
0x527: {  	s8 =	smov.u32 s7;
	v3 =	vadd.s32 v38, v3;
	v6 =	vld.idx.msk [tilespmem:v6+s25+$0x0], $0xffff;
	v17 =	vadd.f32 v35, v59  }
0x528: {  	s10 =	sadd.s32 $0x2, s8;
	v39 =	vlaneseq.u32;
	v40 =	vld [tilespmem:$0x1FF30];
	v9 =	vadd.f32 v9, v51;
	[tilespmem:v18+s31+$0x0] =	vst.idx.msk $0xffff, v7  }
0x529: {  	v29 =	vor.u32 v36, v27;
	v24 =	vadd.s32 s10, v39;
	[tilespmem:v12+s31+$0x0] =	vst.idx.msk $0xffff, v17;
	v12 =	vadd.f32 v19, v22;
	v17 =	vld [tilespmem:$0x1F8C0]  }
0x52a: {  	v46 =	vand.u32 $0x3F, v24;
	v8 =	vld.idx.msk [tilespmem:v8+s25+$0x0], $0xffff;
	[tilespmem:v14+s31+$0x0] =	vst.idx.msk $0xffff, v9  }
0x52b: {  	v5 =	vadd.s32 v38, v5;
	v14 =	vadd.s32 v2, v46;
	[tilespmem:v20+s31+$0x0] =	vst.idx.msk $0xffff, v12;
	v12 =	vld [tilespmem:$0x1F8E0]  }
0x52c: {  	v15 =	vor.u32 v36, v41;
	v3 =	vld.idx.msk [tilespmem:v3+s25+$0x0], $0xffff;
	v6 =	vadd.f32 v6, v42;
	v18 =	vadd.s32 v45, v14  }
0x52d: {  	v52 =	vor.u32 v37, v49;
	v11 =	vadd.s32 v38, v11;
	v25 =	vor.u32 v28, v27  }
0x52e: {  	s9 =	sadd.s32 $0x1, s8;
	v16 =	vor.u32 v28, v55;
	v7 =	vld [tilespmem:$0x1F7F0];
	v63 =	vadd.s32 v40, v1;
	[tilespmem:v29+s31+$0x0] =	vst.idx.msk $0xffff, v6;
	v1 =	vmov v17  }
0x52f: {  	v26 =	vor.u32 $0x180, v46;
	v19 =	vadd.s32 s9, v39;
	[tilespmem:$0x1F820] =	vst v1;
	v1 =	vadd.s32 v38, v30  }
0x530: {  	v4 =	vadd.s32 v40, v4;
	v48 =	vand.u32 $0x3F, v19;
	v5 =	vld.idx.msk [tilespmem:v5+s25+$0x0], $0xffff;
	v20 =	vmovc v12;
	v12 =	vadd.s32 s8, v39  }
0x531: {  	v0 =	vadd.s32 v40, v0;
	v3 =	vadd.f32 v3, v23;
	v9 =	vadd.s32 v2, v48;
	v18 =	vld.idx.msk [tilespmem:v18+s25+$0x0], $0xffff;
	s8 =	sadd.s32 $0x3, s8  }
0x532: {  	[tilespmem:$0x1F830] =	vst v50;
	v47 =	vmovc v41;
	v41 =	vmovc v52;
	v9 =	vadd.s32 v45, v9;
	v38 =	vld [tilespmem:$0x1F930];
	v6 =	vadd.s32 s8, v39;
	v50 =	vand.u32 $0x3F, v12  }
0x533: {  	v52 =	vmovc v55;
	v17 =	vor.u32 v28, v43;
	v36 =	vand.u32 $0x3F, v6;
	v29 =	vadd.s32 v2, v50;
	v12 =	vmovc v7;
	v7 =	vld [tilespmem:$0x1F800]  }
0x534: {  	v22 =	vmovc v53;
	v60 =	vshll.u32 v36, $0x7;
	v55 =	vadd.s32 v2, v36;
	v34 =	vadd.s32 v45, v29;
	v1 =	vld.idx.msk [tilespmem:v1+s25+$0x0], $0xffff  }
0x535: {  	v2 =	vor.u32 v37, v60;
	v32 =	vadd.s32 v45, v55;
	v45 =	vld.idx.msk [tilespmem:v26+s17+$0x0], $0xffff;
	[tilespmem:v16+s31+$0x0] =	vst.idx.msk $0xffff, v3  }
0x536: {  	v59 =	vmov v42;
	v3 =	vadd.f32 v8, v22;
	[tilespmem:$0x1F8E0] =	vst v2;
	v2 =	vadd.s32 v44, v13;
	v4 =	vld.idx.msk [tilespmem:v4+s25+$0x0], $0xffff  }
0x537: {  	v24 =	vmovc v51;
	v58 =	vshll.u32 v48, $0x7;
	v31 =	vor.u32 $0x180, v48;
	v5 =	vadd.f32 v5, v59;
	[tilespmem:$0x1F8F0] =	vst v2;
	v2 =	vld [tilespmem:$0x1F970]  }
0x538: {  	v51 =	vld [tilespmem:$0x1F940];
	v19 =	vadd.s32 v38, v48;
	v30 =	vadd.s32 v38, v46;
	[tilespmem:v15+s31+$0x0] =	vst.idx.msk $0xffff, v3;
	v6 =	vmov v7  }
0x539: {  	v53 =	vld [tilespmem:$0x1F950];
	v3 =	vadd.s32 v61, v46;
	[tilespmem:$0x1F850] =	vst v6;
	v6 =	vor.u32 v37, v58;
	v1 =	vadd.f32 v1, v24  }
0x53a: {  	v37 =	vld.idx.msk [tilespmem:v9+s25+$0x0], $0xffff;
	[tilespmem:v25+s31+$0x0] =	vst.idx.msk $0xffff, v5;
	v5 =	vadd.s32 v61, v48;
	v25 =	vadd.s32 v54, v19  }
0x53b: {  	v19 =	vadd.s32 v54, v30;
	v30 =	vld.idx.msk [tilespmem:v11+s25+$0x0], $0xffff;
	v4 =	vadd.f32 v4, v23;
	[tilespmem:v17+s31+$0x0] =	vst.idx.msk $0xffff, v1  }
0x53c: {  	v11 =	vadd.s32 v61, v36;
	v1 =	vadd.s32 v2, v48;
	v61 =	vadd.s32 v2, v36;
	v13 =	vld.idx.msk [tilespmem:v0+s25+$0x0], $0xffff  }
0x53d: {  	v35 =	vor.u32 $0x180, v36;
	v0 =	vadd.s32 v2, v50;
	[tilespmem:v10+s31+$0x0] =	vst.idx.msk $0xffff, v4;
	v4 =	vadd.s32 v2, v46;
	v2 =	vld [tilespmem:$0x1F810]  }
0x53e: {  	v14 =	vadd.s32 v51, v46;
	[tilespmem:$0x1F840] =	vst v12;
	v12 =	vadd.s32 v51, v48;
	v62 =	vor.u32 v28, v60  }
0x53f: {  	v29 =	vadd.s32 v38, v50;
	v16 =	vadd.s32 v51, v50;
	v17 =	vor.u32 $0x180, v50  }
0x540: {  	p0 =	slt.u32 s7, $0x3C;
	v26 =	vadd.s32 v38, v36;
	v55 =	vshll.u32 v46, $0x7;
	v8 =	vadd.s32 v53, v36;
	v42 =	vld.idx.msk [tilespmem:v31+s17+$0x0], $0xffff  }
.Ltmp3:
0x541: {  	v38 =	vadd.s32 v21, v36;
	v33 =	vor.u32 v39, v55;
	v7 =	vadd.s32 v53, v46;
	v32 =	vld.idx.msk [tilespmem:v32+s25+$0x0], $0xffff;
	(pc) =	sbr.rel @p0 .LBB2_9-.Ltmp3, $4  }
0x542: {  	v9 =	vadd.s32 v53, v50;
	[tilespmem:$0x1F8C0] =	vst v6;
	v6 =	vadd.s32 v53, v48;
	v53 =	vld.idx.msk [tilespmem:v35+s17+$0x0], $0xffff  }
0x543: {  	v15 =	vadd.s32 v51, v36;
	v35 =	vld.idx.msk [tilespmem:v34+s25+$0x0], $0xffff;
	v34 =	vadd.f32 v18, v45;
	v18 =	vadd.s32 v40, v61  }
0x544: {  	v49 =	vshll.u32 v50, $0x7;
	v31 =	vor.u32 v39, v58;
	[tilespmem:$0x1F900] =	vst v18;
	v51 =	vld.idx.msk [tilespmem:v17+s17+$0x0], $0xffff;
	v17 =	vadd.s32 v57, v36  }
0x545: {  	s7 =	sadd.s32 $0x4, s7;
	v10 =	vadd.f32 v37, v42;
	v13 =	vadd.f32 v13, v24;
	v21 =	vadd.s32 v44, v17;
	v2 =	vld.idx.msk [tilespmem:v2+s25+$0x0], $0xffff  }
0x546: {  	_ = 	snop  }
0x547: {  	v17 =	vor.u32 v39, v49  }
0x548: {  	v37 =	vor.u32 v39, v60  }
0x549: {  	v40 =	vld [tilespmem:$0x1FFA0]  }
0x54a: {  	[tilespmem:v33+s31+$0x0] =	vst.idx.msk $0xffff, v34;
	v44 =	vadd.f32 v35, v51  }
0x54b: {  	[tilespmem:v31+s31+$0x0] =	vst.idx.msk $0xffff, v10;
	v54 =	vadd.f32 v32, v53  }
0x54c: {  	[tilespmem:v17+s31+$0x0] =	vst.idx.msk $0xffff, v44  }
0x54d: {  	[tilespmem:v37+s31+$0x0] =	vst.idx.msk $0xffff, v54  }
0x54e: {  	v18 =	vadd.s32 v40, v29;
	v35 =	vld [tilespmem:$0x1FF90]  }
0x54f: {  	v26 =	vadd.s32 v40, v26;
	_ =	sdelay $0x1  }
0x550: {  	v25 =	vld.idx.msk [tilespmem:v25+s25+$0x0], $0xffff  }
0x551: {  	v57 =	vld.idx.msk [tilespmem:v19+s25+$0x0], $0xffff  }
0x552: {  	v17 =	vld.idx.msk [tilespmem:v18+s25+$0x0], $0xffff;
	v61 =	vor.u32 v35, v58  }
0x553: {  	v34 =	vld.idx.msk [tilespmem:v26+s25+$0x0], $0xffff;
	v36 =	vor.u32 v35, v55  }
0x554: {  	v32 =	vld [tilespmem:$0x1FFC0];
	v37 =	vor.u32 v35, v49  }
0x555: {  	v25 =	vadd.f32 v25, v42;
	v44 =	vor.u32 v35, v60  }
0x556: {  	v10 =	vadd.f32 v57, v45  }
0x557: {  	v17 =	vadd.f32 v17, v51;
	[tilespmem:v61+s31+$0x0] =	vst.idx.msk $0xffff, v25  }
0x558: {  	v54 =	vadd.f32 v34, v53;
	[tilespmem:v36+s31+$0x0] =	vst.idx.msk $0xffff, v10  }
0x559: {  	v12 =	vadd.s32 v32, v12;
	[tilespmem:v37+s31+$0x0] =	vst.idx.msk $0xffff, v17  }
0x55a: {  	v14 =	vadd.s32 v32, v14;
	[tilespmem:v44+s31+$0x0] =	vst.idx.msk $0xffff, v54  }
0x55b: {  	v16 =	vadd.s32 v32, v16;
	v28 =	vld [tilespmem:$0x1FFB0]  }
0x55c: {  	v15 =	vadd.s32 v32, v15;
	v34 =	vld [tilespmem:$0x1F830];
	_ =	sdelay $0x1  }
0x55d: {  	v12 =	vld.idx.msk [tilespmem:v12+s25+$0x0], $0xffff  }
0x55e: {  	v14 =	vld.idx.msk [tilespmem:v14+s25+$0x0], $0xffff  }
0x55f: {  	v16 =	vld.idx.msk [tilespmem:v16+s25+$0x0], $0xffff;
	v61 =	vor.u32 v28, v58  }
0x560: {  	v15 =	vld.idx.msk [tilespmem:v15+s25+$0x0], $0xffff;
	v33 =	vor.u32 v28, v55  }
0x561: {  	v57 =	vadd.f32 v30, v22;
	v29 =	vld [tilespmem:$0x1FFE0];
	v36 =	vor.u32 v28, v49  }
0x562: {  	v12 =	vadd.f32 v12, v42;
	v37 =	vor.u32 v28, v60  }
0x563: {  	v14 =	vadd.f32 v14, v45;
	[tilespmem:v34+s31+$0x0] =	vst.idx.msk $0xffff, v57  }
0x564: {  	v44 =	vadd.f32 v16, v51;
	v26 =	vld [tilespmem:$0x1FF80];
	[tilespmem:v61+s31+$0x0] =	vst.idx.msk $0xffff, v12  }
0x565: {  	v54 =	vadd.f32 v15, v53;
	[tilespmem:v33+s31+$0x0] =	vst.idx.msk $0xffff, v14  }
0x566: {  	v6 =	vadd.s32 v29, v6;
	[tilespmem:v36+s31+$0x0] =	vst.idx.msk $0xffff, v44  }
0x567: {  	v7 =	vadd.s32 v29, v7;
	[tilespmem:v37+s31+$0x0] =	vst.idx.msk $0xffff, v54  }
0x568: {  	v36 =	vld [tilespmem:$0x1FF60]  }
0x569: {  	v9 =	vadd.s32 v29, v9  }
0x56a: {  	v8 =	vadd.s32 v29, v8;
	v43 =	vor.u32 v26, v43  }
0x56b: {  	v6 =	vld.idx.msk [tilespmem:v6+s25+$0x0], $0xffff  }
0x56c: {  	v7 =	vld.idx.msk [tilespmem:v7+s25+$0x0], $0xffff  }
0x56d: {  	v57 =	vor.u32 v36, v58  }
0x56e: {  	v9 =	vld.idx.msk [tilespmem:v9+s25+$0x0], $0xffff;
	v61 =	vor.u32 v36, v55  }
0x56f: {  	v8 =	vld.idx.msk [tilespmem:v8+s25+$0x0], $0xffff;
	[tilespmem:v43+s31+$0x0] =	vst.idx.msk $0xffff, v13  }
0x570: {  	v30 =	vor.u32 v36, v49;
	v6 =	vadd.f32 v6, v42;
	v43 =	vld [tilespmem:$0x1FF70]  }
0x571: {  	v31 =	vor.u32 v36, v60;
	v7 =	vadd.f32 v7, v45;
	v14 =	vld [tilespmem:$0x1F960]  }
0x572: {  	[tilespmem:v57+s31+$0x0] =	vst.idx.msk $0xffff, v6  }
0x573: {  	v9 =	vadd.f32 v9, v51;
	[tilespmem:v61+s31+$0x0] =	vst.idx.msk $0xffff, v7  }
0x574: {  	v8 =	vadd.f32 v8, v53;
	v18 =	vld [tilespmem:$0x1FF20]  }
0x575: {  	v25 =	vld.idx.msk [tilespmem:v63+s25+$0x0], $0xffff;
	[tilespmem:v30+s31+$0x0] =	vst.idx.msk $0xffff, v9;
	v5 =	vadd.s32 v43, v5  }
0x576: {  	[tilespmem:v31+s31+$0x0] =	vst.idx.msk $0xffff, v8;
	v14 =	vadd.s32 v14, v50;
	v3 =	vadd.s32 v43, v3  }
0x577: {  	v33 =	vor.u32 v26, v27;
	v19 =	vld [tilespmem:$0x1FFD0];
	v14 =	vadd.s32 v43, v14;
	_ =	sdelay $0x1  }
0x578: {  	v34 =	vld.idx.msk [tilespmem:v56+s25+$0x0], $0xffff;
	v11 =	vadd.s32 v43, v11;
	v37 =	vor.u32 v18, v52  }
0x579: {  	v54 =	vadd.f32 v25, v59;
	v5 =	vld.idx.msk [tilespmem:v5+s25+$0x0], $0xffff  }
0x57a: {  	v44 =	vor.u32 v26, v47;
	v3 =	vld.idx.msk [tilespmem:v3+s25+$0x0], $0xffff  }
0x57b: {  	v2 =	vadd.f32 v2, v23;
	[tilespmem:v33+s31+$0x0] =	vst.idx.msk $0xffff, v54;
	v56 =	vor.u32 v19, v58;
	v57 =	vld.idx.msk [tilespmem:v14+s25+$0x0], $0xffff  }
0x57c: {  	v15 =	vld [tilespmem:$0x1FF30];
	v61 =	vor.u32 v19, v55  }
0x57d: {  	v6 =	vadd.f32 v34, v22;
	v63 =	vor.u32 v19, v49;
	v11 =	vld.idx.msk [tilespmem:v11+s25+$0x0], $0xffff;
	[tilespmem:v37+s31+$0x0] =	vst.idx.msk $0xffff, v2  }
0x57e: {  	v2 =	vld [tilespmem:$0x1F8B0];
	v5 =	vadd.f32 v5, v42  }
0x57f: {  	[tilespmem:v44+s31+$0x0] =	vst.idx.msk $0xffff, v6;
	v3 =	vadd.f32 v3, v45  }
0x580: {  	v6 =	vld [tilespmem:$0x1F8A0];
	v9 =	vadd.f32 v57, v51;
	[tilespmem:v56+s31+$0x0] =	vst.idx.msk $0xffff, v5  }
0x581: {  	[tilespmem:v61+s31+$0x0] =	vst.idx.msk $0xffff, v3  }
0x582: {  	v12 =	vadd.f32 v11, v53;
	[tilespmem:v63+s31+$0x0] =	vst.idx.msk $0xffff, v9  }
0x583: {  	v17 =	vld [tilespmem:$0x1FF50]  }
0x584: {  	v5 =	vld [tilespmem:$0x1F840];
	[tilespmem:v62+s31+$0x0] =	vst.idx.msk $0xffff, v12  }
0x585: {  	v8 =	vld [tilespmem:$0x1F890]  }
0x586: {  	v2 =	vld.idx.msk [tilespmem:v2+s25+$0x0], $0xffff;
	_ =	sdelay $0x4  }
0x587: {  	v2 =	vadd.f32 v2, v24  }
0x588: {  	v4 =	vadd.s32 v15, v4  }
0x589: {  	v1 =	vadd.s32 v15, v1;
	v14 =	vld [tilespmem:$0x1F910];
	[tilespmem:v8+s31+$0x0] =	vst.idx.msk $0xffff, v2  }
0x58a: {  	v0 =	vadd.s32 v15, v0;
	v9 =	vld [tilespmem:$0x1F900];
	_ =	sdelay $0x2  }
0x58b: {  	v4 =	vld.idx.msk [tilespmem:v4+s25+$0x0], $0xffff  }
0x58c: {  	v1 =	vld.idx.msk [tilespmem:v1+s25+$0x0], $0xffff  }
0x58d: {  	v0 =	vld.idx.msk [tilespmem:v0+s25+$0x0], $0xffff;
	v5 =	vadd.s32 v17, v5  }
0x58e: {  	v25 =	vor.u32 v26, v55;
	v10 =	vld [tilespmem:$0x1F880]  }
0x58f: {  	v30 =	vor.u32 v26, v49;
	v6 =	vld.idx.msk [tilespmem:v6+s25+$0x0], $0xffff  }
0x590: {  	v31 =	vor.u32 v26, v58;
	v9 =	vld.idx.msk [tilespmem:v9+s25+$0x0], $0xffff  }
0x591: {  	v4 =	vadd.f32 v4, v45;
	v27 =	vadd.s32 v14, v46  }
0x592: {  	v33 =	vor.u32 v26, v60;
	v0 =	vadd.f32 v0, v51;
	v2 =	vadd.s32 v17, v27;
	v5 =	vld.idx.msk [tilespmem:v5+s25+$0x0], $0xffff  }
0x593: {  	v1 =	vadd.f32 v1, v42;
	v34 =	vadd.s32 v17, v38;
	[tilespmem:v25+s31+$0x0] =	vst.idx.msk $0xffff, v4  }
0x594: {  	v38 =	vor.u32 v18, v47;
	v6 =	vadd.f32 v6, v59;
	[tilespmem:v30+s31+$0x0] =	vst.idx.msk $0xffff, v0  }
0x595: {  	v16 =	vadd.s32 v14, v48;
	[tilespmem:v31+s31+$0x0] =	vst.idx.msk $0xffff, v1;
	v44 =	vadd.f32 v9, v53  }
0x596: {  	v3 =	vadd.s32 v17, v16;
	[tilespmem:v10+s31+$0x0] =	vst.idx.msk $0xffff, v6  }
0x597: {  	v47 =	vld.idx.msk [tilespmem:v2+s25+$0x0], $0xffff;
	v5 =	vadd.f32 v5, v22;
	[tilespmem:v33+s31+$0x0] =	vst.idx.msk $0xffff, v44  }
0x598: {  	v10 =	vld [tilespmem:$0x1F920]  }
0x599: {  	v16 =	vld [tilespmem:$0x1FF40];
	[tilespmem:v38+s31+$0x0] =	vst.idx.msk $0xffff, v5  }
0x59a: {  	v57 =	vor.u32 v18, v55;
	v0 =	vld [tilespmem:$0x1F860]  }
0x59b: {  	v11 =	vadd.s32 v14, v50;
	v54 =	vld.idx.msk [tilespmem:v3+s25+$0x0], $0xffff  }
0x59c: {  	v37 =	vadd.s32 v17, v11;
	v7 =	vld.idx.msk [tilespmem:v34+s25+$0x0], $0xffff  }
0x59d: {  	v1 =	vadd.f32 v47, v45;
	v27 =	vld [tilespmem:$0x1F870]  }
0x59e: {  	v31 =	vld [tilespmem:$0x1FF10]  }
0x59f: {  	v44 =	vld [tilespmem:$0x1F850];
	[tilespmem:v57+s31+$0x0] =	vst.idx.msk $0xffff, v1  }
0x5a0: {  	v1 =	vld [tilespmem:$0x1F8F0]  }
0x5a1: {  	v62 =	vor.u32 v18, v58;
	v4 =	vld.idx.msk [tilespmem:v37+s25+$0x0], $0xffff  }
0x5a2: {  	v25 =	vor.u32 v18, v60;
	v0 =	vld.idx.msk [tilespmem:v0+s25+$0x0], $0xffff  }
0x5a3: {  	v30 =	vor.u32 v18, v49;
	v56 =	vadd.s32 v10, v46  }
0x5a4: {  	v2 =	vadd.f32 v54, v42;
	v3 =	vadd.s32 v16, v56;
	v38 =	vor.u32 v31, v52  }
0x5a5: {  	v46 =	vadd.f32 v7, v53  }
0x5a6: {  	[tilespmem:v62+s31+$0x0] =	vst.idx.msk $0xffff, v2;
	v61 =	vadd.s32 v10, v48;
	v48 =	vadd.f32 v4, v51;
	v11 =	vld.idx.msk [tilespmem:v27+s25+$0x0], $0xffff  }
0x5a7: {  	[tilespmem:v25+s31+$0x0] =	vst.idx.msk $0xffff, v46;
	v14 =	vld.idx.msk [tilespmem:v44+s25+$0x0], $0xffff;
	v0 =	vadd.f32 v0, v23  }
0x5a8: {  	[tilespmem:v30+s31+$0x0] =	vst.idx.msk $0xffff, v48;
	v1 =	vld.idx.msk [tilespmem:v1+s25+$0x0], $0xffff  }
0x5a9: {  	v47 =	vld.idx.msk [tilespmem:v3+s25+$0x0], $0xffff;
	[tilespmem:v38+s31+$0x0] =	vst.idx.msk $0xffff, v0  }
0x5aa: {  	v8 =	vld [tilespmem:$0x1F820];
	_ =	sdelay $0x1  }
0x5ab: {  	v56 =	vor.u32 v31, v55  }
0x5ac: {  	v57 =	vadd.f32 v14, v22  }
0x5ad: {  	v63 =	vadd.s32 v16, v61;
	v1 =	vadd.f32 v1, v24  }
0x5ae: {  	v54 =	vadd.f32 v11, v59;
	v59 =	vadd.f32 v47, v45;
	[tilespmem:v20+s31+$0x0] =	vst.idx.msk $0xffff, v57  }
0x5af: {  	[tilespmem:v41+s31+$0x0] =	vst.idx.msk $0xffff, v1  }
0x5b0: {  	[tilespmem:v56+s31+$0x0] =	vst.idx.msk $0xffff, v59  }
0x5b1: {  	[tilespmem:v8+s31+$0x0] =	vst.idx.msk $0xffff, v54  }
0x5b2: {  	v3 =	vld [tilespmem:$0x1F8C0]  }
0x5b3: {  	v52 =	vld.idx.msk [tilespmem:v63+s25+$0x0], $0xffff  }
0x5b4: {  	v10 =	vadd.s32 v10, v50  }
0x5b5: {  	v10 =	vadd.s32 v16, v10;
	_ =	sdelay $0x2  }
0x5b6: {  	v61 =	vadd.f32 v52, v42;
	_ =	sdelay $0x1  }
0x5b7: {  	v58 =	vld.idx.msk [tilespmem:v10+s25+$0x0], $0xffff;
	[tilespmem:v3+s31+$0x0] =	vst.idx.msk $0xffff, v61  }
0x5b8: {  	v3 =	vld [tilespmem:$0x1F8E0]  }
0x5b9: {  	v6 =	vld.idx.msk [tilespmem:v21+s25+$0x0], $0xffff  }
0x5ba: {  	v60 =	vor.u32 v31, v49  }
0x5bb: {  	s21 =	sadd.s32 $0x1, s21  }
0x5bc: {  	p0 =	sne.s32 s21, $0x32  }
.Ltmp4:
0x5bd: {  	s7 =	sshll.u32 s23, $0x12;
	v63 =	vadd.f32 v58, v51;
	(pc) =	sbr.rel @p0 .LBB2_2-.Ltmp4, $4  }
0x5be: {  	s7 =	sor.u32 s5, s7;
	v62 =	vadd.f32 v6, v53  }
0x5bf: {  	s7 =	sshrl.u32 s7, $0x3;
	v55 =	vmov v28;
	v49 =	vmov v16;
	v21 =	vmov v35;
	[tilespmem:v60+s31+$0x0] =	vst.idx.msk $0xffff, v63  }
0x5c0: {  	s7 =	sadd.s32 s1, s7;
	v35 =	vmovc v29;
	v46 =	vmovc v15;
	v53 =	vmov v26;
	v38 =	vmov v43;
	v42 =	vmov v19;
	[tilespmem:v3+s31+$0x0] =	vst.idx.msk $0xffff, v62  }
0x5c1: {  	v47 =	vmovc v17;
	v45 =	vmovc v18;
	v43 =	vmov v31;
	v41 =	vmov v40;
	v59 =	vmov v32;
	[hbm4b:s7+s11] =	stream.strided.scatter [tilespmem:s31], [sflag:$0x6], $0x2000, s12, s11, $0x38;
	v44 =	vld [tilespmem:$0x1FFF0]  }
0x5c2: {  	_ =	swait.ge [sflag:s2], $0x2000  }
0x5c3: {  	[sflag:s2] =	ssyncset.done $0x0  }
0x5c4: {  	[sflag:s2] =	ssyncadd.s32 $0xFFFFE000  }
0x5c5: {  	_ =	swait.ge [sflag:s18], $0x2000  }
0x5c6: {  	s8 =	rddreg [dreg:$0x8]  }
0x5c7: {  	s7 =	rddreg [dreg:$0x7];
	s8 =	sadd.s32 $0x1, s8  }
0x5c8: {  	p0 =	sne.s32 s8, s7  }
.Ltmp5:
0x5c9: {  	_ = 	snop;
	(pc) =	sbr.rel @p0 .LBB2_1-.Ltmp5, $3  }
0x5ca: {  	_ =	sdelay $0x1  }
0x5cb: {  	[sflag:s18] =	ssyncset.done $0x0  }
0x5cc: {  	v60 =	vmov v55;
	[sflag:s18] =	ssyncadd.s32 $0xFFFFE000  }
0x5cd: {  	_ =	sfence.sel $0x180000  }
0x5ce: {  	[bflag:$0x0] =	sbarrier.arrive $0xFFFF  }
0x5cf: {  	_ =	strace $0x9000004A  }
0x5d0: {  	s0 =	stileid.u32;
	[bflag:$0x2] =	sbarrier.arrive $0xFFFF  }
0x5d1: {  	p0 =	sne.s32 s0, $0x0;
	s0 =	rddreg [dreg:$0x3]  }
0x5d2: {  	s0 =	sadd.s32 @!p0 $0x100000, s0  }
0x5d3: {  	[sflag:s0] =	ssyncadd.tile.s32 @!p0 $0x1;
	_ =	shalt  }
.Lfunc_end2:
_tile_overlayer_lowered:
.L_overlay_start_2:
0x5d4: {  	(tag) =	ssettag $0x2  }
0x5d5: {  	s0 =	rddreg [dreg:$0x0];
	s2 =	stileid.u32  }
0x5d6: {  	s1 =	rddreg [dreg:$0x1];
	p0 =	sne.s32 s2, $0x0  }
0x5d7: {  	s3 =	rddreg [dreg:$0x2];
	[bflag:$0x3] =	sbarrier.arrive $0xFFFF;
	s2 =	simm.s32 @!p0 $0x1C07  }
0x5d8: {  	[timem:s3], [sflag:s2] =	dma.local @!p0 [hbm:s0], s1  }
0x5d9: {  	s0 =	simm.s32 @!p0 $0x7  }
0x5da: {  	_ =	swait.ge @!p0 [sflag:s0], s1  }
0x5db: {  	s1 =	ssub.s32 @!p0 $0x0, s1;
	[sflag:s0] =	ssyncset.done @!p0 $0x0  }
0x5dc: {  	[sflag:s0] =	ssyncadd.s32 @!p0 s1  }
0x5dd: {  	[bflag:$0x3] =	sbarrier.arrive $0xFFFF  }
0x5de: {  	_ =	shalt  }

</sc_bundles>
